<compile_context>
chip_gen: v7x
topology: tpu7x:2x2x1
jax: 0.10.2.dev20260603
libtpu: 0.0.44.dev20260713+nightly
codegen_flags: <defaults>
</compile_context>

<pallas_src>
import jax
import jax.numpy as jnp
from jax.experimental import pallas as pl
from jax.experimental.pallas import tpu as pltpu

_B, _C, _FH, _FW = 2, 256, 64, 64
_A = 9
_PRE_N, _POST_N = 2000, 1000
_NPAD = 2048
_BLK = 128
_NBLK = _NPAD // _BLK

def _nms_body(bt_ref, x1c_ref, y1c_ref, x2c_ref, y2c_ref, sc_ref, out_ref):
    x1r = bt_ref[0, 0:1, :]
    y1r = bt_ref[0, 1:2, :]
    x2r = bt_ref[0, 2:3, :]
    y2r = bt_ref[0, 3:4, :]
    arear = (x2r - x1r) * (y2r - y1r)
    gcol = jax.lax.broadcasted_iota(jnp.int32, (1, _NPAD), 1)
    rio = jax.lax.broadcasted_iota(jnp.int32, (_BLK, _BLK), 0)
    cio = jax.lax.broadcasted_iota(jnp.int32, (_BLK, _BLK), 1)
    tri = cio > rio
    dead = jnp.zeros((1, _NPAD), jnp.float32)
    keeps = []
    for b in range(_NBLK):
        base = b * _BLK
        x1c = x1c_ref[0, pl.ds(base, _BLK), :]
        y1c = y1c_ref[0, pl.ds(base, _BLK), :]
        x2c = x2c_ref[0, pl.ds(base, _BLK), :]
        y2c = y2c_ref[0, pl.ds(base, _BLK), :]
        iw = jnp.maximum(jnp.minimum(x2c, x2r) - jnp.maximum(x1c, x1r), 0.0)
        ih = jnp.maximum(jnp.minimum(y2c, y2r) - jnp.maximum(y1c, y1r), 0.0)
        inter = iw * ih
        areac = (x2c - x1c) * (y2c - y1c)
        thr = 0.7 * (areac + arear + 1e-8)
        swide = jnp.where(1.7 * inter > thr, 1.0, 0.0)
        supblk = jnp.where(tri, swide[:, base:base + _BLK], 0.0)
        keep0 = 1.0 - dead[0:1, base:base + _BLK]

        def w_cond(c):
            return c[1]

        def w_body(c):
            x = c[0]
            xb = jnp.broadcast_to(x, (8, _BLK))
            cnt = jax.lax.dot_general(
                xb, supblk, (((1,), (0,)), ((), ())),
                preferred_element_type=jnp.float32)[0:1, :]
            xn = jnp.where((cnt < 0.5) & (keep0 > 0.5), 1.0, 0.0)
            return (xn, jnp.any(xn != x))

        keep, _ = jax.lax.while_loop(w_cond, w_body,
                                     (keep0, jnp.bool_(True)))
        keeps.append(keep)
        if b < _NBLK - 1:
            km = jnp.broadcast_to(keep, (8, _BLK))
            cnt = jax.lax.dot_general(km, swide, (((1,), (0,)), ((), ())),
                                      preferred_element_type=jnp.float32)
            live = (cnt[0:1, :] > 0.5) & (gcol >= base + _BLK)
            dead = jnp.maximum(dead, jnp.where(live, 1.0, 0.0))
    keep_full = jnp.concatenate(keeps, axis=1)
    sc = sc_ref[0]
    out_ref[0] = jnp.where(keep_full > 0.5, sc, -jnp.inf)


def _nms_pallas(bt, x1c, y1c, x2c, y2c, sc):
    spec3 = lambda shape: pl.BlockSpec(shape, lambda i: (i, 0, 0))
    return pl.pallas_call(
        _nms_body,
        grid=(_B,),
        in_specs=[
            spec3((1, 4, _NPAD)),
            spec3((1, _NPAD, 1)),
            spec3((1, _NPAD, 1)),
            spec3((1, _NPAD, 1)),
            spec3((1, _NPAD, 1)),
            spec3((1, 1, _NPAD)),
        ],
        out_specs=spec3((1, 1, _NPAD)),
        out_shape=jax.ShapeDtypeStruct((_B, 1, _NPAD), jnp.float32),
    )(bt, x1c, y1c, x2c, y2c, sc)


_HW = _FH * _FW
_RH = 512
_NSTRIP = _HW // _RH
_PADR = 65


def _rpn_front_body(xp_ref, w1_ref, wh_ref, b1_ref, bh_ref, ca_ref, sa_ref,
                    imsz_ref, obj_ref, prop_ref):
    b1r = b1_ref[0:1, :]
    bhr = bh_ref[0:1, :]
    imv = imsz_ref[0, :, :]
    rio = jax.lax.broadcasted_iota(jnp.int32, (_RH, 1), 0)
    w_of_r = jax.lax.rem(rio, _FW)
    m0 = jnp.where(w_of_r == 0, 0.0, 1.0)
    m2 = jnp.where(w_of_r == _FW - 1, 0.0, 1.0)
    jl = jax.lax.broadcasted_iota(jnp.int32, (1, 36), 1) % 4
    sgn = jnp.where(jl < 2, -0.5, 0.5)
    for i in range(_NSTRIP):
        acc = jnp.zeros((_RH, _C), jnp.float32)
        for dy in range(3):
            for dx in range(3):
                start = i * _RH + dy * _FW + dx
                xs = xp_ref[0, start:start + _RH, :]
                if dx == 0:
                    xs = xs * m0
                elif dx == 2:
                    xs = xs * m2
                wt = w1_ref[(dy * 3 + dx) * _C:(dy * 3 + dx + 1) * _C, :]
                acc = acc + jax.lax.dot_general(
                    xs, wt, (((1,), (0,)), ((), ())),
                    preferred_element_type=jnp.float32)
        t = jnp.maximum(acc + b1r, 0.0)
        head = jax.lax.dot_general(t, wh_ref[:, :],
                                   (((1,), (0,)), ((), ())),
                                   preferred_element_type=jnp.float32) + bhr
        logits = head[:, 36:45]
        z = jnp.exp(-jnp.abs(logits))
        sig = jnp.where(logits >= 0, 1.0 / (1.0 + z), z / (1.0 + z))
        obj_ref[0, i * _RH:(i + 1) * _RH, :] = sig
        a = head[:, 0:36]
        a2 = jnp.concatenate([a[:, 2:], a[:, :2]], axis=1)
        am2 = jnp.concatenate([a[:, 34:], a[:, :34]], axis=1)
        b2 = jnp.where(jl < 2, a2, a)
        b0 = jnp.where(jl < 2, a, am2)
        ca = ca_ref[0, i * _RH:(i + 1) * _RH, :]
        sa = sa_ref[0, i * _RH:(i + 1) * _RH, :]
        e = jnp.exp(jnp.minimum(b2, 4.135)) * sa
        prop = b0 * sa + ca + sgn * e
        prop_ref[0, i * _RH:(i + 1) * _RH, :] = jnp.minimum(
            jnp.maximum(prop, 0.0), imv)


def _rpn_front(xp, w1t, wh, b1, bh, ca, sa, imsz):
    bspec = lambda shape: pl.BlockSpec(shape, lambda i: (i,) + (0,) * (len(shape) - 1))
    cspec = lambda shape: pl.BlockSpec(shape, lambda i: (0,) * len(shape))
    return pl.pallas_call(
        _rpn_front_body,
        grid=(_B,),
        in_specs=[
            bspec((1, _HW + 2 * _PADR, _C)),
            cspec((9 * _C, _C)),
            cspec((_C, 45)),
            cspec((1, _C)),
            cspec((1, 45)),
            cspec((1, _HW, 36)),
            cspec((1, _HW, 36)),
            cspec((1, 1, 1)),
        ],
        out_specs=[bspec((1, _HW, 9)), bspec((1, _HW, 36))],
        out_shape=[
            jax.ShapeDtypeStruct((_B, _HW, 9), jnp.float32),
            jax.ShapeDtypeStruct((_B, _HW, 36), jnp.float32),
        ],
    )(xp, w1t, wh, b1, bh, ca, sa, imsz)


def _thr_body(xb_ref, out_ref, cwin_ref):
    xbits = xb_ref[0]

    def body(_, c):
        lo, hi = c
        mid = jax.lax.div(lo + hi, jnp.int32(2))
        cnt = jnp.sum(jnp.where(xbits > mid, 1, 0))
        small = cnt < _PRE_N
        return (jnp.where(small, lo, mid), jnp.where(small, mid, hi))

    lo0 = jnp.int32(-1)
    hi0 = jnp.int32(0x3F800000)
    _, hi = jax.lax.fori_loop(0, 31, body, (lo0, hi0))
    n_gt = jnp.sum(jnp.where(xbits > hi, 1, 0))
    n_ge = jnp.sum(jnp.where(xbits >= hi, 1, 0))
    l = jax.lax.broadcasted_iota(jnp.int32, (1, 128), 1)
    out_ref[0] = jnp.where(l == 0, hi, jnp.where(l == 1, n_gt, n_ge))

    dn = (((1,), (0,)), ((), ()))
    r128 = jax.lax.broadcasted_iota(jnp.int32, (128, 128), 0)
    c128 = jax.lax.broadcasted_iota(jnp.int32, (128, 128), 1)
    ul = jnp.where(r128 <= c128, 1.0, 0.0)
    r288 = jax.lax.broadcasted_iota(jnp.int32, (288, 288), 0)
    c288 = jax.lax.broadcasted_iota(jnp.int32, (288, 288), 1)
    tl = jnp.where(r288 > c288, 1.0, 0.0)
    eqf = jnp.where(xbits == hi, 1.0, 0.0)
    pe = jax.lax.dot_general(eqf, ul, dn, preferred_element_type=jnp.float32)
    oe = jax.lax.dot_general(tl, pe[:, 127:128], dn,
                             preferred_element_type=jnp.float32)
    eqrank = pe + oe
    kneed = jnp.float32(_PRE_N) - n_gt.astype(jnp.float32)
    win = jnp.where((xbits > hi) | ((xbits == hi) & (eqrank <= kneed)),
                    1.0, 0.0)
    pw = jax.lax.dot_general(win, ul, dn, preferred_element_type=jnp.float32)
    ow = jax.lax.dot_general(tl, pw[:, 127:128], dn,
                             preferred_element_type=jnp.float32)
    cwin_ref[0] = (pw + ow).astype(jnp.int32)


def _thr_pallas(xbits):
    return pl.pallas_call(
        _thr_body,
        grid=(_B,),
        in_specs=[pl.BlockSpec((1, 288, 128), lambda i: (i, 0, 0))],
        out_specs=[
            pl.BlockSpec((1, 1, 128), lambda i: (i, 0, 0)),
            pl.BlockSpec((1, 288, 128), lambda i: (i, 0, 0)),
        ],
        out_shape=[
            jax.ShapeDtypeStruct((_B, 1, 128), jnp.int32),
            jax.ShapeDtypeStruct((_B, 288, 128), jnp.int32),
        ],
    )(xbits)


def _topk2000(obj, proposals):
    nf = jnp.float32(-jnp.inf)
    xbits = jax.lax.bitcast_convert_type(obj, jnp.int32).reshape(_B, 288, 128)
    out, cwin3 = _thr_pallas(xbits)
    n_ge = out[:, 0, 2]
    cwin = cwin3.reshape(_B, _HW * _A)

    def fast(obj):
        p = jnp.broadcast_to(jnp.arange(1, _NPAD + 1, dtype=jnp.int32)[None],
                             (_B, _NPAD))
        pos = jax.vmap(lambda c, q: jnp.searchsorted(c, q))(cwin, p)
        posc = jnp.minimum(pos, _HW * _A - 1).astype(jnp.int32)
        wsc = jnp.where(p <= _PRE_N,
                        jnp.take_along_axis(obj, posc, axis=1), nf)
        sc, order = jax.lax.top_k(wsc, _PRE_N)
        idx = jnp.take_along_axis(posc, order, axis=1)
        return sc, idx

    def slow(obj):
        v, i = jax.lax.top_k(obj, _PRE_N)
        return v, i

    sc, idx = jax.lax.cond(jnp.any(n_ge > _NPAD), slow, fast, obj)
    bsel = jnp.take_along_axis(proposals, idx[..., None], axis=1)
    return sc, bsel


def _mk_anchors(image_size, fh, fw):
    sizes = jnp.array([32.0, 64.0, 128.0], dtype=jnp.float32)
    ratios = jnp.array([0.5, 1.0, 2.0], dtype=jnp.float32)
    ws = (sizes[:, None] * jnp.sqrt(ratios)[None, :]).reshape(-1)
    hs = (sizes[:, None] / jnp.sqrt(ratios)[None, :]).reshape(-1)
    sy = image_size / fh
    sx = image_size / fw
    cy = (jnp.arange(fh, dtype=jnp.float32) + 0.5) * sy
    cx = (jnp.arange(fw, dtype=jnp.float32) + 0.5) * sx
    cyg, cxg = jnp.meshgrid(cy, cx, indexing='ij')
    x1 = cxg[:, :, None] - ws[None, None, :] * 0.5
    y1 = cyg[:, :, None] - hs[None, None, :] * 0.5
    x2 = cxg[:, :, None] + ws[None, None, :] * 0.5
    y2 = cyg[:, :, None] + hs[None, None, :] * 0.5
    return jnp.stack([x1, y1, x2, y2], axis=-1).reshape(-1, 4)


def kernel(features, w1, b1, w_cls, b_cls, w_reg, b_reg, image_size):
    bsz = features.shape[0]
    image_size_f = jnp.asarray(image_size, dtype=jnp.float32)

    x = jnp.transpose(features, (0, 2, 3, 1)).reshape(bsz, _HW, _C)
    xp = jnp.pad(x, ((0, 0), (_PADR, _PADR), (0, 0)))
    w1t = jnp.transpose(w1, (2, 3, 1, 0)).reshape(9 * _C, _C)
    wh = jnp.concatenate([w_reg[:, :, 0, 0].T, w_cls[:, :, 0, 0].T], axis=1)
    bh = jnp.concatenate([b_reg, b_cls])[None, :]

    anch = _mk_anchors(image_size_f, _FH, _FW)
    wa = (anch[:, 2] - anch[:, 0]).reshape(_HW, _A)
    ha = (anch[:, 3] - anch[:, 1]).reshape(_HW, _A)
    cxa = anch[:, 0].reshape(_HW, _A) + 0.5 * wa
    cya = anch[:, 1].reshape(_HW, _A) + 0.5 * ha
    sa = jnp.stack([wa, ha, wa, ha], axis=-1).reshape(1, _HW, 36)
    ca = jnp.stack([cxa, cya, cxa, cya], axis=-1).reshape(1, _HW, 36)
    imsz = image_size_f.reshape(1, 1, 1)

    obj9, prop36 = _rpn_front(xp, w1t, wh, b1[None, :], bh, ca, sa, imsz)
    obj = obj9.reshape(bsz, _HW * _A)
    proposals = prop36.reshape(bsz, _HW * _A, 4)

    sc, bsel = _topk2000(obj, proposals)
    pad = _NPAD - _PRE_N
    bpad = jnp.pad(bsel, ((0, 0), (0, pad), (0, 0)))
    scpad = jnp.pad(sc, ((0, 0), (0, pad)), constant_values=0.0)
    bt = jnp.transpose(bpad, (0, 2, 1))
    x1c = bpad[:, :, 0:1]
    y1c = bpad[:, :, 1:2]
    x2c = bpad[:, :, 2:3]
    y2c = bpad[:, :, 3:4]
    masked = _nms_pallas(bt, x1c, y1c, x2c, y2c, scpad[:, None, :])
    masked = masked[:, 0, :_PRE_N]
    _, kidx = jax.lax.top_k(masked, _POST_N)
    return jnp.take_along_axis(bsel, kidx[..., None], axis=1)

# --- scband reference (transcript-rebuilt; emitter-appended) ---
"""Pipeline reference for scband-rpn-12283606468110 (READ-ONLY COPY).

The authoritative reference and input builder live on the scoring server;
editing this copy changes nothing except your own understanding.
"""

import jax, jax.numpy as jnp
import numpy as np

B, C, FH, FW = 2, 256, 64, 64
A = 9
PRE_N, POST_N, IOU_THR = 2000, 1000, 0.7


def _conv(x, w, b):
    out = jax.lax.conv_general_dilated(x, w, (1, 1), 'SAME', dimension_numbers=('NCHW', 'OIHW', 'NCHW'))
    return out + b[None, :, None, None]


def create_anchors(image_size, fh, fw):
    sizes = jnp.array([32.0, 64.0, 128.0], dtype=jnp.float32)
    ratios = jnp.array([0.5, 1.0, 2.0], dtype=jnp.float32)
    ws = (sizes[:, None] * jnp.sqrt(ratios)[None, :]).reshape(-1)
    hs = (sizes[:, None] / jnp.sqrt(ratios)[None, :]).reshape(-1)
    sy = image_size / fh
    sx = image_size / fw
    cy = (jnp.arange(fh, dtype=jnp.float32) + 0.5) * sy
    cx = (jnp.arange(fw, dtype=jnp.float32) + 0.5) * sx
    cyg, cxg = jnp.meshgrid(cy, cx, indexing='ij')
    x1 = cxg[:, :, None] - ws[None, None, :] * 0.5
    y1 = cyg[:, :, None] - hs[None, None, :] * 0.5
    x2 = cxg[:, :, None] + ws[None, None, :] * 0.5
    y2 = cyg[:, :, None] + hs[None, None, :] * 0.5
    return jnp.stack([x1, y1, x2, y2], axis=-1).reshape(-1, 4)


def decode_boxes(anchors, deltas):
    wa = anchors[:, 2] - anchors[:, 0]
    ha = anchors[:, 3] - anchors[:, 1]
    cxa = anchors[:, 0] + 0.5 * wa
    cya = anchors[:, 1] + 0.5 * ha
    dx, dy = deltas[:, 0], deltas[:, 1]
    dw = jnp.minimum(deltas[:, 2], 4.135)
    dh = jnp.minimum(deltas[:, 3], 4.135)
    cx = dx * wa + cxa
    cy = dy * ha + cya
    w = jnp.exp(dw) * wa
    h = jnp.exp(dh) * ha
    return jnp.stack([cx - 0.5 * w, cy - 0.5 * h, cx + 0.5 * w, cy + 0.5 * h], axis=1)


def pairwise_iou(b):
    area = (b[:, 2] - b[:, 0]) * (b[:, 3] - b[:, 1])
    lt = jnp.maximum(b[:, None, :2], b[None, :, :2])
    rb = jnp.minimum(b[:, None, 2:], b[None, :, 2:])
    wh = jnp.maximum(rb - lt, 0.0)
    inter = wh[..., 0] * wh[..., 1]
    return inter / (area[:, None] + area[None, :] - inter + 1e-8)


def nms_filter(boxes, scores):
    sc, idx = jax.lax.top_k(scores, PRE_N)
    b = jnp.take(boxes, idx, axis=0)
    iou = pairwise_iou(b)
    rng = jnp.arange(PRE_N)

    def body(i, keep):
        sup = (iou[i] > IOU_THR) & (rng > i) & keep[i]
        return keep & (~sup)

    keep = jax.lax.fori_loop(0, PRE_N, body, jnp.ones((PRE_N,), dtype=bool))
    masked = jnp.where(keep, sc, -jnp.inf)
    _, kidx = jax.lax.top_k(masked, POST_N)
    return jnp.take(b, kidx, axis=0)


def setup_inputs(seed: int = 0) -> dict:
    key = jax.random.key(seed)
    ks = jax.random.split(key, 4)
    features = jax.random.normal(ks[0], (B, C, FH, FW), dtype=jnp.float32)
    w1 = jax.random.normal(ks[1], (C, C, 3, 3), dtype=jnp.float32) * 0.01
    b1 = jnp.zeros((C,), dtype=jnp.float32)
    w_cls = jax.random.normal(ks[2], (A, C, 1, 1), dtype=jnp.float32) * 0.01
    b_cls = jnp.zeros((A,), dtype=jnp.float32)
    w_reg = jax.random.normal(ks[3], (A * 4, C, 1, 1), dtype=jnp.float32) * 0.01
    b_reg = jnp.zeros((A * 4,), dtype=jnp.float32)
    return {"features": features, "w1": w1, "b1": b1, "w_cls": w_cls, "b_cls": b_cls, "w_reg": w_reg, "b_reg": b_reg, "image_size": 512}


def reference(features, w1, b1, w_cls, b_cls, w_reg, b_reg, image_size):
    t = jax.nn.relu(_conv(features, w1, b1))
    logits = _conv(t, w_cls, b_cls)
    breg = _conv(t, w_reg, b_reg)
    objectness = jax.nn.sigmoid(logits)
    bsz, _, fh, fw = features.shape
    image_size_f = jnp.asarray(image_size, dtype=jnp.float32)
    anchors = create_anchors(image_size_f, fh, fw)
    # rearrange 'b c h w -> b (h w c)'
    obj = jnp.transpose(objectness, (0, 2, 3, 1)).reshape(bsz, -1)
    # rearrange 'b (n c) h w -> b (h w n) c', c=4
    reg = jnp.transpose(breg.reshape(bsz, A, 4, fh, fw), (0, 3, 4, 1, 2)).reshape(bsz, -1, 4)
    anchors_rep = jnp.broadcast_to(anchors[None], (bsz,) + anchors.shape)
    # bbox_reg.data / objectness.data in torch -> stop_gradient here
    proposals = decode_boxes(anchors_rep.reshape(-1, 4), jax.lax.stop_gradient(reg).reshape(-1, 4))
    proposals = jnp.clip(proposals, 0.0, image_size_f)
    proposals = proposals.reshape(bsz, -1, 4)
    obj_d = jax.lax.stop_gradient(obj)
    filtered = jnp.stack([nms_filter(proposals[i], obj_d[i]) for i in range(bsz)], axis=0)
    return filtered

if __name__ == "__main__":
    import jax
    _d = setup_inputs()
    print(jax.jit(kernel)(*tuple(_d.values())))

</pallas_src>

<mosaic_0001>
module attributes {stable_mosaic.version = 14 : i64} {
  func.func @_rpn_front_body(%arg0: i32, %arg1: memref<1x4226x256xf32, #tpu.memory_space<vmem>>, %arg2: memref<2304x256xf32, #tpu.memory_space<vmem>>, %arg3: memref<256x45xf32, #tpu.memory_space<vmem>>, %arg4: memref<1x256xf32, #tpu.memory_space<vmem>>, %arg5: memref<1x45xf32, #tpu.memory_space<vmem>>, %arg6: memref<1x4096x36xf32, #tpu.memory_space<vmem>>, %arg7: memref<1x4096x36xf32, #tpu.memory_space<vmem>>, %arg8: memref<1x1x1xf32, #tpu.memory_space<vmem>>, %arg9: memref<1x4096x9xf32, #tpu.memory_space<vmem>>, %arg10: memref<1x4096x36xf32, #tpu.memory_space<vmem>>) attributes {dimension_semantics = [#tpu.dimension_semantics<arbitrary>], iteration_bounds = array<i64: 2>, scalar_prefetch = 0 : i64, scratch_operands = 0 : i64, tpu.core_type = #tpu.core_type<tc>, window_params = [{transform_indices = @transform_0, window_bounds = array<i64: 1, 4226, 256>}, {pipeline_mode = #tpu.pipeline_mode<synchronous>, transform_indices = @transform_1, window_bounds = array<i64: 2304, 256>}, {pipeline_mode = #tpu.pipeline_mode<synchronous>, transform_indices = @transform_2, window_bounds = array<i64: 256, 45>}, {pipeline_mode = #tpu.pipeline_mode<synchronous>, transform_indices = @transform_3, window_bounds = array<i64: 1, 256>}, {pipeline_mode = #tpu.pipeline_mode<synchronous>, transform_indices = @transform_4, window_bounds = array<i64: 1, 45>}, {pipeline_mode = #tpu.pipeline_mode<synchronous>, transform_indices = @transform_5, window_bounds = array<i64: 1, 4096, 36>}, {pipeline_mode = #tpu.pipeline_mode<synchronous>, transform_indices = @transform_6, window_bounds = array<i64: 1, 4096, 36>}, {pipeline_mode = #tpu.pipeline_mode<synchronous>, transform_indices = @transform_7, window_bounds = array<i64: 1, 1, 1>}, {transform_indices = @transform_8, window_bounds = array<i64: 1, 4096, 9>}, {transform_indices = @transform_9, window_bounds = array<i64: 1, 4096, 36>}]} {
    %get3A = arith.constant 0 : index
    %get3A_0 = arith.constant 0 : index
    %get3A_1 = vector.load %arg4[%get3A, %get3A_0] : memref<1x256xf32, #tpu.memory_space<vmem>>, vector<1x256xf32>
    %get3A_2 = arith.constant 0 : index
    %get3A_3 = arith.constant 0 : index
    %get3A_4 = vector.load %arg5[%get3A_2, %get3A_3] : memref<1x45xf32, #tpu.memory_space<vmem>>, vector<1x45xf32>
    %get3A_5 = arith.constant 0 : index
    %get3A_6 = arith.constant 0 : index
    %get3A_7 = arith.constant 0 : index
    %get3A_8 = vector.load %arg8[%get3A_5, %get3A_6, %get3A_7] : memref<1x1x1xf32, #tpu.memory_space<vmem>>, vector<1x1x1xf32>
    %get3A_9 = vector.shape_cast %get3A_8 : vector<1x1x1xf32> to vector<1x1xf32>
    %iota3A = tpu.iota {dimensions = array<i32: 0>} : vector<512x1xi32>
    %rem3A = arith.constant 64 : i32
    %rem3A_10 = vector.broadcast %rem3A : i32 to vector<512x1xi32>
    %rem3A_11 = arith.remsi %iota3A, %rem3A_10 : vector<512x1xi32>
    %eq3A = arith.constant 0 : i32
    %eq3A_12 = vector.broadcast %eq3A : i32 to vector<512x1xi32>
    %eq3A_13 = arith.cmpi eq, %rem3A_11, %eq3A_12 : vector<512x1xi32>
    %jit3A = arith.constant 0.000000e+00 : f32
    %jit3A_14 = arith.constant 1.000000e+00 : f32
    %broadcast_in_dim3A = vector.broadcast %jit3A : f32 to vector<512x1xf32>
    %broadcast_in_dim3A_15 = vector.broadcast %jit3A_14 : f32 to vector<512x1xf32>
    %select_n3A = arith.select %eq3A_13, %broadcast_in_dim3A, %broadcast_in_dim3A_15 : vector<512x1xi1>, vector<512x1xf32>
    %eq3A_16 = arith.constant 63 : i32
    %eq3A_17 = vector.broadcast %eq3A_16 : i32 to vector<512x1xi32>
    %eq3A_18 = arith.cmpi eq, %rem3A_11, %eq3A_17 : vector<512x1xi32>
    %jit3A_19 = arith.constant 0.000000e+00 : f32
    %jit3A_20 = arith.constant 1.000000e+00 : f32
    %broadcast_in_dim3A_21 = vector.broadcast %jit3A_19 : f32 to vector<512x1xf32>
    %broadcast_in_dim3A_22 = vector.broadcast %jit3A_20 : f32 to vector<512x1xf32>
    %select_n3A_23 = arith.select %eq3A_18, %broadcast_in_dim3A_21, %broadcast_in_dim3A_22 : vector<512x1xi1>, vector<512x1xf32>
    %iota3A_24 = tpu.iota {dimensions = array<i32: 1>} : vector<1x36xi32>
    %jit3A_25 = arith.constant 4 : i32
    %eq3A_26 = arith.constant 0 : i32
    %eq3A_27 = arith.cmpi eq, %jit3A_25, %eq3A_26 : i32
    %jit3A_28 = arith.constant 1 : i32
    %select_n3A_29 = arith.select %eq3A_27, %jit3A_28, %jit3A_25 : i32
    %rem3A_30 = vector.broadcast %select_n3A_29 : i32 to vector<1x36xi32>
    %rem3A_31 = arith.remsi %iota3A_24, %rem3A_30 : vector<1x36xi32>
    %ne3A = arith.constant 0 : i32
    %ne3A_32 = vector.broadcast %ne3A : i32 to vector<1x36xi32>
    %ne3A_33 = arith.cmpi ne, %rem3A_31, %ne3A_32 : vector<1x36xi32>
    %lt3A = arith.constant 0 : i32
    %lt3A_34 = vector.broadcast %lt3A : i32 to vector<1x36xi32>
    %lt3A_35 = arith.cmpi slt, %rem3A_31, %lt3A_34 : vector<1x36xi32>
    %lt3A_36 = arith.constant 0 : i32
    %lt3A_37 = arith.cmpi slt, %select_n3A_29, %lt3A_36 : i32
    %ne3A_38 = vector.broadcast %lt3A_37 : i1 to vector<1x36xi1>
    %ne3A_39 = vector.broadcast %ne3A_38 : vector<1x36xi1> to vector<1x36xi1>
    %ne3A_40 = arith.xori %lt3A_35, %ne3A_39 : vector<1x36xi1>
    %and3A = arith.andi %ne3A_40, %ne3A_33 : vector<1x36xi1>
    %add3A = vector.broadcast %select_n3A_29 : i32 to vector<1x36xi32>
    %add3A_41 = arith.addi %rem3A_31, %add3A : vector<1x36xi32>
    %select_n3A_42 = arith.select %and3A, %add3A_41, %rem3A_31 : vector<1x36xi1>, vector<1x36xi32>
    %lt3A_43 = arith.constant 2 : i32
    %lt3A_44 = vector.broadcast %lt3A_43 : i32 to vector<1x36xi32>
    %lt3A_45 = arith.cmpi slt, %select_n3A_42, %lt3A_44 : vector<1x36xi32>
    %jit3A_46 = arith.constant -5.000000e-01 : f32
    %jit3A_47 = arith.constant 5.000000e-01 : f32
    %broadcast_in_dim3A_48 = vector.broadcast %jit3A_46 : f32 to vector<1x36xf32>
    %broadcast_in_dim3A_49 = vector.broadcast %jit3A_47 : f32 to vector<1x36xf32>
    %select_n3A_50 = arith.select %lt3A_45, %broadcast_in_dim3A_48, %broadcast_in_dim3A_49 : vector<1x36xi1>, vector<1x36xf32>
    %broadcast_in_dim3A_51 = arith.constant 0.000000e+00 : f32
    %broadcast_in_dim3A_52 = vector.broadcast %broadcast_in_dim3A_51 : f32 to vector<512x256xf32>
    %get3A_53 = arith.constant 0 : index
    %get3A_54 = arith.constant 0 : index
    %get3A_55 = arith.constant 0 : index
    %get3A_56 = vector.load %arg1[%get3A_53, %get3A_54, %get3A_55] : memref<1x4226x256xf32, #tpu.memory_space<vmem>>, vector<1x512x256xf32>
    %get3A_57 = vector.shape_cast %get3A_56 : vector<1x512x256xf32> to vector<512x256xf32>
    %mul3A = vector.broadcast %select_n3A : vector<512x1xf32> to vector<512x256xf32>
    %mul3A_58 = arith.mulf %get3A_57, %mul3A : vector<512x256xf32>
    %get3A_59 = arith.constant 0 : index
    %get3A_60 = arith.constant 0 : index
    %get3A_61 = vector.load %arg2[%get3A_59, %get3A_60] : memref<2304x256xf32, #tpu.memory_space<vmem>>, vector<256x256xf32>
    %dot_general3A = arith.constant dense<0.000000e+00> : vector<512x256xf32>
    %dot_general3A_62 = tpu.matmul %mul3A_58, %get3A_61, %dot_general3A {dimension_numbers = #tpu.dot_dimension_numbers<[1], [0], [0], [1], [0, 0, 1, 1], [], []>, transpose_lhs_hint = false} : vector<512x256xf32>, vector<256x256xf32>, vector<512x256xf32> -> vector<512x256xf32>
    %add3A_63 = arith.addf %broadcast_in_dim3A_52, %dot_general3A_62 : vector<512x256xf32>
    %get3A_64 = arith.constant 0 : index
    %get3A_65 = arith.constant 1 : index
    %get3A_66 = arith.constant 0 : index
    %get3A_67 = vector.load %arg1[%get3A_64, %get3A_65, %get3A_66] : memref<1x4226x256xf32, #tpu.memory_space<vmem>>, vector<1x512x256xf32>
    %get3A_68 = vector.shape_cast %get3A_67 : vector<1x512x256xf32> to vector<512x256xf32>
    %get3A_69 = arith.constant 256 : index
    %get3A_70 = arith.constant 0 : index
    %get3A_71 = vector.load %arg2[%get3A_69, %get3A_70] : memref<2304x256xf32, #tpu.memory_space<vmem>>, vector<256x256xf32>
    %dot_general3A_72 = arith.constant dense<0.000000e+00> : vector<512x256xf32>
    %dot_general3A_73 = tpu.matmul %get3A_68, %get3A_71, %dot_general3A_72 {dimension_numbers = #tpu.dot_dimension_numbers<[1], [0], [0], [1], [0, 0, 1, 1], [], []>, transpose_lhs_hint = false} : vector<512x256xf32>, vector<256x256xf32>, vector<512x256xf32> -> vector<512x256xf32>
    %add3A_74 = arith.addf %add3A_63, %dot_general3A_73 : vector<512x256xf32>
    %get3A_75 = arith.constant 0 : index
    %get3A_76 = arith.constant 2 : index
    %get3A_77 = arith.constant 0 : index
    %get3A_78 = vector.load %arg1[%get3A_75, %get3A_76, %get3A_77] : memref<1x4226x256xf32, #tpu.memory_space<vmem>>, vector<1x512x256xf32>
    %get3A_79 = vector.shape_cast %get3A_78 : vector<1x512x256xf32> to vector<512x256xf32>
    %mul3A_80 = vector.broadcast %select_n3A_23 : vector<512x1xf32> to vector<512x256xf32>
    %mul3A_81 = arith.mulf %get3A_79, %mul3A_80 : vector<512x256xf32>
    %get3A_82 = arith.constant 512 : index
    %get3A_83 = arith.constant 0 : index
    %get3A_84 = vector.load %arg2[%get3A_82, %get3A_83] : memref<2304x256xf32, #tpu.memory_space<vmem>>, vector<256x256xf32>
    %dot_general3A_85 = arith.constant dense<0.000000e+00> : vector<512x256xf32>
    %dot_general3A_86 = tpu.matmul %mul3A_81, %get3A_84, %dot_general3A_85 {dimension_numbers = #tpu.dot_dimension_numbers<[1], [0], [0], [1], [0, 0, 1, 1], [], []>, transpose_lhs_hint = false} : vector<512x256xf32>, vector<256x256xf32>, vector<512x256xf32> -> vector<512x256xf32>
    %add3A_87 = arith.addf %add3A_74, %dot_general3A_86 : vector<512x256xf32>
    %get3A_88 = arith.constant 0 : index
    %get3A_89 = arith.constant 64 : index
    %get3A_90 = arith.constant 0 : index
    %get3A_91 = vector.load %arg1[%get3A_88, %get3A_89, %get3A_90] : memref<1x4226x256xf32, #tpu.memory_space<vmem>>, vector<1x512x256xf32>
    %get3A_92 = vector.shape_cast %get3A_91 : vector<1x512x256xf32> to vector<512x256xf32>
    %mul3A_93 = vector.broadcast %select_n3A : vector<512x1xf32> to vector<512x256xf32>
    %mul3A_94 = arith.mulf %get3A_92, %mul3A_93 : vector<512x256xf32>
    %get3A_95 = arith.constant 768 : index
    %get3A_96 = arith.constant 0 : index
    %get3A_97 = vector.load %arg2[%get3A_95, %get3A_96] : memref<2304x256xf32, #tpu.memory_space<vmem>>, vector<256x256xf32>
    %dot_general3A_98 = arith.constant dense<0.000000e+00> : vector<512x256xf32>
    %dot_general3A_99 = tpu.matmul %mul3A_94, %get3A_97, %dot_general3A_98 {dimension_numbers = #tpu.dot_dimension_numbers<[1], [0], [0], [1], [0, 0, 1, 1], [], []>, transpose_lhs_hint = false} : vector<512x256xf32>, vector<256x256xf32>, vector<512x256xf32> -> vector<512x256xf32>
    %add3A_100 = arith.addf %add3A_87, %dot_general3A_99 : vector<512x256xf32>
    %get3A_101 = arith.constant 0 : index
    %get3A_102 = arith.constant 65 : index
    %get3A_103 = arith.constant 0 : index
    %get3A_104 = vector.load %arg1[%get3A_101, %get3A_102, %get3A_103] : memref<1x4226x256xf32, #tpu.memory_space<vmem>>, vector<1x512x256xf32>
    %get3A_105 = vector.shape_cast %get3A_104 : vector<1x512x256xf32> to vector<512x256xf32>
    %get3A_106 = arith.constant 1024 : index
    %get3A_107 = arith.constant 0 : index
    %get3A_108 = vector.load %arg2[%get3A_106, %get3A_107] : memref<2304x256xf32, #tpu.memory_space<vmem>>, vector<256x256xf32>
    %dot_general3A_109 = arith.constant dense<0.000000e+00> : vector<512x256xf32>
    %dot_general3A_110 = tpu.matmul %get3A_105, %get3A_108, %dot_general3A_109 {dimension_numbers = #tpu.dot_dimension_numbers<[1], [0], [0], [1], [0, 0, 1, 1], [], []>, transpose_lhs_hint = false} : vector<512x256xf32>, vector<256x256xf32>, vector<512x256xf32> -> vector<512x256xf32>
    %add3A_111 = arith.addf %add3A_100, %dot_general3A_110 : vector<512x256xf32>
    %get3A_112 = arith.constant 0 : index
    %get3A_113 = arith.constant 66 : index
    %get3A_114 = arith.constant 0 : index
    %get3A_115 = vector.load %arg1[%get3A_112, %get3A_113, %get3A_114] : memref<1x4226x256xf32, #tpu.memory_space<vmem>>, vector<1x512x256xf32>
    %get3A_116 = vector.shape_cast %get3A_115 : vector<1x512x256xf32> to vector<512x256xf32>
    %mul3A_117 = vector.broadcast %select_n3A_23 : vector<512x1xf32> to vector<512x256xf32>
    %mul3A_118 = arith.mulf %get3A_116, %mul3A_117 : vector<512x256xf32>
    %get3A_119 = arith.constant 1280 : index
    %get3A_120 = arith.constant 0 : index
    %get3A_121 = vector.load %arg2[%get3A_119, %get3A_120] : memref<2304x256xf32, #tpu.memory_space<vmem>>, vector<256x256xf32>
    %dot_general3A_122 = arith.constant dense<0.000000e+00> : vector<512x256xf32>
    %dot_general3A_123 = tpu.matmul %mul3A_118, %get3A_121, %dot_general3A_122 {dimension_numbers = #tpu.dot_dimension_numbers<[1], [0], [0], [1], [0, 0, 1, 1], [], []>, transpose_lhs_hint = false} : vector<512x256xf32>, vector<256x256xf32>, vector<512x256xf32> -> vector<512x256xf32>
    %add3A_124 = arith.addf %add3A_111, %dot_general3A_123 : vector<512x256xf32>
    %get3A_125 = arith.constant 0 : index
    %get3A_126 = arith.constant 128 : index
    %get3A_127 = arith.constant 0 : index
    %get3A_128 = vector.load %arg1[%get3A_125, %get3A_126, %get3A_127] : memref<1x4226x256xf32, #tpu.memory_space<vmem>>, vector<1x512x256xf32>
    %get3A_129 = vector.shape_cast %get3A_128 : vector<1x512x256xf32> to vector<512x256xf32>
    %mul3A_130 = vector.broadcast %select_n3A : vector<512x1xf32> to vector<512x256xf32>
    %mul3A_131 = arith.mulf %get3A_129, %mul3A_130 : vector<512x256xf32>
    %get3A_132 = arith.constant 1536 : index
    %get3A_133 = arith.constant 0 : index
    %get3A_134 = vector.load %arg2[%get3A_132, %get3A_133] : memref<2304x256xf32, #tpu.memory_space<vmem>>, vector<256x256xf32>
    %dot_general3A_135 = arith.constant dense<0.000000e+00> : vector<512x256xf32>
    %dot_general3A_136 = tpu.matmul %mul3A_131, %get3A_134, %dot_general3A_135 {dimension_numbers = #tpu.dot_dimension_numbers<[1], [0], [0], [1], [0, 0, 1, 1], [], []>, transpose_lhs_hint = false} : vector<512x256xf32>, vector<256x256xf32>, vector<512x256xf32> -> vector<512x256xf32>
    %add3A_137 = arith.addf %add3A_124, %dot_general3A_136 : vector<512x256xf32>
    %get3A_138 = arith.constant 0 : index
    %get3A_139 = arith.constant 129 : index
    %get3A_140 = arith.constant 0 : index
    %get3A_141 = vector.load %arg1[%get3A_138, %get3A_139, %get3A_140] : memref<1x4226x256xf32, #tpu.memory_space<vmem>>, vector<1x512x256xf32>
    %get3A_142 = vector.shape_cast %get3A_141 : vector<1x512x256xf32> to vector<512x256xf32>
    %get3A_143 = arith.constant 1792 : index
    %get3A_144 = arith.constant 0 : index
    %get3A_145 = vector.load %arg2[%get3A_143, %get3A_144] : memref<2304x256xf32, #tpu.memory_space<vmem>>, vector<256x256xf32>
    %dot_general3A_146 = arith.constant dense<0.000000e+00> : vector<512x256xf32>
    %dot_general3A_147 = tpu.matmul %get3A_142, %get3A_145, %dot_general3A_146 {dimension_numbers = #tpu.dot_dimension_numbers<[1], [0], [0], [1], [0, 0, 1, 1], [], []>, transpose_lhs_hint = false} : vector<512x256xf32>, vector<256x256xf32>, vector<512x256xf32> -> vector<512x256xf32>
    %add3A_148 = arith.addf %add3A_137, %dot_general3A_147 : vector<512x256xf32>
    %get3A_149 = arith.constant 0 : index
    %get3A_150 = arith.constant 130 : index
    %get3A_151 = arith.constant 0 : index
    %get3A_152 = vector.load %arg1[%get3A_149, %get3A_150, %get3A_151] : memref<1x4226x256xf32, #tpu.memory_space<vmem>>, vector<1x512x256xf32>
    %get3A_153 = vector.shape_cast %get3A_152 : vector<1x512x256xf32> to vector<512x256xf32>
    %mul3A_154 = vector.broadcast %select_n3A_23 : vector<512x1xf32> to vector<512x256xf32>
    %mul3A_155 = arith.mulf %get3A_153, %mul3A_154 : vector<512x256xf32>
    %get3A_156 = arith.constant 2048 : index
    %get3A_157 = arith.constant 0 : index
    %get3A_158 = vector.load %arg2[%get3A_156, %get3A_157] : memref<2304x256xf32, #tpu.memory_space<vmem>>, vector<256x256xf32>
    %dot_general3A_159 = arith.constant dense<0.000000e+00> : vector<512x256xf32>
    %dot_general3A_160 = tpu.matmul %mul3A_155, %get3A_158, %dot_general3A_159 {dimension_numbers = #tpu.dot_dimension_numbers<[1], [0], [0], [1], [0, 0, 1, 1], [], []>, transpose_lhs_hint = false} : vector<512x256xf32>, vector<256x256xf32>, vector<512x256xf32> -> vector<512x256xf32>
    %add3A_161 = arith.addf %add3A_148, %dot_general3A_160 : vector<512x256xf32>
    %add3A_162 = vector.broadcast %get3A_1 : vector<1x256xf32> to vector<512x256xf32>
    %add3A_163 = arith.addf %add3A_161, %add3A_162 : vector<512x256xf32>
    %max3A = arith.constant 0.000000e+00 : f32
    %max3A_164 = vector.broadcast %max3A : f32 to vector<512x256xf32>
    %max3A_165 = arith.maximumf %add3A_163, %max3A_164 : vector<512x256xf32>
    %get3A_166 = arith.constant 0 : index
    %get3A_167 = arith.constant 0 : index
    %get3A_168 = vector.load %arg3[%get3A_166, %get3A_167] : memref<256x45xf32, #tpu.memory_space<vmem>>, vector<256x45xf32>
    %dot_general3A_169 = arith.constant dense<0.000000e+00> : vector<512x45xf32>
    %dot_general3A_170 = tpu.matmul %max3A_165, %get3A_168, %dot_general3A_169 {dimension_numbers = #tpu.dot_dimension_numbers<[1], [0], [0], [1], [0, 0, 1, 1], [], []>, transpose_lhs_hint = false} : vector<512x256xf32>, vector<256x45xf32>, vector<512x45xf32> -> vector<512x45xf32>
    %add3A_171 = vector.broadcast %get3A_4 : vector<1x45xf32> to vector<512x45xf32>
    %add3A_172 = arith.addf %dot_general3A_170, %add3A_171 : vector<512x45xf32>
    %slice3A = vector.extract_strided_slice %add3A_172 {offsets = [0, 36], sizes = [512, 9], strides = [1, 1]} : vector<512x45xf32> to vector<512x9xf32>
    %abs3A = math.absf %slice3A : vector<512x9xf32>
    %neg3A = arith.constant 0.000000e+00 : f32
    %neg3A_173 = vector.broadcast %neg3A : f32 to vector<512x9xf32>
    %neg3A_174 = arith.subf %neg3A_173, %abs3A : vector<512x9xf32>
    %exp3A = math.exp %neg3A_174 : vector<512x9xf32>
    %ge3A = arith.constant 0.000000e+00 : f32
    %ge3A_175 = vector.broadcast %ge3A : f32 to vector<512x9xf32>
    %ge3A_176 = arith.cmpf oge, %slice3A, %ge3A_175 : vector<512x9xf32>
    %add3A_177 = arith.constant 1.000000e+00 : f32
    %add3A_178 = vector.broadcast %add3A_177 : f32 to vector<512x9xf32>
    %add3A_179 = arith.addf %add3A_178, %exp3A : vector<512x9xf32>
    %div3A = arith.constant 1.000000e+00 : f32
    %div3A_180 = vector.broadcast %div3A : f32 to vector<512x9xf32>
    %div3A_181 = arith.divf %div3A_180, %add3A_179 : vector<512x9xf32>
    %add3A_182 = arith.constant 1.000000e+00 : f32
    %add3A_183 = vector.broadcast %add3A_182 : f32 to vector<512x9xf32>
    %add3A_184 = arith.addf %add3A_183, %exp3A : vector<512x9xf32>
    %div3A_185 = arith.divf %exp3A, %add3A_184 : vector<512x9xf32>
    %select_n3A_186 = arith.select %ge3A_176, %div3A_181, %div3A_185 : vector<512x9xi1>, vector<512x9xf32>
    %swap3A = arith.constant 0 : index
    %swap3A_187 = arith.constant 0 : index
    %swap3A_188 = arith.constant 0 : index
    %swap3A_189 = vector.load %arg9[%swap3A, %swap3A_187, %swap3A_188] : memref<1x4096x9xf32, #tpu.memory_space<vmem>>, vector<1x512x9xf32>
    %swap3A_190 = vector.shape_cast %swap3A_189 : vector<1x512x9xf32> to vector<512x9xf32>
    %swap3A_191 = vector.shape_cast %select_n3A_186 : vector<512x9xf32> to vector<1x512x9xf32>
    tpu.vector_store %arg9[%swap3A, %swap3A_187, %swap3A_188], %swap3A_191 {strides = array<i32>} : memref<1x4096x9xf32, #tpu.memory_space<vmem>>, vector<1x512x9xf32>,
    %slice3A_192 = vector.extract_strided_slice %add3A_172 {offsets = [0, 0], sizes = [512, 36], strides = [1, 1]} : vector<512x45xf32> to vector<512x36xf32>
    %slice3A_193 = vector.extract_strided_slice %slice3A_192 {offsets = [0, 2], sizes = [512, 34], strides = [1, 1]} : vector<512x36xf32> to vector<512x34xf32>
    %slice3A_194 = vector.extract_strided_slice %slice3A_192 {offsets = [0, 0], sizes = [512, 2], strides = [1, 1]} : vector<512x36xf32> to vector<512x2xf32>
    %concatenate3A = tpu.concatenate %slice3A_193, %slice3A_194 in 1 : vector<512x34xf32>, vector<512x2xf32> -> vector<512x36xf32>
    %slice3A_195 = vector.extract_strided_slice %slice3A_192 {offsets = [0, 34], sizes = [512, 2], strides = [1, 1]} : vector<512x36xf32> to vector<512x2xf32>
    %slice3A_196 = vector.extract_strided_slice %slice3A_192 {offsets = [0, 0], sizes = [512, 34], strides = [1, 1]} : vector<512x36xf32> to vector<512x34xf32>
    %concatenate3A_197 = tpu.concatenate %slice3A_195, %slice3A_196 in 1 : vector<512x2xf32>, vector<512x34xf32> -> vector<512x36xf32>
    %lt3A_198 = arith.constant 2 : i32
    %lt3A_199 = vector.broadcast %lt3A_198 : i32 to vector<1x36xi32>
    %lt3A_200 = arith.cmpi slt, %select_n3A_42, %lt3A_199 : vector<1x36xi32>
    %broadcast_in_dim3A_201 = vector.shape_cast %lt3A_200 : vector<1x36xi1> to vector<1x36xi1>
    %broadcast_in_dim3A_202 = vector.broadcast %broadcast_in_dim3A_201 : vector<1x36xi1> to vector<512x36xi1>
    %select_n3A_203 = arith.select %broadcast_in_dim3A_202, %concatenate3A, %slice3A_192 : vector<512x36xi1>, vector<512x36xf32>
    %lt3A_204 = arith.constant 2 : i32
    %lt3A_205 = vector.broadcast %lt3A_204 : i32 to vector<1x36xi32>
    %lt3A_206 = arith.cmpi slt, %select_n3A_42, %lt3A_205 : vector<1x36xi32>
    %broadcast_in_dim3A_207 = vector.shape_cast %lt3A_206 : vector<1x36xi1> to vector<1x36xi1>
    %broadcast_in_dim3A_208 = vector.broadcast %broadcast_in_dim3A_207 : vector<1x36xi1> to vector<512x36xi1>
    %select_n3A_209 = arith.select %broadcast_in_dim3A_208, %slice3A_192, %concatenate3A_197 : vector<512x36xi1>, vector<512x36xf32>
    %get3A_210 = arith.constant 0 : index
    %get3A_211 = arith.constant 0 : index
    %get3A_212 = arith.constant 0 : index
    %get3A_213 = vector.load %arg6[%get3A_210, %get3A_211, %get3A_212] : memref<1x4096x36xf32, #tpu.memory_space<vmem>>, vector<1x512x36xf32>
    %get3A_214 = vector.shape_cast %get3A_213 : vector<1x512x36xf32> to vector<512x36xf32>
    %get3A_215 = arith.constant 0 : index
    %get3A_216 = arith.constant 0 : index
    %get3A_217 = arith.constant 0 : index
    %get3A_218 = vector.load %arg7[%get3A_215, %get3A_216, %get3A_217] : memref<1x4096x36xf32, #tpu.memory_space<vmem>>, vector<1x512x36xf32>
    %get3A_219 = vector.shape_cast %get3A_218 : vector<1x512x36xf32> to vector<512x36xf32>
    %min3A = arith.constant 4.135000e+00 : f32
    %min3A_220 = vector.broadcast %min3A : f32 to vector<512x36xf32>
    %min3A_221 = arith.minimumf %select_n3A_203, %min3A_220 : vector<512x36xf32>
    %exp3A_222 = math.exp %min3A_221 : vector<512x36xf32>
    %mul3A_223 = arith.mulf %exp3A_222, %get3A_219 : vector<512x36xf32>
    %mul3A_224 = arith.mulf %select_n3A_209, %get3A_219 : vector<512x36xf32>
    %add3A_225 = arith.addf %mul3A_224, %get3A_214 : vector<512x36xf32>
    %mul3A_226 = vector.broadcast %select_n3A_50 : vector<1x36xf32> to vector<512x36xf32>
    %mul3A_227 = arith.mulf %mul3A_226, %mul3A_223 : vector<512x36xf32>
    %add3A_228 = arith.addf %add3A_225, %mul3A_227 : vector<512x36xf32>
    %max3A_229 = arith.constant 0.000000e+00 : f32
    %max3A_230 = vector.broadcast %max3A_229 : f32 to vector<512x36xf32>
    %max3A_231 = arith.maximumf %add3A_228, %max3A_230 : vector<512x36xf32>
    %min3A_232 = vector.broadcast %get3A_9 : vector<1x1xf32> to vector<512x36xf32>
    %min3A_233 = arith.minimumf %max3A_231, %min3A_232 : vector<512x36xf32>
    %swap3A_234 = arith.constant 0 : index
    %swap3A_235 = arith.constant 0 : index
    %swap3A_236 = arith.constant 0 : index
    %swap3A_237 = vector.load %arg10[%swap3A_234, %swap3A_235, %swap3A_236] : memref<1x4096x36xf32, #tpu.memory_space<vmem>>, vector<1x512x36xf32>
    %swap3A_238 = vector.shape_cast %swap3A_237 : vector<1x512x36xf32> to vector<512x36xf32>
    %swap3A_239 = vector.shape_cast %min3A_233 : vector<512x36xf32> to vector<1x512x36xf32>
    tpu.vector_store %arg10[%swap3A_234, %swap3A_235, %swap3A_236], %swap3A_239 {strides = array<i32>} : memref<1x4096x36xf32, #tpu.memory_space<vmem>>, vector<1x512x36xf32>,
    %broadcast_in_dim3A_240 = arith.constant 0.000000e+00 : f32
    %broadcast_in_dim3A_241 = vector.broadcast %broadcast_in_dim3A_240 : f32 to vector<512x256xf32>
    %get3A_242 = arith.constant 0 : index
    %get3A_243 = arith.constant 512 : index
    %get3A_244 = arith.constant 0 : index
    %get3A_245 = vector.load %arg1[%get3A_242, %get3A_243, %get3A_244] : memref<1x4226x256xf32, #tpu.memory_space<vmem>>, vector<1x512x256xf32>
    %get3A_246 = vector.shape_cast %get3A_245 : vector<1x512x256xf32> to vector<512x256xf32>
    %mul3A_247 = vector.broadcast %select_n3A : vector<512x1xf32> to vector<512x256xf32>
    %mul3A_248 = arith.mulf %get3A_246, %mul3A_247 : vector<512x256xf32>
    %get3A_249 = arith.constant 0 : index
    %get3A_250 = arith.constant 0 : index
    %get3A_251 = vector.load %arg2[%get3A_249, %get3A_250] : memref<2304x256xf32, #tpu.memory_space<vmem>>, vector<256x256xf32>
    %dot_general3A_252 = arith.constant dense<0.000000e+00> : vector<512x256xf32>
    %dot_general3A_253 = tpu.matmul %mul3A_248, %get3A_251, %dot_general3A_252 {dimension_numbers = #tpu.dot_dimension_numbers<[1], [0], [0], [1], [0, 0, 1, 1], [], []>, transpose_lhs_hint = false} : vector<512x256xf32>, vector<256x256xf32>, vector<512x256xf32> -> vector<512x256xf32>
    %add3A_254 = arith.addf %broadcast_in_dim3A_241, %dot_general3A_253 : vector<512x256xf32>
    %get3A_255 = arith.constant 0 : index
    %get3A_256 = arith.constant 513 : index
    %get3A_257 = arith.constant 0 : index
    %get3A_258 = vector.load %arg1[%get3A_255, %get3A_256, %get3A_257] : memref<1x4226x256xf32, #tpu.memory_space<vmem>>, vector<1x512x256xf32>
    %get3A_259 = vector.shape_cast %get3A_258 : vector<1x512x256xf32> to vector<512x256xf32>
    %get3A_260 = arith.constant 256 : index
    %get3A_261 = arith.constant 0 : index
    %get3A_262 = vector.load %arg2[%get3A_260, %get3A_261] : memref<2304x256xf32, #tpu.memory_space<vmem>>, vector<256x256xf32>
    %dot_general3A_263 = arith.constant dense<0.000000e+00> : vector<512x256xf32>
    %dot_general3A_264 = tpu.matmul %get3A_259, %get3A_262, %dot_general3A_263 {dimension_numbers = #tpu.dot_dimension_numbers<[1], [0], [0], [1], [0, 0, 1, 1], [], []>, transpose_lhs_hint = false} : vector<512x256xf32>, vector<256x256xf32>, vector<512x256xf32> -> vector<512x256xf32>
    %add3A_265 = arith.addf %add3A_254, %dot_general3A_264 : vector<512x256xf32>
    %get3A_266 = arith.constant 0 : index
    %get3A_267 = arith.constant 514 : index
    %get3A_268 = arith.constant 0 : index
    %get3A_269 = vector.load %arg1[%get3A_266, %get3A_267, %get3A_268] : memref<1x4226x256xf32, #tpu.memory_space<vmem>>, vector<1x512x256xf32>
    %get3A_270 = vector.shape_cast %get3A_269 : vector<1x512x256xf32> to vector<512x256xf32>
    %mul3A_271 = vector.broadcast %select_n3A_23 : vector<512x1xf32> to vector<512x256xf32>
    %mul3A_272 = arith.mulf %get3A_270, %mul3A_271 : vector<512x256xf32>
    %get3A_273 = arith.constant 512 : index
    %get3A_274 = arith.constant 0 : index
    %get3A_275 = vector.load %arg2[%get3A_273, %get3A_274] : memref<2304x256xf32, #tpu.memory_space<vmem>>, vector<256x256xf32>
    %dot_general3A_276 = arith.constant dense<0.000000e+00> : vector<512x256xf32>
    %dot_general3A_277 = tpu.matmul %mul3A_272, %get3A_275, %dot_general3A_276 {dimension_numbers = #tpu.dot_dimension_numbers<[1], [0], [0], [1], [0, 0, 1, 1], [], []>, transpose_lhs_hint = false} : vector<512x256xf32>, vector<256x256xf32>, vector<512x256xf32> -> vector<512x256xf32>
    %add3A_278 = arith.addf %add3A_265, %dot_general3A_277 : vector<512x256xf32>
    %get3A_279 = arith.constant 0 : index
    %get3A_280 = arith.constant 576 : index
    %get3A_281 = arith.constant 0 : index
    %get3A_282 = vector.load %arg1[%get3A_279, %get3A_280, %get3A_281] : memref<1x4226x256xf32, #tpu.memory_space<vmem>>, vector<1x512x256xf32>
    %get3A_283 = vector.shape_cast %get3A_282 : vector<1x512x256xf32> to vector<512x256xf32>
    %mul3A_284 = vector.broadcast %select_n3A : vector<512x1xf32> to vector<512x256xf32>
    %mul3A_285 = arith.mulf %get3A_283, %mul3A_284 : vector<512x256xf32>
    %get3A_286 = arith.constant 768 : index
    %get3A_287 = arith.constant 0 : index
    %get3A_288 = vector.load %arg2[%get3A_286, %get3A_287] : memref<2304x256xf32, #tpu.memory_space<vmem>>, vector<256x256xf32>
    %dot_general3A_289 = arith.constant dense<0.000000e+00> : vector<512x256xf32>
    %dot_general3A_290 = tpu.matmul %mul3A_285, %get3A_288, %dot_general3A_289 {dimension_numbers = #tpu.dot_dimension_numbers<[1], [0], [0], [1], [0, 0, 1, 1], [], []>, transpose_lhs_hint = false} : vector<512x256xf32>, vector<256x256xf32>, vector<512x256xf32> -> vector<512x256xf32>
    %add3A_291 = arith.addf %add3A_278, %dot_general3A_290 : vector<512x256xf32>
    %get3A_292 = arith.constant 0 : index
    %get3A_293 = arith.constant 577 : index
    %get3A_294 = arith.constant 0 : index
    %get3A_295 = vector.load %arg1[%get3A_292, %get3A_293, %get3A_294] : memref<1x4226x256xf32, #tpu.memory_space<vmem>>, vector<1x512x256xf32>
    %get3A_296 = vector.shape_cast %get3A_295 : vector<1x512x256xf32> to vector<512x256xf32>
    %get3A_297 = arith.constant 1024 : index
    %get3A_298 = arith.constant 0 : index
    %get3A_299 = vector.load %arg2[%get3A_297, %get3A_298] : memref<2304x256xf32, #tpu.memory_space<vmem>>, vector<256x256xf32>
    %dot_general3A_300 = arith.constant dense<0.000000e+00> : vector<512x256xf32>
    %dot_general3A_301 = tpu.matmul %get3A_296, %get3A_299, %dot_general3A_300 {dimension_numbers = #tpu.dot_dimension_numbers<[1], [0], [0], [1], [0, 0, 1, 1], [], []>, transpose_lhs_hint = false} : vector<512x256xf32>, vector<256x256xf32>, vector<512x256xf32> -> vector<512x256xf32>
    %add3A_302 = arith.addf %add3A_291, %dot_general3A_301 : vector<512x256xf32>
    %get3A_303 = arith.constant 0 : index
    %get3A_304 = arith.constant 578 : index
    %get3A_305 = arith.constant 0 : index
    %get3A_306 = vector.load %arg1[%get3A_303, %get3A_304, %get3A_305] : memref<1x4226x256xf32, #tpu.memory_space<vmem>>, vector<1x512x256xf32>
    %get3A_307 = vector.shape_cast %get3A_306 : vector<1x512x256xf32> to vector<512x256xf32>
    %mul3A_308 = vector.broadcast %select_n3A_23 : vector<512x1xf32> to vector<512x256xf32>
    %mul3A_309 = arith.mulf %get3A_307, %mul3A_308 : vector<512x256xf32>
    %get3A_310 = arith.constant 1280 : index
    %get3A_311 = arith.constant 0 : index
    %get3A_312 = vector.load %arg2[%get3A_310, %get3A_311] : memref<2304x256xf32, #tpu.memory_space<vmem>>, vector<256x256xf32>
    %dot_general3A_313 = arith.constant dense<0.000000e+00> : vector<512x256xf32>
    %dot_general3A_314 = tpu.matmul %mul3A_309, %get3A_312, %dot_general3A_313 {dimension_numbers = #tpu.dot_dimension_numbers<[1], [0], [0], [1], [0, 0, 1, 1], [], []>, transpose_lhs_hint = false} : vector<512x256xf32>, vector<256x256xf32>, vector<512x256xf32> -> vector<512x256xf32>
    %add3A_315 = arith.addf %add3A_302, %dot_general3A_314 : vector<512x256xf32>
    %get3A_316 = arith.constant 0 : index
    %get3A_317 = arith.constant 640 : index
    %get3A_318 = arith.constant 0 : index
    %get3A_319 = vector.load %arg1[%get3A_316, %get3A_317, %get3A_318] : memref<1x4226x256xf32, #tpu.memory_space<vmem>>, vector<1x512x256xf32>
    %get3A_320 = vector.shape_cast %get3A_319 : vector<1x512x256xf32> to vector<512x256xf32>
    %mul3A_321 = vector.broadcast %select_n3A : vector<512x1xf32> to vector<512x256xf32>
    %mul3A_322 = arith.mulf %get3A_320, %mul3A_321 : vector<512x256xf32>
    %get3A_323 = arith.constant 1536 : index
    %get3A_324 = arith.constant 0 : index
    %get3A_325 = vector.load %arg2[%get3A_323, %get3A_324] : memref<2304x256xf32, #tpu.memory_space<vmem>>, vector<256x256xf32>
    %dot_general3A_326 = arith.constant dense<0.000000e+00> : vector<512x256xf32>
    %dot_general3A_327 = tpu.matmul %mul3A_322, %get3A_325, %dot_general3A_326 {dimension_numbers = #tpu.dot_dimension_numbers<[1], [0], [0], [1], [0, 0, 1, 1], [], []>, transpose_lhs_hint = false} : vector<512x256xf32>, vector<256x256xf32>, vector<512x256xf32> -> vector<512x256xf32>
    %add3A_328 = arith.addf %add3A_315, %dot_general3A_327 : vector<512x256xf32>
    %get3A_329 = arith.constant 0 : index
    %get3A_330 = arith.constant 641 : index
    %get3A_331 = arith.constant 0 : index
    %get3A_332 = vector.load %arg1[%get3A_329, %get3A_330, %get3A_331] : memref<1x4226x256xf32, #tpu.memory_space<vmem>>, vector<1x512x256xf32>
    %get3A_333 = vector.shape_cast %get3A_332 : vector<1x512x256xf32> to vector<512x256xf32>
    %get3A_334 = arith.constant 1792 : index
    %get3A_335 = arith.constant 0 : index
    %get3A_336 = vector.load %arg2[%get3A_334, %get3A_335] : memref<2304x256xf32, #tpu.memory_space<vmem>>, vector<256x256xf32>
    %dot_general3A_337 = arith.constant dense<0.000000e+00> : vector<512x256xf32>
    %dot_general3A_338 = tpu.matmul %get3A_333, %get3A_336, %dot_general3A_337 {dimension_numbers = #tpu.dot_dimension_numbers<[1], [0], [0], [1], [0, 0, 1, 1], [], []>, transpose_lhs_hint = false} : vector<512x256xf32>, vector<256x256xf32>, vector<512x256xf32> -> vector<512x256xf32>
    %add3A_339 = arith.addf %add3A_328, %dot_general3A_338 : vector<512x256xf32>
    %get3A_340 = arith.constant 0 : index
    %get3A_341 = arith.constant 642 : index
    %get3A_342 = arith.constant 0 : index
    %get3A_343 = vector.load %arg1[%get3A_340, %get3A_341, %get3A_342] : memref<1x4226x256xf32, #tpu.memory_space<vmem>>, vector<1x512x256xf32>
    %get3A_344 = vector.shape_cast %get3A_343 : vector<1x512x256xf32> to vector<512x256xf32>
    %mul3A_345 = vector.broadcast %select_n3A_23 : vector<512x1xf32> to vector<512x256xf32>
    %mul3A_346 = arith.mulf %get3A_344, %mul3A_345 : vector<512x256xf32>
    %get3A_347 = arith.constant 2048 : index
    %get3A_348 = arith.constant 0 : index
    %get3A_349 = vector.load %arg2[%get3A_347, %get3A_348] : memref<2304x256xf32, #tpu.memory_space<vmem>>, vector<256x256xf32>
    %dot_general3A_350 = arith.constant dense<0.000000e+00> : vector<512x256xf32>
    %dot_general3A_351 = tpu.matmul %mul3A_346, %get3A_349, %dot_general3A_350 {dimension_numbers = #tpu.dot_dimension_numbers<[1], [0], [0], [1], [0, 0, 1, 1], [], []>, transpose_lhs_hint = false} : vector<512x256xf32>, vector<256x256xf32>, vector<512x256xf32> -> vector<512x256xf32>
    %add3A_352 = arith.addf %add3A_339, %dot_general3A_351 : vector<512x256xf32>
    %add3A_353 = vector.broadcast %get3A_1 : vector<1x256xf32> to vector<512x256xf32>
    %add3A_354 = arith.addf %add3A_352, %add3A_353 : vector<512x256xf32>
    %max3A_355 = arith.constant 0.000000e+00 : f32
    %max3A_356 = vector.broadcast %max3A_355 : f32 to vector<512x256xf32>
    %max3A_357 = arith.maximumf %add3A_354, %max3A_356 : vector<512x256xf32>
    %get3A_358 = arith.constant 0 : index
    %get3A_359 = arith.constant 0 : index
    %get3A_360 = vector.load %arg3[%get3A_358, %get3A_359] : memref<256x45xf32, #tpu.memory_space<vmem>>, vector<256x45xf32>
    %dot_general3A_361 = arith.constant dense<0.000000e+00> : vector<512x45xf32>
    %dot_general3A_362 = tpu.matmul %max3A_357, %get3A_360, %dot_general3A_361 {dimension_numbers = #tpu.dot_dimension_numbers<[1], [0], [0], [1], [0, 0, 1, 1], [], []>, transpose_lhs_hint = false} : vector<512x256xf32>, vector<256x45xf32>, vector<512x45xf32> -> vector<512x45xf32>
    %add3A_363 = vector.broadcast %get3A_4 : vector<1x45xf32> to vector<512x45xf32>
    %add3A_364 = arith.addf %dot_general3A_362, %add3A_363 : vector<512x45xf32>
    %slice3A_365 = vector.extract_strided_slice %add3A_364 {offsets = [0, 36], sizes = [512, 9], strides = [1, 1]} : vector<512x45xf32> to vector<512x9xf32>
    %abs3A_366 = math.absf %slice3A_365 : vector<512x9xf32>
    %neg3A_367 = arith.constant 0.000000e+00 : f32
    %neg3A_368 = vector.broadcast %neg3A_367 : f32 to vector<512x9xf32>
    %neg3A_369 = arith.subf %neg3A_368, %abs3A_366 : vector<512x9xf32>
    %exp3A_370 = math.exp %neg3A_369 : vector<512x9xf32>
    %ge3A_371 = arith.constant 0.000000e+00 : f32
    %ge3A_372 = vector.broadcast %ge3A_371 : f32 to vector<512x9xf32>
    %ge3A_373 = arith.cmpf oge, %slice3A_365, %ge3A_372 : vector<512x9xf32>
    %add3A_374 = arith.constant 1.000000e+00 : f32
    %add3A_375 = vector.broadcast %add3A_374 : f32 to vector<512x9xf32>
    %add3A_376 = arith.addf %add3A_375, %exp3A_370 : vector<512x9xf32>
    %div3A_377 = arith.constant 1.000000e+00 : f32
    %div3A_378 = vector.broadcast %div3A_377 : f32 to vector<512x9xf32>
    %div3A_379 = arith.divf %div3A_378, %add3A_376 : vector<512x9xf32>
    %add3A_380 = arith.constant 1.000000e+00 : f32
    %add3A_381 = vector.broadcast %add3A_380 : f32 to vector<512x9xf32>
    %add3A_382 = arith.addf %add3A_381, %exp3A_370 : vector<512x9xf32>
    %div3A_383 = arith.divf %exp3A_370, %add3A_382 : vector<512x9xf32>
    %select_n3A_384 = arith.select %ge3A_373, %div3A_379, %div3A_383 : vector<512x9xi1>, vector<512x9xf32>
    %swap3A_385 = arith.constant 0 : index
    %swap3A_386 = arith.constant 512 : index
    %swap3A_387 = arith.constant 0 : index
    %swap3A_388 = vector.load %arg9[%swap3A_385, %swap3A_386, %swap3A_387] : memref<1x4096x9xf32, #tpu.memory_space<vmem>>, vector<1x512x9xf32>
    %swap3A_389 = vector.shape_cast %swap3A_388 : vector<1x512x9xf32> to vector<512x9xf32>
    %swap3A_390 = vector.shape_cast %select_n3A_384 : vector<512x9xf32> to vector<1x512x9xf32>
    tpu.vector_store %arg9[%swap3A_385, %swap3A_386, %swap3A_387], %swap3A_390 {strides = array<i32>} : memref<1x4096x9xf32, #tpu.memory_space<vmem>>, vector<1x512x9xf32>,
    %slice3A_391 = vector.extract_strided_slice %add3A_364 {offsets = [0, 0], sizes = [512, 36], strides = [1, 1]} : vector<512x45xf32> to vector<512x36xf32>
    %slice3A_392 = vector.extract_strided_slice %slice3A_391 {offsets = [0, 2], sizes = [512, 34], strides = [1, 1]} : vector<512x36xf32> to vector<512x34xf32>
    %slice3A_393 = vector.extract_strided_slice %slice3A_391 {offsets = [0, 0], sizes = [512, 2], strides = [1, 1]} : vector<512x36xf32> to vector<512x2xf32>
    %concatenate3A_394 = tpu.concatenate %slice3A_392, %slice3A_393 in 1 : vector<512x34xf32>, vector<512x2xf32> -> vector<512x36xf32>
    %slice3A_395 = vector.extract_strided_slice %slice3A_391 {offsets = [0, 34], sizes = [512, 2], strides = [1, 1]} : vector<512x36xf32> to vector<512x2xf32>
    %slice3A_396 = vector.extract_strided_slice %slice3A_391 {offsets = [0, 0], sizes = [512, 34], strides = [1, 1]} : vector<512x36xf32> to vector<512x34xf32>
    %concatenate3A_397 = tpu.concatenate %slice3A_395, %slice3A_396 in 1 : vector<512x2xf32>, vector<512x34xf32> -> vector<512x36xf32>
    %lt3A_398 = arith.constant 2 : i32
    %lt3A_399 = vector.broadcast %lt3A_398 : i32 to vector<1x36xi32>
    %lt3A_400 = arith.cmpi slt, %select_n3A_42, %lt3A_399 : vector<1x36xi32>
    %broadcast_in_dim3A_401 = vector.shape_cast %lt3A_400 : vector<1x36xi1> to vector<1x36xi1>
    %broadcast_in_dim3A_402 = vector.broadcast %broadcast_in_dim3A_401 : vector<1x36xi1> to vector<512x36xi1>
    %select_n3A_403 = arith.select %broadcast_in_dim3A_402, %concatenate3A_394, %slice3A_391 : vector<512x36xi1>, vector<512x36xf32>
    %lt3A_404 = arith.constant 2 : i32
    %lt3A_405 = vector.broadcast %lt3A_404 : i32 to vector<1x36xi32>
    %lt3A_406 = arith.cmpi slt, %select_n3A_42, %lt3A_405 : vector<1x36xi32>
    %broadcast_in_dim3A_407 = vector.shape_cast %lt3A_406 : vector<1x36xi1> to vector<1x36xi1>
    %broadcast_in_dim3A_408 = vector.broadcast %broadcast_in_dim3A_407 : vector<1x36xi1> to vector<512x36xi1>
    %select_n3A_409 = arith.select %broadcast_in_dim3A_408, %slice3A_391, %concatenate3A_397 : vector<512x36xi1>, vector<512x36xf32>
    %get3A_410 = arith.constant 0 : index
    %get3A_411 = arith.constant 512 : index
    %get3A_412 = arith.constant 0 : index
    %get3A_413 = vector.load %arg6[%get3A_410, %get3A_411, %get3A_412] : memref<1x4096x36xf32, #tpu.memory_space<vmem>>, vector<1x512x36xf32>
    %get3A_414 = vector.shape_cast %get3A_413 : vector<1x512x36xf32> to vector<512x36xf32>
    %get3A_415 = arith.constant 0 : index
    %get3A_416 = arith.constant 512 : index
    %get3A_417 = arith.constant 0 : index
    %get3A_418 = vector.load %arg7[%get3A_415, %get3A_416, %get3A_417] : memref<1x4096x36xf32, #tpu.memory_space<vmem>>, vector<1x512x36xf32>
    %get3A_419 = vector.shape_cast %get3A_418 : vector<1x512x36xf32> to vector<512x36xf32>
    %min3A_420 = arith.constant 4.135000e+00 : f32
    %min3A_421 = vector.broadcast %min3A_420 : f32 to vector<512x36xf32>
    %min3A_422 = arith.minimumf %select_n3A_403, %min3A_421 : vector<512x36xf32>
    %exp3A_423 = math.exp %min3A_422 : vector<512x36xf32>
    %mul3A_424 = arith.mulf %exp3A_423, %get3A_419 : vector<512x36xf32>
    %mul3A_425 = arith.mulf %select_n3A_409, %get3A_419 : vector<512x36xf32>
    %add3A_426 = arith.addf %mul3A_425, %get3A_414 : vector<512x36xf32>
    %mul3A_427 = vector.broadcast %select_n3A_50 : vector<1x36xf32> to vector<512x36xf32>
    %mul3A_428 = arith.mulf %mul3A_427, %mul3A_424 : vector<512x36xf32>
    %add3A_429 = arith.addf %add3A_426, %mul3A_428 : vector<512x36xf32>
    %max3A_430 = arith.constant 0.000000e+00 : f32
    %max3A_431 = vector.broadcast %max3A_430 : f32 to vector<512x36xf32>
    %max3A_432 = arith.maximumf %add3A_429, %max3A_431 : vector<512x36xf32>
    %min3A_433 = vector.broadcast %get3A_9 : vector<1x1xf32> to vector<512x36xf32>
    %min3A_434 = arith.minimumf %max3A_432, %min3A_433 : vector<512x36xf32>
    %swap3A_435 = arith.constant 0 : index
    %swap3A_436 = arith.constant 512 : index
    %swap3A_437 = arith.constant 0 : index
    %swap3A_438 = vector.load %arg10[%swap3A_435, %swap3A_436, %swap3A_437] : memref<1x4096x36xf32, #tpu.memory_space<vmem>>, vector<1x512x36xf32>
    %swap3A_439 = vector.shape_cast %swap3A_438 : vector<1x512x36xf32> to vector<512x36xf32>
    %swap3A_440 = vector.shape_cast %min3A_434 : vector<512x36xf32> to vector<1x512x36xf32>
    tpu.vector_store %arg10[%swap3A_435, %swap3A_436, %swap3A_437], %swap3A_440 {strides = array<i32>} : memref<1x4096x36xf32, #tpu.memory_space<vmem>>, vector<1x512x36xf32>,
    %broadcast_in_dim3A_441 = arith.constant 0.000000e+00 : f32
    %broadcast_in_dim3A_442 = vector.broadcast %broadcast_in_dim3A_441 : f32 to vector<512x256xf32>
    %get3A_443 = arith.constant 0 : index
    %get3A_444 = arith.constant 1024 : index
    %get3A_445 = arith.constant 0 : index
    %get3A_446 = vector.load %arg1[%get3A_443, %get3A_444, %get3A_445] : memref<1x4226x256xf32, #tpu.memory_space<vmem>>, vector<1x512x256xf32>
    %get3A_447 = vector.shape_cast %get3A_446 : vector<1x512x256xf32> to vector<512x256xf32>
    %mul3A_448 = vector.broadcast %select_n3A : vector<512x1xf32> to vector<512x256xf32>
    %mul3A_449 = arith.mulf %get3A_447, %mul3A_448 : vector<512x256xf32>
    %get3A_450 = arith.constant 0 : index
    %get3A_451 = arith.constant 0 : index
    %get3A_452 = vector.load %arg2[%get3A_450, %get3A_451] : memref<2304x256xf32, #tpu.memory_space<vmem>>, vector<256x256xf32>
    %dot_general3A_453 = arith.constant dense<0.000000e+00> : vector<512x256xf32>
    %dot_general3A_454 = tpu.matmul %mul3A_449, %get3A_452, %dot_general3A_453 {dimension_numbers = #tpu.dot_dimension_numbers<[1], [0], [0], [1], [0, 0, 1, 1], [], []>, transpose_lhs_hint = false} : vector<512x256xf32>, vector<256x256xf32>, vector<512x256xf32> -> vector<512x256xf32>
    %add3A_455 = arith.addf %broadcast_in_dim3A_442, %dot_general3A_454 : vector<512x256xf32>
    %get3A_456 = arith.constant 0 : index
    %get3A_457 = arith.constant 1025 : index
    %get3A_458 = arith.constant 0 : index
    %get3A_459 = vector.load %arg1[%get3A_456, %get3A_457, %get3A_458] : memref<1x4226x256xf32, #tpu.memory_space<vmem>>, vector<1x512x256xf32>
    %get3A_460 = vector.shape_cast %get3A_459 : vector<1x512x256xf32> to vector<512x256xf32>
    %get3A_461 = arith.constant 256 : index
    %get3A_462 = arith.constant 0 : index
    %get3A_463 = vector.load %arg2[%get3A_461, %get3A_462] : memref<2304x256xf32, #tpu.memory_space<vmem>>, vector<256x256xf32>
    %dot_general3A_464 = arith.constant dense<0.000000e+00> : vector<512x256xf32>
    %dot_general3A_465 = tpu.matmul %get3A_460, %get3A_463, %dot_general3A_464 {dimension_numbers = #tpu.dot_dimension_numbers<[1], [0], [0], [1], [0, 0, 1, 1], [], []>, transpose_lhs_hint = false} : vector<512x256xf32>, vector<256x256xf32>, vector<512x256xf32> -> vector<512x256xf32>
    %add3A_466 = arith.addf %add3A_455, %dot_general3A_465 : vector<512x256xf32>
    %get3A_467 = arith.constant 0 : index
    %get3A_468 = arith.constant 1026 : index
    %get3A_469 = arith.constant 0 : index
    %get3A_470 = vector.load %arg1[%get3A_467, %get3A_468, %get3A_469] : memref<1x4226x256xf32, #tpu.memory_space<vmem>>, vector<1x512x256xf32>
    %get3A_471 = vector.shape_cast %get3A_470 : vector<1x512x256xf32> to vector<512x256xf32>
    %mul3A_472 = vector.broadcast %select_n3A_23 : vector<512x1xf32> to vector<512x256xf32>
    %mul3A_473 = arith.mulf %get3A_471, %mul3A_472 : vector<512x256xf32>
    %get3A_474 = arith.constant 512 : index
    %get3A_475 = arith.constant 0 : index
    %get3A_476 = vector.load %arg2[%get3A_474, %get3A_475] : memref<2304x256xf32, #tpu.memory_space<vmem>>, vector<256x256xf32>
    %dot_general3A_477 = arith.constant dense<0.000000e+00> : vector<512x256xf32>
    %dot_general3A_478 = tpu.matmul %mul3A_473, %get3A_476, %dot_general3A_477 {dimension_numbers = #tpu.dot_dimension_numbers<[1], [0], [0], [1], [0, 0, 1, 1], [], []>, transpose_lhs_hint = false} : vector<512x256xf32>, vector<256x256xf32>, vector<512x256xf32> -> vector<512x256xf32>
    %add3A_479 = arith.addf %add3A_466, %dot_general3A_478 : vector<512x256xf32>
    %get3A_480 = arith.constant 0 : index
    %get3A_481 = arith.constant 1088 : index
    %get3A_482 = arith.constant 0 : index
    %get3A_483 = vector.load %arg1[%get3A_480, %get3A_481, %get3A_482] : memref<1x4226x256xf32, #tpu.memory_space<vmem>>, vector<1x512x256xf32>
    %get3A_484 = vector.shape_cast %get3A_483 : vector<1x512x256xf32> to vector<512x256xf32>
    %mul3A_485 = vector.broadcast %select_n3A : vector<512x1xf32> to vector<512x256xf32>
    %mul3A_486 = arith.mulf %get3A_484, %mul3A_485 : vector<512x256xf32>
    %get3A_487 = arith.constant 768 : index
    %get3A_488 = arith.constant 0 : index
    %get3A_489 = vector.load %arg2[%get3A_487, %get3A_488] : memref<2304x256xf32, #tpu.memory_space<vmem>>, vector<256x256xf32>
    %dot_general3A_490 = arith.constant dense<0.000000e+00> : vector<512x256xf32>
    %dot_general3A_491 = tpu.matmul %mul3A_486, %get3A_489, %dot_general3A_490 {dimension_numbers = #tpu.dot_dimension_numbers<[1], [0], [0], [1], [0, 0, 1, 1], [], []>, transpose_lhs_hint = false} : vector<512x256xf32>, vector<256x256xf32>, vector<512x256xf32> -> vector<512x256xf32>
    %add3A_492 = arith.addf %add3A_479, %dot_general3A_491 : vector<512x256xf32>
    %get3A_493 = arith.constant 0 : index
    %get3A_494 = arith.constant 1089 : index
    %get3A_495 = arith.constant 0 : index
    %get3A_496 = vector.load %arg1[%get3A_493, %get3A_494, %get3A_495] : memref<1x4226x256xf32, #tpu.memory_space<vmem>>, vector<1x512x256xf32>
    %get3A_497 = vector.shape_cast %get3A_496 : vector<1x512x256xf32> to vector<512x256xf32>
    %get3A_498 = arith.constant 1024 : index
    %get3A_499 = arith.constant 0 : index
    %get3A_500 = vector.load %arg2[%get3A_498, %get3A_499] : memref<2304x256xf32, #tpu.memory_space<vmem>>, vector<256x256xf32>
    %dot_general3A_501 = arith.constant dense<0.000000e+00> : vector<512x256xf32>
    %dot_general3A_502 = tpu.matmul %get3A_497, %get3A_500, %dot_general3A_501 {dimension_numbers = #tpu.dot_dimension_numbers<[1], [0], [0], [1], [0, 0, 1, 1], [], []>, transpose_lhs_hint = false} : vector<512x256xf32>, vector<256x256xf32>, vector<512x256xf32> -> vector<512x256xf32>
    %add3A_503 = arith.addf %add3A_492, %dot_general3A_502 : vector<512x256xf32>
    %get3A_504 = arith.constant 0 : index
    %get3A_505 = arith.constant 1090 : index
    %get3A_506 = arith.constant 0 : index
    %get3A_507 = vector.load %arg1[%get3A_504, %get3A_505, %get3A_506] : memref<1x4226x256xf32, #tpu.memory_space<vmem>>, vector<1x512x256xf32>
    %get3A_508 = vector.shape_cast %get3A_507 : vector<1x512x256xf32> to vector<512x256xf32>
    %mul3A_509 = vector.broadcast %select_n3A_23 : vector<512x1xf32> to vector<512x256xf32>
    %mul3A_510 = arith.mulf %get3A_508, %mul3A_509 : vector<512x256xf32>
    %get3A_511 = arith.constant 1280 : index
    %get3A_512 = arith.constant 0 : index
    %get3A_513 = vector.load %arg2[%get3A_511, %get3A_512] : memref<2304x256xf32, #tpu.memory_space<vmem>>, vector<256x256xf32>
    %dot_general3A_514 = arith.constant dense<0.000000e+00> : vector<512x256xf32>
    %dot_general3A_515 = tpu.matmul %mul3A_510, %get3A_513, %dot_general3A_514 {dimension_numbers = #tpu.dot_dimension_numbers<[1], [0], [0], [1], [0, 0, 1, 1], [], []>, transpose_lhs_hint = false} : vector<512x256xf32>, vector<256x256xf32>, vector<512x256xf32> -> vector<512x256xf32>
    %add3A_516 = arith.addf %add3A_503, %dot_general3A_515 : vector<512x256xf32>
    %get3A_517 = arith.constant 0 : index
    %get3A_518 = arith.constant 1152 : index
    %get3A_519 = arith.constant 0 : index
    %get3A_520 = vector.load %arg1[%get3A_517, %get3A_518, %get3A_519] : memref<1x4226x256xf32, #tpu.memory_space<vmem>>, vector<1x512x256xf32>
    %get3A_521 = vector.shape_cast %get3A_520 : vector<1x512x256xf32> to vector<512x256xf32>
    %mul3A_522 = vector.broadcast %select_n3A : vector<512x1xf32> to vector<512x256xf32>
    %mul3A_523 = arith.mulf %get3A_521, %mul3A_522 : vector<512x256xf32>
    %get3A_524 = arith.constant 1536 : index
    %get3A_525 = arith.constant 0 : index
    %get3A_526 = vector.load %arg2[%get3A_524, %get3A_525] : memref<2304x256xf32, #tpu.memory_space<vmem>>, vector<256x256xf32>
    %dot_general3A_527 = arith.constant dense<0.000000e+00> : vector<512x256xf32>
    %dot_general3A_528 = tpu.matmul %mul3A_523, %get3A_526, %dot_general3A_527 {dimension_numbers = #tpu.dot_dimension_numbers<[1], [0], [0], [1], [0, 0, 1, 1], [], []>, transpose_lhs_hint = false} : vector<512x256xf32>, vector<256x256xf32>, vector<512x256xf32> -> vector<512x256xf32>
    %add3A_529 = arith.addf %add3A_516, %dot_general3A_528 : vector<512x256xf32>
    %get3A_530 = arith.constant 0 : index
    %get3A_531 = arith.constant 1153 : index
    %get3A_532 = arith.constant 0 : index
    %get3A_533 = vector.load %arg1[%get3A_530, %get3A_531, %get3A_532] : memref<1x4226x256xf32, #tpu.memory_space<vmem>>, vector<1x512x256xf32>
    %get3A_534 = vector.shape_cast %get3A_533 : vector<1x512x256xf32> to vector<512x256xf32>
    %get3A_535 = arith.constant 1792 : index
    %get3A_536 = arith.constant 0 : index
    %get3A_537 = vector.load %arg2[%get3A_535, %get3A_536] : memref<2304x256xf32, #tpu.memory_space<vmem>>, vector<256x256xf32>
    %dot_general3A_538 = arith.constant dense<0.000000e+00> : vector<512x256xf32>
    %dot_general3A_539 = tpu.matmul %get3A_534, %get3A_537, %dot_general3A_538 {dimension_numbers = #tpu.dot_dimension_numbers<[1], [0], [0], [1], [0, 0, 1, 1], [], []>, transpose_lhs_hint = false} : vector<512x256xf32>, vector<256x256xf32>, vector<512x256xf32> -> vector<512x256xf32>
    %add3A_540 = arith.addf %add3A_529, %dot_general3A_539 : vector<512x256xf32>
    %get3A_541 = arith.constant 0 : index
    %get3A_542 = arith.constant 1154 : index
    %get3A_543 = arith.constant 0 : index
    %get3A_544 = vector.load %arg1[%get3A_541, %get3A_542, %get3A_543] : memref<1x4226x256xf32, #tpu.memory_space<vmem>>, vector<1x512x256xf32>
    %get3A_545 = vector.shape_cast %get3A_544 : vector<1x512x256xf32> to vector<512x256xf32>
    %mul3A_546 = vector.broadcast %select_n3A_23 : vector<512x1xf32> to vector<512x256xf32>
    %mul3A_547 = arith.mulf %get3A_545, %mul3A_546 : vector<512x256xf32>
    %get3A_548 = arith.constant 2048 : index
    %get3A_549 = arith.constant 0 : index
    %get3A_550 = vector.load %arg2[%get3A_548, %get3A_549] : memref<2304x256xf32, #tpu.memory_space<vmem>>, vector<256x256xf32>
    %dot_general3A_551 = arith.constant dense<0.000000e+00> : vector<512x256xf32>
    %dot_general3A_552 = tpu.matmul %mul3A_547, %get3A_550, %dot_general3A_551 {dimension_numbers = #tpu.dot_dimension_numbers<[1], [0], [0], [1], [0, 0, 1, 1], [], []>, transpose_lhs_hint = false} : vector<512x256xf32>, vector<256x256xf32>, vector<512x256xf32> -> vector<512x256xf32>
    %add3A_553 = arith.addf %add3A_540, %dot_general3A_552 : vector<512x256xf32>
    %add3A_554 = vector.broadcast %get3A_1 : vector<1x256xf32> to vector<512x256xf32>
    %add3A_555 = arith.addf %add3A_553, %add3A_554 : vector<512x256xf32>
    %max3A_556 = arith.constant 0.000000e+00 : f32
    %max3A_557 = vector.broadcast %max3A_556 : f32 to vector<512x256xf32>
    %max3A_558 = arith.maximumf %add3A_555, %max3A_557 : vector<512x256xf32>
    %get3A_559 = arith.constant 0 : index
    %get3A_560 = arith.constant 0 : index
    %get3A_561 = vector.load %arg3[%get3A_559, %get3A_560] : memref<256x45xf32, #tpu.memory_space<vmem>>, vector<256x45xf32>
    %dot_general3A_562 = arith.constant dense<0.000000e+00> : vector<512x45xf32>
    %dot_general3A_563 = tpu.matmul %max3A_558, %get3A_561, %dot_general3A_562 {dimension_numbers = #tpu.dot_dimension_numbers<[1], [0], [0], [1], [0, 0, 1, 1], [], []>, transpose_lhs_hint = false} : vector<512x256xf32>, vector<256x45xf32>, vector<512x45xf32> -> vector<512x45xf32>
    %add3A_564 = vector.broadcast %get3A_4 : vector<1x45xf32> to vector<512x45xf32>
    %add3A_565 = arith.addf %dot_general3A_563, %add3A_564 : vector<512x45xf32>
    %slice3A_566 = vector.extract_strided_slice %add3A_565 {offsets = [0, 36], sizes = [512, 9], strides = [1, 1]} : vector<512x45xf32> to vector<512x9xf32>
    %abs3A_567 = math.absf %slice3A_566 : vector<512x9xf32>
    %neg3A_568 = arith.constant 0.000000e+00 : f32
    %neg3A_569 = vector.broadcast %neg3A_568 : f32 to vector<512x9xf32>
    %neg3A_570 = arith.subf %neg3A_569, %abs3A_567 : vector<512x9xf32>
    %exp3A_571 = math.exp %neg3A_570 : vector<512x9xf32>
    %ge3A_572 = arith.constant 0.000000e+00 : f32
    %ge3A_573 = vector.broadcast %ge3A_572 : f32 to vector<512x9xf32>
    %ge3A_574 = arith.cmpf oge, %slice3A_566, %ge3A_573 : vector<512x9xf32>
    %add3A_575 = arith.constant 1.000000e+00 : f32
    %add3A_576 = vector.broadcast %add3A_575 : f32 to vector<512x9xf32>
    %add3A_577 = arith.addf %add3A_576, %exp3A_571 : vector<512x9xf32>
    %div3A_578 = arith.constant 1.000000e+00 : f32
    %div3A_579 = vector.broadcast %div3A_578 : f32 to vector<512x9xf32>
    %div3A_580 = arith.divf %div3A_579, %add3A_577 : vector<512x9xf32>
    %add3A_581 = arith.constant 1.000000e+00 : f32
    %add3A_582 = vector.broadcast %add3A_581 : f32 to vector<512x9xf32>
    %add3A_583 = arith.addf %add3A_582, %exp3A_571 : vector<512x9xf32>
    %div3A_584 = arith.divf %exp3A_571, %add3A_583 : vector<512x9xf32>
    %select_n3A_585 = arith.select %ge3A_574, %div3A_580, %div3A_584 : vector<512x9xi1>, vector<512x9xf32>
    %swap3A_586 = arith.constant 0 : index
    %swap3A_587 = arith.constant 1024 : index
    %swap3A_588 = arith.constant 0 : index
    %swap3A_589 = vector.load %arg9[%swap3A_586, %swap3A_587, %swap3A_588] : memref<1x4096x9xf32, #tpu.memory_space<vmem>>, vector<1x512x9xf32>
    %swap3A_590 = vector.shape_cast %swap3A_589 : vector<1x512x9xf32> to vector<512x9xf32>
    %swap3A_591 = vector.shape_cast %select_n3A_585 : vector<512x9xf32> to vector<1x512x9xf32>
    tpu.vector_store %arg9[%swap3A_586, %swap3A_587, %swap3A_588], %swap3A_591 {strides = array<i32>} : memref<1x4096x9xf32, #tpu.memory_space<vmem>>, vector<1x512x9xf32>,
    %slice3A_592 = vector.extract_strided_slice %add3A_565 {offsets = [0, 0], sizes = [512, 36], strides = [1, 1]} : vector<512x45xf32> to vector<512x36xf32>
    %slice3A_593 = vector.extract_strided_slice %slice3A_592 {offsets = [0, 2], sizes = [512, 34], strides = [1, 1]} : vector<512x36xf32> to vector<512x34xf32>
    %slice3A_594 = vector.extract_strided_slice %slice3A_592 {offsets = [0, 0], sizes = [512, 2], strides = [1, 1]} : vector<512x36xf32> to vector<512x2xf32>
    %concatenate3A_595 = tpu.concatenate %slice3A_593, %slice3A_594 in 1 : vector<512x34xf32>, vector<512x2xf32> -> vector<512x36xf32>
    %slice3A_596 = vector.extract_strided_slice %slice3A_592 {offsets = [0, 34], sizes = [512, 2], strides = [1, 1]} : vector<512x36xf32> to vector<512x2xf32>
    %slice3A_597 = vector.extract_strided_slice %slice3A_592 {offsets = [0, 0], sizes = [512, 34], strides = [1, 1]} : vector<512x36xf32> to vector<512x34xf32>
    %concatenate3A_598 = tpu.concatenate %slice3A_596, %slice3A_597 in 1 : vector<512x2xf32>, vector<512x34xf32> -> vector<512x36xf32>
    %lt3A_599 = arith.constant 2 : i32
    %lt3A_600 = vector.broadcast %lt3A_599 : i32 to vector<1x36xi32>
    %lt3A_601 = arith.cmpi slt, %select_n3A_42, %lt3A_600 : vector<1x36xi32>
    %broadcast_in_dim3A_602 = vector.shape_cast %lt3A_601 : vector<1x36xi1> to vector<1x36xi1>
    %broadcast_in_dim3A_603 = vector.broadcast %broadcast_in_dim3A_602 : vector<1x36xi1> to vector<512x36xi1>
    %select_n3A_604 = arith.select %broadcast_in_dim3A_603, %concatenate3A_595, %slice3A_592 : vector<512x36xi1>, vector<512x36xf32>
    %lt3A_605 = arith.constant 2 : i32
    %lt3A_606 = vector.broadcast %lt3A_605 : i32 to vector<1x36xi32>
    %lt3A_607 = arith.cmpi slt, %select_n3A_42, %lt3A_606 : vector<1x36xi32>
    %broadcast_in_dim3A_608 = vector.shape_cast %lt3A_607 : vector<1x36xi1> to vector<1x36xi1>
    %broadcast_in_dim3A_609 = vector.broadcast %broadcast_in_dim3A_608 : vector<1x36xi1> to vector<512x36xi1>
    %select_n3A_610 = arith.select %broadcast_in_dim3A_609, %slice3A_592, %concatenate3A_598 : vector<512x36xi1>, vector<512x36xf32>
    %get3A_611 = arith.constant 0 : index
    %get3A_612 = arith.constant 1024 : index
    %get3A_613 = arith.constant 0 : index
    %get3A_614 = vector.load %arg6[%get3A_611, %get3A_612, %get3A_613] : memref<1x4096x36xf32, #tpu.memory_space<vmem>>, vector<1x512x36xf32>
    %get3A_615 = vector.shape_cast %get3A_614 : vector<1x512x36xf32> to vector<512x36xf32>
    %get3A_616 = arith.constant 0 : index
    %get3A_617 = arith.constant 1024 : index
    %get3A_618 = arith.constant 0 : index
    %get3A_619 = vector.load %arg7[%get3A_616, %get3A_617, %get3A_618] : memref<1x4096x36xf32, #tpu.memory_space<vmem>>, vector<1x512x36xf32>
    %get3A_620 = vector.shape_cast %get3A_619 : vector<1x512x36xf32> to vector<512x36xf32>
    %min3A_621 = arith.constant 4.135000e+00 : f32
    %min3A_622 = vector.broadcast %min3A_621 : f32 to vector<512x36xf32>
    %min3A_623 = arith.minimumf %select_n3A_604, %min3A_622 : vector<512x36xf32>
    %exp3A_624 = math.exp %min3A_623 : vector<512x36xf32>
    %mul3A_625 = arith.mulf %exp3A_624, %get3A_620 : vector<512x36xf32>
    %mul3A_626 = arith.mulf %select_n3A_610, %get3A_620 : vector<512x36xf32>
    %add3A_627 = arith.addf %mul3A_626, %get3A_615 : vector<512x36xf32>
    %mul3A_628 = vector.broadcast %select_n3A_50 : vector<1x36xf32> to vector<512x36xf32>
    %mul3A_629 = arith.mulf %mul3A_628, %mul3A_625 : vector<512x36xf32>
    %add3A_630 = arith.addf %add3A_627, %mul3A_629 : vector<512x36xf32>
    %max3A_631 = arith.constant 0.000000e+00 : f32
    %max3A_632 = vector.broadcast %max3A_631 : f32 to vector<512x36xf32>
    %max3A_633 = arith.maximumf %add3A_630, %max3A_632 : vector<512x36xf32>
    %min3A_634 = vector.broadcast %get3A_9 : vector<1x1xf32> to vector<512x36xf32>
    %min3A_635 = arith.minimumf %max3A_633, %min3A_634 : vector<512x36xf32>
    %swap3A_636 = arith.constant 0 : index
    %swap3A_637 = arith.constant 1024 : index
    %swap3A_638 = arith.constant 0 : index
    %swap3A_639 = vector.load %arg10[%swap3A_636, %swap3A_637, %swap3A_638] : memref<1x4096x36xf32, #tpu.memory_space<vmem>>, vector<1x512x36xf32>
    %swap3A_640 = vector.shape_cast %swap3A_639 : vector<1x512x36xf32> to vector<512x36xf32>
    %swap3A_641 = vector.shape_cast %min3A_635 : vector<512x36xf32> to vector<1x512x36xf32>
    tpu.vector_store %arg10[%swap3A_636, %swap3A_637, %swap3A_638], %swap3A_641 {strides = array<i32>} : memref<1x4096x36xf32, #tpu.memory_space<vmem>>, vector<1x512x36xf32>,
    %broadcast_in_dim3A_642 = arith.constant 0.000000e+00 : f32
    %broadcast_in_dim3A_643 = vector.broadcast %broadcast_in_dim3A_642 : f32 to vector<512x256xf32>
    %get3A_644 = arith.constant 0 : index
    %get3A_645 = arith.constant 1536 : index
    %get3A_646 = arith.constant 0 : index
    %get3A_647 = vector.load %arg1[%get3A_644, %get3A_645, %get3A_646] : memref<1x4226x256xf32, #tpu.memory_space<vmem>>, vector<1x512x256xf32>
    %get3A_648 = vector.shape_cast %get3A_647 : vector<1x512x256xf32> to vector<512x256xf32>
    %mul3A_649 = vector.broadcast %select_n3A : vector<512x1xf32> to vector<512x256xf32>
    %mul3A_650 = arith.mulf %get3A_648, %mul3A_649 : vector<512x256xf32>
    %get3A_651 = arith.constant 0 : index
    %get3A_652 = arith.constant 0 : index
    %get3A_653 = vector.load %arg2[%get3A_651, %get3A_652] : memref<2304x256xf32, #tpu.memory_space<vmem>>, vector<256x256xf32>
    %dot_general3A_654 = arith.constant dense<0.000000e+00> : vector<512x256xf32>
    %dot_general3A_655 = tpu.matmul %mul3A_650, %get3A_653, %dot_general3A_654 {dimension_numbers = #tpu.dot_dimension_numbers<[1], [0], [0], [1], [0, 0, 1, 1], [], []>, transpose_lhs_hint = false} : vector<512x256xf32>, vector<256x256xf32>, vector<512x256xf32> -> vector<512x256xf32>
    %add3A_656 = arith.addf %broadcast_in_dim3A_643, %dot_general3A_655 : vector<512x256xf32>
    %get3A_657 = arith.constant 0 : index
    %get3A_658 = arith.constant 1537 : index
    %get3A_659 = arith.constant 0 : index
    %get3A_660 = vector.load %arg1[%get3A_657, %get3A_658, %get3A_659] : memref<1x4226x256xf32, #tpu.memory_space<vmem>>, vector<1x512x256xf32>
    %get3A_661 = vector.shape_cast %get3A_660 : vector<1x512x256xf32> to vector<512x256xf32>
    %get3A_662 = arith.constant 256 : index
    %get3A_663 = arith.constant 0 : index
    %get3A_664 = vector.load %arg2[%get3A_662, %get3A_663] : memref<2304x256xf32, #tpu.memory_space<vmem>>, vector<256x256xf32>
    %dot_general3A_665 = arith.constant dense<0.000000e+00> : vector<512x256xf32>
    %dot_general3A_666 = tpu.matmul %get3A_661, %get3A_664, %dot_general3A_665 {dimension_numbers = #tpu.dot_dimension_numbers<[1], [0], [0], [1], [0, 0, 1, 1], [], []>, transpose_lhs_hint = false} : vector<512x256xf32>, vector<256x256xf32>, vector<512x256xf32> -> vector<512x256xf32>
    %add3A_667 = arith.addf %add3A_656, %dot_general3A_666 : vector<512x256xf32>
    %get3A_668 = arith.constant 0 : index
    %get3A_669 = arith.constant 1538 : index
    %get3A_670 = arith.constant 0 : index
    %get3A_671 = vector.load %arg1[%get3A_668, %get3A_669, %get3A_670] : memref<1x4226x256xf32, #tpu.memory_space<vmem>>, vector<1x512x256xf32>
    %get3A_672 = vector.shape_cast %get3A_671 : vector<1x512x256xf32> to vector<512x256xf32>
    %mul3A_673 = vector.broadcast %select_n3A_23 : vector<512x1xf32> to vector<512x256xf32>
    %mul3A_674 = arith.mulf %get3A_672, %mul3A_673 : vector<512x256xf32>
    %get3A_675 = arith.constant 512 : index
    %get3A_676 = arith.constant 0 : index
    %get3A_677 = vector.load %arg2[%get3A_675, %get3A_676] : memref<2304x256xf32, #tpu.memory_space<vmem>>, vector<256x256xf32>
    %dot_general3A_678 = arith.constant dense<0.000000e+00> : vector<512x256xf32>
    %dot_general3A_679 = tpu.matmul %mul3A_674, %get3A_677, %dot_general3A_678 {dimension_numbers = #tpu.dot_dimension_numbers<[1], [0], [0], [1], [0, 0, 1, 1], [], []>, transpose_lhs_hint = false} : vector<512x256xf32>, vector<256x256xf32>, vector<512x256xf32> -> vector<512x256xf32>
    %add3A_680 = arith.addf %add3A_667, %dot_general3A_679 : vector<512x256xf32>
    %get3A_681 = arith.constant 0 : index
    %get3A_682 = arith.constant 1600 : index
    %get3A_683 = arith.constant 0 : index
    %get3A_684 = vector.load %arg1[%get3A_681, %get3A_682, %get3A_683] : memref<1x4226x256xf32, #tpu.memory_space<vmem>>, vector<1x512x256xf32>
    %get3A_685 = vector.shape_cast %get3A_684 : vector<1x512x256xf32> to vector<512x256xf32>
    %mul3A_686 = vector.broadcast %select_n3A : vector<512x1xf32> to vector<512x256xf32>
    %mul3A_687 = arith.mulf %get3A_685, %mul3A_686 : vector<512x256xf32>
    %get3A_688 = arith.constant 768 : index
    %get3A_689 = arith.constant 0 : index
    %get3A_690 = vector.load %arg2[%get3A_688, %get3A_689] : memref<2304x256xf32, #tpu.memory_space<vmem>>, vector<256x256xf32>
    %dot_general3A_691 = arith.constant dense<0.000000e+00> : vector<512x256xf32>
    %dot_general3A_692 = tpu.matmul %mul3A_687, %get3A_690, %dot_general3A_691 {dimension_numbers = #tpu.dot_dimension_numbers<[1], [0], [0], [1], [0, 0, 1, 1], [], []>, transpose_lhs_hint = false} : vector<512x256xf32>, vector<256x256xf32>, vector<512x256xf32> -> vector<512x256xf32>
    %add3A_693 = arith.addf %add3A_680, %dot_general3A_692 : vector<512x256xf32>
    %get3A_694 = arith.constant 0 : index
    %get3A_695 = arith.constant 1601 : index
    %get3A_696 = arith.constant 0 : index
    %get3A_697 = vector.load %arg1[%get3A_694, %get3A_695, %get3A_696] : memref<1x4226x256xf32, #tpu.memory_space<vmem>>, vector<1x512x256xf32>
    %get3A_698 = vector.shape_cast %get3A_697 : vector<1x512x256xf32> to vector<512x256xf32>
    %get3A_699 = arith.constant 1024 : index
    %get3A_700 = arith.constant 0 : index
    %get3A_701 = vector.load %arg2[%get3A_699, %get3A_700] : memref<2304x256xf32, #tpu.memory_space<vmem>>, vector<256x256xf32>
    %dot_general3A_702 = arith.constant dense<0.000000e+00> : vector<512x256xf32>
    %dot_general3A_703 = tpu.matmul %get3A_698, %get3A_701, %dot_general3A_702 {dimension_numbers = #tpu.dot_dimension_numbers<[1], [0], [0], [1], [0, 0, 1, 1], [], []>, transpose_lhs_hint = false} : vector<512x256xf32>, vector<256x256xf32>, vector<512x256xf32> -> vector<512x256xf32>
    %add3A_704 = arith.addf %add3A_693, %dot_general3A_703 : vector<512x256xf32>
    %get3A_705 = arith.constant 0 : index
    %get3A_706 = arith.constant 1602 : index
    %get3A_707 = arith.constant 0 : index
    %get3A_708 = vector.load %arg1[%get3A_705, %get3A_706, %get3A_707] : memref<1x4226x256xf32, #tpu.memory_space<vmem>>, vector<1x512x256xf32>
    %get3A_709 = vector.shape_cast %get3A_708 : vector<1x512x256xf32> to vector<512x256xf32>
    %mul3A_710 = vector.broadcast %select_n3A_23 : vector<512x1xf32> to vector<512x256xf32>
    %mul3A_711 = arith.mulf %get3A_709, %mul3A_710 : vector<512x256xf32>
    %get3A_712 = arith.constant 1280 : index
    %get3A_713 = arith.constant 0 : index
    %get3A_714 = vector.load %arg2[%get3A_712, %get3A_713] : memref<2304x256xf32, #tpu.memory_space<vmem>>, vector<256x256xf32>
    %dot_general3A_715 = arith.constant dense<0.000000e+00> : vector<512x256xf32>
    %dot_general3A_716 = tpu.matmul %mul3A_711, %get3A_714, %dot_general3A_715 {dimension_numbers = #tpu.dot_dimension_numbers<[1], [0], [0], [1], [0, 0, 1, 1], [], []>, transpose_lhs_hint = false} : vector<512x256xf32>, vector<256x256xf32>, vector<512x256xf32> -> vector<512x256xf32>
    %add3A_717 = arith.addf %add3A_704, %dot_general3A_716 : vector<512x256xf32>
    %get3A_718 = arith.constant 0 : index
    %get3A_719 = arith.constant 1664 : index
    %get3A_720 = arith.constant 0 : index
    %get3A_721 = vector.load %arg1[%get3A_718, %get3A_719, %get3A_720] : memref<1x4226x256xf32, #tpu.memory_space<vmem>>, vector<1x512x256xf32>
    %get3A_722 = vector.shape_cast %get3A_721 : vector<1x512x256xf32> to vector<512x256xf32>
    %mul3A_723 = vector.broadcast %select_n3A : vector<512x1xf32> to vector<512x256xf32>
    %mul3A_724 = arith.mulf %get3A_722, %mul3A_723 : vector<512x256xf32>
    %get3A_725 = arith.constant 1536 : index
    %get3A_726 = arith.constant 0 : index
    %get3A_727 = vector.load %arg2[%get3A_725, %get3A_726] : memref<2304x256xf32, #tpu.memory_space<vmem>>, vector<256x256xf32>
    %dot_general3A_728 = arith.constant dense<0.000000e+00> : vector<512x256xf32>
    %dot_general3A_729 = tpu.matmul %mul3A_724, %get3A_727, %dot_general3A_728 {dimension_numbers = #tpu.dot_dimension_numbers<[1], [0], [0], [1], [0, 0, 1, 1], [], []>, transpose_lhs_hint = false} : vector<512x256xf32>, vector<256x256xf32>, vector<512x256xf32> -> vector<512x256xf32>
    %add3A_730 = arith.addf %add3A_717, %dot_general3A_729 : vector<512x256xf32>
    %get3A_731 = arith.constant 0 : index
    %get3A_732 = arith.constant 1665 : index
    %get3A_733 = arith.constant 0 : index
    %get3A_734 = vector.load %arg1[%get3A_731, %get3A_732, %get3A_733] : memref<1x4226x256xf32, #tpu.memory_space<vmem>>, vector<1x512x256xf32>
    %get3A_735 = vector.shape_cast %get3A_734 : vector<1x512x256xf32> to vector<512x256xf32>
    %get3A_736 = arith.constant 1792 : index
    %get3A_737 = arith.constant 0 : index
    %get3A_738 = vector.load %arg2[%get3A_736, %get3A_737] : memref<2304x256xf32, #tpu.memory_space<vmem>>, vector<256x256xf32>
    %dot_general3A_739 = arith.constant dense<0.000000e+00> : vector<512x256xf32>
    %dot_general3A_740 = tpu.matmul %get3A_735, %get3A_738, %dot_general3A_739 {dimension_numbers = #tpu.dot_dimension_numbers<[1], [0], [0], [1], [0, 0, 1, 1], [], []>, transpose_lhs_hint = false} : vector<512x256xf32>, vector<256x256xf32>, vector<512x256xf32> -> vector<512x256xf32>
    %add3A_741 = arith.addf %add3A_730, %dot_general3A_740 : vector<512x256xf32>
    %get3A_742 = arith.constant 0 : index
    %get3A_743 = arith.constant 1666 : index
    %get3A_744 = arith.constant 0 : index
    %get3A_745 = vector.load %arg1[%get3A_742, %get3A_743, %get3A_744] : memref<1x4226x256xf32, #tpu.memory_space<vmem>>, vector<1x512x256xf32>
    %get3A_746 = vector.shape_cast %get3A_745 : vector<1x512x256xf32> to vector<512x256xf32>
    %mul3A_747 = vector.broadcast %select_n3A_23 : vector<512x1xf32> to vector<512x256xf32>
    %mul3A_748 = arith.mulf %get3A_746, %mul3A_747 : vector<512x256xf32>
    %get3A_749 = arith.constant 2048 : index
    %get3A_750 = arith.constant 0 : index
    %get3A_751 = vector.load %arg2[%get3A_749, %get3A_750] : memref<2304x256xf32, #tpu.memory_space<vmem>>, vector<256x256xf32>
    %dot_general3A_752 = arith.constant dense<0.000000e+00> : vector<512x256xf32>
    %dot_general3A_753 = tpu.matmul %mul3A_748, %get3A_751, %dot_general3A_752 {dimension_numbers = #tpu.dot_dimension_numbers<[1], [0], [0], [1], [0, 0, 1, 1], [], []>, transpose_lhs_hint = false} : vector<512x256xf32>, vector<256x256xf32>, vector<512x256xf32> -> vector<512x256xf32>
    %add3A_754 = arith.addf %add3A_741, %dot_general3A_753 : vector<512x256xf32>
    %add3A_755 = vector.broadcast %get3A_1 : vector<1x256xf32> to vector<512x256xf32>
    %add3A_756 = arith.addf %add3A_754, %add3A_755 : vector<512x256xf32>
    %max3A_757 = arith.constant 0.000000e+00 : f32
    %max3A_758 = vector.broadcast %max3A_757 : f32 to vector<512x256xf32>
    %max3A_759 = arith.maximumf %add3A_756, %max3A_758 : vector<512x256xf32>
    %get3A_760 = arith.constant 0 : index
    %get3A_761 = arith.constant 0 : index
    %get3A_762 = vector.load %arg3[%get3A_760, %get3A_761] : memref<256x45xf32, #tpu.memory_space<vmem>>, vector<256x45xf32>
    %dot_general3A_763 = arith.constant dense<0.000000e+00> : vector<512x45xf32>
    %dot_general3A_764 = tpu.matmul %max3A_759, %get3A_762, %dot_general3A_763 {dimension_numbers = #tpu.dot_dimension_numbers<[1], [0], [0], [1], [0, 0, 1, 1], [], []>, transpose_lhs_hint = false} : vector<512x256xf32>, vector<256x45xf32>, vector<512x45xf32> -> vector<512x45xf32>
    %add3A_765 = vector.broadcast %get3A_4 : vector<1x45xf32> to vector<512x45xf32>
    %add3A_766 = arith.addf %dot_general3A_764, %add3A_765 : vector<512x45xf32>
    %slice3A_767 = vector.extract_strided_slice %add3A_766 {offsets = [0, 36], sizes = [512, 9], strides = [1, 1]} : vector<512x45xf32> to vector<512x9xf32>
    %abs3A_768 = math.absf %slice3A_767 : vector<512x9xf32>
    %neg3A_769 = arith.constant 0.000000e+00 : f32
    %neg3A_770 = vector.broadcast %neg3A_769 : f32 to vector<512x9xf32>
    %neg3A_771 = arith.subf %neg3A_770, %abs3A_768 : vector<512x9xf32>
    %exp3A_772 = math.exp %neg3A_771 : vector<512x9xf32>
    %ge3A_773 = arith.constant 0.000000e+00 : f32
    %ge3A_774 = vector.broadcast %ge3A_773 : f32 to vector<512x9xf32>
    %ge3A_775 = arith.cmpf oge, %slice3A_767, %ge3A_774 : vector<512x9xf32>
    %add3A_776 = arith.constant 1.000000e+00 : f32
    %add3A_777 = vector.broadcast %add3A_776 : f32 to vector<512x9xf32>
    %add3A_778 = arith.addf %add3A_777, %exp3A_772 : vector<512x9xf32>
    %div3A_779 = arith.constant 1.000000e+00 : f32
    %div3A_780 = vector.broadcast %div3A_779 : f32 to vector<512x9xf32>
    %div3A_781 = arith.divf %div3A_780, %add3A_778 : vector<512x9xf32>
    %add3A_782 = arith.constant 1.000000e+00 : f32
    %add3A_783 = vector.broadcast %add3A_782 : f32 to vector<512x9xf32>
    %add3A_784 = arith.addf %add3A_783, %exp3A_772 : vector<512x9xf32>
    %div3A_785 = arith.divf %exp3A_772, %add3A_784 : vector<512x9xf32>
    %select_n3A_786 = arith.select %ge3A_775, %div3A_781, %div3A_785 : vector<512x9xi1>, vector<512x9xf32>
    %swap3A_787 = arith.constant 0 : index
    %swap3A_788 = arith.constant 1536 : index
    %swap3A_789 = arith.constant 0 : index
    %swap3A_790 = vector.load %arg9[%swap3A_787, %swap3A_788, %swap3A_789] : memref<1x4096x9xf32, #tpu.memory_space<vmem>>, vector<1x512x9xf32>
    %swap3A_791 = vector.shape_cast %swap3A_790 : vector<1x512x9xf32> to vector<512x9xf32>
    %swap3A_792 = vector.shape_cast %select_n3A_786 : vector<512x9xf32> to vector<1x512x9xf32>
    tpu.vector_store %arg9[%swap3A_787, %swap3A_788, %swap3A_789], %swap3A_792 {strides = array<i32>} : memref<1x4096x9xf32, #tpu.memory_space<vmem>>, vector<1x512x9xf32>,
    %slice3A_793 = vector.extract_strided_slice %add3A_766 {offsets = [0, 0], sizes = [512, 36], strides = [1, 1]} : vector<512x45xf32> to vector<512x36xf32>
    %slice3A_794 = vector.extract_strided_slice %slice3A_793 {offsets = [0, 2], sizes = [512, 34], strides = [1, 1]} : vector<512x36xf32> to vector<512x34xf32>
    %slice3A_795 = vector.extract_strided_slice %slice3A_793 {offsets = [0, 0], sizes = [512, 2], strides = [1, 1]} : vector<512x36xf32> to vector<512x2xf32>
    %concatenate3A_796 = tpu.concatenate %slice3A_794, %slice3A_795 in 1 : vector<512x34xf32>, vector<512x2xf32> -> vector<512x36xf32>
    %slice3A_797 = vector.extract_strided_slice %slice3A_793 {offsets = [0, 34], sizes = [512, 2], strides = [1, 1]} : vector<512x36xf32> to vector<512x2xf32>
    %slice3A_798 = vector.extract_strided_slice %slice3A_793 {offsets = [0, 0], sizes = [512, 34], strides = [1, 1]} : vector<512x36xf32> to vector<512x34xf32>
    %concatenate3A_799 = tpu.concatenate %slice3A_797, %slice3A_798 in 1 : vector<512x2xf32>, vector<512x34xf32> -> vector<512x36xf32>
    %lt3A_800 = arith.constant 2 : i32
    %lt3A_801 = vector.broadcast %lt3A_800 : i32 to vector<1x36xi32>
    %lt3A_802 = arith.cmpi slt, %select_n3A_42, %lt3A_801 : vector<1x36xi32>
    %broadcast_in_dim3A_803 = vector.shape_cast %lt3A_802 : vector<1x36xi1> to vector<1x36xi1>
    %broadcast_in_dim3A_804 = vector.broadcast %broadcast_in_dim3A_803 : vector<1x36xi1> to vector<512x36xi1>
    %select_n3A_805 = arith.select %broadcast_in_dim3A_804, %concatenate3A_796, %slice3A_793 : vector<512x36xi1>, vector<512x36xf32>
    %lt3A_806 = arith.constant 2 : i32
    %lt3A_807 = vector.broadcast %lt3A_806 : i32 to vector<1x36xi32>
    %lt3A_808 = arith.cmpi slt, %select_n3A_42, %lt3A_807 : vector<1x36xi32>
    %broadcast_in_dim3A_809 = vector.shape_cast %lt3A_808 : vector<1x36xi1> to vector<1x36xi1>
    %broadcast_in_dim3A_810 = vector.broadcast %broadcast_in_dim3A_809 : vector<1x36xi1> to vector<512x36xi1>
    %select_n3A_811 = arith.select %broadcast_in_dim3A_810, %slice3A_793, %concatenate3A_799 : vector<512x36xi1>, vector<512x36xf32>
    %get3A_812 = arith.constant 0 : index
    %get3A_813 = arith.constant 1536 : index
    %get3A_814 = arith.constant 0 : index
    %get3A_815 = vector.load %arg6[%get3A_812, %get3A_813, %get3A_814] : memref<1x4096x36xf32, #tpu.memory_space<vmem>>, vector<1x512x36xf32>
    %get3A_816 = vector.shape_cast %get3A_815 : vector<1x512x36xf32> to vector<512x36xf32>
    %get3A_817 = arith.constant 0 : index
    %get3A_818 = arith.constant 1536 : index
    %get3A_819 = arith.constant 0 : index
    %get3A_820 = vector.load %arg7[%get3A_817, %get3A_818, %get3A_819] : memref<1x4096x36xf32, #tpu.memory_space<vmem>>, vector<1x512x36xf32>
    %get3A_821 = vector.shape_cast %get3A_820 : vector<1x512x36xf32> to vector<512x36xf32>
    %min3A_822 = arith.constant 4.135000e+00 : f32
    %min3A_823 = vector.broadcast %min3A_822 : f32 to vector<512x36xf32>
    %min3A_824 = arith.minimumf %select_n3A_805, %min3A_823 : vector<512x36xf32>
    %exp3A_825 = math.exp %min3A_824 : vector<512x36xf32>
    %mul3A_826 = arith.mulf %exp3A_825, %get3A_821 : vector<512x36xf32>
    %mul3A_827 = arith.mulf %select_n3A_811, %get3A_821 : vector<512x36xf32>
    %add3A_828 = arith.addf %mul3A_827, %get3A_816 : vector<512x36xf32>
    %mul3A_829 = vector.broadcast %select_n3A_50 : vector<1x36xf32> to vector<512x36xf32>
    %mul3A_830 = arith.mulf %mul3A_829, %mul3A_826 : vector<512x36xf32>
    %add3A_831 = arith.addf %add3A_828, %mul3A_830 : vector<512x36xf32>
    %max3A_832 = arith.constant 0.000000e+00 : f32
    %max3A_833 = vector.broadcast %max3A_832 : f32 to vector<512x36xf32>
    %max3A_834 = arith.maximumf %add3A_831, %max3A_833 : vector<512x36xf32>
    %min3A_835 = vector.broadcast %get3A_9 : vector<1x1xf32> to vector<512x36xf32>
    %min3A_836 = arith.minimumf %max3A_834, %min3A_835 : vector<512x36xf32>
    %swap3A_837 = arith.constant 0 : index
    %swap3A_838 = arith.constant 1536 : index
    %swap3A_839 = arith.constant 0 : index
    %swap3A_840 = vector.load %arg10[%swap3A_837, %swap3A_838, %swap3A_839] : memref<1x4096x36xf32, #tpu.memory_space<vmem>>, vector<1x512x36xf32>
    %swap3A_841 = vector.shape_cast %swap3A_840 : vector<1x512x36xf32> to vector<512x36xf32>
    %swap3A_842 = vector.shape_cast %min3A_836 : vector<512x36xf32> to vector<1x512x36xf32>
    tpu.vector_store %arg10[%swap3A_837, %swap3A_838, %swap3A_839], %swap3A_842 {strides = array<i32>} : memref<1x4096x36xf32, #tpu.memory_space<vmem>>, vector<1x512x36xf32>,
    %broadcast_in_dim3A_843 = arith.constant 0.000000e+00 : f32
    %broadcast_in_dim3A_844 = vector.broadcast %broadcast_in_dim3A_843 : f32 to vector<512x256xf32>
    %get3A_845 = arith.constant 0 : index
    %get3A_846 = arith.constant 2048 : index
    %get3A_847 = arith.constant 0 : index
    %get3A_848 = vector.load %arg1[%get3A_845, %get3A_846, %get3A_847] : memref<1x4226x256xf32, #tpu.memory_space<vmem>>, vector<1x512x256xf32>
    %get3A_849 = vector.shape_cast %get3A_848 : vector<1x512x256xf32> to vector<512x256xf32>
    %mul3A_850 = vector.broadcast %select_n3A : vector<512x1xf32> to vector<512x256xf32>
    %mul3A_851 = arith.mulf %get3A_849, %mul3A_850 : vector<512x256xf32>
    %get3A_852 = arith.constant 0 : index
    %get3A_853 = arith.constant 0 : index
    %get3A_854 = vector.load %arg2[%get3A_852, %get3A_853] : memref<2304x256xf32, #tpu.memory_space<vmem>>, vector<256x256xf32>
    %dot_general3A_855 = arith.constant dense<0.000000e+00> : vector<512x256xf32>
    %dot_general3A_856 = tpu.matmul %mul3A_851, %get3A_854, %dot_general3A_855 {dimension_numbers = #tpu.dot_dimension_numbers<[1], [0], [0], [1], [0, 0, 1, 1], [], []>, transpose_lhs_hint = false} : vector<512x256xf32>, vector<256x256xf32>, vector<512x256xf32> -> vector<512x256xf32>
    %add3A_857 = arith.addf %broadcast_in_dim3A_844, %dot_general3A_856 : vector<512x256xf32>
    %get3A_858 = arith.constant 0 : index
    %get3A_859 = arith.constant 2049 : index
    %get3A_860 = arith.constant 0 : index
    %get3A_861 = vector.load %arg1[%get3A_858, %get3A_859, %get3A_860] : memref<1x4226x256xf32, #tpu.memory_space<vmem>>, vector<1x512x256xf32>
    %get3A_862 = vector.shape_cast %get3A_861 : vector<1x512x256xf32> to vector<512x256xf32>
    %get3A_863 = arith.constant 256 : index
    %get3A_864 = arith.constant 0 : index
    %get3A_865 = vector.load %arg2[%get3A_863, %get3A_864] : memref<2304x256xf32, #tpu.memory_space<vmem>>, vector<256x256xf32>
    %dot_general3A_866 = arith.constant dense<0.000000e+00> : vector<512x256xf32>
    %dot_general3A_867 = tpu.matmul %get3A_862, %get3A_865, %dot_general3A_866 {dimension_numbers = #tpu.dot_dimension_numbers<[1], [0], [0], [1], [0, 0, 1, 1], [], []>, transpose_lhs_hint = false} : vector<512x256xf32>, vector<256x256xf32>, vector<512x256xf32> -> vector<512x256xf32>
    %add3A_868 = arith.addf %add3A_857, %dot_general3A_867 : vector<512x256xf32>
    %get3A_869 = arith.constant 0 : index
    %get3A_870 = arith.constant 2050 : index
    %get3A_871 = arith.constant 0 : index
    %get3A_872 = vector.load %arg1[%get3A_869, %get3A_870, %get3A_871] : memref<1x4226x256xf32, #tpu.memory_space<vmem>>, vector<1x512x256xf32>
    %get3A_873 = vector.shape_cast %get3A_872 : vector<1x512x256xf32> to vector<512x256xf32>
    %mul3A_874 = vector.broadcast %select_n3A_23 : vector<512x1xf32> to vector<512x256xf32>
    %mul3A_875 = arith.mulf %get3A_873, %mul3A_874 : vector<512x256xf32>
    %get3A_876 = arith.constant 512 : index
    %get3A_877 = arith.constant 0 : index
    %get3A_878 = vector.load %arg2[%get3A_876, %get3A_877] : memref<2304x256xf32, #tpu.memory_space<vmem>>, vector<256x256xf32>
    %dot_general3A_879 = arith.constant dense<0.000000e+00> : vector<512x256xf32>
    %dot_general3A_880 = tpu.matmul %mul3A_875, %get3A_878, %dot_general3A_879 {dimension_numbers = #tpu.dot_dimension_numbers<[1], [0], [0], [1], [0, 0, 1, 1], [], []>, transpose_lhs_hint = false} : vector<512x256xf32>, vector<256x256xf32>, vector<512x256xf32> -> vector<512x256xf32>
    %add3A_881 = arith.addf %add3A_868, %dot_general3A_880 : vector<512x256xf32>
    %get3A_882 = arith.constant 0 : index
    %get3A_883 = arith.constant 2112 : index
    %get3A_884 = arith.constant 0 : index
    %get3A_885 = vector.load %arg1[%get3A_882, %get3A_883, %get3A_884] : memref<1x4226x256xf32, #tpu.memory_space<vmem>>, vector<1x512x256xf32>
    %get3A_886 = vector.shape_cast %get3A_885 : vector<1x512x256xf32> to vector<512x256xf32>
    %mul3A_887 = vector.broadcast %select_n3A : vector<512x1xf32> to vector<512x256xf32>
    %mul3A_888 = arith.mulf %get3A_886, %mul3A_887 : vector<512x256xf32>
    %get3A_889 = arith.constant 768 : index
    %get3A_890 = arith.constant 0 : index
    %get3A_891 = vector.load %arg2[%get3A_889, %get3A_890] : memref<2304x256xf32, #tpu.memory_space<vmem>>, vector<256x256xf32>
    %dot_general3A_892 = arith.constant dense<0.000000e+00> : vector<512x256xf32>
    %dot_general3A_893 = tpu.matmul %mul3A_888, %get3A_891, %dot_general3A_892 {dimension_numbers = #tpu.dot_dimension_numbers<[1], [0], [0], [1], [0, 0, 1, 1], [], []>, transpose_lhs_hint = false} : vector<512x256xf32>, vector<256x256xf32>, vector<512x256xf32> -> vector<512x256xf32>
    %add3A_894 = arith.addf %add3A_881, %dot_general3A_893 : vector<512x256xf32>
    %get3A_895 = arith.constant 0 : index
    %get3A_896 = arith.constant 2113 : index
    %get3A_897 = arith.constant 0 : index
    %get3A_898 = vector.load %arg1[%get3A_895, %get3A_896, %get3A_897] : memref<1x4226x256xf32, #tpu.memory_space<vmem>>, vector<1x512x256xf32>
    %get3A_899 = vector.shape_cast %get3A_898 : vector<1x512x256xf32> to vector<512x256xf32>
    %get3A_900 = arith.constant 1024 : index
    %get3A_901 = arith.constant 0 : index
    %get3A_902 = vector.load %arg2[%get3A_900, %get3A_901] : memref<2304x256xf32, #tpu.memory_space<vmem>>, vector<256x256xf32>
    %dot_general3A_903 = arith.constant dense<0.000000e+00> : vector<512x256xf32>
    %dot_general3A_904 = tpu.matmul %get3A_899, %get3A_902, %dot_general3A_903 {dimension_numbers = #tpu.dot_dimension_numbers<[1], [0], [0], [1], [0, 0, 1, 1], [], []>, transpose_lhs_hint = false} : vector<512x256xf32>, vector<256x256xf32>, vector<512x256xf32> -> vector<512x256xf32>
    %add3A_905 = arith.addf %add3A_894, %dot_general3A_904 : vector<512x256xf32>
    %get3A_906 = arith.constant 0 : index
    %get3A_907 = arith.constant 2114 : index
    %get3A_908 = arith.constant 0 : index
    %get3A_909 = vector.load %arg1[%get3A_906, %get3A_907, %get3A_908] : memref<1x4226x256xf32, #tpu.memory_space<vmem>>, vector<1x512x256xf32>
    %get3A_910 = vector.shape_cast %get3A_909 : vector<1x512x256xf32> to vector<512x256xf32>
    %mul3A_911 = vector.broadcast %select_n3A_23 : vector<512x1xf32> to vector<512x256xf32>
    %mul3A_912 = arith.mulf %get3A_910, %mul3A_911 : vector<512x256xf32>
    %get3A_913 = arith.constant 1280 : index
    %get3A_914 = arith.constant 0 : index
    %get3A_915 = vector.load %arg2[%get3A_913, %get3A_914] : memref<2304x256xf32, #tpu.memory_space<vmem>>, vector<256x256xf32>
    %dot_general3A_916 = arith.constant dense<0.000000e+00> : vector<512x256xf32>
    %dot_general3A_917 = tpu.matmul %mul3A_912, %get3A_915, %dot_general3A_916 {dimension_numbers = #tpu.dot_dimension_numbers<[1], [0], [0], [1], [0, 0, 1, 1], [], []>, transpose_lhs_hint = false} : vector<512x256xf32>, vector<256x256xf32>, vector<512x256xf32> -> vector<512x256xf32>
    %add3A_918 = arith.addf %add3A_905, %dot_general3A_917 : vector<512x256xf32>
    %get3A_919 = arith.constant 0 : index
    %get3A_920 = arith.constant 2176 : index
    %get3A_921 = arith.constant 0 : index
    %get3A_922 = vector.load %arg1[%get3A_919, %get3A_920, %get3A_921] : memref<1x4226x256xf32, #tpu.memory_space<vmem>>, vector<1x512x256xf32>
    %get3A_923 = vector.shape_cast %get3A_922 : vector<1x512x256xf32> to vector<512x256xf32>
    %mul3A_924 = vector.broadcast %select_n3A : vector<512x1xf32> to vector<512x256xf32>
    %mul3A_925 = arith.mulf %get3A_923, %mul3A_924 : vector<512x256xf32>
    %get3A_926 = arith.constant 1536 : index
    %get3A_927 = arith.constant 0 : index
    %get3A_928 = vector.load %arg2[%get3A_926, %get3A_927] : memref<2304x256xf32, #tpu.memory_space<vmem>>, vector<256x256xf32>
    %dot_general3A_929 = arith.constant dense<0.000000e+00> : vector<512x256xf32>
    %dot_general3A_930 = tpu.matmul %mul3A_925, %get3A_928, %dot_general3A_929 {dimension_numbers = #tpu.dot_dimension_numbers<[1], [0], [0], [1], [0, 0, 1, 1], [], []>, transpose_lhs_hint = false} : vector<512x256xf32>, vector<256x256xf32>, vector<512x256xf32> -> vector<512x256xf32>
    %add3A_931 = arith.addf %add3A_918, %dot_general3A_930 : vector<512x256xf32>
    %get3A_932 = arith.constant 0 : index
    %get3A_933 = arith.constant 2177 : index
    %get3A_934 = arith.constant 0 : index
    %get3A_935 = vector.load %arg1[%get3A_932, %get3A_933, %get3A_934] : memref<1x4226x256xf32, #tpu.memory_space<vmem>>, vector<1x512x256xf32>
    %get3A_936 = vector.shape_cast %get3A_935 : vector<1x512x256xf32> to vector<512x256xf32>
    %get3A_937 = arith.constant 1792 : index
    %get3A_938 = arith.constant 0 : index
    %get3A_939 = vector.load %arg2[%get3A_937, %get3A_938] : memref<2304x256xf32, #tpu.memory_space<vmem>>, vector<256x256xf32>
    %dot_general3A_940 = arith.constant dense<0.000000e+00> : vector<512x256xf32>
    %dot_general3A_941 = tpu.matmul %get3A_936, %get3A_939, %dot_general3A_940 {dimension_numbers = #tpu.dot_dimension_numbers<[1], [0], [0], [1], [0, 0, 1, 1], [], []>, transpose_lhs_hint = false} : vector<512x256xf32>, vector<256x256xf32>, vector<512x256xf32> -> vector<512x256xf32>
    %add3A_942 = arith.addf %add3A_931, %dot_general3A_941 : vector<512x256xf32>
    %get3A_943 = arith.constant 0 : index
    %get3A_944 = arith.constant 2178 : index
    %get3A_945 = arith.constant 0 : index
    %get3A_946 = vector.load %arg1[%get3A_943, %get3A_944, %get3A_945] : memref<1x4226x256xf32, #tpu.memory_space<vmem>>, vector<1x512x256xf32>
    %get3A_947 = vector.shape_cast %get3A_946 : vector<1x512x256xf32> to vector<512x256xf32>
    %mul3A_948 = vector.broadcast %select_n3A_23 : vector<512x1xf32> to vector<512x256xf32>
    %mul3A_949 = arith.mulf %get3A_947, %mul3A_948 : vector<512x256xf32>
    %get3A_950 = arith.constant 2048 : index
    %get3A_951 = arith.constant 0 : index
    %get3A_952 = vector.load %arg2[%get3A_950, %get3A_951] : memref<2304x256xf32, #tpu.memory_space<vmem>>, vector<256x256xf32>
    %dot_general3A_953 = arith.constant dense<0.000000e+00> : vector<512x256xf32>
    %dot_general3A_954 = tpu.matmul %mul3A_949, %get3A_952, %dot_general3A_953 {dimension_numbers = #tpu.dot_dimension_numbers<[1], [0], [0], [1], [0, 0, 1, 1], [], []>, transpose_lhs_hint = false} : vector<512x256xf32>, vector<256x256xf32>, vector<512x256xf32> -> vector<512x256xf32>
    %add3A_955 = arith.addf %add3A_942, %dot_general3A_954 : vector<512x256xf32>
    %add3A_956 = vector.broadcast %get3A_1 : vector<1x256xf32> to vector<512x256xf32>
    %add3A_957 = arith.addf %add3A_955, %add3A_956 : vector<512x256xf32>
    %max3A_958 = arith.constant 0.000000e+00 : f32
    %max3A_959 = vector.broadcast %max3A_958 : f32 to vector<512x256xf32>
    %max3A_960 = arith.maximumf %add3A_957, %max3A_959 : vector<512x256xf32>
    %get3A_961 = arith.constant 0 : index
    %get3A_962 = arith.constant 0 : index
    %get3A_963 = vector.load %arg3[%get3A_961, %get3A_962] : memref<256x45xf32, #tpu.memory_space<vmem>>, vector<256x45xf32>
    %dot_general3A_964 = arith.constant dense<0.000000e+00> : vector<512x45xf32>
    %dot_general3A_965 = tpu.matmul %max3A_960, %get3A_963, %dot_general3A_964 {dimension_numbers = #tpu.dot_dimension_numbers<[1], [0], [0], [1], [0, 0, 1, 1], [], []>, transpose_lhs_hint = false} : vector<512x256xf32>, vector<256x45xf32>, vector<512x45xf32> -> vector<512x45xf32>
    %add3A_966 = vector.broadcast %get3A_4 : vector<1x45xf32> to vector<512x45xf32>
    %add3A_967 = arith.addf %dot_general3A_965, %add3A_966 : vector<512x45xf32>
    %slice3A_968 = vector.extract_strided_slice %add3A_967 {offsets = [0, 36], sizes = [512, 9], strides = [1, 1]} : vector<512x45xf32> to vector<512x9xf32>
    %abs3A_969 = math.absf %slice3A_968 : vector<512x9xf32>
    %neg3A_970 = arith.constant 0.000000e+00 : f32
    %neg3A_971 = vector.broadcast %neg3A_970 : f32 to vector<512x9xf32>
    %neg3A_972 = arith.subf %neg3A_971, %abs3A_969 : vector<512x9xf32>
    %exp3A_973 = math.exp %neg3A_972 : vector<512x9xf32>
    %ge3A_974 = arith.constant 0.000000e+00 : f32
    %ge3A_975 = vector.broadcast %ge3A_974 : f32 to vector<512x9xf32>
    %ge3A_976 = arith.cmpf oge, %slice3A_968, %ge3A_975 : vector<512x9xf32>
    %add3A_977 = arith.constant 1.000000e+00 : f32
    %add3A_978 = vector.broadcast %add3A_977 : f32 to vector<512x9xf32>
    %add3A_979 = arith.addf %add3A_978, %exp3A_973 : vector<512x9xf32>
    %div3A_980 = arith.constant 1.000000e+00 : f32
    %div3A_981 = vector.broadcast %div3A_980 : f32 to vector<512x9xf32>
    %div3A_982 = arith.divf %div3A_981, %add3A_979 : vector<512x9xf32>
    %add3A_983 = arith.constant 1.000000e+00 : f32
    %add3A_984 = vector.broadcast %add3A_983 : f32 to vector<512x9xf32>
    %add3A_985 = arith.addf %add3A_984, %exp3A_973 : vector<512x9xf32>
    %div3A_986 = arith.divf %exp3A_973, %add3A_985 : vector<512x9xf32>
    %select_n3A_987 = arith.select %ge3A_976, %div3A_982, %div3A_986 : vector<512x9xi1>, vector<512x9xf32>
    %swap3A_988 = arith.constant 0 : index
    %swap3A_989 = arith.constant 2048 : index
    %swap3A_990 = arith.constant 0 : index
    %swap3A_991 = vector.load %arg9[%swap3A_988, %swap3A_989, %swap3A_990] : memref<1x4096x9xf32, #tpu.memory_space<vmem>>, vector<1x512x9xf32>
    %swap3A_992 = vector.shape_cast %swap3A_991 : vector<1x512x9xf32> to vector<512x9xf32>
    %swap3A_993 = vector.shape_cast %select_n3A_987 : vector<512x9xf32> to vector<1x512x9xf32>
    tpu.vector_store %arg9[%swap3A_988, %swap3A_989, %swap3A_990], %swap3A_993 {strides = array<i32>} : memref<1x4096x9xf32, #tpu.memory_space<vmem>>, vector<1x512x9xf32>,
    %slice3A_994 = vector.extract_strided_slice %add3A_967 {offsets = [0, 0], sizes = [512, 36], strides = [1, 1]} : vector<512x45xf32> to vector<512x36xf32>
    %slice3A_995 = vector.extract_strided_slice %slice3A_994 {offsets = [0, 2], sizes = [512, 34], strides = [1, 1]} : vector<512x36xf32> to vector<512x34xf32>
    %slice3A_996 = vector.extract_strided_slice %slice3A_994 {offsets = [0, 0], sizes = [512, 2], strides = [1, 1]} : vector<512x36xf32> to vector<512x2xf32>
    %concatenate3A_997 = tpu.concatenate %slice3A_995, %slice3A_996 in 1 : vector<512x34xf32>, vector<512x2xf32> -> vector<512x36xf32>
    %slice3A_998 = vector.extract_strided_slice %slice3A_994 {offsets = [0, 34], sizes = [512, 2], strides = [1, 1]} : vector<512x36xf32> to vector<512x2xf32>
    %slice3A_999 = vector.extract_strided_slice %slice3A_994 {offsets = [0, 0], sizes = [512, 34], strides = [1, 1]} : vector<512x36xf32> to vector<512x34xf32>
    %concatenate3A_1000 = tpu.concatenate %slice3A_998, %slice3A_999 in 1 : vector<512x2xf32>, vector<512x34xf32> -> vector<512x36xf32>
    %lt3A_1001 = arith.constant 2 : i32
    %lt3A_1002 = vector.broadcast %lt3A_1001 : i32 to vector<1x36xi32>
    %lt3A_1003 = arith.cmpi slt, %select_n3A_42, %lt3A_1002 : vector<1x36xi32>
    %broadcast_in_dim3A_1004 = vector.shape_cast %lt3A_1003 : vector<1x36xi1> to vector<1x36xi1>
    %broadcast_in_dim3A_1005 = vector.broadcast %broadcast_in_dim3A_1004 : vector<1x36xi1> to vector<512x36xi1>
    %select_n3A_1006 = arith.select %broadcast_in_dim3A_1005, %concatenate3A_997, %slice3A_994 : vector<512x36xi1>, vector<512x36xf32>
    %lt3A_1007 = arith.constant 2 : i32
    %lt3A_1008 = vector.broadcast %lt3A_1007 : i32 to vector<1x36xi32>
    %lt3A_1009 = arith.cmpi slt, %select_n3A_42, %lt3A_1008 : vector<1x36xi32>
    %broadcast_in_dim3A_1010 = vector.shape_cast %lt3A_1009 : vector<1x36xi1> to vector<1x36xi1>
    %broadcast_in_dim3A_1011 = vector.broadcast %broadcast_in_dim3A_1010 : vector<1x36xi1> to vector<512x36xi1>
    %select_n3A_1012 = arith.select %broadcast_in_dim3A_1011, %slice3A_994, %concatenate3A_1000 : vector<512x36xi1>, vector<512x36xf32>
    %get3A_1013 = arith.constant 0 : index
    %get3A_1014 = arith.constant 2048 : index
    %get3A_1015 = arith.constant 0 : index
    %get3A_1016 = vector.load %arg6[%get3A_1013, %get3A_1014, %get3A_1015] : memref<1x4096x36xf32, #tpu.memory_space<vmem>>, vector<1x512x36xf32>
    %get3A_1017 = vector.shape_cast %get3A_1016 : vector<1x512x36xf32> to vector<512x36xf32>
    %get3A_1018 = arith.constant 0 : index
    %get3A_1019 = arith.constant 2048 : index
    %get3A_1020 = arith.constant 0 : index
    %get3A_1021 = vector.load %arg7[%get3A_1018, %get3A_1019, %get3A_1020] : memref<1x4096x36xf32, #tpu.memory_space<vmem>>, vector<1x512x36xf32>
    %get3A_1022 = vector.shape_cast %get3A_1021 : vector<1x512x36xf32> to vector<512x36xf32>
    %min3A_1023 = arith.constant 4.135000e+00 : f32
    %min3A_1024 = vector.broadcast %min3A_1023 : f32 to vector<512x36xf32>
    %min3A_1025 = arith.minimumf %select_n3A_1006, %min3A_1024 : vector<512x36xf32>
    %exp3A_1026 = math.exp %min3A_1025 : vector<512x36xf32>
    %mul3A_1027 = arith.mulf %exp3A_1026, %get3A_1022 : vector<512x36xf32>
    %mul3A_1028 = arith.mulf %select_n3A_1012, %get3A_1022 : vector<512x36xf32>
    %add3A_1029 = arith.addf %mul3A_1028, %get3A_1017 : vector<512x36xf32>
    %mul3A_1030 = vector.broadcast %select_n3A_50 : vector<1x36xf32> to vector<512x36xf32>
    %mul3A_1031 = arith.mulf %mul3A_1030, %mul3A_1027 : vector<512x36xf32>
    %add3A_1032 = arith.addf %add3A_1029, %mul3A_1031 : vector<512x36xf32>
    %max3A_1033 = arith.constant 0.000000e+00 : f32
    %max3A_1034 = vector.broadcast %max3A_1033 : f32 to vector<512x36xf32>
    %max3A_1035 = arith.maximumf %add3A_1032, %max3A_1034 : vector<512x36xf32>
    %min3A_1036 = vector.broadcast %get3A_9 : vector<1x1xf32> to vector<512x36xf32>
    %min3A_1037 = arith.minimumf %max3A_1035, %min3A_1036 : vector<512x36xf32>
    %swap3A_1038 = arith.constant 0 : index
    %swap3A_1039 = arith.constant 2048 : index
    %swap3A_1040 = arith.constant 0 : index
    %swap3A_1041 = vector.load %arg10[%swap3A_1038, %swap3A_1039, %swap3A_1040] : memref<1x4096x36xf32, #tpu.memory_space<vmem>>, vector<1x512x36xf32>
    %swap3A_1042 = vector.shape_cast %swap3A_1041 : vector<1x512x36xf32> to vector<512x36xf32>
    %swap3A_1043 = vector.shape_cast %min3A_1037 : vector<512x36xf32> to vector<1x512x36xf32>
    tpu.vector_store %arg10[%swap3A_1038, %swap3A_1039, %swap3A_1040], %swap3A_1043 {strides = array<i32>} : memref<1x4096x36xf32, #tpu.memory_space<vmem>>, vector<1x512x36xf32>,
    %broadcast_in_dim3A_1044 = arith.constant 0.000000e+00 : f32
    %broadcast_in_dim3A_1045 = vector.broadcast %broadcast_in_dim3A_1044 : f32 to vector<512x256xf32>
    %get3A_1046 = arith.constant 0 : index
    %get3A_1047 = arith.constant 2560 : index
    %get3A_1048 = arith.constant 0 : index
    %get3A_1049 = vector.load %arg1[%get3A_1046, %get3A_1047, %get3A_1048] : memref<1x4226x256xf32, #tpu.memory_space<vmem>>, vector<1x512x256xf32>
    %get3A_1050 = vector.shape_cast %get3A_1049 : vector<1x512x256xf32> to vector<512x256xf32>
    %mul3A_1051 = vector.broadcast %select_n3A : vector<512x1xf32> to vector<512x256xf32>
    %mul3A_1052 = arith.mulf %get3A_1050, %mul3A_1051 : vector<512x256xf32>
    %get3A_1053 = arith.constant 0 : index
    %get3A_1054 = arith.constant 0 : index
    %get3A_1055 = vector.load %arg2[%get3A_1053, %get3A_1054] : memref<2304x256xf32, #tpu.memory_space<vmem>>, vector<256x256xf32>
    %dot_general3A_1056 = arith.constant dense<0.000000e+00> : vector<512x256xf32>
    %dot_general3A_1057 = tpu.matmul %mul3A_1052, %get3A_1055, %dot_general3A_1056 {dimension_numbers = #tpu.dot_dimension_numbers<[1], [0], [0], [1], [0, 0, 1, 1], [], []>, transpose_lhs_hint = false} : vector<512x256xf32>, vector<256x256xf32>, vector<512x256xf32> -> vector<512x256xf32>
    %add3A_1058 = arith.addf %broadcast_in_dim3A_1045, %dot_general3A_1057 : vector<512x256xf32>
    %get3A_1059 = arith.constant 0 : index
    %get3A_1060 = arith.constant 2561 : index
    %get3A_1061 = arith.constant 0 : index
    %get3A_1062 = vector.load %arg1[%get3A_1059, %get3A_1060, %get3A_1061] : memref<1x4226x256xf32, #tpu.memory_space<vmem>>, vector<1x512x256xf32>
    %get3A_1063 = vector.shape_cast %get3A_1062 : vector<1x512x256xf32> to vector<512x256xf32>
    %get3A_1064 = arith.constant 256 : index
    %get3A_1065 = arith.constant 0 : index
    %get3A_1066 = vector.load %arg2[%get3A_1064, %get3A_1065] : memref<2304x256xf32, #tpu.memory_space<vmem>>, vector<256x256xf32>
    %dot_general3A_1067 = arith.constant dense<0.000000e+00> : vector<512x256xf32>
    %dot_general3A_1068 = tpu.matmul %get3A_1063, %get3A_1066, %dot_general3A_1067 {dimension_numbers = #tpu.dot_dimension_numbers<[1], [0], [0], [1], [0, 0, 1, 1], [], []>, transpose_lhs_hint = false} : vector<512x256xf32>, vector<256x256xf32>, vector<512x256xf32> -> vector<512x256xf32>
    %add3A_1069 = arith.addf %add3A_1058, %dot_general3A_1068 : vector<512x256xf32>
    %get3A_1070 = arith.constant 0 : index
    %get3A_1071 = arith.constant 2562 : index
    %get3A_1072 = arith.constant 0 : index
    %get3A_1073 = vector.load %arg1[%get3A_1070, %get3A_1071, %get3A_1072] : memref<1x4226x256xf32, #tpu.memory_space<vmem>>, vector<1x512x256xf32>
    %get3A_1074 = vector.shape_cast %get3A_1073 : vector<1x512x256xf32> to vector<512x256xf32>
    %mul3A_1075 = vector.broadcast %select_n3A_23 : vector<512x1xf32> to vector<512x256xf32>
    %mul3A_1076 = arith.mulf %get3A_1074, %mul3A_1075 : vector<512x256xf32>
    %get3A_1077 = arith.constant 512 : index
    %get3A_1078 = arith.constant 0 : index
    %get3A_1079 = vector.load %arg2[%get3A_1077, %get3A_1078] : memref<2304x256xf32, #tpu.memory_space<vmem>>, vector<256x256xf32>
    %dot_general3A_1080 = arith.constant dense<0.000000e+00> : vector<512x256xf32>
    %dot_general3A_1081 = tpu.matmul %mul3A_1076, %get3A_1079, %dot_general3A_1080 {dimension_numbers = #tpu.dot_dimension_numbers<[1], [0], [0], [1], [0, 0, 1, 1], [], []>, transpose_lhs_hint = false} : vector<512x256xf32>, vector<256x256xf32>, vector<512x256xf32> -> vector<512x256xf32>
    %add3A_1082 = arith.addf %add3A_1069, %dot_general3A_1081 : vector<512x256xf32>
    %get3A_1083 = arith.constant 0 : index
    %get3A_1084 = arith.constant 2624 : index
    %get3A_1085 = arith.constant 0 : index
    %get3A_1086 = vector.load %arg1[%get3A_1083, %get3A_1084, %get3A_1085] : memref<1x4226x256xf32, #tpu.memory_space<vmem>>, vector<1x512x256xf32>
    %get3A_1087 = vector.shape_cast %get3A_1086 : vector<1x512x256xf32> to vector<512x256xf32>
    %mul3A_1088 = vector.broadcast %select_n3A : vector<512x1xf32> to vector<512x256xf32>
    %mul3A_1089 = arith.mulf %get3A_1087, %mul3A_1088 : vector<512x256xf32>
    %get3A_1090 = arith.constant 768 : index
    %get3A_1091 = arith.constant 0 : index
    %get3A_1092 = vector.load %arg2[%get3A_1090, %get3A_1091] : memref<2304x256xf32, #tpu.memory_space<vmem>>, vector<256x256xf32>
    %dot_general3A_1093 = arith.constant dense<0.000000e+00> : vector<512x256xf32>
    %dot_general3A_1094 = tpu.matmul %mul3A_1089, %get3A_1092, %dot_general3A_1093 {dimension_numbers = #tpu.dot_dimension_numbers<[1], [0], [0], [1], [0, 0, 1, 1], [], []>, transpose_lhs_hint = false} : vector<512x256xf32>, vector<256x256xf32>, vector<512x256xf32> -> vector<512x256xf32>
    %add3A_1095 = arith.addf %add3A_1082, %dot_general3A_1094 : vector<512x256xf32>
    %get3A_1096 = arith.constant 0 : index
    %get3A_1097 = arith.constant 2625 : index
    %get3A_1098 = arith.constant 0 : index
    %get3A_1099 = vector.load %arg1[%get3A_1096, %get3A_1097, %get3A_1098] : memref<1x4226x256xf32, #tpu.memory_space<vmem>>, vector<1x512x256xf32>
    %get3A_1100 = vector.shape_cast %get3A_1099 : vector<1x512x256xf32> to vector<512x256xf32>
    %get3A_1101 = arith.constant 1024 : index
    %get3A_1102 = arith.constant 0 : index
    %get3A_1103 = vector.load %arg2[%get3A_1101, %get3A_1102] : memref<2304x256xf32, #tpu.memory_space<vmem>>, vector<256x256xf32>
    %dot_general3A_1104 = arith.constant dense<0.000000e+00> : vector<512x256xf32>
    %dot_general3A_1105 = tpu.matmul %get3A_1100, %get3A_1103, %dot_general3A_1104 {dimension_numbers = #tpu.dot_dimension_numbers<[1], [0], [0], [1], [0, 0, 1, 1], [], []>, transpose_lhs_hint = false} : vector<512x256xf32>, vector<256x256xf32>, vector<512x256xf32> -> vector<512x256xf32>
    %add3A_1106 = arith.addf %add3A_1095, %dot_general3A_1105 : vector<512x256xf32>
    %get3A_1107 = arith.constant 0 : index
    %get3A_1108 = arith.constant 2626 : index
    %get3A_1109 = arith.constant 0 : index
    %get3A_1110 = vector.load %arg1[%get3A_1107, %get3A_1108, %get3A_1109] : memref<1x4226x256xf32, #tpu.memory_space<vmem>>, vector<1x512x256xf32>
    %get3A_1111 = vector.shape_cast %get3A_1110 : vector<1x512x256xf32> to vector<512x256xf32>
    %mul3A_1112 = vector.broadcast %select_n3A_23 : vector<512x1xf32> to vector<512x256xf32>
    %mul3A_1113 = arith.mulf %get3A_1111, %mul3A_1112 : vector<512x256xf32>
    %get3A_1114 = arith.constant 1280 : index
    %get3A_1115 = arith.constant 0 : index
    %get3A_1116 = vector.load %arg2[%get3A_1114, %get3A_1115] : memref<2304x256xf32, #tpu.memory_space<vmem>>, vector<256x256xf32>
    %dot_general3A_1117 = arith.constant dense<0.000000e+00> : vector<512x256xf32>
    %dot_general3A_1118 = tpu.matmul %mul3A_1113, %get3A_1116, %dot_general3A_1117 {dimension_numbers = #tpu.dot_dimension_numbers<[1], [0], [0], [1], [0, 0, 1, 1], [], []>, transpose_lhs_hint = false} : vector<512x256xf32>, vector<256x256xf32>, vector<512x256xf32> -> vector<512x256xf32>
    %add3A_1119 = arith.addf %add3A_1106, %dot_general3A_1118 : vector<512x256xf32>
    %get3A_1120 = arith.constant 0 : index
    %get3A_1121 = arith.constant 2688 : index
    %get3A_1122 = arith.constant 0 : index
    %get3A_1123 = vector.load %arg1[%get3A_1120, %get3A_1121, %get3A_1122] : memref<1x4226x256xf32, #tpu.memory_space<vmem>>, vector<1x512x256xf32>
    %get3A_1124 = vector.shape_cast %get3A_1123 : vector<1x512x256xf32> to vector<512x256xf32>
    %mul3A_1125 = vector.broadcast %select_n3A : vector<512x1xf32> to vector<512x256xf32>
    %mul3A_1126 = arith.mulf %get3A_1124, %mul3A_1125 : vector<512x256xf32>
    %get3A_1127 = arith.constant 1536 : index
    %get3A_1128 = arith.constant 0 : index
    %get3A_1129 = vector.load %arg2[%get3A_1127, %get3A_1128] : memref<2304x256xf32, #tpu.memory_space<vmem>>, vector<256x256xf32>
    %dot_general3A_1130 = arith.constant dense<0.000000e+00> : vector<512x256xf32>
    %dot_general3A_1131 = tpu.matmul %mul3A_1126, %get3A_1129, %dot_general3A_1130 {dimension_numbers = #tpu.dot_dimension_numbers<[1], [0], [0], [1], [0, 0, 1, 1], [], []>, transpose_lhs_hint = false} : vector<512x256xf32>, vector<256x256xf32>, vector<512x256xf32> -> vector<512x256xf32>
    %add3A_1132 = arith.addf %add3A_1119, %dot_general3A_1131 : vector<512x256xf32>
    %get3A_1133 = arith.constant 0 : index
    %get3A_1134 = arith.constant 2689 : index
    %get3A_1135 = arith.constant 0 : index
    %get3A_1136 = vector.load %arg1[%get3A_1133, %get3A_1134, %get3A_1135] : memref<1x4226x256xf32, #tpu.memory_space<vmem>>, vector<1x512x256xf32>
    %get3A_1137 = vector.shape_cast %get3A_1136 : vector<1x512x256xf32> to vector<512x256xf32>
    %get3A_1138 = arith.constant 1792 : index
    %get3A_1139 = arith.constant 0 : index
    %get3A_1140 = vector.load %arg2[%get3A_1138, %get3A_1139] : memref<2304x256xf32, #tpu.memory_space<vmem>>, vector<256x256xf32>
    %dot_general3A_1141 = arith.constant dense<0.000000e+00> : vector<512x256xf32>
    %dot_general3A_1142 = tpu.matmul %get3A_1137, %get3A_1140, %dot_general3A_1141 {dimension_numbers = #tpu.dot_dimension_numbers<[1], [0], [0], [1], [0, 0, 1, 1], [], []>, transpose_lhs_hint = false} : vector<512x256xf32>, vector<256x256xf32>, vector<512x256xf32> -> vector<512x256xf32>
    %add3A_1143 = arith.addf %add3A_1132, %dot_general3A_1142 : vector<512x256xf32>
    %get3A_1144 = arith.constant 0 : index
    %get3A_1145 = arith.constant 2690 : index
    %get3A_1146 = arith.constant 0 : index
    %get3A_1147 = vector.load %arg1[%get3A_1144, %get3A_1145, %get3A_1146] : memref<1x4226x256xf32, #tpu.memory_space<vmem>>, vector<1x512x256xf32>
    %get3A_1148 = vector.shape_cast %get3A_1147 : vector<1x512x256xf32> to vector<512x256xf32>
    %mul3A_1149 = vector.broadcast %select_n3A_23 : vector<512x1xf32> to vector<512x256xf32>
    %mul3A_1150 = arith.mulf %get3A_1148, %mul3A_1149 : vector<512x256xf32>
    %get3A_1151 = arith.constant 2048 : index
    %get3A_1152 = arith.constant 0 : index
    %get3A_1153 = vector.load %arg2[%get3A_1151, %get3A_1152] : memref<2304x256xf32, #tpu.memory_space<vmem>>, vector<256x256xf32>
    %dot_general3A_1154 = arith.constant dense<0.000000e+00> : vector<512x256xf32>
    %dot_general3A_1155 = tpu.matmul %mul3A_1150, %get3A_1153, %dot_general3A_1154 {dimension_numbers = #tpu.dot_dimension_numbers<[1], [0], [0], [1], [0, 0, 1, 1], [], []>, transpose_lhs_hint = false} : vector<512x256xf32>, vector<256x256xf32>, vector<512x256xf32> -> vector<512x256xf32>
    %add3A_1156 = arith.addf %add3A_1143, %dot_general3A_1155 : vector<512x256xf32>
    %add3A_1157 = vector.broadcast %get3A_1 : vector<1x256xf32> to vector<512x256xf32>
    %add3A_1158 = arith.addf %add3A_1156, %add3A_1157 : vector<512x256xf32>
    %max3A_1159 = arith.constant 0.000000e+00 : f32
    %max3A_1160 = vector.broadcast %max3A_1159 : f32 to vector<512x256xf32>
    %max3A_1161 = arith.maximumf %add3A_1158, %max3A_1160 : vector<512x256xf32>
    %get3A_1162 = arith.constant 0 : index
    %get3A_1163 = arith.constant 0 : index
    %get3A_1164 = vector.load %arg3[%get3A_1162, %get3A_1163] : memref<256x45xf32, #tpu.memory_space<vmem>>, vector<256x45xf32>
    %dot_general3A_1165 = arith.constant dense<0.000000e+00> : vector<512x45xf32>
    %dot_general3A_1166 = tpu.matmul %max3A_1161, %get3A_1164, %dot_general3A_1165 {dimension_numbers = #tpu.dot_dimension_numbers<[1], [0], [0], [1], [0, 0, 1, 1], [], []>, transpose_lhs_hint = false} : vector<512x256xf32>, vector<256x45xf32>, vector<512x45xf32> -> vector<512x45xf32>
    %add3A_1167 = vector.broadcast %get3A_4 : vector<1x45xf32> to vector<512x45xf32>
    %add3A_1168 = arith.addf %dot_general3A_1166, %add3A_1167 : vector<512x45xf32>
    %slice3A_1169 = vector.extract_strided_slice %add3A_1168 {offsets = [0, 36], sizes = [512, 9], strides = [1, 1]} : vector<512x45xf32> to vector<512x9xf32>
    %abs3A_1170 = math.absf %slice3A_1169 : vector<512x9xf32>
    %neg3A_1171 = arith.constant 0.000000e+00 : f32
    %neg3A_1172 = vector.broadcast %neg3A_1171 : f32 to vector<512x9xf32>
    %neg3A_1173 = arith.subf %neg3A_1172, %abs3A_1170 : vector<512x9xf32>
    %exp3A_1174 = math.exp %neg3A_1173 : vector<512x9xf32>
    %ge3A_1175 = arith.constant 0.000000e+00 : f32
    %ge3A_1176 = vector.broadcast %ge3A_1175 : f32 to vector<512x9xf32>
    %ge3A_1177 = arith.cmpf oge, %slice3A_1169, %ge3A_1176 : vector<512x9xf32>
    %add3A_1178 = arith.constant 1.000000e+00 : f32
    %add3A_1179 = vector.broadcast %add3A_1178 : f32 to vector<512x9xf32>
    %add3A_1180 = arith.addf %add3A_1179, %exp3A_1174 : vector<512x9xf32>
    %div3A_1181 = arith.constant 1.000000e+00 : f32
    %div3A_1182 = vector.broadcast %div3A_1181 : f32 to vector<512x9xf32>
    %div3A_1183 = arith.divf %div3A_1182, %add3A_1180 : vector<512x9xf32>
    %add3A_1184 = arith.constant 1.000000e+00 : f32
    %add3A_1185 = vector.broadcast %add3A_1184 : f32 to vector<512x9xf32>
    %add3A_1186 = arith.addf %add3A_1185, %exp3A_1174 : vector<512x9xf32>
    %div3A_1187 = arith.divf %exp3A_1174, %add3A_1186 : vector<512x9xf32>
    %select_n3A_1188 = arith.select %ge3A_1177, %div3A_1183, %div3A_1187 : vector<512x9xi1>, vector<512x9xf32>
    %swap3A_1189 = arith.constant 0 : index
    %swap3A_1190 = arith.constant 2560 : index
    %swap3A_1191 = arith.constant 0 : index
    %swap3A_1192 = vector.load %arg9[%swap3A_1189, %swap3A_1190, %swap3A_1191] : memref<1x4096x9xf32, #tpu.memory_space<vmem>>, vector<1x512x9xf32>
    %swap3A_1193 = vector.shape_cast %swap3A_1192 : vector<1x512x9xf32> to vector<512x9xf32>
    %swap3A_1194 = vector.shape_cast %select_n3A_1188 : vector<512x9xf32> to vector<1x512x9xf32>
    tpu.vector_store %arg9[%swap3A_1189, %swap3A_1190, %swap3A_1191], %swap3A_1194 {strides = array<i32>} : memref<1x4096x9xf32, #tpu.memory_space<vmem>>, vector<1x512x9xf32>,
    %slice3A_1195 = vector.extract_strided_slice %add3A_1168 {offsets = [0, 0], sizes = [512, 36], strides = [1, 1]} : vector<512x45xf32> to vector<512x36xf32>
    %slice3A_1196 = vector.extract_strided_slice %slice3A_1195 {offsets = [0, 2], sizes = [512, 34], strides = [1, 1]} : vector<512x36xf32> to vector<512x34xf32>
    %slice3A_1197 = vector.extract_strided_slice %slice3A_1195 {offsets = [0, 0], sizes = [512, 2], strides = [1, 1]} : vector<512x36xf32> to vector<512x2xf32>
    %concatenate3A_1198 = tpu.concatenate %slice3A_1196, %slice3A_1197 in 1 : vector<512x34xf32>, vector<512x2xf32> -> vector<512x36xf32>
    %slice3A_1199 = vector.extract_strided_slice %slice3A_1195 {offsets = [0, 34], sizes = [512, 2], strides = [1, 1]} : vector<512x36xf32> to vector<512x2xf32>
    %slice3A_1200 = vector.extract_strided_slice %slice3A_1195 {offsets = [0, 0], sizes = [512, 34], strides = [1, 1]} : vector<512x36xf32> to vector<512x34xf32>
    %concatenate3A_1201 = tpu.concatenate %slice3A_1199, %slice3A_1200 in 1 : vector<512x2xf32>, vector<512x34xf32> -> vector<512x36xf32>
    %lt3A_1202 = arith.constant 2 : i32
    %lt3A_1203 = vector.broadcast %lt3A_1202 : i32 to vector<1x36xi32>
    %lt3A_1204 = arith.cmpi slt, %select_n3A_42, %lt3A_1203 : vector<1x36xi32>
    %broadcast_in_dim3A_1205 = vector.shape_cast %lt3A_1204 : vector<1x36xi1> to vector<1x36xi1>
    %broadcast_in_dim3A_1206 = vector.broadcast %broadcast_in_dim3A_1205 : vector<1x36xi1> to vector<512x36xi1>
    %select_n3A_1207 = arith.select %broadcast_in_dim3A_1206, %concatenate3A_1198, %slice3A_1195 : vector<512x36xi1>, vector<512x36xf32>
    %lt3A_1208 = arith.constant 2 : i32
    %lt3A_1209 = vector.broadcast %lt3A_1208 : i32 to vector<1x36xi32>
    %lt3A_1210 = arith.cmpi slt, %select_n3A_42, %lt3A_1209 : vector<1x36xi32>
    %broadcast_in_dim3A_1211 = vector.shape_cast %lt3A_1210 : vector<1x36xi1> to vector<1x36xi1>
    %broadcast_in_dim3A_1212 = vector.broadcast %broadcast_in_dim3A_1211 : vector<1x36xi1> to vector<512x36xi1>
    %select_n3A_1213 = arith.select %broadcast_in_dim3A_1212, %slice3A_1195, %concatenate3A_1201 : vector<512x36xi1>, vector<512x36xf32>
    %get3A_1214 = arith.constant 0 : index
    %get3A_1215 = arith.constant 2560 : index
    %get3A_1216 = arith.constant 0 : index
    %get3A_1217 = vector.load %arg6[%get3A_1214, %get3A_1215, %get3A_1216] : memref<1x4096x36xf32, #tpu.memory_space<vmem>>, vector<1x512x36xf32>
    %get3A_1218 = vector.shape_cast %get3A_1217 : vector<1x512x36xf32> to vector<512x36xf32>
    %get3A_1219 = arith.constant 0 : index
    %get3A_1220 = arith.constant 2560 : index
    %get3A_1221 = arith.constant 0 : index
    %get3A_1222 = vector.load %arg7[%get3A_1219, %get3A_1220, %get3A_1221] : memref<1x4096x36xf32, #tpu.memory_space<vmem>>, vector<1x512x36xf32>
    %get3A_1223 = vector.shape_cast %get3A_1222 : vector<1x512x36xf32> to vector<512x36xf32>
    %min3A_1224 = arith.constant 4.135000e+00 : f32
    %min3A_1225 = vector.broadcast %min3A_1224 : f32 to vector<512x36xf32>
    %min3A_1226 = arith.minimumf %select_n3A_1207, %min3A_1225 : vector<512x36xf32>
    %exp3A_1227 = math.exp %min3A_1226 : vector<512x36xf32>
    %mul3A_1228 = arith.mulf %exp3A_1227, %get3A_1223 : vector<512x36xf32>
    %mul3A_1229 = arith.mulf %select_n3A_1213, %get3A_1223 : vector<512x36xf32>
    %add3A_1230 = arith.addf %mul3A_1229, %get3A_1218 : vector<512x36xf32>
    %mul3A_1231 = vector.broadcast %select_n3A_50 : vector<1x36xf32> to vector<512x36xf32>
    %mul3A_1232 = arith.mulf %mul3A_1231, %mul3A_1228 : vector<512x36xf32>
    %add3A_1233 = arith.addf %add3A_1230, %mul3A_1232 : vector<512x36xf32>
    %max3A_1234 = arith.constant 0.000000e+00 : f32
    %max3A_1235 = vector.broadcast %max3A_1234 : f32 to vector<512x36xf32>
    %max3A_1236 = arith.maximumf %add3A_1233, %max3A_1235 : vector<512x36xf32>
    %min3A_1237 = vector.broadcast %get3A_9 : vector<1x1xf32> to vector<512x36xf32>
    %min3A_1238 = arith.minimumf %max3A_1236, %min3A_1237 : vector<512x36xf32>
    %swap3A_1239 = arith.constant 0 : index
    %swap3A_1240 = arith.constant 2560 : index
    %swap3A_1241 = arith.constant 0 : index
    %swap3A_1242 = vector.load %arg10[%swap3A_1239, %swap3A_1240, %swap3A_1241] : memref<1x4096x36xf32, #tpu.memory_space<vmem>>, vector<1x512x36xf32>
    %swap3A_1243 = vector.shape_cast %swap3A_1242 : vector<1x512x36xf32> to vector<512x36xf32>
    %swap3A_1244 = vector.shape_cast %min3A_1238 : vector<512x36xf32> to vector<1x512x36xf32>
    tpu.vector_store %arg10[%swap3A_1239, %swap3A_1240, %swap3A_1241], %swap3A_1244 {strides = array<i32>} : memref<1x4096x36xf32, #tpu.memory_space<vmem>>, vector<1x512x36xf32>,
    %broadcast_in_dim3A_1245 = arith.constant 0.000000e+00 : f32
    %broadcast_in_dim3A_1246 = vector.broadcast %broadcast_in_dim3A_1245 : f32 to vector<512x256xf32>
    %get3A_1247 = arith.constant 0 : index
    %get3A_1248 = arith.constant 3072 : index
    %get3A_1249 = arith.constant 0 : index
    %get3A_1250 = vector.load %arg1[%get3A_1247, %get3A_1248, %get3A_1249] : memref<1x4226x256xf32, #tpu.memory_space<vmem>>, vector<1x512x256xf32>
    %get3A_1251 = vector.shape_cast %get3A_1250 : vector<1x512x256xf32> to vector<512x256xf32>
    %mul3A_1252 = vector.broadcast %select_n3A : vector<512x1xf32> to vector<512x256xf32>
    %mul3A_1253 = arith.mulf %get3A_1251, %mul3A_1252 : vector<512x256xf32>
    %get3A_1254 = arith.constant 0 : index
    %get3A_1255 = arith.constant 0 : index
    %get3A_1256 = vector.load %arg2[%get3A_1254, %get3A_1255] : memref<2304x256xf32, #tpu.memory_space<vmem>>, vector<256x256xf32>
    %dot_general3A_1257 = arith.constant dense<0.000000e+00> : vector<512x256xf32>
    %dot_general3A_1258 = tpu.matmul %mul3A_1253, %get3A_1256, %dot_general3A_1257 {dimension_numbers = #tpu.dot_dimension_numbers<[1], [0], [0], [1], [0, 0, 1, 1], [], []>, transpose_lhs_hint = false} : vector<512x256xf32>, vector<256x256xf32>, vector<512x256xf32> -> vector<512x256xf32>
    %add3A_1259 = arith.addf %broadcast_in_dim3A_1246, %dot_general3A_1258 : vector<512x256xf32>
    %get3A_1260 = arith.constant 0 : index
    %get3A_1261 = arith.constant 3073 : index
    %get3A_1262 = arith.constant 0 : index
    %get3A_1263 = vector.load %arg1[%get3A_1260, %get3A_1261, %get3A_1262] : memref<1x4226x256xf32, #tpu.memory_space<vmem>>, vector<1x512x256xf32>
    %get3A_1264 = vector.shape_cast %get3A_1263 : vector<1x512x256xf32> to vector<512x256xf32>
    %get3A_1265 = arith.constant 256 : index
    %get3A_1266 = arith.constant 0 : index
    %get3A_1267 = vector.load %arg2[%get3A_1265, %get3A_1266] : memref<2304x256xf32, #tpu.memory_space<vmem>>, vector<256x256xf32>
    %dot_general3A_1268 = arith.constant dense<0.000000e+00> : vector<512x256xf32>
    %dot_general3A_1269 = tpu.matmul %get3A_1264, %get3A_1267, %dot_general3A_1268 {dimension_numbers = #tpu.dot_dimension_numbers<[1], [0], [0], [1], [0, 0, 1, 1], [], []>, transpose_lhs_hint = false} : vector<512x256xf32>, vector<256x256xf32>, vector<512x256xf32> -> vector<512x256xf32>
    %add3A_1270 = arith.addf %add3A_1259, %dot_general3A_1269 : vector<512x256xf32>
    %get3A_1271 = arith.constant 0 : index
    %get3A_1272 = arith.constant 3074 : index
    %get3A_1273 = arith.constant 0 : index
    %get3A_1274 = vector.load %arg1[%get3A_1271, %get3A_1272, %get3A_1273] : memref<1x4226x256xf32, #tpu.memory_space<vmem>>, vector<1x512x256xf32>
    %get3A_1275 = vector.shape_cast %get3A_1274 : vector<1x512x256xf32> to vector<512x256xf32>
    %mul3A_1276 = vector.broadcast %select_n3A_23 : vector<512x1xf32> to vector<512x256xf32>
    %mul3A_1277 = arith.mulf %get3A_1275, %mul3A_1276 : vector<512x256xf32>
    %get3A_1278 = arith.constant 512 : index
    %get3A_1279 = arith.constant 0 : index
    %get3A_1280 = vector.load %arg2[%get3A_1278, %get3A_1279] : memref<2304x256xf32, #tpu.memory_space<vmem>>, vector<256x256xf32>
    %dot_general3A_1281 = arith.constant dense<0.000000e+00> : vector<512x256xf32>
    %dot_general3A_1282 = tpu.matmul %mul3A_1277, %get3A_1280, %dot_general3A_1281 {dimension_numbers = #tpu.dot_dimension_numbers<[1], [0], [0], [1], [0, 0, 1, 1], [], []>, transpose_lhs_hint = false} : vector<512x256xf32>, vector<256x256xf32>, vector<512x256xf32> -> vector<512x256xf32>
    %add3A_1283 = arith.addf %add3A_1270, %dot_general3A_1282 : vector<512x256xf32>
    %get3A_1284 = arith.constant 0 : index
    %get3A_1285 = arith.constant 3136 : index
    %get3A_1286 = arith.constant 0 : index
    %get3A_1287 = vector.load %arg1[%get3A_1284, %get3A_1285, %get3A_1286] : memref<1x4226x256xf32, #tpu.memory_space<vmem>>, vector<1x512x256xf32>
    %get3A_1288 = vector.shape_cast %get3A_1287 : vector<1x512x256xf32> to vector<512x256xf32>
    %mul3A_1289 = vector.broadcast %select_n3A : vector<512x1xf32> to vector<512x256xf32>
    %mul3A_1290 = arith.mulf %get3A_1288, %mul3A_1289 : vector<512x256xf32>
    %get3A_1291 = arith.constant 768 : index
    %get3A_1292 = arith.constant 0 : index
    %get3A_1293 = vector.load %arg2[%get3A_1291, %get3A_1292] : memref<2304x256xf32, #tpu.memory_space<vmem>>, vector<256x256xf32>
    %dot_general3A_1294 = arith.constant dense<0.000000e+00> : vector<512x256xf32>
    %dot_general3A_1295 = tpu.matmul %mul3A_1290, %get3A_1293, %dot_general3A_1294 {dimension_numbers = #tpu.dot_dimension_numbers<[1], [0], [0], [1], [0, 0, 1, 1], [], []>, transpose_lhs_hint = false} : vector<512x256xf32>, vector<256x256xf32>, vector<512x256xf32> -> vector<512x256xf32>
    %add3A_1296 = arith.addf %add3A_1283, %dot_general3A_1295 : vector<512x256xf32>
    %get3A_1297 = arith.constant 0 : index
    %get3A_1298 = arith.constant 3137 : index
    %get3A_1299 = arith.constant 0 : index
    %get3A_1300 = vector.load %arg1[%get3A_1297, %get3A_1298, %get3A_1299] : memref<1x4226x256xf32, #tpu.memory_space<vmem>>, vector<1x512x256xf32>
    %get3A_1301 = vector.shape_cast %get3A_1300 : vector<1x512x256xf32> to vector<512x256xf32>
    %get3A_1302 = arith.constant 1024 : index
    %get3A_1303 = arith.constant 0 : index
    %get3A_1304 = vector.load %arg2[%get3A_1302, %get3A_1303] : memref<2304x256xf32, #tpu.memory_space<vmem>>, vector<256x256xf32>
    %dot_general3A_1305 = arith.constant dense<0.000000e+00> : vector<512x256xf32>
    %dot_general3A_1306 = tpu.matmul %get3A_1301, %get3A_1304, %dot_general3A_1305 {dimension_numbers = #tpu.dot_dimension_numbers<[1], [0], [0], [1], [0, 0, 1, 1], [], []>, transpose_lhs_hint = false} : vector<512x256xf32>, vector<256x256xf32>, vector<512x256xf32> -> vector<512x256xf32>
    %add3A_1307 = arith.addf %add3A_1296, %dot_general3A_1306 : vector<512x256xf32>
    %get3A_1308 = arith.constant 0 : index
    %get3A_1309 = arith.constant 3138 : index
    %get3A_1310 = arith.constant 0 : index
    %get3A_1311 = vector.load %arg1[%get3A_1308, %get3A_1309, %get3A_1310] : memref<1x4226x256xf32, #tpu.memory_space<vmem>>, vector<1x512x256xf32>
    %get3A_1312 = vector.shape_cast %get3A_1311 : vector<1x512x256xf32> to vector<512x256xf32>
    %mul3A_1313 = vector.broadcast %select_n3A_23 : vector<512x1xf32> to vector<512x256xf32>
    %mul3A_1314 = arith.mulf %get3A_1312, %mul3A_1313 : vector<512x256xf32>
    %get3A_1315 = arith.constant 1280 : index
    %get3A_1316 = arith.constant 0 : index
    %get3A_1317 = vector.load %arg2[%get3A_1315, %get3A_1316] : memref<2304x256xf32, #tpu.memory_space<vmem>>, vector<256x256xf32>
    %dot_general3A_1318 = arith.constant dense<0.000000e+00> : vector<512x256xf32>
    %dot_general3A_1319 = tpu.matmul %mul3A_1314, %get3A_1317, %dot_general3A_1318 {dimension_numbers = #tpu.dot_dimension_numbers<[1], [0], [0], [1], [0, 0, 1, 1], [], []>, transpose_lhs_hint = false} : vector<512x256xf32>, vector<256x256xf32>, vector<512x256xf32> -> vector<512x256xf32>
    %add3A_1320 = arith.addf %add3A_1307, %dot_general3A_1319 : vector<512x256xf32>
    %get3A_1321 = arith.constant 0 : index
    %get3A_1322 = arith.constant 3200 : index
    %get3A_1323 = arith.constant 0 : index
    %get3A_1324 = vector.load %arg1[%get3A_1321, %get3A_1322, %get3A_1323] : memref<1x4226x256xf32, #tpu.memory_space<vmem>>, vector<1x512x256xf32>
    %get3A_1325 = vector.shape_cast %get3A_1324 : vector<1x512x256xf32> to vector<512x256xf32>
    %mul3A_1326 = vector.broadcast %select_n3A : vector<512x1xf32> to vector<512x256xf32>
    %mul3A_1327 = arith.mulf %get3A_1325, %mul3A_1326 : vector<512x256xf32>
    %get3A_1328 = arith.constant 1536 : index
    %get3A_1329 = arith.constant 0 : index
    %get3A_1330 = vector.load %arg2[%get3A_1328, %get3A_1329] : memref<2304x256xf32, #tpu.memory_space<vmem>>, vector<256x256xf32>
    %dot_general3A_1331 = arith.constant dense<0.000000e+00> : vector<512x256xf32>
    %dot_general3A_1332 = tpu.matmul %mul3A_1327, %get3A_1330, %dot_general3A_1331 {dimension_numbers = #tpu.dot_dimension_numbers<[1], [0], [0], [1], [0, 0, 1, 1], [], []>, transpose_lhs_hint = false} : vector<512x256xf32>, vector<256x256xf32>, vector<512x256xf32> -> vector<512x256xf32>
    %add3A_1333 = arith.addf %add3A_1320, %dot_general3A_1332 : vector<512x256xf32>
    %get3A_1334 = arith.constant 0 : index
    %get3A_1335 = arith.constant 3201 : index
    %get3A_1336 = arith.constant 0 : index
    %get3A_1337 = vector.load %arg1[%get3A_1334, %get3A_1335, %get3A_1336] : memref<1x4226x256xf32, #tpu.memory_space<vmem>>, vector<1x512x256xf32>
    %get3A_1338 = vector.shape_cast %get3A_1337 : vector<1x512x256xf32> to vector<512x256xf32>
    %get3A_1339 = arith.constant 1792 : index
    %get3A_1340 = arith.constant 0 : index
    %get3A_1341 = vector.load %arg2[%get3A_1339, %get3A_1340] : memref<2304x256xf32, #tpu.memory_space<vmem>>, vector<256x256xf32>
    %dot_general3A_1342 = arith.constant dense<0.000000e+00> : vector<512x256xf32>
    %dot_general3A_1343 = tpu.matmul %get3A_1338, %get3A_1341, %dot_general3A_1342 {dimension_numbers = #tpu.dot_dimension_numbers<[1], [0], [0], [1], [0, 0, 1, 1], [], []>, transpose_lhs_hint = false} : vector<512x256xf32>, vector<256x256xf32>, vector<512x256xf32> -> vector<512x256xf32>
    %add3A_1344 = arith.addf %add3A_1333, %dot_general3A_1343 : vector<512x256xf32>
    %get3A_1345 = arith.constant 0 : index
    %get3A_1346 = arith.constant 3202 : index
    %get3A_1347 = arith.constant 0 : index
    %get3A_1348 = vector.load %arg1[%get3A_1345, %get3A_1346, %get3A_1347] : memref<1x4226x256xf32, #tpu.memory_space<vmem>>, vector<1x512x256xf32>
    %get3A_1349 = vector.shape_cast %get3A_1348 : vector<1x512x256xf32> to vector<512x256xf32>
    %mul3A_1350 = vector.broadcast %select_n3A_23 : vector<512x1xf32> to vector<512x256xf32>
    %mul3A_1351 = arith.mulf %get3A_1349, %mul3A_1350 : vector<512x256xf32>
    %get3A_1352 = arith.constant 2048 : index
    %get3A_1353 = arith.constant 0 : index
    %get3A_1354 = vector.load %arg2[%get3A_1352, %get3A_1353] : memref<2304x256xf32, #tpu.memory_space<vmem>>, vector<256x256xf32>
    %dot_general3A_1355 = arith.constant dense<0.000000e+00> : vector<512x256xf32>
    %dot_general3A_1356 = tpu.matmul %mul3A_1351, %get3A_1354, %dot_general3A_1355 {dimension_numbers = #tpu.dot_dimension_numbers<[1], [0], [0], [1], [0, 0, 1, 1], [], []>, transpose_lhs_hint = false} : vector<512x256xf32>, vector<256x256xf32>, vector<512x256xf32> -> vector<512x256xf32>
    %add3A_1357 = arith.addf %add3A_1344, %dot_general3A_1356 : vector<512x256xf32>
    %add3A_1358 = vector.broadcast %get3A_1 : vector<1x256xf32> to vector<512x256xf32>
    %add3A_1359 = arith.addf %add3A_1357, %add3A_1358 : vector<512x256xf32>
    %max3A_1360 = arith.constant 0.000000e+00 : f32
    %max3A_1361 = vector.broadcast %max3A_1360 : f32 to vector<512x256xf32>
    %max3A_1362 = arith.maximumf %add3A_1359, %max3A_1361 : vector<512x256xf32>
    %get3A_1363 = arith.constant 0 : index
    %get3A_1364 = arith.constant 0 : index
    %get3A_1365 = vector.load %arg3[%get3A_1363, %get3A_1364] : memref<256x45xf32, #tpu.memory_space<vmem>>, vector<256x45xf32>
    %dot_general3A_1366 = arith.constant dense<0.000000e+00> : vector<512x45xf32>
    %dot_general3A_1367 = tpu.matmul %max3A_1362, %get3A_1365, %dot_general3A_1366 {dimension_numbers = #tpu.dot_dimension_numbers<[1], [0], [0], [1], [0, 0, 1, 1], [], []>, transpose_lhs_hint = false} : vector<512x256xf32>, vector<256x45xf32>, vector<512x45xf32> -> vector<512x45xf32>
    %add3A_1368 = vector.broadcast %get3A_4 : vector<1x45xf32> to vector<512x45xf32>
    %add3A_1369 = arith.addf %dot_general3A_1367, %add3A_1368 : vector<512x45xf32>
    %slice3A_1370 = vector.extract_strided_slice %add3A_1369 {offsets = [0, 36], sizes = [512, 9], strides = [1, 1]} : vector<512x45xf32> to vector<512x9xf32>
    %abs3A_1371 = math.absf %slice3A_1370 : vector<512x9xf32>
    %neg3A_1372 = arith.constant 0.000000e+00 : f32
    %neg3A_1373 = vector.broadcast %neg3A_1372 : f32 to vector<512x9xf32>
    %neg3A_1374 = arith.subf %neg3A_1373, %abs3A_1371 : vector<512x9xf32>
    %exp3A_1375 = math.exp %neg3A_1374 : vector<512x9xf32>
    %ge3A_1376 = arith.constant 0.000000e+00 : f32
    %ge3A_1377 = vector.broadcast %ge3A_1376 : f32 to vector<512x9xf32>
    %ge3A_1378 = arith.cmpf oge, %slice3A_1370, %ge3A_1377 : vector<512x9xf32>
    %add3A_1379 = arith.constant 1.000000e+00 : f32
    %add3A_1380 = vector.broadcast %add3A_1379 : f32 to vector<512x9xf32>
    %add3A_1381 = arith.addf %add3A_1380, %exp3A_1375 : vector<512x9xf32>
    %div3A_1382 = arith.constant 1.000000e+00 : f32
    %div3A_1383 = vector.broadcast %div3A_1382 : f32 to vector<512x9xf32>
    %div3A_1384 = arith.divf %div3A_1383, %add3A_1381 : vector<512x9xf32>
    %add3A_1385 = arith.constant 1.000000e+00 : f32
    %add3A_1386 = vector.broadcast %add3A_1385 : f32 to vector<512x9xf32>
    %add3A_1387 = arith.addf %add3A_1386, %exp3A_1375 : vector<512x9xf32>
    %div3A_1388 = arith.divf %exp3A_1375, %add3A_1387 : vector<512x9xf32>
    %select_n3A_1389 = arith.select %ge3A_1378, %div3A_1384, %div3A_1388 : vector<512x9xi1>, vector<512x9xf32>
    %swap3A_1390 = arith.constant 0 : index
    %swap3A_1391 = arith.constant 3072 : index
    %swap3A_1392 = arith.constant 0 : index
    %swap3A_1393 = vector.load %arg9[%swap3A_1390, %swap3A_1391, %swap3A_1392] : memref<1x4096x9xf32, #tpu.memory_space<vmem>>, vector<1x512x9xf32>
    %swap3A_1394 = vector.shape_cast %swap3A_1393 : vector<1x512x9xf32> to vector<512x9xf32>
    %swap3A_1395 = vector.shape_cast %select_n3A_1389 : vector<512x9xf32> to vector<1x512x9xf32>
    tpu.vector_store %arg9[%swap3A_1390, %swap3A_1391, %swap3A_1392], %swap3A_1395 {strides = array<i32>} : memref<1x4096x9xf32, #tpu.memory_space<vmem>>, vector<1x512x9xf32>,
    %slice3A_1396 = vector.extract_strided_slice %add3A_1369 {offsets = [0, 0], sizes = [512, 36], strides = [1, 1]} : vector<512x45xf32> to vector<512x36xf32>
    %slice3A_1397 = vector.extract_strided_slice %slice3A_1396 {offsets = [0, 2], sizes = [512, 34], strides = [1, 1]} : vector<512x36xf32> to vector<512x34xf32>
    %slice3A_1398 = vector.extract_strided_slice %slice3A_1396 {offsets = [0, 0], sizes = [512, 2], strides = [1, 1]} : vector<512x36xf32> to vector<512x2xf32>
    %concatenate3A_1399 = tpu.concatenate %slice3A_1397, %slice3A_1398 in 1 : vector<512x34xf32>, vector<512x2xf32> -> vector<512x36xf32>
    %slice3A_1400 = vector.extract_strided_slice %slice3A_1396 {offsets = [0, 34], sizes = [512, 2], strides = [1, 1]} : vector<512x36xf32> to vector<512x2xf32>
    %slice3A_1401 = vector.extract_strided_slice %slice3A_1396 {offsets = [0, 0], sizes = [512, 34], strides = [1, 1]} : vector<512x36xf32> to vector<512x34xf32>
    %concatenate3A_1402 = tpu.concatenate %slice3A_1400, %slice3A_1401 in 1 : vector<512x2xf32>, vector<512x34xf32> -> vector<512x36xf32>
    %lt3A_1403 = arith.constant 2 : i32
    %lt3A_1404 = vector.broadcast %lt3A_1403 : i32 to vector<1x36xi32>
    %lt3A_1405 = arith.cmpi slt, %select_n3A_42, %lt3A_1404 : vector<1x36xi32>
    %broadcast_in_dim3A_1406 = vector.shape_cast %lt3A_1405 : vector<1x36xi1> to vector<1x36xi1>
    %broadcast_in_dim3A_1407 = vector.broadcast %broadcast_in_dim3A_1406 : vector<1x36xi1> to vector<512x36xi1>
    %select_n3A_1408 = arith.select %broadcast_in_dim3A_1407, %concatenate3A_1399, %slice3A_1396 : vector<512x36xi1>, vector<512x36xf32>
    %lt3A_1409 = arith.constant 2 : i32
    %lt3A_1410 = vector.broadcast %lt3A_1409 : i32 to vector<1x36xi32>
    %lt3A_1411 = arith.cmpi slt, %select_n3A_42, %lt3A_1410 : vector<1x36xi32>
    %broadcast_in_dim3A_1412 = vector.shape_cast %lt3A_1411 : vector<1x36xi1> to vector<1x36xi1>
    %broadcast_in_dim3A_1413 = vector.broadcast %broadcast_in_dim3A_1412 : vector<1x36xi1> to vector<512x36xi1>
    %select_n3A_1414 = arith.select %broadcast_in_dim3A_1413, %slice3A_1396, %concatenate3A_1402 : vector<512x36xi1>, vector<512x36xf32>
    %get3A_1415 = arith.constant 0 : index
    %get3A_1416 = arith.constant 3072 : index
    %get3A_1417 = arith.constant 0 : index
    %get3A_1418 = vector.load %arg6[%get3A_1415, %get3A_1416, %get3A_1417] : memref<1x4096x36xf32, #tpu.memory_space<vmem>>, vector<1x512x36xf32>
    %get3A_1419 = vector.shape_cast %get3A_1418 : vector<1x512x36xf32> to vector<512x36xf32>
    %get3A_1420 = arith.constant 0 : index
    %get3A_1421 = arith.constant 3072 : index
    %get3A_1422 = arith.constant 0 : index
    %get3A_1423 = vector.load %arg7[%get3A_1420, %get3A_1421, %get3A_1422] : memref<1x4096x36xf32, #tpu.memory_space<vmem>>, vector<1x512x36xf32>
    %get3A_1424 = vector.shape_cast %get3A_1423 : vector<1x512x36xf32> to vector<512x36xf32>
    %min3A_1425 = arith.constant 4.135000e+00 : f32
    %min3A_1426 = vector.broadcast %min3A_1425 : f32 to vector<512x36xf32>
    %min3A_1427 = arith.minimumf %select_n3A_1408, %min3A_1426 : vector<512x36xf32>
    %exp3A_1428 = math.exp %min3A_1427 : vector<512x36xf32>
    %mul3A_1429 = arith.mulf %exp3A_1428, %get3A_1424 : vector<512x36xf32>
    %mul3A_1430 = arith.mulf %select_n3A_1414, %get3A_1424 : vector<512x36xf32>
    %add3A_1431 = arith.addf %mul3A_1430, %get3A_1419 : vector<512x36xf32>
    %mul3A_1432 = vector.broadcast %select_n3A_50 : vector<1x36xf32> to vector<512x36xf32>
    %mul3A_1433 = arith.mulf %mul3A_1432, %mul3A_1429 : vector<512x36xf32>
    %add3A_1434 = arith.addf %add3A_1431, %mul3A_1433 : vector<512x36xf32>
    %max3A_1435 = arith.constant 0.000000e+00 : f32
    %max3A_1436 = vector.broadcast %max3A_1435 : f32 to vector<512x36xf32>
    %max3A_1437 = arith.maximumf %add3A_1434, %max3A_1436 : vector<512x36xf32>
    %min3A_1438 = vector.broadcast %get3A_9 : vector<1x1xf32> to vector<512x36xf32>
    %min3A_1439 = arith.minimumf %max3A_1437, %min3A_1438 : vector<512x36xf32>
    %swap3A_1440 = arith.constant 0 : index
    %swap3A_1441 = arith.constant 3072 : index
    %swap3A_1442 = arith.constant 0 : index
    %swap3A_1443 = vector.load %arg10[%swap3A_1440, %swap3A_1441, %swap3A_1442] : memref<1x4096x36xf32, #tpu.memory_space<vmem>>, vector<1x512x36xf32>
    %swap3A_1444 = vector.shape_cast %swap3A_1443 : vector<1x512x36xf32> to vector<512x36xf32>
    %swap3A_1445 = vector.shape_cast %min3A_1439 : vector<512x36xf32> to vector<1x512x36xf32>
    tpu.vector_store %arg10[%swap3A_1440, %swap3A_1441, %swap3A_1442], %swap3A_1445 {strides = array<i32>} : memref<1x4096x36xf32, #tpu.memory_space<vmem>>, vector<1x512x36xf32>,
    %broadcast_in_dim3A_1446 = arith.constant 0.000000e+00 : f32
    %broadcast_in_dim3A_1447 = vector.broadcast %broadcast_in_dim3A_1446 : f32 to vector<512x256xf32>
    %get3A_1448 = arith.constant 0 : index
    %get3A_1449 = arith.constant 3584 : index
    %get3A_1450 = arith.constant 0 : index
    %get3A_1451 = vector.load %arg1[%get3A_1448, %get3A_1449, %get3A_1450] : memref<1x4226x256xf32, #tpu.memory_space<vmem>>, vector<1x512x256xf32>
    %get3A_1452 = vector.shape_cast %get3A_1451 : vector<1x512x256xf32> to vector<512x256xf32>
    %mul3A_1453 = vector.broadcast %select_n3A : vector<512x1xf32> to vector<512x256xf32>
    %mul3A_1454 = arith.mulf %get3A_1452, %mul3A_1453 : vector<512x256xf32>
    %get3A_1455 = arith.constant 0 : index
    %get3A_1456 = arith.constant 0 : index
    %get3A_1457 = vector.load %arg2[%get3A_1455, %get3A_1456] : memref<2304x256xf32, #tpu.memory_space<vmem>>, vector<256x256xf32>
    %dot_general3A_1458 = arith.constant dense<0.000000e+00> : vector<512x256xf32>
    %dot_general3A_1459 = tpu.matmul %mul3A_1454, %get3A_1457, %dot_general3A_1458 {dimension_numbers = #tpu.dot_dimension_numbers<[1], [0], [0], [1], [0, 0, 1, 1], [], []>, transpose_lhs_hint = false} : vector<512x256xf32>, vector<256x256xf32>, vector<512x256xf32> -> vector<512x256xf32>
    %add3A_1460 = arith.addf %broadcast_in_dim3A_1447, %dot_general3A_1459 : vector<512x256xf32>
    %get3A_1461 = arith.constant 0 : index
    %get3A_1462 = arith.constant 3585 : index
    %get3A_1463 = arith.constant 0 : index
    %get3A_1464 = vector.load %arg1[%get3A_1461, %get3A_1462, %get3A_1463] : memref<1x4226x256xf32, #tpu.memory_space<vmem>>, vector<1x512x256xf32>
    %get3A_1465 = vector.shape_cast %get3A_1464 : vector<1x512x256xf32> to vector<512x256xf32>
    %get3A_1466 = arith.constant 256 : index
    %get3A_1467 = arith.constant 0 : index
    %get3A_1468 = vector.load %arg2[%get3A_1466, %get3A_1467] : memref<2304x256xf32, #tpu.memory_space<vmem>>, vector<256x256xf32>
    %dot_general3A_1469 = arith.constant dense<0.000000e+00> : vector<512x256xf32>
    %dot_general3A_1470 = tpu.matmul %get3A_1465, %get3A_1468, %dot_general3A_1469 {dimension_numbers = #tpu.dot_dimension_numbers<[1], [0], [0], [1], [0, 0, 1, 1], [], []>, transpose_lhs_hint = false} : vector<512x256xf32>, vector<256x256xf32>, vector<512x256xf32> -> vector<512x256xf32>
    %add3A_1471 = arith.addf %add3A_1460, %dot_general3A_1470 : vector<512x256xf32>
    %get3A_1472 = arith.constant 0 : index
    %get3A_1473 = arith.constant 3586 : index
    %get3A_1474 = arith.constant 0 : index
    %get3A_1475 = vector.load %arg1[%get3A_1472, %get3A_1473, %get3A_1474] : memref<1x4226x256xf32, #tpu.memory_space<vmem>>, vector<1x512x256xf32>
    %get3A_1476 = vector.shape_cast %get3A_1475 : vector<1x512x256xf32> to vector<512x256xf32>
    %mul3A_1477 = vector.broadcast %select_n3A_23 : vector<512x1xf32> to vector<512x256xf32>
    %mul3A_1478 = arith.mulf %get3A_1476, %mul3A_1477 : vector<512x256xf32>
    %get3A_1479 = arith.constant 512 : index
    %get3A_1480 = arith.constant 0 : index
    %get3A_1481 = vector.load %arg2[%get3A_1479, %get3A_1480] : memref<2304x256xf32, #tpu.memory_space<vmem>>, vector<256x256xf32>
    %dot_general3A_1482 = arith.constant dense<0.000000e+00> : vector<512x256xf32>
    %dot_general3A_1483 = tpu.matmul %mul3A_1478, %get3A_1481, %dot_general3A_1482 {dimension_numbers = #tpu.dot_dimension_numbers<[1], [0], [0], [1], [0, 0, 1, 1], [], []>, transpose_lhs_hint = false} : vector<512x256xf32>, vector<256x256xf32>, vector<512x256xf32> -> vector<512x256xf32>
    %add3A_1484 = arith.addf %add3A_1471, %dot_general3A_1483 : vector<512x256xf32>
    %get3A_1485 = arith.constant 0 : index
    %get3A_1486 = arith.constant 3648 : index
    %get3A_1487 = arith.constant 0 : index
    %get3A_1488 = vector.load %arg1[%get3A_1485, %get3A_1486, %get3A_1487] : memref<1x4226x256xf32, #tpu.memory_space<vmem>>, vector<1x512x256xf32>
    %get3A_1489 = vector.shape_cast %get3A_1488 : vector<1x512x256xf32> to vector<512x256xf32>
    %mul3A_1490 = vector.broadcast %select_n3A : vector<512x1xf32> to vector<512x256xf32>
    %mul3A_1491 = arith.mulf %get3A_1489, %mul3A_1490 : vector<512x256xf32>
    %get3A_1492 = arith.constant 768 : index
    %get3A_1493 = arith.constant 0 : index
    %get3A_1494 = vector.load %arg2[%get3A_1492, %get3A_1493] : memref<2304x256xf32, #tpu.memory_space<vmem>>, vector<256x256xf32>
    %dot_general3A_1495 = arith.constant dense<0.000000e+00> : vector<512x256xf32>
    %dot_general3A_1496 = tpu.matmul %mul3A_1491, %get3A_1494, %dot_general3A_1495 {dimension_numbers = #tpu.dot_dimension_numbers<[1], [0], [0], [1], [0, 0, 1, 1], [], []>, transpose_lhs_hint = false} : vector<512x256xf32>, vector<256x256xf32>, vector<512x256xf32> -> vector<512x256xf32>
    %add3A_1497 = arith.addf %add3A_1484, %dot_general3A_1496 : vector<512x256xf32>
    %get3A_1498 = arith.constant 0 : index
    %get3A_1499 = arith.constant 3649 : index
    %get3A_1500 = arith.constant 0 : index
    %get3A_1501 = vector.load %arg1[%get3A_1498, %get3A_1499, %get3A_1500] : memref<1x4226x256xf32, #tpu.memory_space<vmem>>, vector<1x512x256xf32>
    %get3A_1502 = vector.shape_cast %get3A_1501 : vector<1x512x256xf32> to vector<512x256xf32>
    %get3A_1503 = arith.constant 1024 : index
    %get3A_1504 = arith.constant 0 : index
    %get3A_1505 = vector.load %arg2[%get3A_1503, %get3A_1504] : memref<2304x256xf32, #tpu.memory_space<vmem>>, vector<256x256xf32>
    %dot_general3A_1506 = arith.constant dense<0.000000e+00> : vector<512x256xf32>
    %dot_general3A_1507 = tpu.matmul %get3A_1502, %get3A_1505, %dot_general3A_1506 {dimension_numbers = #tpu.dot_dimension_numbers<[1], [0], [0], [1], [0, 0, 1, 1], [], []>, transpose_lhs_hint = false} : vector<512x256xf32>, vector<256x256xf32>, vector<512x256xf32> -> vector<512x256xf32>
    %add3A_1508 = arith.addf %add3A_1497, %dot_general3A_1507 : vector<512x256xf32>
    %get3A_1509 = arith.constant 0 : index
    %get3A_1510 = arith.constant 3650 : index
    %get3A_1511 = arith.constant 0 : index
    %get3A_1512 = vector.load %arg1[%get3A_1509, %get3A_1510, %get3A_1511] : memref<1x4226x256xf32, #tpu.memory_space<vmem>>, vector<1x512x256xf32>
    %get3A_1513 = vector.shape_cast %get3A_1512 : vector<1x512x256xf32> to vector<512x256xf32>
    %mul3A_1514 = vector.broadcast %select_n3A_23 : vector<512x1xf32> to vector<512x256xf32>
    %mul3A_1515 = arith.mulf %get3A_1513, %mul3A_1514 : vector<512x256xf32>
    %get3A_1516 = arith.constant 1280 : index
    %get3A_1517 = arith.constant 0 : index
    %get3A_1518 = vector.load %arg2[%get3A_1516, %get3A_1517] : memref<2304x256xf32, #tpu.memory_space<vmem>>, vector<256x256xf32>
    %dot_general3A_1519 = arith.constant dense<0.000000e+00> : vector<512x256xf32>
    %dot_general3A_1520 = tpu.matmul %mul3A_1515, %get3A_1518, %dot_general3A_1519 {dimension_numbers = #tpu.dot_dimension_numbers<[1], [0], [0], [1], [0, 0, 1, 1], [], []>, transpose_lhs_hint = false} : vector<512x256xf32>, vector<256x256xf32>, vector<512x256xf32> -> vector<512x256xf32>
    %add3A_1521 = arith.addf %add3A_1508, %dot_general3A_1520 : vector<512x256xf32>
    %get3A_1522 = arith.constant 0 : index
    %get3A_1523 = arith.constant 3712 : index
    %get3A_1524 = arith.constant 0 : index
    %get3A_1525 = vector.load %arg1[%get3A_1522, %get3A_1523, %get3A_1524] : memref<1x4226x256xf32, #tpu.memory_space<vmem>>, vector<1x512x256xf32>
    %get3A_1526 = vector.shape_cast %get3A_1525 : vector<1x512x256xf32> to vector<512x256xf32>
    %mul3A_1527 = vector.broadcast %select_n3A : vector<512x1xf32> to vector<512x256xf32>
    %mul3A_1528 = arith.mulf %get3A_1526, %mul3A_1527 : vector<512x256xf32>
    %get3A_1529 = arith.constant 1536 : index
    %get3A_1530 = arith.constant 0 : index
    %get3A_1531 = vector.load %arg2[%get3A_1529, %get3A_1530] : memref<2304x256xf32, #tpu.memory_space<vmem>>, vector<256x256xf32>
    %dot_general3A_1532 = arith.constant dense<0.000000e+00> : vector<512x256xf32>
    %dot_general3A_1533 = tpu.matmul %mul3A_1528, %get3A_1531, %dot_general3A_1532 {dimension_numbers = #tpu.dot_dimension_numbers<[1], [0], [0], [1], [0, 0, 1, 1], [], []>, transpose_lhs_hint = false} : vector<512x256xf32>, vector<256x256xf32>, vector<512x256xf32> -> vector<512x256xf32>
    %add3A_1534 = arith.addf %add3A_1521, %dot_general3A_1533 : vector<512x256xf32>
    %get3A_1535 = arith.constant 0 : index
    %get3A_1536 = arith.constant 3713 : index
    %get3A_1537 = arith.constant 0 : index
    %get3A_1538 = vector.load %arg1[%get3A_1535, %get3A_1536, %get3A_1537] : memref<1x4226x256xf32, #tpu.memory_space<vmem>>, vector<1x512x256xf32>
    %get3A_1539 = vector.shape_cast %get3A_1538 : vector<1x512x256xf32> to vector<512x256xf32>
    %get3A_1540 = arith.constant 1792 : index
    %get3A_1541 = arith.constant 0 : index
    %get3A_1542 = vector.load %arg2[%get3A_1540, %get3A_1541] : memref<2304x256xf32, #tpu.memory_space<vmem>>, vector<256x256xf32>
    %dot_general3A_1543 = arith.constant dense<0.000000e+00> : vector<512x256xf32>
    %dot_general3A_1544 = tpu.matmul %get3A_1539, %get3A_1542, %dot_general3A_1543 {dimension_numbers = #tpu.dot_dimension_numbers<[1], [0], [0], [1], [0, 0, 1, 1], [], []>, transpose_lhs_hint = false} : vector<512x256xf32>, vector<256x256xf32>, vector<512x256xf32> -> vector<512x256xf32>
    %add3A_1545 = arith.addf %add3A_1534, %dot_general3A_1544 : vector<512x256xf32>
    %get3A_1546 = arith.constant 0 : index
    %get3A_1547 = arith.constant 3714 : index
    %get3A_1548 = arith.constant 0 : index
    %get3A_1549 = vector.load %arg1[%get3A_1546, %get3A_1547, %get3A_1548] : memref<1x4226x256xf32, #tpu.memory_space<vmem>>, vector<1x512x256xf32>
    %get3A_1550 = vector.shape_cast %get3A_1549 : vector<1x512x256xf32> to vector<512x256xf32>
    %mul3A_1551 = vector.broadcast %select_n3A_23 : vector<512x1xf32> to vector<512x256xf32>
    %mul3A_1552 = arith.mulf %get3A_1550, %mul3A_1551 : vector<512x256xf32>
    %get3A_1553 = arith.constant 2048 : index
    %get3A_1554 = arith.constant 0 : index
    %get3A_1555 = vector.load %arg2[%get3A_1553, %get3A_1554] : memref<2304x256xf32, #tpu.memory_space<vmem>>, vector<256x256xf32>
    %dot_general3A_1556 = arith.constant dense<0.000000e+00> : vector<512x256xf32>
    %dot_general3A_1557 = tpu.matmul %mul3A_1552, %get3A_1555, %dot_general3A_1556 {dimension_numbers = #tpu.dot_dimension_numbers<[1], [0], [0], [1], [0, 0, 1, 1], [], []>, transpose_lhs_hint = false} : vector<512x256xf32>, vector<256x256xf32>, vector<512x256xf32> -> vector<512x256xf32>
    %add3A_1558 = arith.addf %add3A_1545, %dot_general3A_1557 : vector<512x256xf32>
    %add3A_1559 = vector.broadcast %get3A_1 : vector<1x256xf32> to vector<512x256xf32>
    %add3A_1560 = arith.addf %add3A_1558, %add3A_1559 : vector<512x256xf32>
    %max3A_1561 = arith.constant 0.000000e+00 : f32
    %max3A_1562 = vector.broadcast %max3A_1561 : f32 to vector<512x256xf32>
    %max3A_1563 = arith.maximumf %add3A_1560, %max3A_1562 : vector<512x256xf32>
    %get3A_1564 = arith.constant 0 : index
    %get3A_1565 = arith.constant 0 : index
    %get3A_1566 = vector.load %arg3[%get3A_1564, %get3A_1565] : memref<256x45xf32, #tpu.memory_space<vmem>>, vector<256x45xf32>
    %dot_general3A_1567 = arith.constant dense<0.000000e+00> : vector<512x45xf32>
    %dot_general3A_1568 = tpu.matmul %max3A_1563, %get3A_1566, %dot_general3A_1567 {dimension_numbers = #tpu.dot_dimension_numbers<[1], [0], [0], [1], [0, 0, 1, 1], [], []>, transpose_lhs_hint = false} : vector<512x256xf32>, vector<256x45xf32>, vector<512x45xf32> -> vector<512x45xf32>
    %add3A_1569 = vector.broadcast %get3A_4 : vector<1x45xf32> to vector<512x45xf32>
    %add3A_1570 = arith.addf %dot_general3A_1568, %add3A_1569 : vector<512x45xf32>
    %slice3A_1571 = vector.extract_strided_slice %add3A_1570 {offsets = [0, 36], sizes = [512, 9], strides = [1, 1]} : vector<512x45xf32> to vector<512x9xf32>
    %abs3A_1572 = math.absf %slice3A_1571 : vector<512x9xf32>
    %neg3A_1573 = arith.constant 0.000000e+00 : f32
    %neg3A_1574 = vector.broadcast %neg3A_1573 : f32 to vector<512x9xf32>
    %neg3A_1575 = arith.subf %neg3A_1574, %abs3A_1572 : vector<512x9xf32>
    %exp3A_1576 = math.exp %neg3A_1575 : vector<512x9xf32>
    %ge3A_1577 = arith.constant 0.000000e+00 : f32
    %ge3A_1578 = vector.broadcast %ge3A_1577 : f32 to vector<512x9xf32>
    %ge3A_1579 = arith.cmpf oge, %slice3A_1571, %ge3A_1578 : vector<512x9xf32>
    %add3A_1580 = arith.constant 1.000000e+00 : f32
    %add3A_1581 = vector.broadcast %add3A_1580 : f32 to vector<512x9xf32>
    %add3A_1582 = arith.addf %add3A_1581, %exp3A_1576 : vector<512x9xf32>
    %div3A_1583 = arith.constant 1.000000e+00 : f32
    %div3A_1584 = vector.broadcast %div3A_1583 : f32 to vector<512x9xf32>
    %div3A_1585 = arith.divf %div3A_1584, %add3A_1582 : vector<512x9xf32>
    %add3A_1586 = arith.constant 1.000000e+00 : f32
    %add3A_1587 = vector.broadcast %add3A_1586 : f32 to vector<512x9xf32>
    %add3A_1588 = arith.addf %add3A_1587, %exp3A_1576 : vector<512x9xf32>
    %div3A_1589 = arith.divf %exp3A_1576, %add3A_1588 : vector<512x9xf32>
    %select_n3A_1590 = arith.select %ge3A_1579, %div3A_1585, %div3A_1589 : vector<512x9xi1>, vector<512x9xf32>
    %swap3A_1591 = arith.constant 0 : index
    %swap3A_1592 = arith.constant 3584 : index
    %swap3A_1593 = arith.constant 0 : index
    %swap3A_1594 = vector.load %arg9[%swap3A_1591, %swap3A_1592, %swap3A_1593] : memref<1x4096x9xf32, #tpu.memory_space<vmem>>, vector<1x512x9xf32>
    %swap3A_1595 = vector.shape_cast %swap3A_1594 : vector<1x512x9xf32> to vector<512x9xf32>
    %swap3A_1596 = vector.shape_cast %select_n3A_1590 : vector<512x9xf32> to vector<1x512x9xf32>
    tpu.vector_store %arg9[%swap3A_1591, %swap3A_1592, %swap3A_1593], %swap3A_1596 {strides = array<i32>} : memref<1x4096x9xf32, #tpu.memory_space<vmem>>, vector<1x512x9xf32>,
    %slice3A_1597 = vector.extract_strided_slice %add3A_1570 {offsets = [0, 0], sizes = [512, 36], strides = [1, 1]} : vector<512x45xf32> to vector<512x36xf32>
    %slice3A_1598 = vector.extract_strided_slice %slice3A_1597 {offsets = [0, 2], sizes = [512, 34], strides = [1, 1]} : vector<512x36xf32> to vector<512x34xf32>
    %slice3A_1599 = vector.extract_strided_slice %slice3A_1597 {offsets = [0, 0], sizes = [512, 2], strides = [1, 1]} : vector<512x36xf32> to vector<512x2xf32>
    %concatenate3A_1600 = tpu.concatenate %slice3A_1598, %slice3A_1599 in 1 : vector<512x34xf32>, vector<512x2xf32> -> vector<512x36xf32>
    %slice3A_1601 = vector.extract_strided_slice %slice3A_1597 {offsets = [0, 34], sizes = [512, 2], strides = [1, 1]} : vector<512x36xf32> to vector<512x2xf32>
    %slice3A_1602 = vector.extract_strided_slice %slice3A_1597 {offsets = [0, 0], sizes = [512, 34], strides = [1, 1]} : vector<512x36xf32> to vector<512x34xf32>
    %concatenate3A_1603 = tpu.concatenate %slice3A_1601, %slice3A_1602 in 1 : vector<512x2xf32>, vector<512x34xf32> -> vector<512x36xf32>
    %lt3A_1604 = arith.constant 2 : i32
    %lt3A_1605 = vector.broadcast %lt3A_1604 : i32 to vector<1x36xi32>
    %lt3A_1606 = arith.cmpi slt, %select_n3A_42, %lt3A_1605 : vector<1x36xi32>
    %broadcast_in_dim3A_1607 = vector.shape_cast %lt3A_1606 : vector<1x36xi1> to vector<1x36xi1>
    %broadcast_in_dim3A_1608 = vector.broadcast %broadcast_in_dim3A_1607 : vector<1x36xi1> to vector<512x36xi1>
    %select_n3A_1609 = arith.select %broadcast_in_dim3A_1608, %concatenate3A_1600, %slice3A_1597 : vector<512x36xi1>, vector<512x36xf32>
    %lt3A_1610 = arith.constant 2 : i32
    %lt3A_1611 = vector.broadcast %lt3A_1610 : i32 to vector<1x36xi32>
    %lt3A_1612 = arith.cmpi slt, %select_n3A_42, %lt3A_1611 : vector<1x36xi32>
    %broadcast_in_dim3A_1613 = vector.shape_cast %lt3A_1612 : vector<1x36xi1> to vector<1x36xi1>
    %broadcast_in_dim3A_1614 = vector.broadcast %broadcast_in_dim3A_1613 : vector<1x36xi1> to vector<512x36xi1>
    %select_n3A_1615 = arith.select %broadcast_in_dim3A_1614, %slice3A_1597, %concatenate3A_1603 : vector<512x36xi1>, vector<512x36xf32>
    %get3A_1616 = arith.constant 0 : index
    %get3A_1617 = arith.constant 3584 : index
    %get3A_1618 = arith.constant 0 : index
    %get3A_1619 = vector.load %arg6[%get3A_1616, %get3A_1617, %get3A_1618] : memref<1x4096x36xf32, #tpu.memory_space<vmem>>, vector<1x512x36xf32>
    %get3A_1620 = vector.shape_cast %get3A_1619 : vector<1x512x36xf32> to vector<512x36xf32>
    %get3A_1621 = arith.constant 0 : index
    %get3A_1622 = arith.constant 3584 : index
    %get3A_1623 = arith.constant 0 : index
    %get3A_1624 = vector.load %arg7[%get3A_1621, %get3A_1622, %get3A_1623] : memref<1x4096x36xf32, #tpu.memory_space<vmem>>, vector<1x512x36xf32>
    %get3A_1625 = vector.shape_cast %get3A_1624 : vector<1x512x36xf32> to vector<512x36xf32>
    %min3A_1626 = arith.constant 4.135000e+00 : f32
    %min3A_1627 = vector.broadcast %min3A_1626 : f32 to vector<512x36xf32>
    %min3A_1628 = arith.minimumf %select_n3A_1609, %min3A_1627 : vector<512x36xf32>
    %exp3A_1629 = math.exp %min3A_1628 : vector<512x36xf32>
    %mul3A_1630 = arith.mulf %exp3A_1629, %get3A_1625 : vector<512x36xf32>
    %mul3A_1631 = arith.mulf %select_n3A_1615, %get3A_1625 : vector<512x36xf32>
    %add3A_1632 = arith.addf %mul3A_1631, %get3A_1620 : vector<512x36xf32>
    %mul3A_1633 = vector.broadcast %select_n3A_50 : vector<1x36xf32> to vector<512x36xf32>
    %mul3A_1634 = arith.mulf %mul3A_1633, %mul3A_1630 : vector<512x36xf32>
    %add3A_1635 = arith.addf %add3A_1632, %mul3A_1634 : vector<512x36xf32>
    %max3A_1636 = arith.constant 0.000000e+00 : f32
    %max3A_1637 = vector.broadcast %max3A_1636 : f32 to vector<512x36xf32>
    %max3A_1638 = arith.maximumf %add3A_1635, %max3A_1637 : vector<512x36xf32>
    %min3A_1639 = vector.broadcast %get3A_9 : vector<1x1xf32> to vector<512x36xf32>
    %min3A_1640 = arith.minimumf %max3A_1638, %min3A_1639 : vector<512x36xf32>
    %swap3A_1641 = arith.constant 0 : index
    %swap3A_1642 = arith.constant 3584 : index
    %swap3A_1643 = arith.constant 0 : index
    %swap3A_1644 = vector.load %arg10[%swap3A_1641, %swap3A_1642, %swap3A_1643] : memref<1x4096x36xf32, #tpu.memory_space<vmem>>, vector<1x512x36xf32>
    %swap3A_1645 = vector.shape_cast %swap3A_1644 : vector<1x512x36xf32> to vector<512x36xf32>
    %swap3A_1646 = vector.shape_cast %min3A_1640 : vector<512x36xf32> to vector<1x512x36xf32>
    tpu.vector_store %arg10[%swap3A_1641, %swap3A_1642, %swap3A_1643], %swap3A_1646 {strides = array<i32>} : memref<1x4096x36xf32, #tpu.memory_space<vmem>>, vector<1x512x36xf32>,
    return
  }
  func.func @transform_0(%arg0: i32) -> (i32, i32, i32) {
    %c0_i32 = arith.constant 0 : i32
    %c0_i32_0 = arith.constant 0 : i32
    %c0_i32_1 = arith.constant 0 : i32
    return %arg0, %c0_i32, %c0_i32_0 : i32, i32, i32
  }
  func.func @transform_1(%arg0: i32) -> (i32, i32) {
    %c0_i32 = arith.constant 0 : i32
    %c0_i32_0 = arith.constant 0 : i32
    %c0_i32_1 = arith.constant 0 : i32
    return %c0_i32, %c0_i32_0 : i32, i32
  }
  func.func @transform_2(%arg0: i32) -> (i32, i32) {
    %c0_i32 = arith.constant 0 : i32
    %c0_i32_0 = arith.constant 0 : i32
    %c0_i32_1 = arith.constant 0 : i32
    return %c0_i32, %c0_i32_0 : i32, i32
  }
  func.func @transform_3(%arg0: i32) -> (i32, i32) {
    %c0_i32 = arith.constant 0 : i32
    %c0_i32_0 = arith.constant 0 : i32
    %c0_i32_1 = arith.constant 0 : i32
    return %c0_i32, %c0_i32_0 : i32, i32
  }
  func.func @transform_4(%arg0: i32) -> (i32, i32) {
    %c0_i32 = arith.constant 0 : i32
    %c0_i32_0 = arith.constant 0 : i32
    %c0_i32_1 = arith.constant 0 : i32
    return %c0_i32, %c0_i32_0 : i32, i32
  }
  func.func @transform_5(%arg0: i32) -> (i32, i32, i32) {
    %c0_i32 = arith.constant 0 : i32
    %c0_i32_0 = arith.constant 0 : i32
    %c0_i32_1 = arith.constant 0 : i32
    %c0_i32_2 = arith.constant 0 : i32
    return %c0_i32, %c0_i32_0, %c0_i32_1 : i32, i32, i32
  }
  func.func @transform_6(%arg0: i32) -> (i32, i32, i32) {
    %c0_i32 = arith.constant 0 : i32
    %c0_i32_0 = arith.constant 0 : i32
    %c0_i32_1 = arith.constant 0 : i32
    %c0_i32_2 = arith.constant 0 : i32
    return %c0_i32, %c0_i32_0, %c0_i32_1 : i32, i32, i32
  }
  func.func @transform_7(%arg0: i32) -> (i32, i32, i32) {
    %c0_i32 = arith.constant 0 : i32
    %c0_i32_0 = arith.constant 0 : i32
    %c0_i32_1 = arith.constant 0 : i32
    %c0_i32_2 = arith.constant 0 : i32
    return %c0_i32, %c0_i32_0, %c0_i32_1 : i32, i32, i32
  }
  func.func @transform_8(%arg0: i32) -> (i32, i32, i32) {
    %c0_i32 = arith.constant 0 : i32
    %c0_i32_0 = arith.constant 0 : i32
    %c0_i32_1 = arith.constant 0 : i32
    return %arg0, %c0_i32, %c0_i32_0 : i32, i32, i32
  }
  func.func @transform_9(%arg0: i32) -> (i32, i32, i32) {
    %c0_i32 = arith.constant 0 : i32
    %c0_i32_0 = arith.constant 0 : i32
    %c0_i32_1 = arith.constant 0 : i32
    return %arg0, %c0_i32, %c0_i32_0 : i32, i32, i32
  }
}

module attributes {stable_mosaic.version = 14 : i64} {
  func.func @_thr_body(%arg0: i32, %arg1: memref<1x288x128xi32, #tpu.memory_space<vmem>>, %arg2: memref<1x1x128xi32, #tpu.memory_space<vmem>>, %arg3: memref<1x288x128xi32, #tpu.memory_space<vmem>>) attributes {dimension_semantics = [#tpu.dimension_semantics<arbitrary>], iteration_bounds = array<i64: 2>, scalar_prefetch = 0 : i64, scratch_operands = 0 : i64, tpu.core_type = #tpu.core_type<tc>, window_params = [{transform_indices = @transform_0, window_bounds = array<i64: 1, 288, 128>}, {transform_indices = @transform_1, window_bounds = array<i64: 1, 1, 128>}, {transform_indices = @transform_2, window_bounds = array<i64: 1, 288, 128>}]} {
    %get3A = arith.constant 0 : index
    %get3A_0 = arith.constant 0 : index
    %get3A_1 = arith.constant 0 : index
    %get3A_2 = vector.load %arg1[%get3A, %get3A_0, %get3A_1] : memref<1x288x128xi32, #tpu.memory_space<vmem>>, vector<1x288x128xi32>
    %get3A_3 = vector.shape_cast %get3A_2 : vector<1x288x128xi32> to vector<288x128xi32>
    %scan3A = arith.constant -1 : i32
    %scan3A_4 = arith.constant 1065353216 : i32
    %scan3A_5 = arith.constant 0 : i32
    %scan3A_6 = arith.constant 31 : i32
    %scan3A_7 = arith.addi %scan3A_5, %scan3A_6 : i32
    %scan3A_8 = arith.constant 1 : i32
    %scan3A_9:2 = scf.for %scan3A_95 = %scan3A_5 to %scan3A_7 step %scan3A_8 iter_args(%scan3A_96 = %scan3A, %scan3A_97 = %scan3A_4) -> (i32, i32)  : i32 {
      %add3A_98 = arith.addi %scan3A_96, %scan3A_97 : i32
      %div3A = arith.constant 2 : i32
      %div3A_99 = arith.divsi %add3A_98, %div3A : i32
      %gt3A_100 = vector.broadcast %div3A_99 : i32 to vector<288x128xi32>
      %gt3A_101 = arith.cmpi sgt, %get3A_3, %gt3A_100 : vector<288x128xi32>
      %jit3A_102 = arith.constant 1 : i32
      %jit3A_103 = arith.constant 0 : i32
      %broadcast_in_dim3A_104 = vector.broadcast %jit3A_102 : i32 to vector<288x128xi32>
      %broadcast_in_dim3A_105 = vector.broadcast %jit3A_103 : i32 to vector<288x128xi32>
      %select_n3A_106 = arith.select %gt3A_101, %broadcast_in_dim3A_104, %broadcast_in_dim3A_105 : vector<288x128xi1>, vector<288x128xi32>
      %reduce_sum3A_107 = vector.shape_cast %select_n3A_106 : vector<288x128xi32> to vector<1x288x128xi32>
      %reduce_sum3A_108 = arith.constant dense<0> : vector<1xi32>
      %reduce_sum3A_109 = vector.multi_reduction <add>, %reduce_sum3A_107, %reduce_sum3A_108 [1, 2] : vector<1x288x128xi32> to vector<1xi32>
      %reduce_sum3A_110 = vector.shape_cast %reduce_sum3A_109 : vector<1xi32> to vector<1x1x1xi32>
      %reduce_sum3A_111 = vector.extract %reduce_sum3A_110[0, 0, 0] : i32 from vector<1x1x1xi32>
      %lt3A = arith.constant 2000 : i32
      %lt3A_112 = arith.cmpi slt, %reduce_sum3A_111, %lt3A : i32
      %select_n3A_113 = arith.select %lt3A_112, %scan3A_96, %div3A_99 : i32
      %select_n3A_114 = arith.select %lt3A_112, %div3A_99, %scan3A_97 : i32
      scf.yield %select_n3A_113, %select_n3A_114 : i32, i32
    }
    %gt3A = vector.broadcast %scan3A_9#1 : i32 to vector<288x128xi32>
    %gt3A_10 = arith.cmpi sgt, %get3A_3, %gt3A : vector<288x128xi32>
    %jit3A = arith.constant 1 : i32
    %jit3A_11 = arith.constant 0 : i32
    %broadcast_in_dim3A = vector.broadcast %jit3A : i32 to vector<288x128xi32>
    %broadcast_in_dim3A_12 = vector.broadcast %jit3A_11 : i32 to vector<288x128xi32>
    %select_n3A = arith.select %gt3A_10, %broadcast_in_dim3A, %broadcast_in_dim3A_12 : vector<288x128xi1>, vector<288x128xi32>
    %reduce_sum3A = vector.shape_cast %select_n3A : vector<288x128xi32> to vector<1x288x128xi32>
    %reduce_sum3A_13 = arith.constant dense<0> : vector<1xi32>
    %reduce_sum3A_14 = vector.multi_reduction <add>, %reduce_sum3A, %reduce_sum3A_13 [1, 2] : vector<1x288x128xi32> to vector<1xi32>
    %reduce_sum3A_15 = vector.shape_cast %reduce_sum3A_14 : vector<1xi32> to vector<1x1x1xi32>
    %reduce_sum3A_16 = vector.extract %reduce_sum3A_15[0, 0, 0] : i32 from vector<1x1x1xi32>
    %ge3A = vector.broadcast %scan3A_9#1 : i32 to vector<288x128xi32>
    %ge3A_17 = arith.cmpi sge, %get3A_3, %ge3A : vector<288x128xi32>
    %jit3A_18 = arith.constant 1 : i32
    %jit3A_19 = arith.constant 0 : i32
    %broadcast_in_dim3A_20 = vector.broadcast %jit3A_18 : i32 to vector<288x128xi32>
    %broadcast_in_dim3A_21 = vector.broadcast %jit3A_19 : i32 to vector<288x128xi32>
    %select_n3A_22 = arith.select %ge3A_17, %broadcast_in_dim3A_20, %broadcast_in_dim3A_21 : vector<288x128xi1>, vector<288x128xi32>
    %reduce_sum3A_23 = vector.shape_cast %select_n3A_22 : vector<288x128xi32> to vector<1x288x128xi32>
    %reduce_sum3A_24 = arith.constant dense<0> : vector<1xi32>
    %reduce_sum3A_25 = vector.multi_reduction <add>, %reduce_sum3A_23, %reduce_sum3A_24 [1, 2] : vector<1x288x128xi32> to vector<1xi32>
    %reduce_sum3A_26 = vector.shape_cast %reduce_sum3A_25 : vector<1xi32> to vector<1x1x1xi32>
    %reduce_sum3A_27 = vector.extract %reduce_sum3A_26[0, 0, 0] : i32 from vector<1x1x1xi32>
    %iota3A = tpu.iota {dimensions = array<i32: 1>} : vector<1x128xi32>
    %eq3A = arith.constant 0 : i32
    %eq3A_28 = vector.broadcast %eq3A : i32 to vector<1x128xi32>
    %eq3A_29 = arith.cmpi eq, %iota3A, %eq3A_28 : vector<1x128xi32>
    %eq3A_30 = arith.constant 1 : i32
    %eq3A_31 = vector.broadcast %eq3A_30 : i32 to vector<1x128xi32>
    %eq3A_32 = arith.cmpi eq, %iota3A, %eq3A_31 : vector<1x128xi32>
    %broadcast_in_dim3A_33 = vector.broadcast %reduce_sum3A_16 : i32 to vector<1x128xi32>
    %broadcast_in_dim3A_34 = vector.broadcast %reduce_sum3A_27 : i32 to vector<1x128xi32>
    %select_n3A_35 = arith.select %eq3A_32, %broadcast_in_dim3A_33, %broadcast_in_dim3A_34 : vector<1x128xi1>, vector<1x128xi32>
    %broadcast_in_dim3A_36 = vector.broadcast %scan3A_9#1 : i32 to vector<1x128xi32>
    %select_n3A_37 = arith.select %eq3A_29, %broadcast_in_dim3A_36, %select_n3A_35 : vector<1x128xi1>, vector<1x128xi32>
    %swap3A = arith.constant 0 : index
    %swap3A_38 = arith.constant 0 : index
    %swap3A_39 = arith.constant 0 : index
    %swap3A_40 = vector.load %arg2[%swap3A, %swap3A_38, %swap3A_39] : memref<1x1x128xi32, #tpu.memory_space<vmem>>, vector<1x1x128xi32>
    %swap3A_41 = vector.shape_cast %swap3A_40 : vector<1x1x128xi32> to vector<1x128xi32>
    %swap3A_42 = vector.shape_cast %select_n3A_37 : vector<1x128xi32> to vector<1x1x128xi32>
    tpu.vector_store %arg2[%swap3A, %swap3A_38, %swap3A_39], %swap3A_42 {strides = array<i32>} : memref<1x1x128xi32, #tpu.memory_space<vmem>>, vector<1x1x128xi32>,
    %iota3A_43 = tpu.iota {dimensions = array<i32: 0>} : vector<128x128xi32>
    %iota3A_44 = tpu.iota {dimensions = array<i32: 1>} : vector<128x128xi32>
    %le3A = arith.cmpi sle, %iota3A_43, %iota3A_44 : vector<128x128xi32>
    %jit3A_45 = arith.constant 1.000000e+00 : f32
    %jit3A_46 = arith.constant 0.000000e+00 : f32
    %broadcast_in_dim3A_47 = vector.broadcast %jit3A_45 : f32 to vector<128x128xf32>
    %broadcast_in_dim3A_48 = vector.broadcast %jit3A_46 : f32 to vector<128x128xf32>
    %select_n3A_49 = arith.select %le3A, %broadcast_in_dim3A_47, %broadcast_in_dim3A_48 : vector<128x128xi1>, vector<128x128xf32>
    %iota3A_50 = tpu.iota {dimensions = array<i32: 0>} : vector<288x288xi32>
    %iota3A_51 = tpu.iota {dimensions = array<i32: 1>} : vector<288x288xi32>
    %gt3A_52 = arith.cmpi sgt, %iota3A_50, %iota3A_51 : vector<288x288xi32>
    %jit3A_53 = arith.constant 1.000000e+00 : f32
    %jit3A_54 = arith.constant 0.000000e+00 : f32
    %broadcast_in_dim3A_55 = vector.broadcast %jit3A_53 : f32 to vector<288x288xf32>
    %broadcast_in_dim3A_56 = vector.broadcast %jit3A_54 : f32 to vector<288x288xf32>
    %select_n3A_57 = arith.select %gt3A_52, %broadcast_in_dim3A_55, %broadcast_in_dim3A_56 : vector<288x288xi1>, vector<288x288xf32>
    %eq3A_58 = vector.broadcast %scan3A_9#1 : i32 to vector<288x128xi32>
    %eq3A_59 = arith.cmpi eq, %get3A_3, %eq3A_58 : vector<288x128xi32>
    %jit3A_60 = arith.constant 1.000000e+00 : f32
    %jit3A_61 = arith.constant 0.000000e+00 : f32
    %broadcast_in_dim3A_62 = vector.broadcast %jit3A_60 : f32 to vector<288x128xf32>
    %broadcast_in_dim3A_63 = vector.broadcast %jit3A_61 : f32 to vector<288x128xf32>
    %select_n3A_64 = arith.select %eq3A_59, %broadcast_in_dim3A_62, %broadcast_in_dim3A_63 : vector<288x128xi1>, vector<288x128xf32>
    %dot_general3A = arith.constant dense<0.000000e+00> : vector<288x128xf32>
    %dot_general3A_65 = tpu.matmul %select_n3A_64, %select_n3A_49, %dot_general3A {dimension_numbers = #tpu.dot_dimension_numbers<[1], [0], [0], [1], [0, 0, 1, 1], [], []>, transpose_lhs_hint = false} : vector<288x128xf32>, vector<128x128xf32>, vector<288x128xf32> -> vector<288x128xf32>
    %slice3A = vector.extract_strided_slice %dot_general3A_65 {offsets = [0, 127], sizes = [288, 1], strides = [1, 1]} : vector<288x128xf32> to vector<288x1xf32>
    %dot_general3A_66 = arith.constant dense<0.000000e+00> : vector<288x1xf32>
    %dot_general3A_67 = tpu.matmul %select_n3A_57, %slice3A, %dot_general3A_66 {dimension_numbers = #tpu.dot_dimension_numbers<[1], [0], [0], [1], [0, 0, 1, 1], [], []>, transpose_lhs_hint = false} : vector<288x288xf32>, vector<288x1xf32>, vector<288x1xf32> -> vector<288x1xf32>
    %add3A = vector.broadcast %dot_general3A_67 : vector<288x1xf32> to vector<288x128xf32>
    %add3A_68 = arith.addf %dot_general3A_65, %add3A : vector<288x128xf32>
    %convert_element_type3A = arith.sitofp %reduce_sum3A_16 : i32 to f32
    %sub3A = arith.constant 2.000000e+03 : f32
    %sub3A_69 = arith.subf %sub3A, %convert_element_type3A : f32
    %gt3A_70 = vector.broadcast %scan3A_9#1 : i32 to vector<288x128xi32>
    %gt3A_71 = arith.cmpi sgt, %get3A_3, %gt3A_70 : vector<288x128xi32>
    %eq3A_72 = vector.broadcast %scan3A_9#1 : i32 to vector<288x128xi32>
    %eq3A_73 = arith.cmpi eq, %get3A_3, %eq3A_72 : vector<288x128xi32>
    %le3A_74 = vector.broadcast %sub3A_69 : f32 to vector<288x128xf32>
    %le3A_75 = arith.cmpf ole, %add3A_68, %le3A_74 : vector<288x128xf32>
    %and3A = arith.andi %eq3A_73, %le3A_75 : vector<288x128xi1>
    %or3A = arith.ori %gt3A_71, %and3A : vector<288x128xi1>
    %jit3A_76 = arith.constant 1.000000e+00 : f32
    %jit3A_77 = arith.constant 0.000000e+00 : f32
    %broadcast_in_dim3A_78 = vector.broadcast %jit3A_76 : f32 to vector<288x128xf32>
    %broadcast_in_dim3A_79 = vector.broadcast %jit3A_77 : f32 to vector<288x128xf32>
    %select_n3A_80 = arith.select %or3A, %broadcast_in_dim3A_78, %broadcast_in_dim3A_79 : vector<288x128xi1>, vector<288x128xf32>
    %dot_general3A_81 = arith.constant dense<0.000000e+00> : vector<288x128xf32>
    %dot_general3A_82 = tpu.matmul %select_n3A_80, %select_n3A_49, %dot_general3A_81 {dimension_numbers = #tpu.dot_dimension_numbers<[1], [0], [0], [1], [0, 0, 1, 1], [], []>, transpose_lhs_hint = false} : vector<288x128xf32>, vector<128x128xf32>, vector<288x128xf32> -> vector<288x128xf32>
    %slice3A_83 = vector.extract_strided_slice %dot_general3A_82 {offsets = [0, 127], sizes = [288, 1], strides = [1, 1]} : vector<288x128xf32> to vector<288x1xf32>
    %dot_general3A_84 = arith.constant dense<0.000000e+00> : vector<288x1xf32>
    %dot_general3A_85 = tpu.matmul %select_n3A_57, %slice3A_83, %dot_general3A_84 {dimension_numbers = #tpu.dot_dimension_numbers<[1], [0], [0], [1], [0, 0, 1, 1], [], []>, transpose_lhs_hint = false} : vector<288x288xf32>, vector<288x1xf32>, vector<288x1xf32> -> vector<288x1xf32>
    %add3A_86 = vector.broadcast %dot_general3A_85 : vector<288x1xf32> to vector<288x128xf32>
    %add3A_87 = arith.addf %dot_general3A_82, %add3A_86 : vector<288x128xf32>
    %convert_element_type3A_88 = arith.fptosi %add3A_87 : vector<288x128xf32> to vector<288x128xi32>
    %swap3A_89 = arith.constant 0 : index
    %swap3A_90 = arith.constant 0 : index
    %swap3A_91 = arith.constant 0 : index
    %swap3A_92 = vector.load %arg3[%swap3A_89, %swap3A_90, %swap3A_91] : memref<1x288x128xi32, #tpu.memory_space<vmem>>, vector<1x288x128xi32>
    %swap3A_93 = vector.shape_cast %swap3A_92 : vector<1x288x128xi32> to vector<288x128xi32>
    %swap3A_94 = vector.shape_cast %convert_element_type3A_88 : vector<288x128xi32> to vector<1x288x128xi32>
    tpu.vector_store %arg3[%swap3A_89, %swap3A_90, %swap3A_91], %swap3A_94 {strides = array<i32>} : memref<1x288x128xi32, #tpu.memory_space<vmem>>, vector<1x288x128xi32>,
    return
  }
  func.func @transform_0(%arg0: i32) -> (i32, i32, i32) {
    %c0_i32 = arith.constant 0 : i32
    %c0_i32_0 = arith.constant 0 : i32
    %c0_i32_1 = arith.constant 0 : i32
    return %arg0, %c0_i32, %c0_i32_0 : i32, i32, i32
  }
  func.func @transform_1(%arg0: i32) -> (i32, i32, i32) {
    %c0_i32 = arith.constant 0 : i32
    %c0_i32_0 = arith.constant 0 : i32
    %c0_i32_1 = arith.constant 0 : i32
    return %arg0, %c0_i32, %c0_i32_0 : i32, i32, i32
  }
  func.func @transform_2(%arg0: i32) -> (i32, i32, i32) {
    %c0_i32 = arith.constant 0 : i32
    %c0_i32_0 = arith.constant 0 : i32
    %c0_i32_1 = arith.constant 0 : i32
    return %arg0, %c0_i32, %c0_i32_0 : i32, i32, i32
  }
}

module attributes {stable_mosaic.version = 14 : i64} {
  func.func @_nms_body(%arg0: i32, %arg1: memref<1x4x2048xf32, #tpu.memory_space<vmem>>, %arg2: memref<1x2048x1xf32, #tpu.memory_space<vmem>>, %arg3: memref<1x2048x1xf32, #tpu.memory_space<vmem>>, %arg4: memref<1x2048x1xf32, #tpu.memory_space<vmem>>, %arg5: memref<1x2048x1xf32, #tpu.memory_space<vmem>>, %arg6: memref<1x1x2048xf32, #tpu.memory_space<vmem>>, %arg7: memref<1x1x2048xf32, #tpu.memory_space<vmem>>) attributes {dimension_semantics = [#tpu.dimension_semantics<arbitrary>], iteration_bounds = array<i64: 2>, scalar_prefetch = 0 : i64, scratch_operands = 0 : i64, tpu.core_type = #tpu.core_type<tc>, window_params = [{transform_indices = @transform_0, window_bounds = array<i64: 1, 4, 2048>}, {transform_indices = @transform_1, window_bounds = array<i64: 1, 2048, 1>}, {transform_indices = @transform_2, window_bounds = array<i64: 1, 2048, 1>}, {transform_indices = @transform_3, window_bounds = array<i64: 1, 2048, 1>}, {transform_indices = @transform_4, window_bounds = array<i64: 1, 2048, 1>}, {transform_indices = @transform_5, window_bounds = array<i64: 1, 1, 2048>}, {transform_indices = @transform_6, window_bounds = array<i64: 1, 1, 2048>}]} {
    %get3A = arith.constant 0 : index
    %get3A_0 = arith.constant 0 : index
    %get3A_1 = arith.constant 0 : index
    %get3A_2 = vector.load %arg1[%get3A, %get3A_0, %get3A_1] : memref<1x4x2048xf32, #tpu.memory_space<vmem>>, vector<1x1x2048xf32>
    %get3A_3 = vector.shape_cast %get3A_2 : vector<1x1x2048xf32> to vector<1x2048xf32>
    %get3A_4 = arith.constant 0 : index
    %get3A_5 = arith.constant 1 : index
    %get3A_6 = arith.constant 0 : index
    %get3A_7 = vector.load %arg1[%get3A_4, %get3A_5, %get3A_6] : memref<1x4x2048xf32, #tpu.memory_space<vmem>>, vector<1x1x2048xf32>
    %get3A_8 = vector.shape_cast %get3A_7 : vector<1x1x2048xf32> to vector<1x2048xf32>
    %get3A_9 = arith.constant 0 : index
    %get3A_10 = arith.constant 2 : index
    %get3A_11 = arith.constant 0 : index
    %get3A_12 = vector.load %arg1[%get3A_9, %get3A_10, %get3A_11] : memref<1x4x2048xf32, #tpu.memory_space<vmem>>, vector<1x1x2048xf32>
    %get3A_13 = vector.shape_cast %get3A_12 : vector<1x1x2048xf32> to vector<1x2048xf32>
    %get3A_14 = arith.constant 0 : index
    %get3A_15 = arith.constant 3 : index
    %get3A_16 = arith.constant 0 : index
    %get3A_17 = vector.load %arg1[%get3A_14, %get3A_15, %get3A_16] : memref<1x4x2048xf32, #tpu.memory_space<vmem>>, vector<1x1x2048xf32>
    %get3A_18 = vector.shape_cast %get3A_17 : vector<1x1x2048xf32> to vector<1x2048xf32>
    %sub3A = arith.subf %get3A_13, %get3A_3 : vector<1x2048xf32>
    %sub3A_19 = arith.subf %get3A_18, %get3A_8 : vector<1x2048xf32>
    %mul3A = arith.mulf %sub3A, %sub3A_19 : vector<1x2048xf32>
    %iota3A = tpu.iota {dimensions = array<i32: 1>} : vector<1x2048xi32>
    %iota3A_20 = tpu.iota {dimensions = array<i32: 0>} : vector<128x128xi32>
    %iota3A_21 = tpu.iota {dimensions = array<i32: 1>} : vector<128x128xi32>
    %gt3A = arith.cmpi sgt, %iota3A_21, %iota3A_20 : vector<128x128xi32>
    %broadcast_in_dim3A = arith.constant 0.000000e+00 : f32
    %broadcast_in_dim3A_22 = vector.broadcast %broadcast_in_dim3A : f32 to vector<1x2048xf32>
    %get3A_23 = arith.constant 0 : index
    %get3A_24 = arith.constant 0 : index
    %get3A_25 = arith.constant 0 : index
    %get3A_26 = vector.load %arg2[%get3A_23, %get3A_24, %get3A_25] : memref<1x2048x1xf32, #tpu.memory_space<vmem>>, vector<1x128x1xf32>
    %get3A_27 = vector.shape_cast %get3A_26 : vector<1x128x1xf32> to vector<128x1xf32>
    %get3A_28 = arith.constant 0 : index
    %get3A_29 = arith.constant 0 : index
    %get3A_30 = arith.constant 0 : index
    %get3A_31 = vector.load %arg3[%get3A_28, %get3A_29, %get3A_30] : memref<1x2048x1xf32, #tpu.memory_space<vmem>>, vector<1x128x1xf32>
    %get3A_32 = vector.shape_cast %get3A_31 : vector<1x128x1xf32> to vector<128x1xf32>
    %get3A_33 = arith.constant 0 : index
    %get3A_34 = arith.constant 0 : index
    %get3A_35 = arith.constant 0 : index
    %get3A_36 = vector.load %arg4[%get3A_33, %get3A_34, %get3A_35] : memref<1x2048x1xf32, #tpu.memory_space<vmem>>, vector<1x128x1xf32>
    %get3A_37 = vector.shape_cast %get3A_36 : vector<1x128x1xf32> to vector<128x1xf32>
    %get3A_38 = arith.constant 0 : index
    %get3A_39 = arith.constant 0 : index
    %get3A_40 = arith.constant 0 : index
    %get3A_41 = vector.load %arg5[%get3A_38, %get3A_39, %get3A_40] : memref<1x2048x1xf32, #tpu.memory_space<vmem>>, vector<1x128x1xf32>
    %get3A_42 = vector.shape_cast %get3A_41 : vector<1x128x1xf32> to vector<128x1xf32>
    %min3A = vector.broadcast %get3A_37 : vector<128x1xf32> to vector<128x2048xf32>
    %min3A_43 = vector.broadcast %get3A_13 : vector<1x2048xf32> to vector<128x2048xf32>
    %min3A_44 = arith.minimumf %min3A, %min3A_43 : vector<128x2048xf32>
    %max3A = vector.broadcast %get3A_27 : vector<128x1xf32> to vector<128x2048xf32>
    %max3A_45 = vector.broadcast %get3A_3 : vector<1x2048xf32> to vector<128x2048xf32>
    %max3A_46 = arith.maximumf %max3A, %max3A_45 : vector<128x2048xf32>
    %sub3A_47 = arith.subf %min3A_44, %max3A_46 : vector<128x2048xf32>
    %max3A_48 = arith.constant 0.000000e+00 : f32
    %max3A_49 = vector.broadcast %max3A_48 : f32 to vector<128x2048xf32>
    %max3A_50 = arith.maximumf %sub3A_47, %max3A_49 : vector<128x2048xf32>
    %min3A_51 = vector.broadcast %get3A_42 : vector<128x1xf32> to vector<128x2048xf32>
    %min3A_52 = vector.broadcast %get3A_18 : vector<1x2048xf32> to vector<128x2048xf32>
    %min3A_53 = arith.minimumf %min3A_51, %min3A_52 : vector<128x2048xf32>
    %max3A_54 = vector.broadcast %get3A_32 : vector<128x1xf32> to vector<128x2048xf32>
    %max3A_55 = vector.broadcast %get3A_8 : vector<1x2048xf32> to vector<128x2048xf32>
    %max3A_56 = arith.maximumf %max3A_54, %max3A_55 : vector<128x2048xf32>
    %sub3A_57 = arith.subf %min3A_53, %max3A_56 : vector<128x2048xf32>
    %max3A_58 = arith.constant 0.000000e+00 : f32
    %max3A_59 = vector.broadcast %max3A_58 : f32 to vector<128x2048xf32>
    %max3A_60 = arith.maximumf %sub3A_57, %max3A_59 : vector<128x2048xf32>
    %mul3A_61 = arith.mulf %max3A_50, %max3A_60 : vector<128x2048xf32>
    %sub3A_62 = arith.subf %get3A_37, %get3A_27 : vector<128x1xf32>
    %sub3A_63 = arith.subf %get3A_42, %get3A_32 : vector<128x1xf32>
    %mul3A_64 = arith.mulf %sub3A_62, %sub3A_63 : vector<128x1xf32>
    %add3A = vector.broadcast %mul3A_64 : vector<128x1xf32> to vector<128x2048xf32>
    %add3A_65 = vector.broadcast %mul3A : vector<1x2048xf32> to vector<128x2048xf32>
    %add3A_66 = arith.addf %add3A, %add3A_65 : vector<128x2048xf32>
    %add3A_67 = arith.constant 9.99999993E-9 : f32
    %add3A_68 = vector.broadcast %add3A_67 : f32 to vector<128x2048xf32>
    %add3A_69 = arith.addf %add3A_66, %add3A_68 : vector<128x2048xf32>
    %mul3A_70 = arith.constant 0.699999988 : f32
    %mul3A_71 = vector.broadcast %mul3A_70 : f32 to vector<128x2048xf32>
    %mul3A_72 = arith.mulf %mul3A_71, %add3A_69 : vector<128x2048xf32>
    %mul3A_73 = arith.constant 1.700000e+00 : f32
    %mul3A_74 = vector.broadcast %mul3A_73 : f32 to vector<128x2048xf32>
    %mul3A_75 = arith.mulf %mul3A_74, %mul3A_61 : vector<128x2048xf32>
    %gt3A_76 = arith.cmpf ogt, %mul3A_75, %mul3A_72 : vector<128x2048xf32>
    %jit3A = arith.constant 1.000000e+00 : f32
    %jit3A_77 = arith.constant 0.000000e+00 : f32
    %broadcast_in_dim3A_78 = vector.broadcast %jit3A : f32 to vector<128x2048xf32>
    %broadcast_in_dim3A_79 = vector.broadcast %jit3A_77 : f32 to vector<128x2048xf32>
    %select_n3A = arith.select %gt3A_76, %broadcast_in_dim3A_78, %broadcast_in_dim3A_79 : vector<128x2048xi1>, vector<128x2048xf32>
    %slice3A = vector.extract_strided_slice %select_n3A {offsets = [0, 0], sizes = [128, 128], strides = [1, 1]} : vector<128x2048xf32> to vector<128x128xf32>
    %jit3A_80 = arith.constant 0.000000e+00 : f32
    %broadcast_in_dim3A_81 = vector.broadcast %jit3A_80 : f32 to vector<128x128xf32>
    %select_n3A_82 = arith.select %gt3A, %slice3A, %broadcast_in_dim3A_81 : vector<128x128xi1>, vector<128x128xf32>
    %slice3A_83 = vector.extract_strided_slice %broadcast_in_dim3A_22 {offsets = [0, 0], sizes = [1, 128], strides = [1, 1]} : vector<1x2048xf32> to vector<1x128xf32>
    %sub3A_84 = arith.constant 1.000000e+00 : f32
    %sub3A_85 = vector.broadcast %sub3A_84 : f32 to vector<1x128xf32>
    %sub3A_86 = arith.subf %sub3A_85, %slice3A_83 : vector<1x128xf32>
    %while3A = arith.constant true
    %while3A_87:2 = scf.while (%while3A_1451 = %sub3A_86, %while3A_1452 = %while3A) : (vector<1x128xf32>, i1) -> (vector<1x128xf32>, i1) {
      scf.condition(%while3A_1452) %while3A_1451, %while3A_1452 : vector<1x128xf32>, i1
    } do {
    ^bb0(%while3A_1451: vector<1x128xf32>, %while3A_1452: i1):
      %broadcast_in_dim3A_1453 = vector.shape_cast %while3A_1451 : vector<1x128xf32> to vector<1x128xf32>
      %broadcast_in_dim3A_1454 = vector.broadcast %broadcast_in_dim3A_1453 : vector<1x128xf32> to vector<8x128xf32>
      %dot_general3A_1455 = arith.constant dense<0.000000e+00> : vector<8x128xf32>
      %dot_general3A_1456 = tpu.matmul %broadcast_in_dim3A_1454, %select_n3A_82, %dot_general3A_1455 {dimension_numbers = #tpu.dot_dimension_numbers<[1], [0], [0], [1], [0, 0, 1, 1], [], []>, transpose_lhs_hint = false} : vector<8x128xf32>, vector<128x128xf32>, vector<8x128xf32> -> vector<8x128xf32>
      %slice3A_1457 = vector.extract_strided_slice %dot_general3A_1456 {offsets = [0, 0], sizes = [1, 128], strides = [1, 1]} : vector<8x128xf32> to vector<1x128xf32>
      %lt3A = arith.constant 5.000000e-01 : f32
      %lt3A_1458 = vector.broadcast %lt3A : f32 to vector<1x128xf32>
      %lt3A_1459 = arith.cmpf olt, %slice3A_1457, %lt3A_1458 : vector<1x128xf32>
      %gt3A_1460 = arith.constant 5.000000e-01 : f32
      %gt3A_1461 = vector.broadcast %gt3A_1460 : f32 to vector<1x128xf32>
      %gt3A_1462 = arith.cmpf ogt, %sub3A_86, %gt3A_1461 : vector<1x128xf32>
      %and3A_1463 = arith.andi %lt3A_1459, %gt3A_1462 : vector<1x128xi1>
      %jit3A_1464 = arith.constant 1.000000e+00 : f32
      %jit3A_1465 = arith.constant 0.000000e+00 : f32
      %broadcast_in_dim3A_1466 = vector.broadcast %jit3A_1464 : f32 to vector<1x128xf32>
      %broadcast_in_dim3A_1467 = vector.broadcast %jit3A_1465 : f32 to vector<1x128xf32>
      %select_n3A_1468 = arith.select %and3A_1463, %broadcast_in_dim3A_1466, %broadcast_in_dim3A_1467 : vector<1x128xi1>, vector<1x128xf32>
      %ne3A = arith.cmpf one, %select_n3A_1468, %while3A_1451 : vector<1x128xf32>
      %reduce_or3A = arith.constant 1.000000e+00 : f32
      %reduce_or3A_1469 = arith.constant 0.000000e+00 : f32
      %reduce_or3A_1470 = vector.broadcast %reduce_or3A : f32 to vector<1x128xf32>
      %reduce_or3A_1471 = vector.broadcast %reduce_or3A_1469 : f32 to vector<1x128xf32>
      %reduce_or3A_1472 = arith.select %ne3A, %reduce_or3A_1470, %reduce_or3A_1471 : vector<1x128xi1>, vector<1x128xf32>
      %reduce_or3A_1473 = vector.shape_cast %reduce_or3A_1472 : vector<1x128xf32> to vector<1x1x128xf32>
      %reduce_or3A_1474 = arith.constant dense<0xFF800000> : vector<1xf32>
      %reduce_or3A_1475 = vector.multi_reduction <maximumf>, %reduce_or3A_1473, %reduce_or3A_1474 [1, 2] : vector<1x1x128xf32> to vector<1xf32>
      %reduce_or3A_1476 = vector.shape_cast %reduce_or3A_1475 : vector<1xf32> to vector<1x1x1xf32>
      %reduce_or3A_1477 = vector.extract %reduce_or3A_1476[0, 0, 0] : f32 from vector<1x1x1xf32>
      %reduce_or3A_1478 = arith.constant 0.000000e+00 : f32
      %reduce_or3A_1479 = arith.cmpf ogt, %reduce_or3A_1477, %reduce_or3A_1478 : f32
      scf.yield %select_n3A_1468, %reduce_or3A_1479 : vector<1x128xf32>, i1
    }
    %broadcast_in_dim3A_88 = vector.shape_cast %while3A_87#0 : vector<1x128xf32> to vector<1x128xf32>
    %broadcast_in_dim3A_89 = vector.broadcast %broadcast_in_dim3A_88 : vector<1x128xf32> to vector<8x128xf32>
    %dot_general3A = arith.constant dense<0.000000e+00> : vector<8x2048xf32>
    %dot_general3A_90 = tpu.matmul %broadcast_in_dim3A_89, %select_n3A, %dot_general3A {dimension_numbers = #tpu.dot_dimension_numbers<[1], [0], [0], [1], [0, 0, 1, 1], [], []>, transpose_lhs_hint = false} : vector<8x128xf32>, vector<128x2048xf32>, vector<8x2048xf32> -> vector<8x2048xf32>
    %slice3A_91 = vector.extract_strided_slice %dot_general3A_90 {offsets = [0, 0], sizes = [1, 2048], strides = [1, 1]} : vector<8x2048xf32> to vector<1x2048xf32>
    %gt3A_92 = arith.constant 5.000000e-01 : f32
    %gt3A_93 = vector.broadcast %gt3A_92 : f32 to vector<1x2048xf32>
    %gt3A_94 = arith.cmpf ogt, %slice3A_91, %gt3A_93 : vector<1x2048xf32>
    %ge3A = arith.constant 128 : i32
    %ge3A_95 = vector.broadcast %ge3A : i32 to vector<1x2048xi32>
    %ge3A_96 = arith.cmpi sge, %iota3A, %ge3A_95 : vector<1x2048xi32>
    %and3A = arith.andi %gt3A_94, %ge3A_96 : vector<1x2048xi1>
    %jit3A_97 = arith.constant 1.000000e+00 : f32
    %jit3A_98 = arith.constant 0.000000e+00 : f32
    %broadcast_in_dim3A_99 = vector.broadcast %jit3A_97 : f32 to vector<1x2048xf32>
    %broadcast_in_dim3A_100 = vector.broadcast %jit3A_98 : f32 to vector<1x2048xf32>
    %select_n3A_101 = arith.select %and3A, %broadcast_in_dim3A_99, %broadcast_in_dim3A_100 : vector<1x2048xi1>, vector<1x2048xf32>
    %max3A_102 = arith.maximumf %broadcast_in_dim3A_22, %select_n3A_101 : vector<1x2048xf32>
    %get3A_103 = arith.constant 0 : index
    %get3A_104 = arith.constant 128 : index
    %get3A_105 = arith.constant 0 : index
    %get3A_106 = vector.load %arg2[%get3A_103, %get3A_104, %get3A_105] : memref<1x2048x1xf32, #tpu.memory_space<vmem>>, vector<1x128x1xf32>
    %get3A_107 = vector.shape_cast %get3A_106 : vector<1x128x1xf32> to vector<128x1xf32>
    %get3A_108 = arith.constant 0 : index
    %get3A_109 = arith.constant 128 : index
    %get3A_110 = arith.constant 0 : index
    %get3A_111 = vector.load %arg3[%get3A_108, %get3A_109, %get3A_110] : memref<1x2048x1xf32, #tpu.memory_space<vmem>>, vector<1x128x1xf32>
    %get3A_112 = vector.shape_cast %get3A_111 : vector<1x128x1xf32> to vector<128x1xf32>
    %get3A_113 = arith.constant 0 : index
    %get3A_114 = arith.constant 128 : index
    %get3A_115 = arith.constant 0 : index
    %get3A_116 = vector.load %arg4[%get3A_113, %get3A_114, %get3A_115] : memref<1x2048x1xf32, #tpu.memory_space<vmem>>, vector<1x128x1xf32>
    %get3A_117 = vector.shape_cast %get3A_116 : vector<1x128x1xf32> to vector<128x1xf32>
    %get3A_118 = arith.constant 0 : index
    %get3A_119 = arith.constant 128 : index
    %get3A_120 = arith.constant 0 : index
    %get3A_121 = vector.load %arg5[%get3A_118, %get3A_119, %get3A_120] : memref<1x2048x1xf32, #tpu.memory_space<vmem>>, vector<1x128x1xf32>
    %get3A_122 = vector.shape_cast %get3A_121 : vector<1x128x1xf32> to vector<128x1xf32>
    %min3A_123 = vector.broadcast %get3A_117 : vector<128x1xf32> to vector<128x2048xf32>
    %min3A_124 = vector.broadcast %get3A_13 : vector<1x2048xf32> to vector<128x2048xf32>
    %min3A_125 = arith.minimumf %min3A_123, %min3A_124 : vector<128x2048xf32>
    %max3A_126 = vector.broadcast %get3A_107 : vector<128x1xf32> to vector<128x2048xf32>
    %max3A_127 = vector.broadcast %get3A_3 : vector<1x2048xf32> to vector<128x2048xf32>
    %max3A_128 = arith.maximumf %max3A_126, %max3A_127 : vector<128x2048xf32>
    %sub3A_129 = arith.subf %min3A_125, %max3A_128 : vector<128x2048xf32>
    %max3A_130 = arith.constant 0.000000e+00 : f32
    %max3A_131 = vector.broadcast %max3A_130 : f32 to vector<128x2048xf32>
    %max3A_132 = arith.maximumf %sub3A_129, %max3A_131 : vector<128x2048xf32>
    %min3A_133 = vector.broadcast %get3A_122 : vector<128x1xf32> to vector<128x2048xf32>
    %min3A_134 = vector.broadcast %get3A_18 : vector<1x2048xf32> to vector<128x2048xf32>
    %min3A_135 = arith.minimumf %min3A_133, %min3A_134 : vector<128x2048xf32>
    %max3A_136 = vector.broadcast %get3A_112 : vector<128x1xf32> to vector<128x2048xf32>
    %max3A_137 = vector.broadcast %get3A_8 : vector<1x2048xf32> to vector<128x2048xf32>
    %max3A_138 = arith.maximumf %max3A_136, %max3A_137 : vector<128x2048xf32>
    %sub3A_139 = arith.subf %min3A_135, %max3A_138 : vector<128x2048xf32>
    %max3A_140 = arith.constant 0.000000e+00 : f32
    %max3A_141 = vector.broadcast %max3A_140 : f32 to vector<128x2048xf32>
    %max3A_142 = arith.maximumf %sub3A_139, %max3A_141 : vector<128x2048xf32>
    %mul3A_143 = arith.mulf %max3A_132, %max3A_142 : vector<128x2048xf32>
    %sub3A_144 = arith.subf %get3A_117, %get3A_107 : vector<128x1xf32>
    %sub3A_145 = arith.subf %get3A_122, %get3A_112 : vector<128x1xf32>
    %mul3A_146 = arith.mulf %sub3A_144, %sub3A_145 : vector<128x1xf32>
    %add3A_147 = vector.broadcast %mul3A_146 : vector<128x1xf32> to vector<128x2048xf32>
    %add3A_148 = vector.broadcast %mul3A : vector<1x2048xf32> to vector<128x2048xf32>
    %add3A_149 = arith.addf %add3A_147, %add3A_148 : vector<128x2048xf32>
    %add3A_150 = arith.constant 9.99999993E-9 : f32
    %add3A_151 = vector.broadcast %add3A_150 : f32 to vector<128x2048xf32>
    %add3A_152 = arith.addf %add3A_149, %add3A_151 : vector<128x2048xf32>
    %mul3A_153 = arith.constant 0.699999988 : f32
    %mul3A_154 = vector.broadcast %mul3A_153 : f32 to vector<128x2048xf32>
    %mul3A_155 = arith.mulf %mul3A_154, %add3A_152 : vector<128x2048xf32>
    %mul3A_156 = arith.constant 1.700000e+00 : f32
    %mul3A_157 = vector.broadcast %mul3A_156 : f32 to vector<128x2048xf32>
    %mul3A_158 = arith.mulf %mul3A_157, %mul3A_143 : vector<128x2048xf32>
    %gt3A_159 = arith.cmpf ogt, %mul3A_158, %mul3A_155 : vector<128x2048xf32>
    %jit3A_160 = arith.constant 1.000000e+00 : f32
    %jit3A_161 = arith.constant 0.000000e+00 : f32
    %broadcast_in_dim3A_162 = vector.broadcast %jit3A_160 : f32 to vector<128x2048xf32>
    %broadcast_in_dim3A_163 = vector.broadcast %jit3A_161 : f32 to vector<128x2048xf32>
    %select_n3A_164 = arith.select %gt3A_159, %broadcast_in_dim3A_162, %broadcast_in_dim3A_163 : vector<128x2048xi1>, vector<128x2048xf32>
    %slice3A_165 = vector.extract_strided_slice %select_n3A_164 {offsets = [0, 128], sizes = [128, 128], strides = [1, 1]} : vector<128x2048xf32> to vector<128x128xf32>
    %jit3A_166 = arith.constant 0.000000e+00 : f32
    %broadcast_in_dim3A_167 = vector.broadcast %jit3A_166 : f32 to vector<128x128xf32>
    %select_n3A_168 = arith.select %gt3A, %slice3A_165, %broadcast_in_dim3A_167 : vector<128x128xi1>, vector<128x128xf32>
    %slice3A_169 = vector.extract_strided_slice %max3A_102 {offsets = [0, 128], sizes = [1, 128], strides = [1, 1]} : vector<1x2048xf32> to vector<1x128xf32>
    %sub3A_170 = arith.constant 1.000000e+00 : f32
    %sub3A_171 = vector.broadcast %sub3A_170 : f32 to vector<1x128xf32>
    %sub3A_172 = arith.subf %sub3A_171, %slice3A_169 : vector<1x128xf32>
    %while3A_173 = arith.constant true
    %while3A_174:2 = scf.while (%while3A_1451 = %sub3A_172, %while3A_1452 = %while3A_173) : (vector<1x128xf32>, i1) -> (vector<1x128xf32>, i1) {
      scf.condition(%while3A_1452) %while3A_1451, %while3A_1452 : vector<1x128xf32>, i1
    } do {
    ^bb0(%while3A_1451: vector<1x128xf32>, %while3A_1452: i1):
      %broadcast_in_dim3A_1453 = vector.shape_cast %while3A_1451 : vector<1x128xf32> to vector<1x128xf32>
      %broadcast_in_dim3A_1454 = vector.broadcast %broadcast_in_dim3A_1453 : vector<1x128xf32> to vector<8x128xf32>
      %dot_general3A_1455 = arith.constant dense<0.000000e+00> : vector<8x128xf32>
      %dot_general3A_1456 = tpu.matmul %broadcast_in_dim3A_1454, %select_n3A_168, %dot_general3A_1455 {dimension_numbers = #tpu.dot_dimension_numbers<[1], [0], [0], [1], [0, 0, 1, 1], [], []>, transpose_lhs_hint = false} : vector<8x128xf32>, vector<128x128xf32>, vector<8x128xf32> -> vector<8x128xf32>
      %slice3A_1457 = vector.extract_strided_slice %dot_general3A_1456 {offsets = [0, 0], sizes = [1, 128], strides = [1, 1]} : vector<8x128xf32> to vector<1x128xf32>
      %lt3A = arith.constant 5.000000e-01 : f32
      %lt3A_1458 = vector.broadcast %lt3A : f32 to vector<1x128xf32>
      %lt3A_1459 = arith.cmpf olt, %slice3A_1457, %lt3A_1458 : vector<1x128xf32>
      %gt3A_1460 = arith.constant 5.000000e-01 : f32
      %gt3A_1461 = vector.broadcast %gt3A_1460 : f32 to vector<1x128xf32>
      %gt3A_1462 = arith.cmpf ogt, %sub3A_172, %gt3A_1461 : vector<1x128xf32>
      %and3A_1463 = arith.andi %lt3A_1459, %gt3A_1462 : vector<1x128xi1>
      %jit3A_1464 = arith.constant 1.000000e+00 : f32
      %jit3A_1465 = arith.constant 0.000000e+00 : f32
      %broadcast_in_dim3A_1466 = vector.broadcast %jit3A_1464 : f32 to vector<1x128xf32>
      %broadcast_in_dim3A_1467 = vector.broadcast %jit3A_1465 : f32 to vector<1x128xf32>
      %select_n3A_1468 = arith.select %and3A_1463, %broadcast_in_dim3A_1466, %broadcast_in_dim3A_1467 : vector<1x128xi1>, vector<1x128xf32>
      %ne3A = arith.cmpf one, %select_n3A_1468, %while3A_1451 : vector<1x128xf32>
      %reduce_or3A = arith.constant 1.000000e+00 : f32
      %reduce_or3A_1469 = arith.constant 0.000000e+00 : f32
      %reduce_or3A_1470 = vector.broadcast %reduce_or3A : f32 to vector<1x128xf32>
      %reduce_or3A_1471 = vector.broadcast %reduce_or3A_1469 : f32 to vector<1x128xf32>
      %reduce_or3A_1472 = arith.select %ne3A, %reduce_or3A_1470, %reduce_or3A_1471 : vector<1x128xi1>, vector<1x128xf32>
      %reduce_or3A_1473 = vector.shape_cast %reduce_or3A_1472 : vector<1x128xf32> to vector<1x1x128xf32>
      %reduce_or3A_1474 = arith.constant dense<0xFF800000> : vector<1xf32>
      %reduce_or3A_1475 = vector.multi_reduction <maximumf>, %reduce_or3A_1473, %reduce_or3A_1474 [1, 2] : vector<1x1x128xf32> to vector<1xf32>
      %reduce_or3A_1476 = vector.shape_cast %reduce_or3A_1475 : vector<1xf32> to vector<1x1x1xf32>
      %reduce_or3A_1477 = vector.extract %reduce_or3A_1476[0, 0, 0] : f32 from vector<1x1x1xf32>
      %reduce_or3A_1478 = arith.constant 0.000000e+00 : f32
      %reduce_or3A_1479 = arith.cmpf ogt, %reduce_or3A_1477, %reduce_or3A_1478 : f32
      scf.yield %select_n3A_1468, %reduce_or3A_1479 : vector<1x128xf32>, i1
    }
    %broadcast_in_dim3A_175 = vector.shape_cast %while3A_174#0 : vector<1x128xf32> to vector<1x128xf32>
    %broadcast_in_dim3A_176 = vector.broadcast %broadcast_in_dim3A_175 : vector<1x128xf32> to vector<8x128xf32>
    %dot_general3A_177 = arith.constant dense<0.000000e+00> : vector<8x2048xf32>
    %dot_general3A_178 = tpu.matmul %broadcast_in_dim3A_176, %select_n3A_164, %dot_general3A_177 {dimension_numbers = #tpu.dot_dimension_numbers<[1], [0], [0], [1], [0, 0, 1, 1], [], []>, transpose_lhs_hint = false} : vector<8x128xf32>, vector<128x2048xf32>, vector<8x2048xf32> -> vector<8x2048xf32>
    %slice3A_179 = vector.extract_strided_slice %dot_general3A_178 {offsets = [0, 0], sizes = [1, 2048], strides = [1, 1]} : vector<8x2048xf32> to vector<1x2048xf32>
    %gt3A_180 = arith.constant 5.000000e-01 : f32
    %gt3A_181 = vector.broadcast %gt3A_180 : f32 to vector<1x2048xf32>
    %gt3A_182 = arith.cmpf ogt, %slice3A_179, %gt3A_181 : vector<1x2048xf32>
    %ge3A_183 = arith.constant 256 : i32
    %ge3A_184 = vector.broadcast %ge3A_183 : i32 to vector<1x2048xi32>
    %ge3A_185 = arith.cmpi sge, %iota3A, %ge3A_184 : vector<1x2048xi32>
    %and3A_186 = arith.andi %gt3A_182, %ge3A_185 : vector<1x2048xi1>
    %jit3A_187 = arith.constant 1.000000e+00 : f32
    %jit3A_188 = arith.constant 0.000000e+00 : f32
    %broadcast_in_dim3A_189 = vector.broadcast %jit3A_187 : f32 to vector<1x2048xf32>
    %broadcast_in_dim3A_190 = vector.broadcast %jit3A_188 : f32 to vector<1x2048xf32>
    %select_n3A_191 = arith.select %and3A_186, %broadcast_in_dim3A_189, %broadcast_in_dim3A_190 : vector<1x2048xi1>, vector<1x2048xf32>
    %max3A_192 = arith.maximumf %max3A_102, %select_n3A_191 : vector<1x2048xf32>
    %get3A_193 = arith.constant 0 : index
    %get3A_194 = arith.constant 256 : index
    %get3A_195 = arith.constant 0 : index
    %get3A_196 = vector.load %arg2[%get3A_193, %get3A_194, %get3A_195] : memref<1x2048x1xf32, #tpu.memory_space<vmem>>, vector<1x128x1xf32>
    %get3A_197 = vector.shape_cast %get3A_196 : vector<1x128x1xf32> to vector<128x1xf32>
    %get3A_198 = arith.constant 0 : index
    %get3A_199 = arith.constant 256 : index
    %get3A_200 = arith.constant 0 : index
    %get3A_201 = vector.load %arg3[%get3A_198, %get3A_199, %get3A_200] : memref<1x2048x1xf32, #tpu.memory_space<vmem>>, vector<1x128x1xf32>
    %get3A_202 = vector.shape_cast %get3A_201 : vector<1x128x1xf32> to vector<128x1xf32>
    %get3A_203 = arith.constant 0 : index
    %get3A_204 = arith.constant 256 : index
    %get3A_205 = arith.constant 0 : index
    %get3A_206 = vector.load %arg4[%get3A_203, %get3A_204, %get3A_205] : memref<1x2048x1xf32, #tpu.memory_space<vmem>>, vector<1x128x1xf32>
    %get3A_207 = vector.shape_cast %get3A_206 : vector<1x128x1xf32> to vector<128x1xf32>
    %get3A_208 = arith.constant 0 : index
    %get3A_209 = arith.constant 256 : index
    %get3A_210 = arith.constant 0 : index
    %get3A_211 = vector.load %arg5[%get3A_208, %get3A_209, %get3A_210] : memref<1x2048x1xf32, #tpu.memory_space<vmem>>, vector<1x128x1xf32>
    %get3A_212 = vector.shape_cast %get3A_211 : vector<1x128x1xf32> to vector<128x1xf32>
    %min3A_213 = vector.broadcast %get3A_207 : vector<128x1xf32> to vector<128x2048xf32>
    %min3A_214 = vector.broadcast %get3A_13 : vector<1x2048xf32> to vector<128x2048xf32>
    %min3A_215 = arith.minimumf %min3A_213, %min3A_214 : vector<128x2048xf32>
    %max3A_216 = vector.broadcast %get3A_197 : vector<128x1xf32> to vector<128x2048xf32>
    %max3A_217 = vector.broadcast %get3A_3 : vector<1x2048xf32> to vector<128x2048xf32>
    %max3A_218 = arith.maximumf %max3A_216, %max3A_217 : vector<128x2048xf32>
    %sub3A_219 = arith.subf %min3A_215, %max3A_218 : vector<128x2048xf32>
    %max3A_220 = arith.constant 0.000000e+00 : f32
    %max3A_221 = vector.broadcast %max3A_220 : f32 to vector<128x2048xf32>
    %max3A_222 = arith.maximumf %sub3A_219, %max3A_221 : vector<128x2048xf32>
    %min3A_223 = vector.broadcast %get3A_212 : vector<128x1xf32> to vector<128x2048xf32>
    %min3A_224 = vector.broadcast %get3A_18 : vector<1x2048xf32> to vector<128x2048xf32>
    %min3A_225 = arith.minimumf %min3A_223, %min3A_224 : vector<128x2048xf32>
    %max3A_226 = vector.broadcast %get3A_202 : vector<128x1xf32> to vector<128x2048xf32>
    %max3A_227 = vector.broadcast %get3A_8 : vector<1x2048xf32> to vector<128x2048xf32>
    %max3A_228 = arith.maximumf %max3A_226, %max3A_227 : vector<128x2048xf32>
    %sub3A_229 = arith.subf %min3A_225, %max3A_228 : vector<128x2048xf32>
    %max3A_230 = arith.constant 0.000000e+00 : f32
    %max3A_231 = vector.broadcast %max3A_230 : f32 to vector<128x2048xf32>
    %max3A_232 = arith.maximumf %sub3A_229, %max3A_231 : vector<128x2048xf32>
    %mul3A_233 = arith.mulf %max3A_222, %max3A_232 : vector<128x2048xf32>
    %sub3A_234 = arith.subf %get3A_207, %get3A_197 : vector<128x1xf32>
    %sub3A_235 = arith.subf %get3A_212, %get3A_202 : vector<128x1xf32>
    %mul3A_236 = arith.mulf %sub3A_234, %sub3A_235 : vector<128x1xf32>
    %add3A_237 = vector.broadcast %mul3A_236 : vector<128x1xf32> to vector<128x2048xf32>
    %add3A_238 = vector.broadcast %mul3A : vector<1x2048xf32> to vector<128x2048xf32>
    %add3A_239 = arith.addf %add3A_237, %add3A_238 : vector<128x2048xf32>
    %add3A_240 = arith.constant 9.99999993E-9 : f32
    %add3A_241 = vector.broadcast %add3A_240 : f32 to vector<128x2048xf32>
    %add3A_242 = arith.addf %add3A_239, %add3A_241 : vector<128x2048xf32>
    %mul3A_243 = arith.constant 0.699999988 : f32
    %mul3A_244 = vector.broadcast %mul3A_243 : f32 to vector<128x2048xf32>
    %mul3A_245 = arith.mulf %mul3A_244, %add3A_242 : vector<128x2048xf32>
    %mul3A_246 = arith.constant 1.700000e+00 : f32
    %mul3A_247 = vector.broadcast %mul3A_246 : f32 to vector<128x2048xf32>
    %mul3A_248 = arith.mulf %mul3A_247, %mul3A_233 : vector<128x2048xf32>
    %gt3A_249 = arith.cmpf ogt, %mul3A_248, %mul3A_245 : vector<128x2048xf32>
    %jit3A_250 = arith.constant 1.000000e+00 : f32
    %jit3A_251 = arith.constant 0.000000e+00 : f32
    %broadcast_in_dim3A_252 = vector.broadcast %jit3A_250 : f32 to vector<128x2048xf32>
    %broadcast_in_dim3A_253 = vector.broadcast %jit3A_251 : f32 to vector<128x2048xf32>
    %select_n3A_254 = arith.select %gt3A_249, %broadcast_in_dim3A_252, %broadcast_in_dim3A_253 : vector<128x2048xi1>, vector<128x2048xf32>
    %slice3A_255 = vector.extract_strided_slice %select_n3A_254 {offsets = [0, 256], sizes = [128, 128], strides = [1, 1]} : vector<128x2048xf32> to vector<128x128xf32>
    %jit3A_256 = arith.constant 0.000000e+00 : f32
    %broadcast_in_dim3A_257 = vector.broadcast %jit3A_256 : f32 to vector<128x128xf32>
    %select_n3A_258 = arith.select %gt3A, %slice3A_255, %broadcast_in_dim3A_257 : vector<128x128xi1>, vector<128x128xf32>
    %slice3A_259 = vector.extract_strided_slice %max3A_192 {offsets = [0, 256], sizes = [1, 128], strides = [1, 1]} : vector<1x2048xf32> to vector<1x128xf32>
    %sub3A_260 = arith.constant 1.000000e+00 : f32
    %sub3A_261 = vector.broadcast %sub3A_260 : f32 to vector<1x128xf32>
    %sub3A_262 = arith.subf %sub3A_261, %slice3A_259 : vector<1x128xf32>
    %while3A_263 = arith.constant true
    %while3A_264:2 = scf.while (%while3A_1451 = %sub3A_262, %while3A_1452 = %while3A_263) : (vector<1x128xf32>, i1) -> (vector<1x128xf32>, i1) {
      scf.condition(%while3A_1452) %while3A_1451, %while3A_1452 : vector<1x128xf32>, i1
    } do {
    ^bb0(%while3A_1451: vector<1x128xf32>, %while3A_1452: i1):
      %broadcast_in_dim3A_1453 = vector.shape_cast %while3A_1451 : vector<1x128xf32> to vector<1x128xf32>
      %broadcast_in_dim3A_1454 = vector.broadcast %broadcast_in_dim3A_1453 : vector<1x128xf32> to vector<8x128xf32>
      %dot_general3A_1455 = arith.constant dense<0.000000e+00> : vector<8x128xf32>
      %dot_general3A_1456 = tpu.matmul %broadcast_in_dim3A_1454, %select_n3A_258, %dot_general3A_1455 {dimension_numbers = #tpu.dot_dimension_numbers<[1], [0], [0], [1], [0, 0, 1, 1], [], []>, transpose_lhs_hint = false} : vector<8x128xf32>, vector<128x128xf32>, vector<8x128xf32> -> vector<8x128xf32>
      %slice3A_1457 = vector.extract_strided_slice %dot_general3A_1456 {offsets = [0, 0], sizes = [1, 128], strides = [1, 1]} : vector<8x128xf32> to vector<1x128xf32>
      %lt3A = arith.constant 5.000000e-01 : f32
      %lt3A_1458 = vector.broadcast %lt3A : f32 to vector<1x128xf32>
      %lt3A_1459 = arith.cmpf olt, %slice3A_1457, %lt3A_1458 : vector<1x128xf32>
      %gt3A_1460 = arith.constant 5.000000e-01 : f32
      %gt3A_1461 = vector.broadcast %gt3A_1460 : f32 to vector<1x128xf32>
      %gt3A_1462 = arith.cmpf ogt, %sub3A_262, %gt3A_1461 : vector<1x128xf32>
      %and3A_1463 = arith.andi %lt3A_1459, %gt3A_1462 : vector<1x128xi1>
      %jit3A_1464 = arith.constant 1.000000e+00 : f32
      %jit3A_1465 = arith.constant 0.000000e+00 : f32
      %broadcast_in_dim3A_1466 = vector.broadcast %jit3A_1464 : f32 to vector<1x128xf32>
      %broadcast_in_dim3A_1467 = vector.broadcast %jit3A_1465 : f32 to vector<1x128xf32>
      %select_n3A_1468 = arith.select %and3A_1463, %broadcast_in_dim3A_1466, %broadcast_in_dim3A_1467 : vector<1x128xi1>, vector<1x128xf32>
      %ne3A = arith.cmpf one, %select_n3A_1468, %while3A_1451 : vector<1x128xf32>
      %reduce_or3A = arith.constant 1.000000e+00 : f32
      %reduce_or3A_1469 = arith.constant 0.000000e+00 : f32
      %reduce_or3A_1470 = vector.broadcast %reduce_or3A : f32 to vector<1x128xf32>
      %reduce_or3A_1471 = vector.broadcast %reduce_or3A_1469 : f32 to vector<1x128xf32>
      %reduce_or3A_1472 = arith.select %ne3A, %reduce_or3A_1470, %reduce_or3A_1471 : vector<1x128xi1>, vector<1x128xf32>
      %reduce_or3A_1473 = vector.shape_cast %reduce_or3A_1472 : vector<1x128xf32> to vector<1x1x128xf32>
      %reduce_or3A_1474 = arith.constant dense<0xFF800000> : vector<1xf32>
      %reduce_or3A_1475 = vector.multi_reduction <maximumf>, %reduce_or3A_1473, %reduce_or3A_1474 [1, 2] : vector<1x1x128xf32> to vector<1xf32>
      %reduce_or3A_1476 = vector.shape_cast %reduce_or3A_1475 : vector<1xf32> to vector<1x1x1xf32>
      %reduce_or3A_1477 = vector.extract %reduce_or3A_1476[0, 0, 0] : f32 from vector<1x1x1xf32>
      %reduce_or3A_1478 = arith.constant 0.000000e+00 : f32
      %reduce_or3A_1479 = arith.cmpf ogt, %reduce_or3A_1477, %reduce_or3A_1478 : f32
      scf.yield %select_n3A_1468, %reduce_or3A_1479 : vector<1x128xf32>, i1
    }
    %broadcast_in_dim3A_265 = vector.shape_cast %while3A_264#0 : vector<1x128xf32> to vector<1x128xf32>
    %broadcast_in_dim3A_266 = vector.broadcast %broadcast_in_dim3A_265 : vector<1x128xf32> to vector<8x128xf32>
    %dot_general3A_267 = arith.constant dense<0.000000e+00> : vector<8x2048xf32>
    %dot_general3A_268 = tpu.matmul %broadcast_in_dim3A_266, %select_n3A_254, %dot_general3A_267 {dimension_numbers = #tpu.dot_dimension_numbers<[1], [0], [0], [1], [0, 0, 1, 1], [], []>, transpose_lhs_hint = false} : vector<8x128xf32>, vector<128x2048xf32>, vector<8x2048xf32> -> vector<8x2048xf32>
    %slice3A_269 = vector.extract_strided_slice %dot_general3A_268 {offsets = [0, 0], sizes = [1, 2048], strides = [1, 1]} : vector<8x2048xf32> to vector<1x2048xf32>
    %gt3A_270 = arith.constant 5.000000e-01 : f32
    %gt3A_271 = vector.broadcast %gt3A_270 : f32 to vector<1x2048xf32>
    %gt3A_272 = arith.cmpf ogt, %slice3A_269, %gt3A_271 : vector<1x2048xf32>
    %ge3A_273 = arith.constant 384 : i32
    %ge3A_274 = vector.broadcast %ge3A_273 : i32 to vector<1x2048xi32>
    %ge3A_275 = arith.cmpi sge, %iota3A, %ge3A_274 : vector<1x2048xi32>
    %and3A_276 = arith.andi %gt3A_272, %ge3A_275 : vector<1x2048xi1>
    %jit3A_277 = arith.constant 1.000000e+00 : f32
    %jit3A_278 = arith.constant 0.000000e+00 : f32
    %broadcast_in_dim3A_279 = vector.broadcast %jit3A_277 : f32 to vector<1x2048xf32>
    %broadcast_in_dim3A_280 = vector.broadcast %jit3A_278 : f32 to vector<1x2048xf32>
    %select_n3A_281 = arith.select %and3A_276, %broadcast_in_dim3A_279, %broadcast_in_dim3A_280 : vector<1x2048xi1>, vector<1x2048xf32>
    %max3A_282 = arith.maximumf %max3A_192, %select_n3A_281 : vector<1x2048xf32>
    %get3A_283 = arith.constant 0 : index
    %get3A_284 = arith.constant 384 : index
    %get3A_285 = arith.constant 0 : index
    %get3A_286 = vector.load %arg2[%get3A_283, %get3A_284, %get3A_285] : memref<1x2048x1xf32, #tpu.memory_space<vmem>>, vector<1x128x1xf32>
    %get3A_287 = vector.shape_cast %get3A_286 : vector<1x128x1xf32> to vector<128x1xf32>
    %get3A_288 = arith.constant 0 : index
    %get3A_289 = arith.constant 384 : index
    %get3A_290 = arith.constant 0 : index
    %get3A_291 = vector.load %arg3[%get3A_288, %get3A_289, %get3A_290] : memref<1x2048x1xf32, #tpu.memory_space<vmem>>, vector<1x128x1xf32>
    %get3A_292 = vector.shape_cast %get3A_291 : vector<1x128x1xf32> to vector<128x1xf32>
    %get3A_293 = arith.constant 0 : index
    %get3A_294 = arith.constant 384 : index
    %get3A_295 = arith.constant 0 : index
    %get3A_296 = vector.load %arg4[%get3A_293, %get3A_294, %get3A_295] : memref<1x2048x1xf32, #tpu.memory_space<vmem>>, vector<1x128x1xf32>
    %get3A_297 = vector.shape_cast %get3A_296 : vector<1x128x1xf32> to vector<128x1xf32>
    %get3A_298 = arith.constant 0 : index
    %get3A_299 = arith.constant 384 : index
    %get3A_300 = arith.constant 0 : index
    %get3A_301 = vector.load %arg5[%get3A_298, %get3A_299, %get3A_300] : memref<1x2048x1xf32, #tpu.memory_space<vmem>>, vector<1x128x1xf32>
    %get3A_302 = vector.shape_cast %get3A_301 : vector<1x128x1xf32> to vector<128x1xf32>
    %min3A_303 = vector.broadcast %get3A_297 : vector<128x1xf32> to vector<128x2048xf32>
    %min3A_304 = vector.broadcast %get3A_13 : vector<1x2048xf32> to vector<128x2048xf32>
    %min3A_305 = arith.minimumf %min3A_303, %min3A_304 : vector<128x2048xf32>
    %max3A_306 = vector.broadcast %get3A_287 : vector<128x1xf32> to vector<128x2048xf32>
    %max3A_307 = vector.broadcast %get3A_3 : vector<1x2048xf32> to vector<128x2048xf32>
    %max3A_308 = arith.maximumf %max3A_306, %max3A_307 : vector<128x2048xf32>
    %sub3A_309 = arith.subf %min3A_305, %max3A_308 : vector<128x2048xf32>
    %max3A_310 = arith.constant 0.000000e+00 : f32
    %max3A_311 = vector.broadcast %max3A_310 : f32 to vector<128x2048xf32>
    %max3A_312 = arith.maximumf %sub3A_309, %max3A_311 : vector<128x2048xf32>
    %min3A_313 = vector.broadcast %get3A_302 : vector<128x1xf32> to vector<128x2048xf32>
    %min3A_314 = vector.broadcast %get3A_18 : vector<1x2048xf32> to vector<128x2048xf32>
    %min3A_315 = arith.minimumf %min3A_313, %min3A_314 : vector<128x2048xf32>
    %max3A_316 = vector.broadcast %get3A_292 : vector<128x1xf32> to vector<128x2048xf32>
    %max3A_317 = vector.broadcast %get3A_8 : vector<1x2048xf32> to vector<128x2048xf32>
    %max3A_318 = arith.maximumf %max3A_316, %max3A_317 : vector<128x2048xf32>
    %sub3A_319 = arith.subf %min3A_315, %max3A_318 : vector<128x2048xf32>
    %max3A_320 = arith.constant 0.000000e+00 : f32
    %max3A_321 = vector.broadcast %max3A_320 : f32 to vector<128x2048xf32>
    %max3A_322 = arith.maximumf %sub3A_319, %max3A_321 : vector<128x2048xf32>
    %mul3A_323 = arith.mulf %max3A_312, %max3A_322 : vector<128x2048xf32>
    %sub3A_324 = arith.subf %get3A_297, %get3A_287 : vector<128x1xf32>
    %sub3A_325 = arith.subf %get3A_302, %get3A_292 : vector<128x1xf32>
    %mul3A_326 = arith.mulf %sub3A_324, %sub3A_325 : vector<128x1xf32>
    %add3A_327 = vector.broadcast %mul3A_326 : vector<128x1xf32> to vector<128x2048xf32>
    %add3A_328 = vector.broadcast %mul3A : vector<1x2048xf32> to vector<128x2048xf32>
    %add3A_329 = arith.addf %add3A_327, %add3A_328 : vector<128x2048xf32>
    %add3A_330 = arith.constant 9.99999993E-9 : f32
    %add3A_331 = vector.broadcast %add3A_330 : f32 to vector<128x2048xf32>
    %add3A_332 = arith.addf %add3A_329, %add3A_331 : vector<128x2048xf32>
    %mul3A_333 = arith.constant 0.699999988 : f32
    %mul3A_334 = vector.broadcast %mul3A_333 : f32 to vector<128x2048xf32>
    %mul3A_335 = arith.mulf %mul3A_334, %add3A_332 : vector<128x2048xf32>
    %mul3A_336 = arith.constant 1.700000e+00 : f32
    %mul3A_337 = vector.broadcast %mul3A_336 : f32 to vector<128x2048xf32>
    %mul3A_338 = arith.mulf %mul3A_337, %mul3A_323 : vector<128x2048xf32>
    %gt3A_339 = arith.cmpf ogt, %mul3A_338, %mul3A_335 : vector<128x2048xf32>
    %jit3A_340 = arith.constant 1.000000e+00 : f32
    %jit3A_341 = arith.constant 0.000000e+00 : f32
    %broadcast_in_dim3A_342 = vector.broadcast %jit3A_340 : f32 to vector<128x2048xf32>
    %broadcast_in_dim3A_343 = vector.broadcast %jit3A_341 : f32 to vector<128x2048xf32>
    %select_n3A_344 = arith.select %gt3A_339, %broadcast_in_dim3A_342, %broadcast_in_dim3A_343 : vector<128x2048xi1>, vector<128x2048xf32>
    %slice3A_345 = vector.extract_strided_slice %select_n3A_344 {offsets = [0, 384], sizes = [128, 128], strides = [1, 1]} : vector<128x2048xf32> to vector<128x128xf32>
    %jit3A_346 = arith.constant 0.000000e+00 : f32
    %broadcast_in_dim3A_347 = vector.broadcast %jit3A_346 : f32 to vector<128x128xf32>
    %select_n3A_348 = arith.select %gt3A, %slice3A_345, %broadcast_in_dim3A_347 : vector<128x128xi1>, vector<128x128xf32>
    %slice3A_349 = vector.extract_strided_slice %max3A_282 {offsets = [0, 384], sizes = [1, 128], strides = [1, 1]} : vector<1x2048xf32> to vector<1x128xf32>
    %sub3A_350 = arith.constant 1.000000e+00 : f32
    %sub3A_351 = vector.broadcast %sub3A_350 : f32 to vector<1x128xf32>
    %sub3A_352 = arith.subf %sub3A_351, %slice3A_349 : vector<1x128xf32>
    %while3A_353 = arith.constant true
    %while3A_354:2 = scf.while (%while3A_1451 = %sub3A_352, %while3A_1452 = %while3A_353) : (vector<1x128xf32>, i1) -> (vector<1x128xf32>, i1) {
      scf.condition(%while3A_1452) %while3A_1451, %while3A_1452 : vector<1x128xf32>, i1
    } do {
    ^bb0(%while3A_1451: vector<1x128xf32>, %while3A_1452: i1):
      %broadcast_in_dim3A_1453 = vector.shape_cast %while3A_1451 : vector<1x128xf32> to vector<1x128xf32>
      %broadcast_in_dim3A_1454 = vector.broadcast %broadcast_in_dim3A_1453 : vector<1x128xf32> to vector<8x128xf32>
      %dot_general3A_1455 = arith.constant dense<0.000000e+00> : vector<8x128xf32>
      %dot_general3A_1456 = tpu.matmul %broadcast_in_dim3A_1454, %select_n3A_348, %dot_general3A_1455 {dimension_numbers = #tpu.dot_dimension_numbers<[1], [0], [0], [1], [0, 0, 1, 1], [], []>, transpose_lhs_hint = false} : vector<8x128xf32>, vector<128x128xf32>, vector<8x128xf32> -> vector<8x128xf32>
      %slice3A_1457 = vector.extract_strided_slice %dot_general3A_1456 {offsets = [0, 0], sizes = [1, 128], strides = [1, 1]} : vector<8x128xf32> to vector<1x128xf32>
      %lt3A = arith.constant 5.000000e-01 : f32
      %lt3A_1458 = vector.broadcast %lt3A : f32 to vector<1x128xf32>
      %lt3A_1459 = arith.cmpf olt, %slice3A_1457, %lt3A_1458 : vector<1x128xf32>
      %gt3A_1460 = arith.constant 5.000000e-01 : f32
      %gt3A_1461 = vector.broadcast %gt3A_1460 : f32 to vector<1x128xf32>
      %gt3A_1462 = arith.cmpf ogt, %sub3A_352, %gt3A_1461 : vector<1x128xf32>
      %and3A_1463 = arith.andi %lt3A_1459, %gt3A_1462 : vector<1x128xi1>
      %jit3A_1464 = arith.constant 1.000000e+00 : f32
      %jit3A_1465 = arith.constant 0.000000e+00 : f32
      %broadcast_in_dim3A_1466 = vector.broadcast %jit3A_1464 : f32 to vector<1x128xf32>
      %broadcast_in_dim3A_1467 = vector.broadcast %jit3A_1465 : f32 to vector<1x128xf32>
      %select_n3A_1468 = arith.select %and3A_1463, %broadcast_in_dim3A_1466, %broadcast_in_dim3A_1467 : vector<1x128xi1>, vector<1x128xf32>
      %ne3A = arith.cmpf one, %select_n3A_1468, %while3A_1451 : vector<1x128xf32>
      %reduce_or3A = arith.constant 1.000000e+00 : f32
      %reduce_or3A_1469 = arith.constant 0.000000e+00 : f32
      %reduce_or3A_1470 = vector.broadcast %reduce_or3A : f32 to vector<1x128xf32>
      %reduce_or3A_1471 = vector.broadcast %reduce_or3A_1469 : f32 to vector<1x128xf32>
      %reduce_or3A_1472 = arith.select %ne3A, %reduce_or3A_1470, %reduce_or3A_1471 : vector<1x128xi1>, vector<1x128xf32>
      %reduce_or3A_1473 = vector.shape_cast %reduce_or3A_1472 : vector<1x128xf32> to vector<1x1x128xf32>
      %reduce_or3A_1474 = arith.constant dense<0xFF800000> : vector<1xf32>
      %reduce_or3A_1475 = vector.multi_reduction <maximumf>, %reduce_or3A_1473, %reduce_or3A_1474 [1, 2] : vector<1x1x128xf32> to vector<1xf32>
      %reduce_or3A_1476 = vector.shape_cast %reduce_or3A_1475 : vector<1xf32> to vector<1x1x1xf32>
      %reduce_or3A_1477 = vector.extract %reduce_or3A_1476[0, 0, 0] : f32 from vector<1x1x1xf32>
      %reduce_or3A_1478 = arith.constant 0.000000e+00 : f32
      %reduce_or3A_1479 = arith.cmpf ogt, %reduce_or3A_1477, %reduce_or3A_1478 : f32
      scf.yield %select_n3A_1468, %reduce_or3A_1479 : vector<1x128xf32>, i1
    }
    %broadcast_in_dim3A_355 = vector.shape_cast %while3A_354#0 : vector<1x128xf32> to vector<1x128xf32>
    %broadcast_in_dim3A_356 = vector.broadcast %broadcast_in_dim3A_355 : vector<1x128xf32> to vector<8x128xf32>
    %dot_general3A_357 = arith.constant dense<0.000000e+00> : vector<8x2048xf32>
    %dot_general3A_358 = tpu.matmul %broadcast_in_dim3A_356, %select_n3A_344, %dot_general3A_357 {dimension_numbers = #tpu.dot_dimension_numbers<[1], [0], [0], [1], [0, 0, 1, 1], [], []>, transpose_lhs_hint = false} : vector<8x128xf32>, vector<128x2048xf32>, vector<8x2048xf32> -> vector<8x2048xf32>
    %slice3A_359 = vector.extract_strided_slice %dot_general3A_358 {offsets = [0, 0], sizes = [1, 2048], strides = [1, 1]} : vector<8x2048xf32> to vector<1x2048xf32>
    %gt3A_360 = arith.constant 5.000000e-01 : f32
    %gt3A_361 = vector.broadcast %gt3A_360 : f32 to vector<1x2048xf32>
    %gt3A_362 = arith.cmpf ogt, %slice3A_359, %gt3A_361 : vector<1x2048xf32>
    %ge3A_363 = arith.constant 512 : i32
    %ge3A_364 = vector.broadcast %ge3A_363 : i32 to vector<1x2048xi32>
    %ge3A_365 = arith.cmpi sge, %iota3A, %ge3A_364 : vector<1x2048xi32>
    %and3A_366 = arith.andi %gt3A_362, %ge3A_365 : vector<1x2048xi1>
    %jit3A_367 = arith.constant 1.000000e+00 : f32
    %jit3A_368 = arith.constant 0.000000e+00 : f32
    %broadcast_in_dim3A_369 = vector.broadcast %jit3A_367 : f32 to vector<1x2048xf32>
    %broadcast_in_dim3A_370 = vector.broadcast %jit3A_368 : f32 to vector<1x2048xf32>
    %select_n3A_371 = arith.select %and3A_366, %broadcast_in_dim3A_369, %broadcast_in_dim3A_370 : vector<1x2048xi1>, vector<1x2048xf32>
    %max3A_372 = arith.maximumf %max3A_282, %select_n3A_371 : vector<1x2048xf32>
    %get3A_373 = arith.constant 0 : index
    %get3A_374 = arith.constant 512 : index
    %get3A_375 = arith.constant 0 : index
    %get3A_376 = vector.load %arg2[%get3A_373, %get3A_374, %get3A_375] : memref<1x2048x1xf32, #tpu.memory_space<vmem>>, vector<1x128x1xf32>
    %get3A_377 = vector.shape_cast %get3A_376 : vector<1x128x1xf32> to vector<128x1xf32>
    %get3A_378 = arith.constant 0 : index
    %get3A_379 = arith.constant 512 : index
    %get3A_380 = arith.constant 0 : index
    %get3A_381 = vector.load %arg3[%get3A_378, %get3A_379, %get3A_380] : memref<1x2048x1xf32, #tpu.memory_space<vmem>>, vector<1x128x1xf32>
    %get3A_382 = vector.shape_cast %get3A_381 : vector<1x128x1xf32> to vector<128x1xf32>
    %get3A_383 = arith.constant 0 : index
    %get3A_384 = arith.constant 512 : index
    %get3A_385 = arith.constant 0 : index
    %get3A_386 = vector.load %arg4[%get3A_383, %get3A_384, %get3A_385] : memref<1x2048x1xf32, #tpu.memory_space<vmem>>, vector<1x128x1xf32>
    %get3A_387 = vector.shape_cast %get3A_386 : vector<1x128x1xf32> to vector<128x1xf32>
    %get3A_388 = arith.constant 0 : index
    %get3A_389 = arith.constant 512 : index
    %get3A_390 = arith.constant 0 : index
    %get3A_391 = vector.load %arg5[%get3A_388, %get3A_389, %get3A_390] : memref<1x2048x1xf32, #tpu.memory_space<vmem>>, vector<1x128x1xf32>
    %get3A_392 = vector.shape_cast %get3A_391 : vector<1x128x1xf32> to vector<128x1xf32>
    %min3A_393 = vector.broadcast %get3A_387 : vector<128x1xf32> to vector<128x2048xf32>
    %min3A_394 = vector.broadcast %get3A_13 : vector<1x2048xf32> to vector<128x2048xf32>
    %min3A_395 = arith.minimumf %min3A_393, %min3A_394 : vector<128x2048xf32>
    %max3A_396 = vector.broadcast %get3A_377 : vector<128x1xf32> to vector<128x2048xf32>
    %max3A_397 = vector.broadcast %get3A_3 : vector<1x2048xf32> to vector<128x2048xf32>
    %max3A_398 = arith.maximumf %max3A_396, %max3A_397 : vector<128x2048xf32>
    %sub3A_399 = arith.subf %min3A_395, %max3A_398 : vector<128x2048xf32>
    %max3A_400 = arith.constant 0.000000e+00 : f32
    %max3A_401 = vector.broadcast %max3A_400 : f32 to vector<128x2048xf32>
    %max3A_402 = arith.maximumf %sub3A_399, %max3A_401 : vector<128x2048xf32>
    %min3A_403 = vector.broadcast %get3A_392 : vector<128x1xf32> to vector<128x2048xf32>
    %min3A_404 = vector.broadcast %get3A_18 : vector<1x2048xf32> to vector<128x2048xf32>
    %min3A_405 = arith.minimumf %min3A_403, %min3A_404 : vector<128x2048xf32>
    %max3A_406 = vector.broadcast %get3A_382 : vector<128x1xf32> to vector<128x2048xf32>
    %max3A_407 = vector.broadcast %get3A_8 : vector<1x2048xf32> to vector<128x2048xf32>
    %max3A_408 = arith.maximumf %max3A_406, %max3A_407 : vector<128x2048xf32>
    %sub3A_409 = arith.subf %min3A_405, %max3A_408 : vector<128x2048xf32>
    %max3A_410 = arith.constant 0.000000e+00 : f32
    %max3A_411 = vector.broadcast %max3A_410 : f32 to vector<128x2048xf32>
    %max3A_412 = arith.maximumf %sub3A_409, %max3A_411 : vector<128x2048xf32>
    %mul3A_413 = arith.mulf %max3A_402, %max3A_412 : vector<128x2048xf32>
    %sub3A_414 = arith.subf %get3A_387, %get3A_377 : vector<128x1xf32>
    %sub3A_415 = arith.subf %get3A_392, %get3A_382 : vector<128x1xf32>
    %mul3A_416 = arith.mulf %sub3A_414, %sub3A_415 : vector<128x1xf32>
    %add3A_417 = vector.broadcast %mul3A_416 : vector<128x1xf32> to vector<128x2048xf32>
    %add3A_418 = vector.broadcast %mul3A : vector<1x2048xf32> to vector<128x2048xf32>
    %add3A_419 = arith.addf %add3A_417, %add3A_418 : vector<128x2048xf32>
    %add3A_420 = arith.constant 9.99999993E-9 : f32
    %add3A_421 = vector.broadcast %add3A_420 : f32 to vector<128x2048xf32>
    %add3A_422 = arith.addf %add3A_419, %add3A_421 : vector<128x2048xf32>
    %mul3A_423 = arith.constant 0.699999988 : f32
    %mul3A_424 = vector.broadcast %mul3A_423 : f32 to vector<128x2048xf32>
    %mul3A_425 = arith.mulf %mul3A_424, %add3A_422 : vector<128x2048xf32>
    %mul3A_426 = arith.constant 1.700000e+00 : f32
    %mul3A_427 = vector.broadcast %mul3A_426 : f32 to vector<128x2048xf32>
    %mul3A_428 = arith.mulf %mul3A_427, %mul3A_413 : vector<128x2048xf32>
    %gt3A_429 = arith.cmpf ogt, %mul3A_428, %mul3A_425 : vector<128x2048xf32>
    %jit3A_430 = arith.constant 1.000000e+00 : f32
    %jit3A_431 = arith.constant 0.000000e+00 : f32
    %broadcast_in_dim3A_432 = vector.broadcast %jit3A_430 : f32 to vector<128x2048xf32>
    %broadcast_in_dim3A_433 = vector.broadcast %jit3A_431 : f32 to vector<128x2048xf32>
    %select_n3A_434 = arith.select %gt3A_429, %broadcast_in_dim3A_432, %broadcast_in_dim3A_433 : vector<128x2048xi1>, vector<128x2048xf32>
    %slice3A_435 = vector.extract_strided_slice %select_n3A_434 {offsets = [0, 512], sizes = [128, 128], strides = [1, 1]} : vector<128x2048xf32> to vector<128x128xf32>
    %jit3A_436 = arith.constant 0.000000e+00 : f32
    %broadcast_in_dim3A_437 = vector.broadcast %jit3A_436 : f32 to vector<128x128xf32>
    %select_n3A_438 = arith.select %gt3A, %slice3A_435, %broadcast_in_dim3A_437 : vector<128x128xi1>, vector<128x128xf32>
    %slice3A_439 = vector.extract_strided_slice %max3A_372 {offsets = [0, 512], sizes = [1, 128], strides = [1, 1]} : vector<1x2048xf32> to vector<1x128xf32>
    %sub3A_440 = arith.constant 1.000000e+00 : f32
    %sub3A_441 = vector.broadcast %sub3A_440 : f32 to vector<1x128xf32>
    %sub3A_442 = arith.subf %sub3A_441, %slice3A_439 : vector<1x128xf32>
    %while3A_443 = arith.constant true
    %while3A_444:2 = scf.while (%while3A_1451 = %sub3A_442, %while3A_1452 = %while3A_443) : (vector<1x128xf32>, i1) -> (vector<1x128xf32>, i1) {
      scf.condition(%while3A_1452) %while3A_1451, %while3A_1452 : vector<1x128xf32>, i1
    } do {
    ^bb0(%while3A_1451: vector<1x128xf32>, %while3A_1452: i1):
      %broadcast_in_dim3A_1453 = vector.shape_cast %while3A_1451 : vector<1x128xf32> to vector<1x128xf32>
      %broadcast_in_dim3A_1454 = vector.broadcast %broadcast_in_dim3A_1453 : vector<1x128xf32> to vector<8x128xf32>
      %dot_general3A_1455 = arith.constant dense<0.000000e+00> : vector<8x128xf32>
      %dot_general3A_1456 = tpu.matmul %broadcast_in_dim3A_1454, %select_n3A_438, %dot_general3A_1455 {dimension_numbers = #tpu.dot_dimension_numbers<[1], [0], [0], [1], [0, 0, 1, 1], [], []>, transpose_lhs_hint = false} : vector<8x128xf32>, vector<128x128xf32>, vector<8x128xf32> -> vector<8x128xf32>
      %slice3A_1457 = vector.extract_strided_slice %dot_general3A_1456 {offsets = [0, 0], sizes = [1, 128], strides = [1, 1]} : vector<8x128xf32> to vector<1x128xf32>
      %lt3A = arith.constant 5.000000e-01 : f32
      %lt3A_1458 = vector.broadcast %lt3A : f32 to vector<1x128xf32>
      %lt3A_1459 = arith.cmpf olt, %slice3A_1457, %lt3A_1458 : vector<1x128xf32>
      %gt3A_1460 = arith.constant 5.000000e-01 : f32
      %gt3A_1461 = vector.broadcast %gt3A_1460 : f32 to vector<1x128xf32>
      %gt3A_1462 = arith.cmpf ogt, %sub3A_442, %gt3A_1461 : vector<1x128xf32>
      %and3A_1463 = arith.andi %lt3A_1459, %gt3A_1462 : vector<1x128xi1>
      %jit3A_1464 = arith.constant 1.000000e+00 : f32
      %jit3A_1465 = arith.constant 0.000000e+00 : f32
      %broadcast_in_dim3A_1466 = vector.broadcast %jit3A_1464 : f32 to vector<1x128xf32>
      %broadcast_in_dim3A_1467 = vector.broadcast %jit3A_1465 : f32 to vector<1x128xf32>
      %select_n3A_1468 = arith.select %and3A_1463, %broadcast_in_dim3A_1466, %broadcast_in_dim3A_1467 : vector<1x128xi1>, vector<1x128xf32>
      %ne3A = arith.cmpf one, %select_n3A_1468, %while3A_1451 : vector<1x128xf32>
      %reduce_or3A = arith.constant 1.000000e+00 : f32
      %reduce_or3A_1469 = arith.constant 0.000000e+00 : f32
      %reduce_or3A_1470 = vector.broadcast %reduce_or3A : f32 to vector<1x128xf32>
      %reduce_or3A_1471 = vector.broadcast %reduce_or3A_1469 : f32 to vector<1x128xf32>
      %reduce_or3A_1472 = arith.select %ne3A, %reduce_or3A_1470, %reduce_or3A_1471 : vector<1x128xi1>, vector<1x128xf32>
      %reduce_or3A_1473 = vector.shape_cast %reduce_or3A_1472 : vector<1x128xf32> to vector<1x1x128xf32>
      %reduce_or3A_1474 = arith.constant dense<0xFF800000> : vector<1xf32>
      %reduce_or3A_1475 = vector.multi_reduction <maximumf>, %reduce_or3A_1473, %reduce_or3A_1474 [1, 2] : vector<1x1x128xf32> to vector<1xf32>
      %reduce_or3A_1476 = vector.shape_cast %reduce_or3A_1475 : vector<1xf32> to vector<1x1x1xf32>
      %reduce_or3A_1477 = vector.extract %reduce_or3A_1476[0, 0, 0] : f32 from vector<1x1x1xf32>
      %reduce_or3A_1478 = arith.constant 0.000000e+00 : f32
      %reduce_or3A_1479 = arith.cmpf ogt, %reduce_or3A_1477, %reduce_or3A_1478 : f32
      scf.yield %select_n3A_1468, %reduce_or3A_1479 : vector<1x128xf32>, i1
    }
    %broadcast_in_dim3A_445 = vector.shape_cast %while3A_444#0 : vector<1x128xf32> to vector<1x128xf32>
    %broadcast_in_dim3A_446 = vector.broadcast %broadcast_in_dim3A_445 : vector<1x128xf32> to vector<8x128xf32>
    %dot_general3A_447 = arith.constant dense<0.000000e+00> : vector<8x2048xf32>
    %dot_general3A_448 = tpu.matmul %broadcast_in_dim3A_446, %select_n3A_434, %dot_general3A_447 {dimension_numbers = #tpu.dot_dimension_numbers<[1], [0], [0], [1], [0, 0, 1, 1], [], []>, transpose_lhs_hint = false} : vector<8x128xf32>, vector<128x2048xf32>, vector<8x2048xf32> -> vector<8x2048xf32>
    %slice3A_449 = vector.extract_strided_slice %dot_general3A_448 {offsets = [0, 0], sizes = [1, 2048], strides = [1, 1]} : vector<8x2048xf32> to vector<1x2048xf32>
    %gt3A_450 = arith.constant 5.000000e-01 : f32
    %gt3A_451 = vector.broadcast %gt3A_450 : f32 to vector<1x2048xf32>
    %gt3A_452 = arith.cmpf ogt, %slice3A_449, %gt3A_451 : vector<1x2048xf32>
    %ge3A_453 = arith.constant 640 : i32
    %ge3A_454 = vector.broadcast %ge3A_453 : i32 to vector<1x2048xi32>
    %ge3A_455 = arith.cmpi sge, %iota3A, %ge3A_454 : vector<1x2048xi32>
    %and3A_456 = arith.andi %gt3A_452, %ge3A_455 : vector<1x2048xi1>
    %jit3A_457 = arith.constant 1.000000e+00 : f32
    %jit3A_458 = arith.constant 0.000000e+00 : f32
    %broadcast_in_dim3A_459 = vector.broadcast %jit3A_457 : f32 to vector<1x2048xf32>
    %broadcast_in_dim3A_460 = vector.broadcast %jit3A_458 : f32 to vector<1x2048xf32>
    %select_n3A_461 = arith.select %and3A_456, %broadcast_in_dim3A_459, %broadcast_in_dim3A_460 : vector<1x2048xi1>, vector<1x2048xf32>
    %max3A_462 = arith.maximumf %max3A_372, %select_n3A_461 : vector<1x2048xf32>
    %get3A_463 = arith.constant 0 : index
    %get3A_464 = arith.constant 640 : index
    %get3A_465 = arith.constant 0 : index
    %get3A_466 = vector.load %arg2[%get3A_463, %get3A_464, %get3A_465] : memref<1x2048x1xf32, #tpu.memory_space<vmem>>, vector<1x128x1xf32>
    %get3A_467 = vector.shape_cast %get3A_466 : vector<1x128x1xf32> to vector<128x1xf32>
    %get3A_468 = arith.constant 0 : index
    %get3A_469 = arith.constant 640 : index
    %get3A_470 = arith.constant 0 : index
    %get3A_471 = vector.load %arg3[%get3A_468, %get3A_469, %get3A_470] : memref<1x2048x1xf32, #tpu.memory_space<vmem>>, vector<1x128x1xf32>
    %get3A_472 = vector.shape_cast %get3A_471 : vector<1x128x1xf32> to vector<128x1xf32>
    %get3A_473 = arith.constant 0 : index
    %get3A_474 = arith.constant 640 : index
    %get3A_475 = arith.constant 0 : index
    %get3A_476 = vector.load %arg4[%get3A_473, %get3A_474, %get3A_475] : memref<1x2048x1xf32, #tpu.memory_space<vmem>>, vector<1x128x1xf32>
    %get3A_477 = vector.shape_cast %get3A_476 : vector<1x128x1xf32> to vector<128x1xf32>
    %get3A_478 = arith.constant 0 : index
    %get3A_479 = arith.constant 640 : index
    %get3A_480 = arith.constant 0 : index
    %get3A_481 = vector.load %arg5[%get3A_478, %get3A_479, %get3A_480] : memref<1x2048x1xf32, #tpu.memory_space<vmem>>, vector<1x128x1xf32>
    %get3A_482 = vector.shape_cast %get3A_481 : vector<1x128x1xf32> to vector<128x1xf32>
    %min3A_483 = vector.broadcast %get3A_477 : vector<128x1xf32> to vector<128x2048xf32>
    %min3A_484 = vector.broadcast %get3A_13 : vector<1x2048xf32> to vector<128x2048xf32>
    %min3A_485 = arith.minimumf %min3A_483, %min3A_484 : vector<128x2048xf32>
    %max3A_486 = vector.broadcast %get3A_467 : vector<128x1xf32> to vector<128x2048xf32>
    %max3A_487 = vector.broadcast %get3A_3 : vector<1x2048xf32> to vector<128x2048xf32>
    %max3A_488 = arith.maximumf %max3A_486, %max3A_487 : vector<128x2048xf32>
    %sub3A_489 = arith.subf %min3A_485, %max3A_488 : vector<128x2048xf32>
    %max3A_490 = arith.constant 0.000000e+00 : f32
    %max3A_491 = vector.broadcast %max3A_490 : f32 to vector<128x2048xf32>
    %max3A_492 = arith.maximumf %sub3A_489, %max3A_491 : vector<128x2048xf32>
    %min3A_493 = vector.broadcast %get3A_482 : vector<128x1xf32> to vector<128x2048xf32>
    %min3A_494 = vector.broadcast %get3A_18 : vector<1x2048xf32> to vector<128x2048xf32>
    %min3A_495 = arith.minimumf %min3A_493, %min3A_494 : vector<128x2048xf32>
    %max3A_496 = vector.broadcast %get3A_472 : vector<128x1xf32> to vector<128x2048xf32>
    %max3A_497 = vector.broadcast %get3A_8 : vector<1x2048xf32> to vector<128x2048xf32>
    %max3A_498 = arith.maximumf %max3A_496, %max3A_497 : vector<128x2048xf32>
    %sub3A_499 = arith.subf %min3A_495, %max3A_498 : vector<128x2048xf32>
    %max3A_500 = arith.constant 0.000000e+00 : f32
    %max3A_501 = vector.broadcast %max3A_500 : f32 to vector<128x2048xf32>
    %max3A_502 = arith.maximumf %sub3A_499, %max3A_501 : vector<128x2048xf32>
    %mul3A_503 = arith.mulf %max3A_492, %max3A_502 : vector<128x2048xf32>
    %sub3A_504 = arith.subf %get3A_477, %get3A_467 : vector<128x1xf32>
    %sub3A_505 = arith.subf %get3A_482, %get3A_472 : vector<128x1xf32>
    %mul3A_506 = arith.mulf %sub3A_504, %sub3A_505 : vector<128x1xf32>
    %add3A_507 = vector.broadcast %mul3A_506 : vector<128x1xf32> to vector<128x2048xf32>
    %add3A_508 = vector.broadcast %mul3A : vector<1x2048xf32> to vector<128x2048xf32>
    %add3A_509 = arith.addf %add3A_507, %add3A_508 : vector<128x2048xf32>
    %add3A_510 = arith.constant 9.99999993E-9 : f32
    %add3A_511 = vector.broadcast %add3A_510 : f32 to vector<128x2048xf32>
    %add3A_512 = arith.addf %add3A_509, %add3A_511 : vector<128x2048xf32>
    %mul3A_513 = arith.constant 0.699999988 : f32
    %mul3A_514 = vector.broadcast %mul3A_513 : f32 to vector<128x2048xf32>
    %mul3A_515 = arith.mulf %mul3A_514, %add3A_512 : vector<128x2048xf32>
    %mul3A_516 = arith.constant 1.700000e+00 : f32
    %mul3A_517 = vector.broadcast %mul3A_516 : f32 to vector<128x2048xf32>
    %mul3A_518 = arith.mulf %mul3A_517, %mul3A_503 : vector<128x2048xf32>
    %gt3A_519 = arith.cmpf ogt, %mul3A_518, %mul3A_515 : vector<128x2048xf32>
    %jit3A_520 = arith.constant 1.000000e+00 : f32
    %jit3A_521 = arith.constant 0.000000e+00 : f32
    %broadcast_in_dim3A_522 = vector.broadcast %jit3A_520 : f32 to vector<128x2048xf32>
    %broadcast_in_dim3A_523 = vector.broadcast %jit3A_521 : f32 to vector<128x2048xf32>
    %select_n3A_524 = arith.select %gt3A_519, %broadcast_in_dim3A_522, %broadcast_in_dim3A_523 : vector<128x2048xi1>, vector<128x2048xf32>
    %slice3A_525 = vector.extract_strided_slice %select_n3A_524 {offsets = [0, 640], sizes = [128, 128], strides = [1, 1]} : vector<128x2048xf32> to vector<128x128xf32>
    %jit3A_526 = arith.constant 0.000000e+00 : f32
    %broadcast_in_dim3A_527 = vector.broadcast %jit3A_526 : f32 to vector<128x128xf32>
    %select_n3A_528 = arith.select %gt3A, %slice3A_525, %broadcast_in_dim3A_527 : vector<128x128xi1>, vector<128x128xf32>
    %slice3A_529 = vector.extract_strided_slice %max3A_462 {offsets = [0, 640], sizes = [1, 128], strides = [1, 1]} : vector<1x2048xf32> to vector<1x128xf32>
    %sub3A_530 = arith.constant 1.000000e+00 : f32
    %sub3A_531 = vector.broadcast %sub3A_530 : f32 to vector<1x128xf32>
    %sub3A_532 = arith.subf %sub3A_531, %slice3A_529 : vector<1x128xf32>
    %while3A_533 = arith.constant true
    %while3A_534:2 = scf.while (%while3A_1451 = %sub3A_532, %while3A_1452 = %while3A_533) : (vector<1x128xf32>, i1) -> (vector<1x128xf32>, i1) {
      scf.condition(%while3A_1452) %while3A_1451, %while3A_1452 : vector<1x128xf32>, i1
    } do {
    ^bb0(%while3A_1451: vector<1x128xf32>, %while3A_1452: i1):
      %broadcast_in_dim3A_1453 = vector.shape_cast %while3A_1451 : vector<1x128xf32> to vector<1x128xf32>
      %broadcast_in_dim3A_1454 = vector.broadcast %broadcast_in_dim3A_1453 : vector<1x128xf32> to vector<8x128xf32>
      %dot_general3A_1455 = arith.constant dense<0.000000e+00> : vector<8x128xf32>
      %dot_general3A_1456 = tpu.matmul %broadcast_in_dim3A_1454, %select_n3A_528, %dot_general3A_1455 {dimension_numbers = #tpu.dot_dimension_numbers<[1], [0], [0], [1], [0, 0, 1, 1], [], []>, transpose_lhs_hint = false} : vector<8x128xf32>, vector<128x128xf32>, vector<8x128xf32> -> vector<8x128xf32>
      %slice3A_1457 = vector.extract_strided_slice %dot_general3A_1456 {offsets = [0, 0], sizes = [1, 128], strides = [1, 1]} : vector<8x128xf32> to vector<1x128xf32>
      %lt3A = arith.constant 5.000000e-01 : f32
      %lt3A_1458 = vector.broadcast %lt3A : f32 to vector<1x128xf32>
      %lt3A_1459 = arith.cmpf olt, %slice3A_1457, %lt3A_1458 : vector<1x128xf32>
      %gt3A_1460 = arith.constant 5.000000e-01 : f32
      %gt3A_1461 = vector.broadcast %gt3A_1460 : f32 to vector<1x128xf32>
      %gt3A_1462 = arith.cmpf ogt, %sub3A_532, %gt3A_1461 : vector<1x128xf32>
      %and3A_1463 = arith.andi %lt3A_1459, %gt3A_1462 : vector<1x128xi1>
      %jit3A_1464 = arith.constant 1.000000e+00 : f32
      %jit3A_1465 = arith.constant 0.000000e+00 : f32
      %broadcast_in_dim3A_1466 = vector.broadcast %jit3A_1464 : f32 to vector<1x128xf32>
      %broadcast_in_dim3A_1467 = vector.broadcast %jit3A_1465 : f32 to vector<1x128xf32>
      %select_n3A_1468 = arith.select %and3A_1463, %broadcast_in_dim3A_1466, %broadcast_in_dim3A_1467 : vector<1x128xi1>, vector<1x128xf32>
      %ne3A = arith.cmpf one, %select_n3A_1468, %while3A_1451 : vector<1x128xf32>
      %reduce_or3A = arith.constant 1.000000e+00 : f32
      %reduce_or3A_1469 = arith.constant 0.000000e+00 : f32
      %reduce_or3A_1470 = vector.broadcast %reduce_or3A : f32 to vector<1x128xf32>
      %reduce_or3A_1471 = vector.broadcast %reduce_or3A_1469 : f32 to vector<1x128xf32>
      %reduce_or3A_1472 = arith.select %ne3A, %reduce_or3A_1470, %reduce_or3A_1471 : vector<1x128xi1>, vector<1x128xf32>
      %reduce_or3A_1473 = vector.shape_cast %reduce_or3A_1472 : vector<1x128xf32> to vector<1x1x128xf32>
      %reduce_or3A_1474 = arith.constant dense<0xFF800000> : vector<1xf32>
      %reduce_or3A_1475 = vector.multi_reduction <maximumf>, %reduce_or3A_1473, %reduce_or3A_1474 [1, 2] : vector<1x1x128xf32> to vector<1xf32>
      %reduce_or3A_1476 = vector.shape_cast %reduce_or3A_1475 : vector<1xf32> to vector<1x1x1xf32>
      %reduce_or3A_1477 = vector.extract %reduce_or3A_1476[0, 0, 0] : f32 from vector<1x1x1xf32>
      %reduce_or3A_1478 = arith.constant 0.000000e+00 : f32
      %reduce_or3A_1479 = arith.cmpf ogt, %reduce_or3A_1477, %reduce_or3A_1478 : f32
      scf.yield %select_n3A_1468, %reduce_or3A_1479 : vector<1x128xf32>, i1
    }
    %broadcast_in_dim3A_535 = vector.shape_cast %while3A_534#0 : vector<1x128xf32> to vector<1x128xf32>
    %broadcast_in_dim3A_536 = vector.broadcast %broadcast_in_dim3A_535 : vector<1x128xf32> to vector<8x128xf32>
    %dot_general3A_537 = arith.constant dense<0.000000e+00> : vector<8x2048xf32>
    %dot_general3A_538 = tpu.matmul %broadcast_in_dim3A_536, %select_n3A_524, %dot_general3A_537 {dimension_numbers = #tpu.dot_dimension_numbers<[1], [0], [0], [1], [0, 0, 1, 1], [], []>, transpose_lhs_hint = false} : vector<8x128xf32>, vector<128x2048xf32>, vector<8x2048xf32> -> vector<8x2048xf32>
    %slice3A_539 = vector.extract_strided_slice %dot_general3A_538 {offsets = [0, 0], sizes = [1, 2048], strides = [1, 1]} : vector<8x2048xf32> to vector<1x2048xf32>
    %gt3A_540 = arith.constant 5.000000e-01 : f32
    %gt3A_541 = vector.broadcast %gt3A_540 : f32 to vector<1x2048xf32>
    %gt3A_542 = arith.cmpf ogt, %slice3A_539, %gt3A_541 : vector<1x2048xf32>
    %ge3A_543 = arith.constant 768 : i32
    %ge3A_544 = vector.broadcast %ge3A_543 : i32 to vector<1x2048xi32>
    %ge3A_545 = arith.cmpi sge, %iota3A, %ge3A_544 : vector<1x2048xi32>
    %and3A_546 = arith.andi %gt3A_542, %ge3A_545 : vector<1x2048xi1>
    %jit3A_547 = arith.constant 1.000000e+00 : f32
    %jit3A_548 = arith.constant 0.000000e+00 : f32
    %broadcast_in_dim3A_549 = vector.broadcast %jit3A_547 : f32 to vector<1x2048xf32>
    %broadcast_in_dim3A_550 = vector.broadcast %jit3A_548 : f32 to vector<1x2048xf32>
    %select_n3A_551 = arith.select %and3A_546, %broadcast_in_dim3A_549, %broadcast_in_dim3A_550 : vector<1x2048xi1>, vector<1x2048xf32>
    %max3A_552 = arith.maximumf %max3A_462, %select_n3A_551 : vector<1x2048xf32>
    %get3A_553 = arith.constant 0 : index
    %get3A_554 = arith.constant 768 : index
    %get3A_555 = arith.constant 0 : index
    %get3A_556 = vector.load %arg2[%get3A_553, %get3A_554, %get3A_555] : memref<1x2048x1xf32, #tpu.memory_space<vmem>>, vector<1x128x1xf32>
    %get3A_557 = vector.shape_cast %get3A_556 : vector<1x128x1xf32> to vector<128x1xf32>
    %get3A_558 = arith.constant 0 : index
    %get3A_559 = arith.constant 768 : index
    %get3A_560 = arith.constant 0 : index
    %get3A_561 = vector.load %arg3[%get3A_558, %get3A_559, %get3A_560] : memref<1x2048x1xf32, #tpu.memory_space<vmem>>, vector<1x128x1xf32>
    %get3A_562 = vector.shape_cast %get3A_561 : vector<1x128x1xf32> to vector<128x1xf32>
    %get3A_563 = arith.constant 0 : index
    %get3A_564 = arith.constant 768 : index
    %get3A_565 = arith.constant 0 : index
    %get3A_566 = vector.load %arg4[%get3A_563, %get3A_564, %get3A_565] : memref<1x2048x1xf32, #tpu.memory_space<vmem>>, vector<1x128x1xf32>
    %get3A_567 = vector.shape_cast %get3A_566 : vector<1x128x1xf32> to vector<128x1xf32>
    %get3A_568 = arith.constant 0 : index
    %get3A_569 = arith.constant 768 : index
    %get3A_570 = arith.constant 0 : index
    %get3A_571 = vector.load %arg5[%get3A_568, %get3A_569, %get3A_570] : memref<1x2048x1xf32, #tpu.memory_space<vmem>>, vector<1x128x1xf32>
    %get3A_572 = vector.shape_cast %get3A_571 : vector<1x128x1xf32> to vector<128x1xf32>
    %min3A_573 = vector.broadcast %get3A_567 : vector<128x1xf32> to vector<128x2048xf32>
    %min3A_574 = vector.broadcast %get3A_13 : vector<1x2048xf32> to vector<128x2048xf32>
    %min3A_575 = arith.minimumf %min3A_573, %min3A_574 : vector<128x2048xf32>
    %max3A_576 = vector.broadcast %get3A_557 : vector<128x1xf32> to vector<128x2048xf32>
    %max3A_577 = vector.broadcast %get3A_3 : vector<1x2048xf32> to vector<128x2048xf32>
    %max3A_578 = arith.maximumf %max3A_576, %max3A_577 : vector<128x2048xf32>
    %sub3A_579 = arith.subf %min3A_575, %max3A_578 : vector<128x2048xf32>
    %max3A_580 = arith.constant 0.000000e+00 : f32
    %max3A_581 = vector.broadcast %max3A_580 : f32 to vector<128x2048xf32>
    %max3A_582 = arith.maximumf %sub3A_579, %max3A_581 : vector<128x2048xf32>
    %min3A_583 = vector.broadcast %get3A_572 : vector<128x1xf32> to vector<128x2048xf32>
    %min3A_584 = vector.broadcast %get3A_18 : vector<1x2048xf32> to vector<128x2048xf32>
    %min3A_585 = arith.minimumf %min3A_583, %min3A_584 : vector<128x2048xf32>
    %max3A_586 = vector.broadcast %get3A_562 : vector<128x1xf32> to vector<128x2048xf32>
    %max3A_587 = vector.broadcast %get3A_8 : vector<1x2048xf32> to vector<128x2048xf32>
    %max3A_588 = arith.maximumf %max3A_586, %max3A_587 : vector<128x2048xf32>
    %sub3A_589 = arith.subf %min3A_585, %max3A_588 : vector<128x2048xf32>
    %max3A_590 = arith.constant 0.000000e+00 : f32
    %max3A_591 = vector.broadcast %max3A_590 : f32 to vector<128x2048xf32>
    %max3A_592 = arith.maximumf %sub3A_589, %max3A_591 : vector<128x2048xf32>
    %mul3A_593 = arith.mulf %max3A_582, %max3A_592 : vector<128x2048xf32>
    %sub3A_594 = arith.subf %get3A_567, %get3A_557 : vector<128x1xf32>
    %sub3A_595 = arith.subf %get3A_572, %get3A_562 : vector<128x1xf32>
    %mul3A_596 = arith.mulf %sub3A_594, %sub3A_595 : vector<128x1xf32>
    %add3A_597 = vector.broadcast %mul3A_596 : vector<128x1xf32> to vector<128x2048xf32>
    %add3A_598 = vector.broadcast %mul3A : vector<1x2048xf32> to vector<128x2048xf32>
    %add3A_599 = arith.addf %add3A_597, %add3A_598 : vector<128x2048xf32>
    %add3A_600 = arith.constant 9.99999993E-9 : f32
    %add3A_601 = vector.broadcast %add3A_600 : f32 to vector<128x2048xf32>
    %add3A_602 = arith.addf %add3A_599, %add3A_601 : vector<128x2048xf32>
    %mul3A_603 = arith.constant 0.699999988 : f32
    %mul3A_604 = vector.broadcast %mul3A_603 : f32 to vector<128x2048xf32>
    %mul3A_605 = arith.mulf %mul3A_604, %add3A_602 : vector<128x2048xf32>
    %mul3A_606 = arith.constant 1.700000e+00 : f32
    %mul3A_607 = vector.broadcast %mul3A_606 : f32 to vector<128x2048xf32>
    %mul3A_608 = arith.mulf %mul3A_607, %mul3A_593 : vector<128x2048xf32>
    %gt3A_609 = arith.cmpf ogt, %mul3A_608, %mul3A_605 : vector<128x2048xf32>
    %jit3A_610 = arith.constant 1.000000e+00 : f32
    %jit3A_611 = arith.constant 0.000000e+00 : f32
    %broadcast_in_dim3A_612 = vector.broadcast %jit3A_610 : f32 to vector<128x2048xf32>
    %broadcast_in_dim3A_613 = vector.broadcast %jit3A_611 : f32 to vector<128x2048xf32>
    %select_n3A_614 = arith.select %gt3A_609, %broadcast_in_dim3A_612, %broadcast_in_dim3A_613 : vector<128x2048xi1>, vector<128x2048xf32>
    %slice3A_615 = vector.extract_strided_slice %select_n3A_614 {offsets = [0, 768], sizes = [128, 128], strides = [1, 1]} : vector<128x2048xf32> to vector<128x128xf32>
    %jit3A_616 = arith.constant 0.000000e+00 : f32
    %broadcast_in_dim3A_617 = vector.broadcast %jit3A_616 : f32 to vector<128x128xf32>
    %select_n3A_618 = arith.select %gt3A, %slice3A_615, %broadcast_in_dim3A_617 : vector<128x128xi1>, vector<128x128xf32>
    %slice3A_619 = vector.extract_strided_slice %max3A_552 {offsets = [0, 768], sizes = [1, 128], strides = [1, 1]} : vector<1x2048xf32> to vector<1x128xf32>
    %sub3A_620 = arith.constant 1.000000e+00 : f32
    %sub3A_621 = vector.broadcast %sub3A_620 : f32 to vector<1x128xf32>
    %sub3A_622 = arith.subf %sub3A_621, %slice3A_619 : vector<1x128xf32>
    %while3A_623 = arith.constant true
    %while3A_624:2 = scf.while (%while3A_1451 = %sub3A_622, %while3A_1452 = %while3A_623) : (vector<1x128xf32>, i1) -> (vector<1x128xf32>, i1) {
      scf.condition(%while3A_1452) %while3A_1451, %while3A_1452 : vector<1x128xf32>, i1
    } do {
    ^bb0(%while3A_1451: vector<1x128xf32>, %while3A_1452: i1):
      %broadcast_in_dim3A_1453 = vector.shape_cast %while3A_1451 : vector<1x128xf32> to vector<1x128xf32>
      %broadcast_in_dim3A_1454 = vector.broadcast %broadcast_in_dim3A_1453 : vector<1x128xf32> to vector<8x128xf32>
      %dot_general3A_1455 = arith.constant dense<0.000000e+00> : vector<8x128xf32>
      %dot_general3A_1456 = tpu.matmul %broadcast_in_dim3A_1454, %select_n3A_618, %dot_general3A_1455 {dimension_numbers = #tpu.dot_dimension_numbers<[1], [0], [0], [1], [0, 0, 1, 1], [], []>, transpose_lhs_hint = false} : vector<8x128xf32>, vector<128x128xf32>, vector<8x128xf32> -> vector<8x128xf32>
      %slice3A_1457 = vector.extract_strided_slice %dot_general3A_1456 {offsets = [0, 0], sizes = [1, 128], strides = [1, 1]} : vector<8x128xf32> to vector<1x128xf32>
      %lt3A = arith.constant 5.000000e-01 : f32
      %lt3A_1458 = vector.broadcast %lt3A : f32 to vector<1x128xf32>
      %lt3A_1459 = arith.cmpf olt, %slice3A_1457, %lt3A_1458 : vector<1x128xf32>
      %gt3A_1460 = arith.constant 5.000000e-01 : f32
      %gt3A_1461 = vector.broadcast %gt3A_1460 : f32 to vector<1x128xf32>
      %gt3A_1462 = arith.cmpf ogt, %sub3A_622, %gt3A_1461 : vector<1x128xf32>
      %and3A_1463 = arith.andi %lt3A_1459, %gt3A_1462 : vector<1x128xi1>
      %jit3A_1464 = arith.constant 1.000000e+00 : f32
      %jit3A_1465 = arith.constant 0.000000e+00 : f32
      %broadcast_in_dim3A_1466 = vector.broadcast %jit3A_1464 : f32 to vector<1x128xf32>
      %broadcast_in_dim3A_1467 = vector.broadcast %jit3A_1465 : f32 to vector<1x128xf32>
      %select_n3A_1468 = arith.select %and3A_1463, %broadcast_in_dim3A_1466, %broadcast_in_dim3A_1467 : vector<1x128xi1>, vector<1x128xf32>
      %ne3A = arith.cmpf one, %select_n3A_1468, %while3A_1451 : vector<1x128xf32>
      %reduce_or3A = arith.constant 1.000000e+00 : f32
      %reduce_or3A_1469 = arith.constant 0.000000e+00 : f32
      %reduce_or3A_1470 = vector.broadcast %reduce_or3A : f32 to vector<1x128xf32>
      %reduce_or3A_1471 = vector.broadcast %reduce_or3A_1469 : f32 to vector<1x128xf32>
      %reduce_or3A_1472 = arith.select %ne3A, %reduce_or3A_1470, %reduce_or3A_1471 : vector<1x128xi1>, vector<1x128xf32>
      %reduce_or3A_1473 = vector.shape_cast %reduce_or3A_1472 : vector<1x128xf32> to vector<1x1x128xf32>
      %reduce_or3A_1474 = arith.constant dense<0xFF800000> : vector<1xf32>
      %reduce_or3A_1475 = vector.multi_reduction <maximumf>, %reduce_or3A_1473, %reduce_or3A_1474 [1, 2] : vector<1x1x128xf32> to vector<1xf32>
      %reduce_or3A_1476 = vector.shape_cast %reduce_or3A_1475 : vector<1xf32> to vector<1x1x1xf32>
      %reduce_or3A_1477 = vector.extract %reduce_or3A_1476[0, 0, 0] : f32 from vector<1x1x1xf32>
      %reduce_or3A_1478 = arith.constant 0.000000e+00 : f32
      %reduce_or3A_1479 = arith.cmpf ogt, %reduce_or3A_1477, %reduce_or3A_1478 : f32
      scf.yield %select_n3A_1468, %reduce_or3A_1479 : vector<1x128xf32>, i1
    }
    %broadcast_in_dim3A_625 = vector.shape_cast %while3A_624#0 : vector<1x128xf32> to vector<1x128xf32>
    %broadcast_in_dim3A_626 = vector.broadcast %broadcast_in_dim3A_625 : vector<1x128xf32> to vector<8x128xf32>
    %dot_general3A_627 = arith.constant dense<0.000000e+00> : vector<8x2048xf32>
    %dot_general3A_628 = tpu.matmul %broadcast_in_dim3A_626, %select_n3A_614, %dot_general3A_627 {dimension_numbers = #tpu.dot_dimension_numbers<[1], [0], [0], [1], [0, 0, 1, 1], [], []>, transpose_lhs_hint = false} : vector<8x128xf32>, vector<128x2048xf32>, vector<8x2048xf32> -> vector<8x2048xf32>
    %slice3A_629 = vector.extract_strided_slice %dot_general3A_628 {offsets = [0, 0], sizes = [1, 2048], strides = [1, 1]} : vector<8x2048xf32> to vector<1x2048xf32>
    %gt3A_630 = arith.constant 5.000000e-01 : f32
    %gt3A_631 = vector.broadcast %gt3A_630 : f32 to vector<1x2048xf32>
    %gt3A_632 = arith.cmpf ogt, %slice3A_629, %gt3A_631 : vector<1x2048xf32>
    %ge3A_633 = arith.constant 896 : i32
    %ge3A_634 = vector.broadcast %ge3A_633 : i32 to vector<1x2048xi32>
    %ge3A_635 = arith.cmpi sge, %iota3A, %ge3A_634 : vector<1x2048xi32>
    %and3A_636 = arith.andi %gt3A_632, %ge3A_635 : vector<1x2048xi1>
    %jit3A_637 = arith.constant 1.000000e+00 : f32
    %jit3A_638 = arith.constant 0.000000e+00 : f32
    %broadcast_in_dim3A_639 = vector.broadcast %jit3A_637 : f32 to vector<1x2048xf32>
    %broadcast_in_dim3A_640 = vector.broadcast %jit3A_638 : f32 to vector<1x2048xf32>
    %select_n3A_641 = arith.select %and3A_636, %broadcast_in_dim3A_639, %broadcast_in_dim3A_640 : vector<1x2048xi1>, vector<1x2048xf32>
    %max3A_642 = arith.maximumf %max3A_552, %select_n3A_641 : vector<1x2048xf32>
    %get3A_643 = arith.constant 0 : index
    %get3A_644 = arith.constant 896 : index
    %get3A_645 = arith.constant 0 : index
    %get3A_646 = vector.load %arg2[%get3A_643, %get3A_644, %get3A_645] : memref<1x2048x1xf32, #tpu.memory_space<vmem>>, vector<1x128x1xf32>
    %get3A_647 = vector.shape_cast %get3A_646 : vector<1x128x1xf32> to vector<128x1xf32>
    %get3A_648 = arith.constant 0 : index
    %get3A_649 = arith.constant 896 : index
    %get3A_650 = arith.constant 0 : index
    %get3A_651 = vector.load %arg3[%get3A_648, %get3A_649, %get3A_650] : memref<1x2048x1xf32, #tpu.memory_space<vmem>>, vector<1x128x1xf32>
    %get3A_652 = vector.shape_cast %get3A_651 : vector<1x128x1xf32> to vector<128x1xf32>
    %get3A_653 = arith.constant 0 : index
    %get3A_654 = arith.constant 896 : index
    %get3A_655 = arith.constant 0 : index
    %get3A_656 = vector.load %arg4[%get3A_653, %get3A_654, %get3A_655] : memref<1x2048x1xf32, #tpu.memory_space<vmem>>, vector<1x128x1xf32>
    %get3A_657 = vector.shape_cast %get3A_656 : vector<1x128x1xf32> to vector<128x1xf32>
    %get3A_658 = arith.constant 0 : index
    %get3A_659 = arith.constant 896 : index
    %get3A_660 = arith.constant 0 : index
    %get3A_661 = vector.load %arg5[%get3A_658, %get3A_659, %get3A_660] : memref<1x2048x1xf32, #tpu.memory_space<vmem>>, vector<1x128x1xf32>
    %get3A_662 = vector.shape_cast %get3A_661 : vector<1x128x1xf32> to vector<128x1xf32>
    %min3A_663 = vector.broadcast %get3A_657 : vector<128x1xf32> to vector<128x2048xf32>
    %min3A_664 = vector.broadcast %get3A_13 : vector<1x2048xf32> to vector<128x2048xf32>
    %min3A_665 = arith.minimumf %min3A_663, %min3A_664 : vector<128x2048xf32>
    %max3A_666 = vector.broadcast %get3A_647 : vector<128x1xf32> to vector<128x2048xf32>
    %max3A_667 = vector.broadcast %get3A_3 : vector<1x2048xf32> to vector<128x2048xf32>
    %max3A_668 = arith.maximumf %max3A_666, %max3A_667 : vector<128x2048xf32>
    %sub3A_669 = arith.subf %min3A_665, %max3A_668 : vector<128x2048xf32>
    %max3A_670 = arith.constant 0.000000e+00 : f32
    %max3A_671 = vector.broadcast %max3A_670 : f32 to vector<128x2048xf32>
    %max3A_672 = arith.maximumf %sub3A_669, %max3A_671 : vector<128x2048xf32>
    %min3A_673 = vector.broadcast %get3A_662 : vector<128x1xf32> to vector<128x2048xf32>
    %min3A_674 = vector.broadcast %get3A_18 : vector<1x2048xf32> to vector<128x2048xf32>
    %min3A_675 = arith.minimumf %min3A_673, %min3A_674 : vector<128x2048xf32>
    %max3A_676 = vector.broadcast %get3A_652 : vector<128x1xf32> to vector<128x2048xf32>
    %max3A_677 = vector.broadcast %get3A_8 : vector<1x2048xf32> to vector<128x2048xf32>
    %max3A_678 = arith.maximumf %max3A_676, %max3A_677 : vector<128x2048xf32>
    %sub3A_679 = arith.subf %min3A_675, %max3A_678 : vector<128x2048xf32>
    %max3A_680 = arith.constant 0.000000e+00 : f32
    %max3A_681 = vector.broadcast %max3A_680 : f32 to vector<128x2048xf32>
    %max3A_682 = arith.maximumf %sub3A_679, %max3A_681 : vector<128x2048xf32>
    %mul3A_683 = arith.mulf %max3A_672, %max3A_682 : vector<128x2048xf32>
    %sub3A_684 = arith.subf %get3A_657, %get3A_647 : vector<128x1xf32>
    %sub3A_685 = arith.subf %get3A_662, %get3A_652 : vector<128x1xf32>
    %mul3A_686 = arith.mulf %sub3A_684, %sub3A_685 : vector<128x1xf32>
    %add3A_687 = vector.broadcast %mul3A_686 : vector<128x1xf32> to vector<128x2048xf32>
    %add3A_688 = vector.broadcast %mul3A : vector<1x2048xf32> to vector<128x2048xf32>
    %add3A_689 = arith.addf %add3A_687, %add3A_688 : vector<128x2048xf32>
    %add3A_690 = arith.constant 9.99999993E-9 : f32
    %add3A_691 = vector.broadcast %add3A_690 : f32 to vector<128x2048xf32>
    %add3A_692 = arith.addf %add3A_689, %add3A_691 : vector<128x2048xf32>
    %mul3A_693 = arith.constant 0.699999988 : f32
    %mul3A_694 = vector.broadcast %mul3A_693 : f32 to vector<128x2048xf32>
    %mul3A_695 = arith.mulf %mul3A_694, %add3A_692 : vector<128x2048xf32>
    %mul3A_696 = arith.constant 1.700000e+00 : f32
    %mul3A_697 = vector.broadcast %mul3A_696 : f32 to vector<128x2048xf32>
    %mul3A_698 = arith.mulf %mul3A_697, %mul3A_683 : vector<128x2048xf32>
    %gt3A_699 = arith.cmpf ogt, %mul3A_698, %mul3A_695 : vector<128x2048xf32>
    %jit3A_700 = arith.constant 1.000000e+00 : f32
    %jit3A_701 = arith.constant 0.000000e+00 : f32
    %broadcast_in_dim3A_702 = vector.broadcast %jit3A_700 : f32 to vector<128x2048xf32>
    %broadcast_in_dim3A_703 = vector.broadcast %jit3A_701 : f32 to vector<128x2048xf32>
    %select_n3A_704 = arith.select %gt3A_699, %broadcast_in_dim3A_702, %broadcast_in_dim3A_703 : vector<128x2048xi1>, vector<128x2048xf32>
    %slice3A_705 = vector.extract_strided_slice %select_n3A_704 {offsets = [0, 896], sizes = [128, 128], strides = [1, 1]} : vector<128x2048xf32> to vector<128x128xf32>
    %jit3A_706 = arith.constant 0.000000e+00 : f32
    %broadcast_in_dim3A_707 = vector.broadcast %jit3A_706 : f32 to vector<128x128xf32>
    %select_n3A_708 = arith.select %gt3A, %slice3A_705, %broadcast_in_dim3A_707 : vector<128x128xi1>, vector<128x128xf32>
    %slice3A_709 = vector.extract_strided_slice %max3A_642 {offsets = [0, 896], sizes = [1, 128], strides = [1, 1]} : vector<1x2048xf32> to vector<1x128xf32>
    %sub3A_710 = arith.constant 1.000000e+00 : f32
    %sub3A_711 = vector.broadcast %sub3A_710 : f32 to vector<1x128xf32>
    %sub3A_712 = arith.subf %sub3A_711, %slice3A_709 : vector<1x128xf32>
    %while3A_713 = arith.constant true
    %while3A_714:2 = scf.while (%while3A_1451 = %sub3A_712, %while3A_1452 = %while3A_713) : (vector<1x128xf32>, i1) -> (vector<1x128xf32>, i1) {
      scf.condition(%while3A_1452) %while3A_1451, %while3A_1452 : vector<1x128xf32>, i1
    } do {
    ^bb0(%while3A_1451: vector<1x128xf32>, %while3A_1452: i1):
      %broadcast_in_dim3A_1453 = vector.shape_cast %while3A_1451 : vector<1x128xf32> to vector<1x128xf32>
      %broadcast_in_dim3A_1454 = vector.broadcast %broadcast_in_dim3A_1453 : vector<1x128xf32> to vector<8x128xf32>
      %dot_general3A_1455 = arith.constant dense<0.000000e+00> : vector<8x128xf32>
      %dot_general3A_1456 = tpu.matmul %broadcast_in_dim3A_1454, %select_n3A_708, %dot_general3A_1455 {dimension_numbers = #tpu.dot_dimension_numbers<[1], [0], [0], [1], [0, 0, 1, 1], [], []>, transpose_lhs_hint = false} : vector<8x128xf32>, vector<128x128xf32>, vector<8x128xf32> -> vector<8x128xf32>
      %slice3A_1457 = vector.extract_strided_slice %dot_general3A_1456 {offsets = [0, 0], sizes = [1, 128], strides = [1, 1]} : vector<8x128xf32> to vector<1x128xf32>
      %lt3A = arith.constant 5.000000e-01 : f32
      %lt3A_1458 = vector.broadcast %lt3A : f32 to vector<1x128xf32>
      %lt3A_1459 = arith.cmpf olt, %slice3A_1457, %lt3A_1458 : vector<1x128xf32>
      %gt3A_1460 = arith.constant 5.000000e-01 : f32
      %gt3A_1461 = vector.broadcast %gt3A_1460 : f32 to vector<1x128xf32>
      %gt3A_1462 = arith.cmpf ogt, %sub3A_712, %gt3A_1461 : vector<1x128xf32>
      %and3A_1463 = arith.andi %lt3A_1459, %gt3A_1462 : vector<1x128xi1>
      %jit3A_1464 = arith.constant 1.000000e+00 : f32
      %jit3A_1465 = arith.constant 0.000000e+00 : f32
      %broadcast_in_dim3A_1466 = vector.broadcast %jit3A_1464 : f32 to vector<1x128xf32>
      %broadcast_in_dim3A_1467 = vector.broadcast %jit3A_1465 : f32 to vector<1x128xf32>
      %select_n3A_1468 = arith.select %and3A_1463, %broadcast_in_dim3A_1466, %broadcast_in_dim3A_1467 : vector<1x128xi1>, vector<1x128xf32>
      %ne3A = arith.cmpf one, %select_n3A_1468, %while3A_1451 : vector<1x128xf32>
      %reduce_or3A = arith.constant 1.000000e+00 : f32
      %reduce_or3A_1469 = arith.constant 0.000000e+00 : f32
      %reduce_or3A_1470 = vector.broadcast %reduce_or3A : f32 to vector<1x128xf32>
      %reduce_or3A_1471 = vector.broadcast %reduce_or3A_1469 : f32 to vector<1x128xf32>
      %reduce_or3A_1472 = arith.select %ne3A, %reduce_or3A_1470, %reduce_or3A_1471 : vector<1x128xi1>, vector<1x128xf32>
      %reduce_or3A_1473 = vector.shape_cast %reduce_or3A_1472 : vector<1x128xf32> to vector<1x1x128xf32>
      %reduce_or3A_1474 = arith.constant dense<0xFF800000> : vector<1xf32>
      %reduce_or3A_1475 = vector.multi_reduction <maximumf>, %reduce_or3A_1473, %reduce_or3A_1474 [1, 2] : vector<1x1x128xf32> to vector<1xf32>
      %reduce_or3A_1476 = vector.shape_cast %reduce_or3A_1475 : vector<1xf32> to vector<1x1x1xf32>
      %reduce_or3A_1477 = vector.extract %reduce_or3A_1476[0, 0, 0] : f32 from vector<1x1x1xf32>
      %reduce_or3A_1478 = arith.constant 0.000000e+00 : f32
      %reduce_or3A_1479 = arith.cmpf ogt, %reduce_or3A_1477, %reduce_or3A_1478 : f32
      scf.yield %select_n3A_1468, %reduce_or3A_1479 : vector<1x128xf32>, i1
    }
    %broadcast_in_dim3A_715 = vector.shape_cast %while3A_714#0 : vector<1x128xf32> to vector<1x128xf32>
    %broadcast_in_dim3A_716 = vector.broadcast %broadcast_in_dim3A_715 : vector<1x128xf32> to vector<8x128xf32>
    %dot_general3A_717 = arith.constant dense<0.000000e+00> : vector<8x2048xf32>
    %dot_general3A_718 = tpu.matmul %broadcast_in_dim3A_716, %select_n3A_704, %dot_general3A_717 {dimension_numbers = #tpu.dot_dimension_numbers<[1], [0], [0], [1], [0, 0, 1, 1], [], []>, transpose_lhs_hint = false} : vector<8x128xf32>, vector<128x2048xf32>, vector<8x2048xf32> -> vector<8x2048xf32>
    %slice3A_719 = vector.extract_strided_slice %dot_general3A_718 {offsets = [0, 0], sizes = [1, 2048], strides = [1, 1]} : vector<8x2048xf32> to vector<1x2048xf32>
    %gt3A_720 = arith.constant 5.000000e-01 : f32
    %gt3A_721 = vector.broadcast %gt3A_720 : f32 to vector<1x2048xf32>
    %gt3A_722 = arith.cmpf ogt, %slice3A_719, %gt3A_721 : vector<1x2048xf32>
    %ge3A_723 = arith.constant 1024 : i32
    %ge3A_724 = vector.broadcast %ge3A_723 : i32 to vector<1x2048xi32>
    %ge3A_725 = arith.cmpi sge, %iota3A, %ge3A_724 : vector<1x2048xi32>
    %and3A_726 = arith.andi %gt3A_722, %ge3A_725 : vector<1x2048xi1>
    %jit3A_727 = arith.constant 1.000000e+00 : f32
    %jit3A_728 = arith.constant 0.000000e+00 : f32
    %broadcast_in_dim3A_729 = vector.broadcast %jit3A_727 : f32 to vector<1x2048xf32>
    %broadcast_in_dim3A_730 = vector.broadcast %jit3A_728 : f32 to vector<1x2048xf32>
    %select_n3A_731 = arith.select %and3A_726, %broadcast_in_dim3A_729, %broadcast_in_dim3A_730 : vector<1x2048xi1>, vector<1x2048xf32>
    %max3A_732 = arith.maximumf %max3A_642, %select_n3A_731 : vector<1x2048xf32>
    %get3A_733 = arith.constant 0 : index
    %get3A_734 = arith.constant 1024 : index
    %get3A_735 = arith.constant 0 : index
    %get3A_736 = vector.load %arg2[%get3A_733, %get3A_734, %get3A_735] : memref<1x2048x1xf32, #tpu.memory_space<vmem>>, vector<1x128x1xf32>
    %get3A_737 = vector.shape_cast %get3A_736 : vector<1x128x1xf32> to vector<128x1xf32>
    %get3A_738 = arith.constant 0 : index
    %get3A_739 = arith.constant 1024 : index
    %get3A_740 = arith.constant 0 : index
    %get3A_741 = vector.load %arg3[%get3A_738, %get3A_739, %get3A_740] : memref<1x2048x1xf32, #tpu.memory_space<vmem>>, vector<1x128x1xf32>
    %get3A_742 = vector.shape_cast %get3A_741 : vector<1x128x1xf32> to vector<128x1xf32>
    %get3A_743 = arith.constant 0 : index
    %get3A_744 = arith.constant 1024 : index
    %get3A_745 = arith.constant 0 : index
    %get3A_746 = vector.load %arg4[%get3A_743, %get3A_744, %get3A_745] : memref<1x2048x1xf32, #tpu.memory_space<vmem>>, vector<1x128x1xf32>
    %get3A_747 = vector.shape_cast %get3A_746 : vector<1x128x1xf32> to vector<128x1xf32>
    %get3A_748 = arith.constant 0 : index
    %get3A_749 = arith.constant 1024 : index
    %get3A_750 = arith.constant 0 : index
    %get3A_751 = vector.load %arg5[%get3A_748, %get3A_749, %get3A_750] : memref<1x2048x1xf32, #tpu.memory_space<vmem>>, vector<1x128x1xf32>
    %get3A_752 = vector.shape_cast %get3A_751 : vector<1x128x1xf32> to vector<128x1xf32>
    %min3A_753 = vector.broadcast %get3A_747 : vector<128x1xf32> to vector<128x2048xf32>
    %min3A_754 = vector.broadcast %get3A_13 : vector<1x2048xf32> to vector<128x2048xf32>
    %min3A_755 = arith.minimumf %min3A_753, %min3A_754 : vector<128x2048xf32>
    %max3A_756 = vector.broadcast %get3A_737 : vector<128x1xf32> to vector<128x2048xf32>
    %max3A_757 = vector.broadcast %get3A_3 : vector<1x2048xf32> to vector<128x2048xf32>
    %max3A_758 = arith.maximumf %max3A_756, %max3A_757 : vector<128x2048xf32>
    %sub3A_759 = arith.subf %min3A_755, %max3A_758 : vector<128x2048xf32>
    %max3A_760 = arith.constant 0.000000e+00 : f32
    %max3A_761 = vector.broadcast %max3A_760 : f32 to vector<128x2048xf32>
    %max3A_762 = arith.maximumf %sub3A_759, %max3A_761 : vector<128x2048xf32>
    %min3A_763 = vector.broadcast %get3A_752 : vector<128x1xf32> to vector<128x2048xf32>
    %min3A_764 = vector.broadcast %get3A_18 : vector<1x2048xf32> to vector<128x2048xf32>
    %min3A_765 = arith.minimumf %min3A_763, %min3A_764 : vector<128x2048xf32>
    %max3A_766 = vector.broadcast %get3A_742 : vector<128x1xf32> to vector<128x2048xf32>
    %max3A_767 = vector.broadcast %get3A_8 : vector<1x2048xf32> to vector<128x2048xf32>
    %max3A_768 = arith.maximumf %max3A_766, %max3A_767 : vector<128x2048xf32>
    %sub3A_769 = arith.subf %min3A_765, %max3A_768 : vector<128x2048xf32>
    %max3A_770 = arith.constant 0.000000e+00 : f32
    %max3A_771 = vector.broadcast %max3A_770 : f32 to vector<128x2048xf32>
    %max3A_772 = arith.maximumf %sub3A_769, %max3A_771 : vector<128x2048xf32>
    %mul3A_773 = arith.mulf %max3A_762, %max3A_772 : vector<128x2048xf32>
    %sub3A_774 = arith.subf %get3A_747, %get3A_737 : vector<128x1xf32>
    %sub3A_775 = arith.subf %get3A_752, %get3A_742 : vector<128x1xf32>
    %mul3A_776 = arith.mulf %sub3A_774, %sub3A_775 : vector<128x1xf32>
    %add3A_777 = vector.broadcast %mul3A_776 : vector<128x1xf32> to vector<128x2048xf32>
    %add3A_778 = vector.broadcast %mul3A : vector<1x2048xf32> to vector<128x2048xf32>
    %add3A_779 = arith.addf %add3A_777, %add3A_778 : vector<128x2048xf32>
    %add3A_780 = arith.constant 9.99999993E-9 : f32
    %add3A_781 = vector.broadcast %add3A_780 : f32 to vector<128x2048xf32>
    %add3A_782 = arith.addf %add3A_779, %add3A_781 : vector<128x2048xf32>
    %mul3A_783 = arith.constant 0.699999988 : f32
    %mul3A_784 = vector.broadcast %mul3A_783 : f32 to vector<128x2048xf32>
    %mul3A_785 = arith.mulf %mul3A_784, %add3A_782 : vector<128x2048xf32>
    %mul3A_786 = arith.constant 1.700000e+00 : f32
    %mul3A_787 = vector.broadcast %mul3A_786 : f32 to vector<128x2048xf32>
    %mul3A_788 = arith.mulf %mul3A_787, %mul3A_773 : vector<128x2048xf32>
    %gt3A_789 = arith.cmpf ogt, %mul3A_788, %mul3A_785 : vector<128x2048xf32>
    %jit3A_790 = arith.constant 1.000000e+00 : f32
    %jit3A_791 = arith.constant 0.000000e+00 : f32
    %broadcast_in_dim3A_792 = vector.broadcast %jit3A_790 : f32 to vector<128x2048xf32>
    %broadcast_in_dim3A_793 = vector.broadcast %jit3A_791 : f32 to vector<128x2048xf32>
    %select_n3A_794 = arith.select %gt3A_789, %broadcast_in_dim3A_792, %broadcast_in_dim3A_793 : vector<128x2048xi1>, vector<128x2048xf32>
    %slice3A_795 = vector.extract_strided_slice %select_n3A_794 {offsets = [0, 1024], sizes = [128, 128], strides = [1, 1]} : vector<128x2048xf32> to vector<128x128xf32>
    %jit3A_796 = arith.constant 0.000000e+00 : f32
    %broadcast_in_dim3A_797 = vector.broadcast %jit3A_796 : f32 to vector<128x128xf32>
    %select_n3A_798 = arith.select %gt3A, %slice3A_795, %broadcast_in_dim3A_797 : vector<128x128xi1>, vector<128x128xf32>
    %slice3A_799 = vector.extract_strided_slice %max3A_732 {offsets = [0, 1024], sizes = [1, 128], strides = [1, 1]} : vector<1x2048xf32> to vector<1x128xf32>
    %sub3A_800 = arith.constant 1.000000e+00 : f32
    %sub3A_801 = vector.broadcast %sub3A_800 : f32 to vector<1x128xf32>
    %sub3A_802 = arith.subf %sub3A_801, %slice3A_799 : vector<1x128xf32>
    %while3A_803 = arith.constant true
    %while3A_804:2 = scf.while (%while3A_1451 = %sub3A_802, %while3A_1452 = %while3A_803) : (vector<1x128xf32>, i1) -> (vector<1x128xf32>, i1) {
      scf.condition(%while3A_1452) %while3A_1451, %while3A_1452 : vector<1x128xf32>, i1
    } do {
    ^bb0(%while3A_1451: vector<1x128xf32>, %while3A_1452: i1):
      %broadcast_in_dim3A_1453 = vector.shape_cast %while3A_1451 : vector<1x128xf32> to vector<1x128xf32>
      %broadcast_in_dim3A_1454 = vector.broadcast %broadcast_in_dim3A_1453 : vector<1x128xf32> to vector<8x128xf32>
      %dot_general3A_1455 = arith.constant dense<0.000000e+00> : vector<8x128xf32>
      %dot_general3A_1456 = tpu.matmul %broadcast_in_dim3A_1454, %select_n3A_798, %dot_general3A_1455 {dimension_numbers = #tpu.dot_dimension_numbers<[1], [0], [0], [1], [0, 0, 1, 1], [], []>, transpose_lhs_hint = false} : vector<8x128xf32>, vector<128x128xf32>, vector<8x128xf32> -> vector<8x128xf32>
      %slice3A_1457 = vector.extract_strided_slice %dot_general3A_1456 {offsets = [0, 0], sizes = [1, 128], strides = [1, 1]} : vector<8x128xf32> to vector<1x128xf32>
      %lt3A = arith.constant 5.000000e-01 : f32
      %lt3A_1458 = vector.broadcast %lt3A : f32 to vector<1x128xf32>
      %lt3A_1459 = arith.cmpf olt, %slice3A_1457, %lt3A_1458 : vector<1x128xf32>
      %gt3A_1460 = arith.constant 5.000000e-01 : f32
      %gt3A_1461 = vector.broadcast %gt3A_1460 : f32 to vector<1x128xf32>
      %gt3A_1462 = arith.cmpf ogt, %sub3A_802, %gt3A_1461 : vector<1x128xf32>
      %and3A_1463 = arith.andi %lt3A_1459, %gt3A_1462 : vector<1x128xi1>
      %jit3A_1464 = arith.constant 1.000000e+00 : f32
      %jit3A_1465 = arith.constant 0.000000e+00 : f32
      %broadcast_in_dim3A_1466 = vector.broadcast %jit3A_1464 : f32 to vector<1x128xf32>
      %broadcast_in_dim3A_1467 = vector.broadcast %jit3A_1465 : f32 to vector<1x128xf32>
      %select_n3A_1468 = arith.select %and3A_1463, %broadcast_in_dim3A_1466, %broadcast_in_dim3A_1467 : vector<1x128xi1>, vector<1x128xf32>
      %ne3A = arith.cmpf one, %select_n3A_1468, %while3A_1451 : vector<1x128xf32>
      %reduce_or3A = arith.constant 1.000000e+00 : f32
      %reduce_or3A_1469 = arith.constant 0.000000e+00 : f32
      %reduce_or3A_1470 = vector.broadcast %reduce_or3A : f32 to vector<1x128xf32>
      %reduce_or3A_1471 = vector.broadcast %reduce_or3A_1469 : f32 to vector<1x128xf32>
      %reduce_or3A_1472 = arith.select %ne3A, %reduce_or3A_1470, %reduce_or3A_1471 : vector<1x128xi1>, vector<1x128xf32>
      %reduce_or3A_1473 = vector.shape_cast %reduce_or3A_1472 : vector<1x128xf32> to vector<1x1x128xf32>
      %reduce_or3A_1474 = arith.constant dense<0xFF800000> : vector<1xf32>
      %reduce_or3A_1475 = vector.multi_reduction <maximumf>, %reduce_or3A_1473, %reduce_or3A_1474 [1, 2] : vector<1x1x128xf32> to vector<1xf32>
      %reduce_or3A_1476 = vector.shape_cast %reduce_or3A_1475 : vector<1xf32> to vector<1x1x1xf32>
      %reduce_or3A_1477 = vector.extract %reduce_or3A_1476[0, 0, 0] : f32 from vector<1x1x1xf32>
      %reduce_or3A_1478 = arith.constant 0.000000e+00 : f32
      %reduce_or3A_1479 = arith.cmpf ogt, %reduce_or3A_1477, %reduce_or3A_1478 : f32
      scf.yield %select_n3A_1468, %reduce_or3A_1479 : vector<1x128xf32>, i1
    }
    %broadcast_in_dim3A_805 = vector.shape_cast %while3A_804#0 : vector<1x128xf32> to vector<1x128xf32>
    %broadcast_in_dim3A_806 = vector.broadcast %broadcast_in_dim3A_805 : vector<1x128xf32> to vector<8x128xf32>
    %dot_general3A_807 = arith.constant dense<0.000000e+00> : vector<8x2048xf32>
    %dot_general3A_808 = tpu.matmul %broadcast_in_dim3A_806, %select_n3A_794, %dot_general3A_807 {dimension_numbers = #tpu.dot_dimension_numbers<[1], [0], [0], [1], [0, 0, 1, 1], [], []>, transpose_lhs_hint = false} : vector<8x128xf32>, vector<128x2048xf32>, vector<8x2048xf32> -> vector<8x2048xf32>
    %slice3A_809 = vector.extract_strided_slice %dot_general3A_808 {offsets = [0, 0], sizes = [1, 2048], strides = [1, 1]} : vector<8x2048xf32> to vector<1x2048xf32>
    %gt3A_810 = arith.constant 5.000000e-01 : f32
    %gt3A_811 = vector.broadcast %gt3A_810 : f32 to vector<1x2048xf32>
    %gt3A_812 = arith.cmpf ogt, %slice3A_809, %gt3A_811 : vector<1x2048xf32>
    %ge3A_813 = arith.constant 1152 : i32
    %ge3A_814 = vector.broadcast %ge3A_813 : i32 to vector<1x2048xi32>
    %ge3A_815 = arith.cmpi sge, %iota3A, %ge3A_814 : vector<1x2048xi32>
    %and3A_816 = arith.andi %gt3A_812, %ge3A_815 : vector<1x2048xi1>
    %jit3A_817 = arith.constant 1.000000e+00 : f32
    %jit3A_818 = arith.constant 0.000000e+00 : f32
    %broadcast_in_dim3A_819 = vector.broadcast %jit3A_817 : f32 to vector<1x2048xf32>
    %broadcast_in_dim3A_820 = vector.broadcast %jit3A_818 : f32 to vector<1x2048xf32>
    %select_n3A_821 = arith.select %and3A_816, %broadcast_in_dim3A_819, %broadcast_in_dim3A_820 : vector<1x2048xi1>, vector<1x2048xf32>
    %max3A_822 = arith.maximumf %max3A_732, %select_n3A_821 : vector<1x2048xf32>
    %get3A_823 = arith.constant 0 : index
    %get3A_824 = arith.constant 1152 : index
    %get3A_825 = arith.constant 0 : index
    %get3A_826 = vector.load %arg2[%get3A_823, %get3A_824, %get3A_825] : memref<1x2048x1xf32, #tpu.memory_space<vmem>>, vector<1x128x1xf32>
    %get3A_827 = vector.shape_cast %get3A_826 : vector<1x128x1xf32> to vector<128x1xf32>
    %get3A_828 = arith.constant 0 : index
    %get3A_829 = arith.constant 1152 : index
    %get3A_830 = arith.constant 0 : index
    %get3A_831 = vector.load %arg3[%get3A_828, %get3A_829, %get3A_830] : memref<1x2048x1xf32, #tpu.memory_space<vmem>>, vector<1x128x1xf32>
    %get3A_832 = vector.shape_cast %get3A_831 : vector<1x128x1xf32> to vector<128x1xf32>
    %get3A_833 = arith.constant 0 : index
    %get3A_834 = arith.constant 1152 : index
    %get3A_835 = arith.constant 0 : index
    %get3A_836 = vector.load %arg4[%get3A_833, %get3A_834, %get3A_835] : memref<1x2048x1xf32, #tpu.memory_space<vmem>>, vector<1x128x1xf32>
    %get3A_837 = vector.shape_cast %get3A_836 : vector<1x128x1xf32> to vector<128x1xf32>
    %get3A_838 = arith.constant 0 : index
    %get3A_839 = arith.constant 1152 : index
    %get3A_840 = arith.constant 0 : index
    %get3A_841 = vector.load %arg5[%get3A_838, %get3A_839, %get3A_840] : memref<1x2048x1xf32, #tpu.memory_space<vmem>>, vector<1x128x1xf32>
    %get3A_842 = vector.shape_cast %get3A_841 : vector<1x128x1xf32> to vector<128x1xf32>
    %min3A_843 = vector.broadcast %get3A_837 : vector<128x1xf32> to vector<128x2048xf32>
    %min3A_844 = vector.broadcast %get3A_13 : vector<1x2048xf32> to vector<128x2048xf32>
    %min3A_845 = arith.minimumf %min3A_843, %min3A_844 : vector<128x2048xf32>
    %max3A_846 = vector.broadcast %get3A_827 : vector<128x1xf32> to vector<128x2048xf32>
    %max3A_847 = vector.broadcast %get3A_3 : vector<1x2048xf32> to vector<128x2048xf32>
    %max3A_848 = arith.maximumf %max3A_846, %max3A_847 : vector<128x2048xf32>
    %sub3A_849 = arith.subf %min3A_845, %max3A_848 : vector<128x2048xf32>
    %max3A_850 = arith.constant 0.000000e+00 : f32
    %max3A_851 = vector.broadcast %max3A_850 : f32 to vector<128x2048xf32>
    %max3A_852 = arith.maximumf %sub3A_849, %max3A_851 : vector<128x2048xf32>
    %min3A_853 = vector.broadcast %get3A_842 : vector<128x1xf32> to vector<128x2048xf32>
    %min3A_854 = vector.broadcast %get3A_18 : vector<1x2048xf32> to vector<128x2048xf32>
    %min3A_855 = arith.minimumf %min3A_853, %min3A_854 : vector<128x2048xf32>
    %max3A_856 = vector.broadcast %get3A_832 : vector<128x1xf32> to vector<128x2048xf32>
    %max3A_857 = vector.broadcast %get3A_8 : vector<1x2048xf32> to vector<128x2048xf32>
    %max3A_858 = arith.maximumf %max3A_856, %max3A_857 : vector<128x2048xf32>
    %sub3A_859 = arith.subf %min3A_855, %max3A_858 : vector<128x2048xf32>
    %max3A_860 = arith.constant 0.000000e+00 : f32
    %max3A_861 = vector.broadcast %max3A_860 : f32 to vector<128x2048xf32>
    %max3A_862 = arith.maximumf %sub3A_859, %max3A_861 : vector<128x2048xf32>
    %mul3A_863 = arith.mulf %max3A_852, %max3A_862 : vector<128x2048xf32>
    %sub3A_864 = arith.subf %get3A_837, %get3A_827 : vector<128x1xf32>
    %sub3A_865 = arith.subf %get3A_842, %get3A_832 : vector<128x1xf32>
    %mul3A_866 = arith.mulf %sub3A_864, %sub3A_865 : vector<128x1xf32>
    %add3A_867 = vector.broadcast %mul3A_866 : vector<128x1xf32> to vector<128x2048xf32>
    %add3A_868 = vector.broadcast %mul3A : vector<1x2048xf32> to vector<128x2048xf32>
    %add3A_869 = arith.addf %add3A_867, %add3A_868 : vector<128x2048xf32>
    %add3A_870 = arith.constant 9.99999993E-9 : f32
    %add3A_871 = vector.broadcast %add3A_870 : f32 to vector<128x2048xf32>
    %add3A_872 = arith.addf %add3A_869, %add3A_871 : vector<128x2048xf32>
    %mul3A_873 = arith.constant 0.699999988 : f32
    %mul3A_874 = vector.broadcast %mul3A_873 : f32 to vector<128x2048xf32>
    %mul3A_875 = arith.mulf %mul3A_874, %add3A_872 : vector<128x2048xf32>
    %mul3A_876 = arith.constant 1.700000e+00 : f32
    %mul3A_877 = vector.broadcast %mul3A_876 : f32 to vector<128x2048xf32>
    %mul3A_878 = arith.mulf %mul3A_877, %mul3A_863 : vector<128x2048xf32>
    %gt3A_879 = arith.cmpf ogt, %mul3A_878, %mul3A_875 : vector<128x2048xf32>
    %jit3A_880 = arith.constant 1.000000e+00 : f32
    %jit3A_881 = arith.constant 0.000000e+00 : f32
    %broadcast_in_dim3A_882 = vector.broadcast %jit3A_880 : f32 to vector<128x2048xf32>
    %broadcast_in_dim3A_883 = vector.broadcast %jit3A_881 : f32 to vector<128x2048xf32>
    %select_n3A_884 = arith.select %gt3A_879, %broadcast_in_dim3A_882, %broadcast_in_dim3A_883 : vector<128x2048xi1>, vector<128x2048xf32>
    %slice3A_885 = vector.extract_strided_slice %select_n3A_884 {offsets = [0, 1152], sizes = [128, 128], strides = [1, 1]} : vector<128x2048xf32> to vector<128x128xf32>
    %jit3A_886 = arith.constant 0.000000e+00 : f32
    %broadcast_in_dim3A_887 = vector.broadcast %jit3A_886 : f32 to vector<128x128xf32>
    %select_n3A_888 = arith.select %gt3A, %slice3A_885, %broadcast_in_dim3A_887 : vector<128x128xi1>, vector<128x128xf32>
    %slice3A_889 = vector.extract_strided_slice %max3A_822 {offsets = [0, 1152], sizes = [1, 128], strides = [1, 1]} : vector<1x2048xf32> to vector<1x128xf32>
    %sub3A_890 = arith.constant 1.000000e+00 : f32
    %sub3A_891 = vector.broadcast %sub3A_890 : f32 to vector<1x128xf32>
    %sub3A_892 = arith.subf %sub3A_891, %slice3A_889 : vector<1x128xf32>
    %while3A_893 = arith.constant true
    %while3A_894:2 = scf.while (%while3A_1451 = %sub3A_892, %while3A_1452 = %while3A_893) : (vector<1x128xf32>, i1) -> (vector<1x128xf32>, i1) {
      scf.condition(%while3A_1452) %while3A_1451, %while3A_1452 : vector<1x128xf32>, i1
    } do {
    ^bb0(%while3A_1451: vector<1x128xf32>, %while3A_1452: i1):
      %broadcast_in_dim3A_1453 = vector.shape_cast %while3A_1451 : vector<1x128xf32> to vector<1x128xf32>
      %broadcast_in_dim3A_1454 = vector.broadcast %broadcast_in_dim3A_1453 : vector<1x128xf32> to vector<8x128xf32>
      %dot_general3A_1455 = arith.constant dense<0.000000e+00> : vector<8x128xf32>
      %dot_general3A_1456 = tpu.matmul %broadcast_in_dim3A_1454, %select_n3A_888, %dot_general3A_1455 {dimension_numbers = #tpu.dot_dimension_numbers<[1], [0], [0], [1], [0, 0, 1, 1], [], []>, transpose_lhs_hint = false} : vector<8x128xf32>, vector<128x128xf32>, vector<8x128xf32> -> vector<8x128xf32>
      %slice3A_1457 = vector.extract_strided_slice %dot_general3A_1456 {offsets = [0, 0], sizes = [1, 128], strides = [1, 1]} : vector<8x128xf32> to vector<1x128xf32>
      %lt3A = arith.constant 5.000000e-01 : f32
      %lt3A_1458 = vector.broadcast %lt3A : f32 to vector<1x128xf32>
      %lt3A_1459 = arith.cmpf olt, %slice3A_1457, %lt3A_1458 : vector<1x128xf32>
      %gt3A_1460 = arith.constant 5.000000e-01 : f32
      %gt3A_1461 = vector.broadcast %gt3A_1460 : f32 to vector<1x128xf32>
      %gt3A_1462 = arith.cmpf ogt, %sub3A_892, %gt3A_1461 : vector<1x128xf32>
      %and3A_1463 = arith.andi %lt3A_1459, %gt3A_1462 : vector<1x128xi1>
      %jit3A_1464 = arith.constant 1.000000e+00 : f32
      %jit3A_1465 = arith.constant 0.000000e+00 : f32
      %broadcast_in_dim3A_1466 = vector.broadcast %jit3A_1464 : f32 to vector<1x128xf32>
      %broadcast_in_dim3A_1467 = vector.broadcast %jit3A_1465 : f32 to vector<1x128xf32>
      %select_n3A_1468 = arith.select %and3A_1463, %broadcast_in_dim3A_1466, %broadcast_in_dim3A_1467 : vector<1x128xi1>, vector<1x128xf32>
      %ne3A = arith.cmpf one, %select_n3A_1468, %while3A_1451 : vector<1x128xf32>
      %reduce_or3A = arith.constant 1.000000e+00 : f32
      %reduce_or3A_1469 = arith.constant 0.000000e+00 : f32
      %reduce_or3A_1470 = vector.broadcast %reduce_or3A : f32 to vector<1x128xf32>
      %reduce_or3A_1471 = vector.broadcast %reduce_or3A_1469 : f32 to vector<1x128xf32>
      %reduce_or3A_1472 = arith.select %ne3A, %reduce_or3A_1470, %reduce_or3A_1471 : vector<1x128xi1>, vector<1x128xf32>
      %reduce_or3A_1473 = vector.shape_cast %reduce_or3A_1472 : vector<1x128xf32> to vector<1x1x128xf32>
      %reduce_or3A_1474 = arith.constant dense<0xFF800000> : vector<1xf32>
      %reduce_or3A_1475 = vector.multi_reduction <maximumf>, %reduce_or3A_1473, %reduce_or3A_1474 [1, 2] : vector<1x1x128xf32> to vector<1xf32>
      %reduce_or3A_1476 = vector.shape_cast %reduce_or3A_1475 : vector<1xf32> to vector<1x1x1xf32>
      %reduce_or3A_1477 = vector.extract %reduce_or3A_1476[0, 0, 0] : f32 from vector<1x1x1xf32>
      %reduce_or3A_1478 = arith.constant 0.000000e+00 : f32
      %reduce_or3A_1479 = arith.cmpf ogt, %reduce_or3A_1477, %reduce_or3A_1478 : f32
      scf.yield %select_n3A_1468, %reduce_or3A_1479 : vector<1x128xf32>, i1
    }
    %broadcast_in_dim3A_895 = vector.shape_cast %while3A_894#0 : vector<1x128xf32> to vector<1x128xf32>
    %broadcast_in_dim3A_896 = vector.broadcast %broadcast_in_dim3A_895 : vector<1x128xf32> to vector<8x128xf32>
    %dot_general3A_897 = arith.constant dense<0.000000e+00> : vector<8x2048xf32>
    %dot_general3A_898 = tpu.matmul %broadcast_in_dim3A_896, %select_n3A_884, %dot_general3A_897 {dimension_numbers = #tpu.dot_dimension_numbers<[1], [0], [0], [1], [0, 0, 1, 1], [], []>, transpose_lhs_hint = false} : vector<8x128xf32>, vector<128x2048xf32>, vector<8x2048xf32> -> vector<8x2048xf32>
    %slice3A_899 = vector.extract_strided_slice %dot_general3A_898 {offsets = [0, 0], sizes = [1, 2048], strides = [1, 1]} : vector<8x2048xf32> to vector<1x2048xf32>
    %gt3A_900 = arith.constant 5.000000e-01 : f32
    %gt3A_901 = vector.broadcast %gt3A_900 : f32 to vector<1x2048xf32>
    %gt3A_902 = arith.cmpf ogt, %slice3A_899, %gt3A_901 : vector<1x2048xf32>
    %ge3A_903 = arith.constant 1280 : i32
    %ge3A_904 = vector.broadcast %ge3A_903 : i32 to vector<1x2048xi32>
    %ge3A_905 = arith.cmpi sge, %iota3A, %ge3A_904 : vector<1x2048xi32>
    %and3A_906 = arith.andi %gt3A_902, %ge3A_905 : vector<1x2048xi1>
    %jit3A_907 = arith.constant 1.000000e+00 : f32
    %jit3A_908 = arith.constant 0.000000e+00 : f32
    %broadcast_in_dim3A_909 = vector.broadcast %jit3A_907 : f32 to vector<1x2048xf32>
    %broadcast_in_dim3A_910 = vector.broadcast %jit3A_908 : f32 to vector<1x2048xf32>
    %select_n3A_911 = arith.select %and3A_906, %broadcast_in_dim3A_909, %broadcast_in_dim3A_910 : vector<1x2048xi1>, vector<1x2048xf32>
    %max3A_912 = arith.maximumf %max3A_822, %select_n3A_911 : vector<1x2048xf32>
    %get3A_913 = arith.constant 0 : index
    %get3A_914 = arith.constant 1280 : index
    %get3A_915 = arith.constant 0 : index
    %get3A_916 = vector.load %arg2[%get3A_913, %get3A_914, %get3A_915] : memref<1x2048x1xf32, #tpu.memory_space<vmem>>, vector<1x128x1xf32>
    %get3A_917 = vector.shape_cast %get3A_916 : vector<1x128x1xf32> to vector<128x1xf32>
    %get3A_918 = arith.constant 0 : index
    %get3A_919 = arith.constant 1280 : index
    %get3A_920 = arith.constant 0 : index
    %get3A_921 = vector.load %arg3[%get3A_918, %get3A_919, %get3A_920] : memref<1x2048x1xf32, #tpu.memory_space<vmem>>, vector<1x128x1xf32>
    %get3A_922 = vector.shape_cast %get3A_921 : vector<1x128x1xf32> to vector<128x1xf32>
    %get3A_923 = arith.constant 0 : index
    %get3A_924 = arith.constant 1280 : index
    %get3A_925 = arith.constant 0 : index
    %get3A_926 = vector.load %arg4[%get3A_923, %get3A_924, %get3A_925] : memref<1x2048x1xf32, #tpu.memory_space<vmem>>, vector<1x128x1xf32>
    %get3A_927 = vector.shape_cast %get3A_926 : vector<1x128x1xf32> to vector<128x1xf32>
    %get3A_928 = arith.constant 0 : index
    %get3A_929 = arith.constant 1280 : index
    %get3A_930 = arith.constant 0 : index
    %get3A_931 = vector.load %arg5[%get3A_928, %get3A_929, %get3A_930] : memref<1x2048x1xf32, #tpu.memory_space<vmem>>, vector<1x128x1xf32>
    %get3A_932 = vector.shape_cast %get3A_931 : vector<1x128x1xf32> to vector<128x1xf32>
    %min3A_933 = vector.broadcast %get3A_927 : vector<128x1xf32> to vector<128x2048xf32>
    %min3A_934 = vector.broadcast %get3A_13 : vector<1x2048xf32> to vector<128x2048xf32>
    %min3A_935 = arith.minimumf %min3A_933, %min3A_934 : vector<128x2048xf32>
    %max3A_936 = vector.broadcast %get3A_917 : vector<128x1xf32> to vector<128x2048xf32>
    %max3A_937 = vector.broadcast %get3A_3 : vector<1x2048xf32> to vector<128x2048xf32>
    %max3A_938 = arith.maximumf %max3A_936, %max3A_937 : vector<128x2048xf32>
    %sub3A_939 = arith.subf %min3A_935, %max3A_938 : vector<128x2048xf32>
    %max3A_940 = arith.constant 0.000000e+00 : f32
    %max3A_941 = vector.broadcast %max3A_940 : f32 to vector<128x2048xf32>
    %max3A_942 = arith.maximumf %sub3A_939, %max3A_941 : vector<128x2048xf32>
    %min3A_943 = vector.broadcast %get3A_932 : vector<128x1xf32> to vector<128x2048xf32>
    %min3A_944 = vector.broadcast %get3A_18 : vector<1x2048xf32> to vector<128x2048xf32>
    %min3A_945 = arith.minimumf %min3A_943, %min3A_944 : vector<128x2048xf32>
    %max3A_946 = vector.broadcast %get3A_922 : vector<128x1xf32> to vector<128x2048xf32>
    %max3A_947 = vector.broadcast %get3A_8 : vector<1x2048xf32> to vector<128x2048xf32>
    %max3A_948 = arith.maximumf %max3A_946, %max3A_947 : vector<128x2048xf32>
    %sub3A_949 = arith.subf %min3A_945, %max3A_948 : vector<128x2048xf32>
    %max3A_950 = arith.constant 0.000000e+00 : f32
    %max3A_951 = vector.broadcast %max3A_950 : f32 to vector<128x2048xf32>
    %max3A_952 = arith.maximumf %sub3A_949, %max3A_951 : vector<128x2048xf32>
    %mul3A_953 = arith.mulf %max3A_942, %max3A_952 : vector<128x2048xf32>
    %sub3A_954 = arith.subf %get3A_927, %get3A_917 : vector<128x1xf32>
    %sub3A_955 = arith.subf %get3A_932, %get3A_922 : vector<128x1xf32>
    %mul3A_956 = arith.mulf %sub3A_954, %sub3A_955 : vector<128x1xf32>
    %add3A_957 = vector.broadcast %mul3A_956 : vector<128x1xf32> to vector<128x2048xf32>
    %add3A_958 = vector.broadcast %mul3A : vector<1x2048xf32> to vector<128x2048xf32>
    %add3A_959 = arith.addf %add3A_957, %add3A_958 : vector<128x2048xf32>
    %add3A_960 = arith.constant 9.99999993E-9 : f32
    %add3A_961 = vector.broadcast %add3A_960 : f32 to vector<128x2048xf32>
    %add3A_962 = arith.addf %add3A_959, %add3A_961 : vector<128x2048xf32>
    %mul3A_963 = arith.constant 0.699999988 : f32
    %mul3A_964 = vector.broadcast %mul3A_963 : f32 to vector<128x2048xf32>
    %mul3A_965 = arith.mulf %mul3A_964, %add3A_962 : vector<128x2048xf32>
    %mul3A_966 = arith.constant 1.700000e+00 : f32
    %mul3A_967 = vector.broadcast %mul3A_966 : f32 to vector<128x2048xf32>
    %mul3A_968 = arith.mulf %mul3A_967, %mul3A_953 : vector<128x2048xf32>
    %gt3A_969 = arith.cmpf ogt, %mul3A_968, %mul3A_965 : vector<128x2048xf32>
    %jit3A_970 = arith.constant 1.000000e+00 : f32
    %jit3A_971 = arith.constant 0.000000e+00 : f32
    %broadcast_in_dim3A_972 = vector.broadcast %jit3A_970 : f32 to vector<128x2048xf32>
    %broadcast_in_dim3A_973 = vector.broadcast %jit3A_971 : f32 to vector<128x2048xf32>
    %select_n3A_974 = arith.select %gt3A_969, %broadcast_in_dim3A_972, %broadcast_in_dim3A_973 : vector<128x2048xi1>, vector<128x2048xf32>
    %slice3A_975 = vector.extract_strided_slice %select_n3A_974 {offsets = [0, 1280], sizes = [128, 128], strides = [1, 1]} : vector<128x2048xf32> to vector<128x128xf32>
    %jit3A_976 = arith.constant 0.000000e+00 : f32
    %broadcast_in_dim3A_977 = vector.broadcast %jit3A_976 : f32 to vector<128x128xf32>
    %select_n3A_978 = arith.select %gt3A, %slice3A_975, %broadcast_in_dim3A_977 : vector<128x128xi1>, vector<128x128xf32>
    %slice3A_979 = vector.extract_strided_slice %max3A_912 {offsets = [0, 1280], sizes = [1, 128], strides = [1, 1]} : vector<1x2048xf32> to vector<1x128xf32>
    %sub3A_980 = arith.constant 1.000000e+00 : f32
    %sub3A_981 = vector.broadcast %sub3A_980 : f32 to vector<1x128xf32>
    %sub3A_982 = arith.subf %sub3A_981, %slice3A_979 : vector<1x128xf32>
    %while3A_983 = arith.constant true
    %while3A_984:2 = scf.while (%while3A_1451 = %sub3A_982, %while3A_1452 = %while3A_983) : (vector<1x128xf32>, i1) -> (vector<1x128xf32>, i1) {
      scf.condition(%while3A_1452) %while3A_1451, %while3A_1452 : vector<1x128xf32>, i1
    } do {
    ^bb0(%while3A_1451: vector<1x128xf32>, %while3A_1452: i1):
      %broadcast_in_dim3A_1453 = vector.shape_cast %while3A_1451 : vector<1x128xf32> to vector<1x128xf32>
      %broadcast_in_dim3A_1454 = vector.broadcast %broadcast_in_dim3A_1453 : vector<1x128xf32> to vector<8x128xf32>
      %dot_general3A_1455 = arith.constant dense<0.000000e+00> : vector<8x128xf32>
      %dot_general3A_1456 = tpu.matmul %broadcast_in_dim3A_1454, %select_n3A_978, %dot_general3A_1455 {dimension_numbers = #tpu.dot_dimension_numbers<[1], [0], [0], [1], [0, 0, 1, 1], [], []>, transpose_lhs_hint = false} : vector<8x128xf32>, vector<128x128xf32>, vector<8x128xf32> -> vector<8x128xf32>
      %slice3A_1457 = vector.extract_strided_slice %dot_general3A_1456 {offsets = [0, 0], sizes = [1, 128], strides = [1, 1]} : vector<8x128xf32> to vector<1x128xf32>
      %lt3A = arith.constant 5.000000e-01 : f32
      %lt3A_1458 = vector.broadcast %lt3A : f32 to vector<1x128xf32>
      %lt3A_1459 = arith.cmpf olt, %slice3A_1457, %lt3A_1458 : vector<1x128xf32>
      %gt3A_1460 = arith.constant 5.000000e-01 : f32
      %gt3A_1461 = vector.broadcast %gt3A_1460 : f32 to vector<1x128xf32>
      %gt3A_1462 = arith.cmpf ogt, %sub3A_982, %gt3A_1461 : vector<1x128xf32>
      %and3A_1463 = arith.andi %lt3A_1459, %gt3A_1462 : vector<1x128xi1>
      %jit3A_1464 = arith.constant 1.000000e+00 : f32
      %jit3A_1465 = arith.constant 0.000000e+00 : f32
      %broadcast_in_dim3A_1466 = vector.broadcast %jit3A_1464 : f32 to vector<1x128xf32>
      %broadcast_in_dim3A_1467 = vector.broadcast %jit3A_1465 : f32 to vector<1x128xf32>
      %select_n3A_1468 = arith.select %and3A_1463, %broadcast_in_dim3A_1466, %broadcast_in_dim3A_1467 : vector<1x128xi1>, vector<1x128xf32>
      %ne3A = arith.cmpf one, %select_n3A_1468, %while3A_1451 : vector<1x128xf32>
      %reduce_or3A = arith.constant 1.000000e+00 : f32
      %reduce_or3A_1469 = arith.constant 0.000000e+00 : f32
      %reduce_or3A_1470 = vector.broadcast %reduce_or3A : f32 to vector<1x128xf32>
      %reduce_or3A_1471 = vector.broadcast %reduce_or3A_1469 : f32 to vector<1x128xf32>
      %reduce_or3A_1472 = arith.select %ne3A, %reduce_or3A_1470, %reduce_or3A_1471 : vector<1x128xi1>, vector<1x128xf32>
      %reduce_or3A_1473 = vector.shape_cast %reduce_or3A_1472 : vector<1x128xf32> to vector<1x1x128xf32>
      %reduce_or3A_1474 = arith.constant dense<0xFF800000> : vector<1xf32>
      %reduce_or3A_1475 = vector.multi_reduction <maximumf>, %reduce_or3A_1473, %reduce_or3A_1474 [1, 2] : vector<1x1x128xf32> to vector<1xf32>
      %reduce_or3A_1476 = vector.shape_cast %reduce_or3A_1475 : vector<1xf32> to vector<1x1x1xf32>
      %reduce_or3A_1477 = vector.extract %reduce_or3A_1476[0, 0, 0] : f32 from vector<1x1x1xf32>
      %reduce_or3A_1478 = arith.constant 0.000000e+00 : f32
      %reduce_or3A_1479 = arith.cmpf ogt, %reduce_or3A_1477, %reduce_or3A_1478 : f32
      scf.yield %select_n3A_1468, %reduce_or3A_1479 : vector<1x128xf32>, i1
    }
    %broadcast_in_dim3A_985 = vector.shape_cast %while3A_984#0 : vector<1x128xf32> to vector<1x128xf32>
    %broadcast_in_dim3A_986 = vector.broadcast %broadcast_in_dim3A_985 : vector<1x128xf32> to vector<8x128xf32>
    %dot_general3A_987 = arith.constant dense<0.000000e+00> : vector<8x2048xf32>
    %dot_general3A_988 = tpu.matmul %broadcast_in_dim3A_986, %select_n3A_974, %dot_general3A_987 {dimension_numbers = #tpu.dot_dimension_numbers<[1], [0], [0], [1], [0, 0, 1, 1], [], []>, transpose_lhs_hint = false} : vector<8x128xf32>, vector<128x2048xf32>, vector<8x2048xf32> -> vector<8x2048xf32>
    %slice3A_989 = vector.extract_strided_slice %dot_general3A_988 {offsets = [0, 0], sizes = [1, 2048], strides = [1, 1]} : vector<8x2048xf32> to vector<1x2048xf32>
    %gt3A_990 = arith.constant 5.000000e-01 : f32
    %gt3A_991 = vector.broadcast %gt3A_990 : f32 to vector<1x2048xf32>
    %gt3A_992 = arith.cmpf ogt, %slice3A_989, %gt3A_991 : vector<1x2048xf32>
    %ge3A_993 = arith.constant 1408 : i32
    %ge3A_994 = vector.broadcast %ge3A_993 : i32 to vector<1x2048xi32>
    %ge3A_995 = arith.cmpi sge, %iota3A, %ge3A_994 : vector<1x2048xi32>
    %and3A_996 = arith.andi %gt3A_992, %ge3A_995 : vector<1x2048xi1>
    %jit3A_997 = arith.constant 1.000000e+00 : f32
    %jit3A_998 = arith.constant 0.000000e+00 : f32
    %broadcast_in_dim3A_999 = vector.broadcast %jit3A_997 : f32 to vector<1x2048xf32>
    %broadcast_in_dim3A_1000 = vector.broadcast %jit3A_998 : f32 to vector<1x2048xf32>
    %select_n3A_1001 = arith.select %and3A_996, %broadcast_in_dim3A_999, %broadcast_in_dim3A_1000 : vector<1x2048xi1>, vector<1x2048xf32>
    %max3A_1002 = arith.maximumf %max3A_912, %select_n3A_1001 : vector<1x2048xf32>
    %get3A_1003 = arith.constant 0 : index
    %get3A_1004 = arith.constant 1408 : index
    %get3A_1005 = arith.constant 0 : index
    %get3A_1006 = vector.load %arg2[%get3A_1003, %get3A_1004, %get3A_1005] : memref<1x2048x1xf32, #tpu.memory_space<vmem>>, vector<1x128x1xf32>
    %get3A_1007 = vector.shape_cast %get3A_1006 : vector<1x128x1xf32> to vector<128x1xf32>
    %get3A_1008 = arith.constant 0 : index
    %get3A_1009 = arith.constant 1408 : index
    %get3A_1010 = arith.constant 0 : index
    %get3A_1011 = vector.load %arg3[%get3A_1008, %get3A_1009, %get3A_1010] : memref<1x2048x1xf32, #tpu.memory_space<vmem>>, vector<1x128x1xf32>
    %get3A_1012 = vector.shape_cast %get3A_1011 : vector<1x128x1xf32> to vector<128x1xf32>
    %get3A_1013 = arith.constant 0 : index
    %get3A_1014 = arith.constant 1408 : index
    %get3A_1015 = arith.constant 0 : index
    %get3A_1016 = vector.load %arg4[%get3A_1013, %get3A_1014, %get3A_1015] : memref<1x2048x1xf32, #tpu.memory_space<vmem>>, vector<1x128x1xf32>
    %get3A_1017 = vector.shape_cast %get3A_1016 : vector<1x128x1xf32> to vector<128x1xf32>
    %get3A_1018 = arith.constant 0 : index
    %get3A_1019 = arith.constant 1408 : index
    %get3A_1020 = arith.constant 0 : index
    %get3A_1021 = vector.load %arg5[%get3A_1018, %get3A_1019, %get3A_1020] : memref<1x2048x1xf32, #tpu.memory_space<vmem>>, vector<1x128x1xf32>
    %get3A_1022 = vector.shape_cast %get3A_1021 : vector<1x128x1xf32> to vector<128x1xf32>
    %min3A_1023 = vector.broadcast %get3A_1017 : vector<128x1xf32> to vector<128x2048xf32>
    %min3A_1024 = vector.broadcast %get3A_13 : vector<1x2048xf32> to vector<128x2048xf32>
    %min3A_1025 = arith.minimumf %min3A_1023, %min3A_1024 : vector<128x2048xf32>
    %max3A_1026 = vector.broadcast %get3A_1007 : vector<128x1xf32> to vector<128x2048xf32>
    %max3A_1027 = vector.broadcast %get3A_3 : vector<1x2048xf32> to vector<128x2048xf32>
    %max3A_1028 = arith.maximumf %max3A_1026, %max3A_1027 : vector<128x2048xf32>
    %sub3A_1029 = arith.subf %min3A_1025, %max3A_1028 : vector<128x2048xf32>
    %max3A_1030 = arith.constant 0.000000e+00 : f32
    %max3A_1031 = vector.broadcast %max3A_1030 : f32 to vector<128x2048xf32>
    %max3A_1032 = arith.maximumf %sub3A_1029, %max3A_1031 : vector<128x2048xf32>
    %min3A_1033 = vector.broadcast %get3A_1022 : vector<128x1xf32> to vector<128x2048xf32>
    %min3A_1034 = vector.broadcast %get3A_18 : vector<1x2048xf32> to vector<128x2048xf32>
    %min3A_1035 = arith.minimumf %min3A_1033, %min3A_1034 : vector<128x2048xf32>
    %max3A_1036 = vector.broadcast %get3A_1012 : vector<128x1xf32> to vector<128x2048xf32>
    %max3A_1037 = vector.broadcast %get3A_8 : vector<1x2048xf32> to vector<128x2048xf32>
    %max3A_1038 = arith.maximumf %max3A_1036, %max3A_1037 : vector<128x2048xf32>
    %sub3A_1039 = arith.subf %min3A_1035, %max3A_1038 : vector<128x2048xf32>
    %max3A_1040 = arith.constant 0.000000e+00 : f32
    %max3A_1041 = vector.broadcast %max3A_1040 : f32 to vector<128x2048xf32>
    %max3A_1042 = arith.maximumf %sub3A_1039, %max3A_1041 : vector<128x2048xf32>
    %mul3A_1043 = arith.mulf %max3A_1032, %max3A_1042 : vector<128x2048xf32>
    %sub3A_1044 = arith.subf %get3A_1017, %get3A_1007 : vector<128x1xf32>
    %sub3A_1045 = arith.subf %get3A_1022, %get3A_1012 : vector<128x1xf32>
    %mul3A_1046 = arith.mulf %sub3A_1044, %sub3A_1045 : vector<128x1xf32>
    %add3A_1047 = vector.broadcast %mul3A_1046 : vector<128x1xf32> to vector<128x2048xf32>
    %add3A_1048 = vector.broadcast %mul3A : vector<1x2048xf32> to vector<128x2048xf32>
    %add3A_1049 = arith.addf %add3A_1047, %add3A_1048 : vector<128x2048xf32>
    %add3A_1050 = arith.constant 9.99999993E-9 : f32
    %add3A_1051 = vector.broadcast %add3A_1050 : f32 to vector<128x2048xf32>
    %add3A_1052 = arith.addf %add3A_1049, %add3A_1051 : vector<128x2048xf32>
    %mul3A_1053 = arith.constant 0.699999988 : f32
    %mul3A_1054 = vector.broadcast %mul3A_1053 : f32 to vector<128x2048xf32>
    %mul3A_1055 = arith.mulf %mul3A_1054, %add3A_1052 : vector<128x2048xf32>
    %mul3A_1056 = arith.constant 1.700000e+00 : f32
    %mul3A_1057 = vector.broadcast %mul3A_1056 : f32 to vector<128x2048xf32>
    %mul3A_1058 = arith.mulf %mul3A_1057, %mul3A_1043 : vector<128x2048xf32>
    %gt3A_1059 = arith.cmpf ogt, %mul3A_1058, %mul3A_1055 : vector<128x2048xf32>
    %jit3A_1060 = arith.constant 1.000000e+00 : f32
    %jit3A_1061 = arith.constant 0.000000e+00 : f32
    %broadcast_in_dim3A_1062 = vector.broadcast %jit3A_1060 : f32 to vector<128x2048xf32>
    %broadcast_in_dim3A_1063 = vector.broadcast %jit3A_1061 : f32 to vector<128x2048xf32>
    %select_n3A_1064 = arith.select %gt3A_1059, %broadcast_in_dim3A_1062, %broadcast_in_dim3A_1063 : vector<128x2048xi1>, vector<128x2048xf32>
    %slice3A_1065 = vector.extract_strided_slice %select_n3A_1064 {offsets = [0, 1408], sizes = [128, 128], strides = [1, 1]} : vector<128x2048xf32> to vector<128x128xf32>
    %jit3A_1066 = arith.constant 0.000000e+00 : f32
    %broadcast_in_dim3A_1067 = vector.broadcast %jit3A_1066 : f32 to vector<128x128xf32>
    %select_n3A_1068 = arith.select %gt3A, %slice3A_1065, %broadcast_in_dim3A_1067 : vector<128x128xi1>, vector<128x128xf32>
    %slice3A_1069 = vector.extract_strided_slice %max3A_1002 {offsets = [0, 1408], sizes = [1, 128], strides = [1, 1]} : vector<1x2048xf32> to vector<1x128xf32>
    %sub3A_1070 = arith.constant 1.000000e+00 : f32
    %sub3A_1071 = vector.broadcast %sub3A_1070 : f32 to vector<1x128xf32>
    %sub3A_1072 = arith.subf %sub3A_1071, %slice3A_1069 : vector<1x128xf32>
    %while3A_1073 = arith.constant true
    %while3A_1074:2 = scf.while (%while3A_1451 = %sub3A_1072, %while3A_1452 = %while3A_1073) : (vector<1x128xf32>, i1) -> (vector<1x128xf32>, i1) {
      scf.condition(%while3A_1452) %while3A_1451, %while3A_1452 : vector<1x128xf32>, i1
    } do {
    ^bb0(%while3A_1451: vector<1x128xf32>, %while3A_1452: i1):
      %broadcast_in_dim3A_1453 = vector.shape_cast %while3A_1451 : vector<1x128xf32> to vector<1x128xf32>
      %broadcast_in_dim3A_1454 = vector.broadcast %broadcast_in_dim3A_1453 : vector<1x128xf32> to vector<8x128xf32>
      %dot_general3A_1455 = arith.constant dense<0.000000e+00> : vector<8x128xf32>
      %dot_general3A_1456 = tpu.matmul %broadcast_in_dim3A_1454, %select_n3A_1068, %dot_general3A_1455 {dimension_numbers = #tpu.dot_dimension_numbers<[1], [0], [0], [1], [0, 0, 1, 1], [], []>, transpose_lhs_hint = false} : vector<8x128xf32>, vector<128x128xf32>, vector<8x128xf32> -> vector<8x128xf32>
      %slice3A_1457 = vector.extract_strided_slice %dot_general3A_1456 {offsets = [0, 0], sizes = [1, 128], strides = [1, 1]} : vector<8x128xf32> to vector<1x128xf32>
      %lt3A = arith.constant 5.000000e-01 : f32
      %lt3A_1458 = vector.broadcast %lt3A : f32 to vector<1x128xf32>
      %lt3A_1459 = arith.cmpf olt, %slice3A_1457, %lt3A_1458 : vector<1x128xf32>
      %gt3A_1460 = arith.constant 5.000000e-01 : f32
      %gt3A_1461 = vector.broadcast %gt3A_1460 : f32 to vector<1x128xf32>
      %gt3A_1462 = arith.cmpf ogt, %sub3A_1072, %gt3A_1461 : vector<1x128xf32>
      %and3A_1463 = arith.andi %lt3A_1459, %gt3A_1462 : vector<1x128xi1>
      %jit3A_1464 = arith.constant 1.000000e+00 : f32
      %jit3A_1465 = arith.constant 0.000000e+00 : f32
      %broadcast_in_dim3A_1466 = vector.broadcast %jit3A_1464 : f32 to vector<1x128xf32>
      %broadcast_in_dim3A_1467 = vector.broadcast %jit3A_1465 : f32 to vector<1x128xf32>
      %select_n3A_1468 = arith.select %and3A_1463, %broadcast_in_dim3A_1466, %broadcast_in_dim3A_1467 : vector<1x128xi1>, vector<1x128xf32>
      %ne3A = arith.cmpf one, %select_n3A_1468, %while3A_1451 : vector<1x128xf32>
      %reduce_or3A = arith.constant 1.000000e+00 : f32
      %reduce_or3A_1469 = arith.constant 0.000000e+00 : f32
      %reduce_or3A_1470 = vector.broadcast %reduce_or3A : f32 to vector<1x128xf32>
      %reduce_or3A_1471 = vector.broadcast %reduce_or3A_1469 : f32 to vector<1x128xf32>
      %reduce_or3A_1472 = arith.select %ne3A, %reduce_or3A_1470, %reduce_or3A_1471 : vector<1x128xi1>, vector<1x128xf32>
      %reduce_or3A_1473 = vector.shape_cast %reduce_or3A_1472 : vector<1x128xf32> to vector<1x1x128xf32>
      %reduce_or3A_1474 = arith.constant dense<0xFF800000> : vector<1xf32>
      %reduce_or3A_1475 = vector.multi_reduction <maximumf>, %reduce_or3A_1473, %reduce_or3A_1474 [1, 2] : vector<1x1x128xf32> to vector<1xf32>
      %reduce_or3A_1476 = vector.shape_cast %reduce_or3A_1475 : vector<1xf32> to vector<1x1x1xf32>
      %reduce_or3A_1477 = vector.extract %reduce_or3A_1476[0, 0, 0] : f32 from vector<1x1x1xf32>
      %reduce_or3A_1478 = arith.constant 0.000000e+00 : f32
      %reduce_or3A_1479 = arith.cmpf ogt, %reduce_or3A_1477, %reduce_or3A_1478 : f32
      scf.yield %select_n3A_1468, %reduce_or3A_1479 : vector<1x128xf32>, i1
    }
    %broadcast_in_dim3A_1075 = vector.shape_cast %while3A_1074#0 : vector<1x128xf32> to vector<1x128xf32>
    %broadcast_in_dim3A_1076 = vector.broadcast %broadcast_in_dim3A_1075 : vector<1x128xf32> to vector<8x128xf32>
    %dot_general3A_1077 = arith.constant dense<0.000000e+00> : vector<8x2048xf32>
    %dot_general3A_1078 = tpu.matmul %broadcast_in_dim3A_1076, %select_n3A_1064, %dot_general3A_1077 {dimension_numbers = #tpu.dot_dimension_numbers<[1], [0], [0], [1], [0, 0, 1, 1], [], []>, transpose_lhs_hint = false} : vector<8x128xf32>, vector<128x2048xf32>, vector<8x2048xf32> -> vector<8x2048xf32>
    %slice3A_1079 = vector.extract_strided_slice %dot_general3A_1078 {offsets = [0, 0], sizes = [1, 2048], strides = [1, 1]} : vector<8x2048xf32> to vector<1x2048xf32>
    %gt3A_1080 = arith.constant 5.000000e-01 : f32
    %gt3A_1081 = vector.broadcast %gt3A_1080 : f32 to vector<1x2048xf32>
    %gt3A_1082 = arith.cmpf ogt, %slice3A_1079, %gt3A_1081 : vector<1x2048xf32>
    %ge3A_1083 = arith.constant 1536 : i32
    %ge3A_1084 = vector.broadcast %ge3A_1083 : i32 to vector<1x2048xi32>
    %ge3A_1085 = arith.cmpi sge, %iota3A, %ge3A_1084 : vector<1x2048xi32>
    %and3A_1086 = arith.andi %gt3A_1082, %ge3A_1085 : vector<1x2048xi1>
    %jit3A_1087 = arith.constant 1.000000e+00 : f32
    %jit3A_1088 = arith.constant 0.000000e+00 : f32
    %broadcast_in_dim3A_1089 = vector.broadcast %jit3A_1087 : f32 to vector<1x2048xf32>
    %broadcast_in_dim3A_1090 = vector.broadcast %jit3A_1088 : f32 to vector<1x2048xf32>
    %select_n3A_1091 = arith.select %and3A_1086, %broadcast_in_dim3A_1089, %broadcast_in_dim3A_1090 : vector<1x2048xi1>, vector<1x2048xf32>
    %max3A_1092 = arith.maximumf %max3A_1002, %select_n3A_1091 : vector<1x2048xf32>
    %get3A_1093 = arith.constant 0 : index
    %get3A_1094 = arith.constant 1536 : index
    %get3A_1095 = arith.constant 0 : index
    %get3A_1096 = vector.load %arg2[%get3A_1093, %get3A_1094, %get3A_1095] : memref<1x2048x1xf32, #tpu.memory_space<vmem>>, vector<1x128x1xf32>
    %get3A_1097 = vector.shape_cast %get3A_1096 : vector<1x128x1xf32> to vector<128x1xf32>
    %get3A_1098 = arith.constant 0 : index
    %get3A_1099 = arith.constant 1536 : index
    %get3A_1100 = arith.constant 0 : index
    %get3A_1101 = vector.load %arg3[%get3A_1098, %get3A_1099, %get3A_1100] : memref<1x2048x1xf32, #tpu.memory_space<vmem>>, vector<1x128x1xf32>
    %get3A_1102 = vector.shape_cast %get3A_1101 : vector<1x128x1xf32> to vector<128x1xf32>
    %get3A_1103 = arith.constant 0 : index
    %get3A_1104 = arith.constant 1536 : index
    %get3A_1105 = arith.constant 0 : index
    %get3A_1106 = vector.load %arg4[%get3A_1103, %get3A_1104, %get3A_1105] : memref<1x2048x1xf32, #tpu.memory_space<vmem>>, vector<1x128x1xf32>
    %get3A_1107 = vector.shape_cast %get3A_1106 : vector<1x128x1xf32> to vector<128x1xf32>
    %get3A_1108 = arith.constant 0 : index
    %get3A_1109 = arith.constant 1536 : index
    %get3A_1110 = arith.constant 0 : index
    %get3A_1111 = vector.load %arg5[%get3A_1108, %get3A_1109, %get3A_1110] : memref<1x2048x1xf32, #tpu.memory_space<vmem>>, vector<1x128x1xf32>
    %get3A_1112 = vector.shape_cast %get3A_1111 : vector<1x128x1xf32> to vector<128x1xf32>
    %min3A_1113 = vector.broadcast %get3A_1107 : vector<128x1xf32> to vector<128x2048xf32>
    %min3A_1114 = vector.broadcast %get3A_13 : vector<1x2048xf32> to vector<128x2048xf32>
    %min3A_1115 = arith.minimumf %min3A_1113, %min3A_1114 : vector<128x2048xf32>
    %max3A_1116 = vector.broadcast %get3A_1097 : vector<128x1xf32> to vector<128x2048xf32>
    %max3A_1117 = vector.broadcast %get3A_3 : vector<1x2048xf32> to vector<128x2048xf32>
    %max3A_1118 = arith.maximumf %max3A_1116, %max3A_1117 : vector<128x2048xf32>
    %sub3A_1119 = arith.subf %min3A_1115, %max3A_1118 : vector<128x2048xf32>
    %max3A_1120 = arith.constant 0.000000e+00 : f32
    %max3A_1121 = vector.broadcast %max3A_1120 : f32 to vector<128x2048xf32>
    %max3A_1122 = arith.maximumf %sub3A_1119, %max3A_1121 : vector<128x2048xf32>
    %min3A_1123 = vector.broadcast %get3A_1112 : vector<128x1xf32> to vector<128x2048xf32>
    %min3A_1124 = vector.broadcast %get3A_18 : vector<1x2048xf32> to vector<128x2048xf32>
    %min3A_1125 = arith.minimumf %min3A_1123, %min3A_1124 : vector<128x2048xf32>
    %max3A_1126 = vector.broadcast %get3A_1102 : vector<128x1xf32> to vector<128x2048xf32>
    %max3A_1127 = vector.broadcast %get3A_8 : vector<1x2048xf32> to vector<128x2048xf32>
    %max3A_1128 = arith.maximumf %max3A_1126, %max3A_1127 : vector<128x2048xf32>
    %sub3A_1129 = arith.subf %min3A_1125, %max3A_1128 : vector<128x2048xf32>
    %max3A_1130 = arith.constant 0.000000e+00 : f32
    %max3A_1131 = vector.broadcast %max3A_1130 : f32 to vector<128x2048xf32>
    %max3A_1132 = arith.maximumf %sub3A_1129, %max3A_1131 : vector<128x2048xf32>
    %mul3A_1133 = arith.mulf %max3A_1122, %max3A_1132 : vector<128x2048xf32>
    %sub3A_1134 = arith.subf %get3A_1107, %get3A_1097 : vector<128x1xf32>
    %sub3A_1135 = arith.subf %get3A_1112, %get3A_1102 : vector<128x1xf32>
    %mul3A_1136 = arith.mulf %sub3A_1134, %sub3A_1135 : vector<128x1xf32>
    %add3A_1137 = vector.broadcast %mul3A_1136 : vector<128x1xf32> to vector<128x2048xf32>
    %add3A_1138 = vector.broadcast %mul3A : vector<1x2048xf32> to vector<128x2048xf32>
    %add3A_1139 = arith.addf %add3A_1137, %add3A_1138 : vector<128x2048xf32>
    %add3A_1140 = arith.constant 9.99999993E-9 : f32
    %add3A_1141 = vector.broadcast %add3A_1140 : f32 to vector<128x2048xf32>
    %add3A_1142 = arith.addf %add3A_1139, %add3A_1141 : vector<128x2048xf32>
    %mul3A_1143 = arith.constant 0.699999988 : f32
    %mul3A_1144 = vector.broadcast %mul3A_1143 : f32 to vector<128x2048xf32>
    %mul3A_1145 = arith.mulf %mul3A_1144, %add3A_1142 : vector<128x2048xf32>
    %mul3A_1146 = arith.constant 1.700000e+00 : f32
    %mul3A_1147 = vector.broadcast %mul3A_1146 : f32 to vector<128x2048xf32>
    %mul3A_1148 = arith.mulf %mul3A_1147, %mul3A_1133 : vector<128x2048xf32>
    %gt3A_1149 = arith.cmpf ogt, %mul3A_1148, %mul3A_1145 : vector<128x2048xf32>
    %jit3A_1150 = arith.constant 1.000000e+00 : f32
    %jit3A_1151 = arith.constant 0.000000e+00 : f32
    %broadcast_in_dim3A_1152 = vector.broadcast %jit3A_1150 : f32 to vector<128x2048xf32>
    %broadcast_in_dim3A_1153 = vector.broadcast %jit3A_1151 : f32 to vector<128x2048xf32>
    %select_n3A_1154 = arith.select %gt3A_1149, %broadcast_in_dim3A_1152, %broadcast_in_dim3A_1153 : vector<128x2048xi1>, vector<128x2048xf32>
    %slice3A_1155 = vector.extract_strided_slice %select_n3A_1154 {offsets = [0, 1536], sizes = [128, 128], strides = [1, 1]} : vector<128x2048xf32> to vector<128x128xf32>
    %jit3A_1156 = arith.constant 0.000000e+00 : f32
    %broadcast_in_dim3A_1157 = vector.broadcast %jit3A_1156 : f32 to vector<128x128xf32>
    %select_n3A_1158 = arith.select %gt3A, %slice3A_1155, %broadcast_in_dim3A_1157 : vector<128x128xi1>, vector<128x128xf32>
    %slice3A_1159 = vector.extract_strided_slice %max3A_1092 {offsets = [0, 1536], sizes = [1, 128], strides = [1, 1]} : vector<1x2048xf32> to vector<1x128xf32>
    %sub3A_1160 = arith.constant 1.000000e+00 : f32
    %sub3A_1161 = vector.broadcast %sub3A_1160 : f32 to vector<1x128xf32>
    %sub3A_1162 = arith.subf %sub3A_1161, %slice3A_1159 : vector<1x128xf32>
    %while3A_1163 = arith.constant true
    %while3A_1164:2 = scf.while (%while3A_1451 = %sub3A_1162, %while3A_1452 = %while3A_1163) : (vector<1x128xf32>, i1) -> (vector<1x128xf32>, i1) {
      scf.condition(%while3A_1452) %while3A_1451, %while3A_1452 : vector<1x128xf32>, i1
    } do {
    ^bb0(%while3A_1451: vector<1x128xf32>, %while3A_1452: i1):
      %broadcast_in_dim3A_1453 = vector.shape_cast %while3A_1451 : vector<1x128xf32> to vector<1x128xf32>
      %broadcast_in_dim3A_1454 = vector.broadcast %broadcast_in_dim3A_1453 : vector<1x128xf32> to vector<8x128xf32>
      %dot_general3A_1455 = arith.constant dense<0.000000e+00> : vector<8x128xf32>
      %dot_general3A_1456 = tpu.matmul %broadcast_in_dim3A_1454, %select_n3A_1158, %dot_general3A_1455 {dimension_numbers = #tpu.dot_dimension_numbers<[1], [0], [0], [1], [0, 0, 1, 1], [], []>, transpose_lhs_hint = false} : vector<8x128xf32>, vector<128x128xf32>, vector<8x128xf32> -> vector<8x128xf32>
      %slice3A_1457 = vector.extract_strided_slice %dot_general3A_1456 {offsets = [0, 0], sizes = [1, 128], strides = [1, 1]} : vector<8x128xf32> to vector<1x128xf32>
      %lt3A = arith.constant 5.000000e-01 : f32
      %lt3A_1458 = vector.broadcast %lt3A : f32 to vector<1x128xf32>
      %lt3A_1459 = arith.cmpf olt, %slice3A_1457, %lt3A_1458 : vector<1x128xf32>
      %gt3A_1460 = arith.constant 5.000000e-01 : f32
      %gt3A_1461 = vector.broadcast %gt3A_1460 : f32 to vector<1x128xf32>
      %gt3A_1462 = arith.cmpf ogt, %sub3A_1162, %gt3A_1461 : vector<1x128xf32>
      %and3A_1463 = arith.andi %lt3A_1459, %gt3A_1462 : vector<1x128xi1>
      %jit3A_1464 = arith.constant 1.000000e+00 : f32
      %jit3A_1465 = arith.constant 0.000000e+00 : f32
      %broadcast_in_dim3A_1466 = vector.broadcast %jit3A_1464 : f32 to vector<1x128xf32>
      %broadcast_in_dim3A_1467 = vector.broadcast %jit3A_1465 : f32 to vector<1x128xf32>
      %select_n3A_1468 = arith.select %and3A_1463, %broadcast_in_dim3A_1466, %broadcast_in_dim3A_1467 : vector<1x128xi1>, vector<1x128xf32>
      %ne3A = arith.cmpf one, %select_n3A_1468, %while3A_1451 : vector<1x128xf32>
      %reduce_or3A = arith.constant 1.000000e+00 : f32
      %reduce_or3A_1469 = arith.constant 0.000000e+00 : f32
      %reduce_or3A_1470 = vector.broadcast %reduce_or3A : f32 to vector<1x128xf32>
      %reduce_or3A_1471 = vector.broadcast %reduce_or3A_1469 : f32 to vector<1x128xf32>
      %reduce_or3A_1472 = arith.select %ne3A, %reduce_or3A_1470, %reduce_or3A_1471 : vector<1x128xi1>, vector<1x128xf32>
      %reduce_or3A_1473 = vector.shape_cast %reduce_or3A_1472 : vector<1x128xf32> to vector<1x1x128xf32>
      %reduce_or3A_1474 = arith.constant dense<0xFF800000> : vector<1xf32>
      %reduce_or3A_1475 = vector.multi_reduction <maximumf>, %reduce_or3A_1473, %reduce_or3A_1474 [1, 2] : vector<1x1x128xf32> to vector<1xf32>
      %reduce_or3A_1476 = vector.shape_cast %reduce_or3A_1475 : vector<1xf32> to vector<1x1x1xf32>
      %reduce_or3A_1477 = vector.extract %reduce_or3A_1476[0, 0, 0] : f32 from vector<1x1x1xf32>
      %reduce_or3A_1478 = arith.constant 0.000000e+00 : f32
      %reduce_or3A_1479 = arith.cmpf ogt, %reduce_or3A_1477, %reduce_or3A_1478 : f32
      scf.yield %select_n3A_1468, %reduce_or3A_1479 : vector<1x128xf32>, i1
    }
    %broadcast_in_dim3A_1165 = vector.shape_cast %while3A_1164#0 : vector<1x128xf32> to vector<1x128xf32>
    %broadcast_in_dim3A_1166 = vector.broadcast %broadcast_in_dim3A_1165 : vector<1x128xf32> to vector<8x128xf32>
    %dot_general3A_1167 = arith.constant dense<0.000000e+00> : vector<8x2048xf32>
    %dot_general3A_1168 = tpu.matmul %broadcast_in_dim3A_1166, %select_n3A_1154, %dot_general3A_1167 {dimension_numbers = #tpu.dot_dimension_numbers<[1], [0], [0], [1], [0, 0, 1, 1], [], []>, transpose_lhs_hint = false} : vector<8x128xf32>, vector<128x2048xf32>, vector<8x2048xf32> -> vector<8x2048xf32>
    %slice3A_1169 = vector.extract_strided_slice %dot_general3A_1168 {offsets = [0, 0], sizes = [1, 2048], strides = [1, 1]} : vector<8x2048xf32> to vector<1x2048xf32>
    %gt3A_1170 = arith.constant 5.000000e-01 : f32
    %gt3A_1171 = vector.broadcast %gt3A_1170 : f32 to vector<1x2048xf32>
    %gt3A_1172 = arith.cmpf ogt, %slice3A_1169, %gt3A_1171 : vector<1x2048xf32>
    %ge3A_1173 = arith.constant 1664 : i32
    %ge3A_1174 = vector.broadcast %ge3A_1173 : i32 to vector<1x2048xi32>
    %ge3A_1175 = arith.cmpi sge, %iota3A, %ge3A_1174 : vector<1x2048xi32>
    %and3A_1176 = arith.andi %gt3A_1172, %ge3A_1175 : vector<1x2048xi1>
    %jit3A_1177 = arith.constant 1.000000e+00 : f32
    %jit3A_1178 = arith.constant 0.000000e+00 : f32
    %broadcast_in_dim3A_1179 = vector.broadcast %jit3A_1177 : f32 to vector<1x2048xf32>
    %broadcast_in_dim3A_1180 = vector.broadcast %jit3A_1178 : f32 to vector<1x2048xf32>
    %select_n3A_1181 = arith.select %and3A_1176, %broadcast_in_dim3A_1179, %broadcast_in_dim3A_1180 : vector<1x2048xi1>, vector<1x2048xf32>
    %max3A_1182 = arith.maximumf %max3A_1092, %select_n3A_1181 : vector<1x2048xf32>
    %get3A_1183 = arith.constant 0 : index
    %get3A_1184 = arith.constant 1664 : index
    %get3A_1185 = arith.constant 0 : index
    %get3A_1186 = vector.load %arg2[%get3A_1183, %get3A_1184, %get3A_1185] : memref<1x2048x1xf32, #tpu.memory_space<vmem>>, vector<1x128x1xf32>
    %get3A_1187 = vector.shape_cast %get3A_1186 : vector<1x128x1xf32> to vector<128x1xf32>
    %get3A_1188 = arith.constant 0 : index
    %get3A_1189 = arith.constant 1664 : index
    %get3A_1190 = arith.constant 0 : index
    %get3A_1191 = vector.load %arg3[%get3A_1188, %get3A_1189, %get3A_1190] : memref<1x2048x1xf32, #tpu.memory_space<vmem>>, vector<1x128x1xf32>
    %get3A_1192 = vector.shape_cast %get3A_1191 : vector<1x128x1xf32> to vector<128x1xf32>
    %get3A_1193 = arith.constant 0 : index
    %get3A_1194 = arith.constant 1664 : index
    %get3A_1195 = arith.constant 0 : index
    %get3A_1196 = vector.load %arg4[%get3A_1193, %get3A_1194, %get3A_1195] : memref<1x2048x1xf32, #tpu.memory_space<vmem>>, vector<1x128x1xf32>
    %get3A_1197 = vector.shape_cast %get3A_1196 : vector<1x128x1xf32> to vector<128x1xf32>
    %get3A_1198 = arith.constant 0 : index
    %get3A_1199 = arith.constant 1664 : index
    %get3A_1200 = arith.constant 0 : index
    %get3A_1201 = vector.load %arg5[%get3A_1198, %get3A_1199, %get3A_1200] : memref<1x2048x1xf32, #tpu.memory_space<vmem>>, vector<1x128x1xf32>
    %get3A_1202 = vector.shape_cast %get3A_1201 : vector<1x128x1xf32> to vector<128x1xf32>
    %min3A_1203 = vector.broadcast %get3A_1197 : vector<128x1xf32> to vector<128x2048xf32>
    %min3A_1204 = vector.broadcast %get3A_13 : vector<1x2048xf32> to vector<128x2048xf32>
    %min3A_1205 = arith.minimumf %min3A_1203, %min3A_1204 : vector<128x2048xf32>
    %max3A_1206 = vector.broadcast %get3A_1187 : vector<128x1xf32> to vector<128x2048xf32>
    %max3A_1207 = vector.broadcast %get3A_3 : vector<1x2048xf32> to vector<128x2048xf32>
    %max3A_1208 = arith.maximumf %max3A_1206, %max3A_1207 : vector<128x2048xf32>
    %sub3A_1209 = arith.subf %min3A_1205, %max3A_1208 : vector<128x2048xf32>
    %max3A_1210 = arith.constant 0.000000e+00 : f32
    %max3A_1211 = vector.broadcast %max3A_1210 : f32 to vector<128x2048xf32>
    %max3A_1212 = arith.maximumf %sub3A_1209, %max3A_1211 : vector<128x2048xf32>
    %min3A_1213 = vector.broadcast %get3A_1202 : vector<128x1xf32> to vector<128x2048xf32>
    %min3A_1214 = vector.broadcast %get3A_18 : vector<1x2048xf32> to vector<128x2048xf32>
    %min3A_1215 = arith.minimumf %min3A_1213, %min3A_1214 : vector<128x2048xf32>
    %max3A_1216 = vector.broadcast %get3A_1192 : vector<128x1xf32> to vector<128x2048xf32>
    %max3A_1217 = vector.broadcast %get3A_8 : vector<1x2048xf32> to vector<128x2048xf32>
    %max3A_1218 = arith.maximumf %max3A_1216, %max3A_1217 : vector<128x2048xf32>
    %sub3A_1219 = arith.subf %min3A_1215, %max3A_1218 : vector<128x2048xf32>
    %max3A_1220 = arith.constant 0.000000e+00 : f32
    %max3A_1221 = vector.broadcast %max3A_1220 : f32 to vector<128x2048xf32>
    %max3A_1222 = arith.maximumf %sub3A_1219, %max3A_1221 : vector<128x2048xf32>
    %mul3A_1223 = arith.mulf %max3A_1212, %max3A_1222 : vector<128x2048xf32>
    %sub3A_1224 = arith.subf %get3A_1197, %get3A_1187 : vector<128x1xf32>
    %sub3A_1225 = arith.subf %get3A_1202, %get3A_1192 : vector<128x1xf32>
    %mul3A_1226 = arith.mulf %sub3A_1224, %sub3A_1225 : vector<128x1xf32>
    %add3A_1227 = vector.broadcast %mul3A_1226 : vector<128x1xf32> to vector<128x2048xf32>
    %add3A_1228 = vector.broadcast %mul3A : vector<1x2048xf32> to vector<128x2048xf32>
    %add3A_1229 = arith.addf %add3A_1227, %add3A_1228 : vector<128x2048xf32>
    %add3A_1230 = arith.constant 9.99999993E-9 : f32
    %add3A_1231 = vector.broadcast %add3A_1230 : f32 to vector<128x2048xf32>
    %add3A_1232 = arith.addf %add3A_1229, %add3A_1231 : vector<128x2048xf32>
    %mul3A_1233 = arith.constant 0.699999988 : f32
    %mul3A_1234 = vector.broadcast %mul3A_1233 : f32 to vector<128x2048xf32>
    %mul3A_1235 = arith.mulf %mul3A_1234, %add3A_1232 : vector<128x2048xf32>
    %mul3A_1236 = arith.constant 1.700000e+00 : f32
    %mul3A_1237 = vector.broadcast %mul3A_1236 : f32 to vector<128x2048xf32>
    %mul3A_1238 = arith.mulf %mul3A_1237, %mul3A_1223 : vector<128x2048xf32>
    %gt3A_1239 = arith.cmpf ogt, %mul3A_1238, %mul3A_1235 : vector<128x2048xf32>
    %jit3A_1240 = arith.constant 1.000000e+00 : f32
    %jit3A_1241 = arith.constant 0.000000e+00 : f32
    %broadcast_in_dim3A_1242 = vector.broadcast %jit3A_1240 : f32 to vector<128x2048xf32>
    %broadcast_in_dim3A_1243 = vector.broadcast %jit3A_1241 : f32 to vector<128x2048xf32>
    %select_n3A_1244 = arith.select %gt3A_1239, %broadcast_in_dim3A_1242, %broadcast_in_dim3A_1243 : vector<128x2048xi1>, vector<128x2048xf32>
    %slice3A_1245 = vector.extract_strided_slice %select_n3A_1244 {offsets = [0, 1664], sizes = [128, 128], strides = [1, 1]} : vector<128x2048xf32> to vector<128x128xf32>
    %jit3A_1246 = arith.constant 0.000000e+00 : f32
    %broadcast_in_dim3A_1247 = vector.broadcast %jit3A_1246 : f32 to vector<128x128xf32>
    %select_n3A_1248 = arith.select %gt3A, %slice3A_1245, %broadcast_in_dim3A_1247 : vector<128x128xi1>, vector<128x128xf32>
    %slice3A_1249 = vector.extract_strided_slice %max3A_1182 {offsets = [0, 1664], sizes = [1, 128], strides = [1, 1]} : vector<1x2048xf32> to vector<1x128xf32>
    %sub3A_1250 = arith.constant 1.000000e+00 : f32
    %sub3A_1251 = vector.broadcast %sub3A_1250 : f32 to vector<1x128xf32>
    %sub3A_1252 = arith.subf %sub3A_1251, %slice3A_1249 : vector<1x128xf32>
    %while3A_1253 = arith.constant true
    %while3A_1254:2 = scf.while (%while3A_1451 = %sub3A_1252, %while3A_1452 = %while3A_1253) : (vector<1x128xf32>, i1) -> (vector<1x128xf32>, i1) {
      scf.condition(%while3A_1452) %while3A_1451, %while3A_1452 : vector<1x128xf32>, i1
    } do {
    ^bb0(%while3A_1451: vector<1x128xf32>, %while3A_1452: i1):
      %broadcast_in_dim3A_1453 = vector.shape_cast %while3A_1451 : vector<1x128xf32> to vector<1x128xf32>
      %broadcast_in_dim3A_1454 = vector.broadcast %broadcast_in_dim3A_1453 : vector<1x128xf32> to vector<8x128xf32>
      %dot_general3A_1455 = arith.constant dense<0.000000e+00> : vector<8x128xf32>
      %dot_general3A_1456 = tpu.matmul %broadcast_in_dim3A_1454, %select_n3A_1248, %dot_general3A_1455 {dimension_numbers = #tpu.dot_dimension_numbers<[1], [0], [0], [1], [0, 0, 1, 1], [], []>, transpose_lhs_hint = false} : vector<8x128xf32>, vector<128x128xf32>, vector<8x128xf32> -> vector<8x128xf32>
      %slice3A_1457 = vector.extract_strided_slice %dot_general3A_1456 {offsets = [0, 0], sizes = [1, 128], strides = [1, 1]} : vector<8x128xf32> to vector<1x128xf32>
      %lt3A = arith.constant 5.000000e-01 : f32
      %lt3A_1458 = vector.broadcast %lt3A : f32 to vector<1x128xf32>
      %lt3A_1459 = arith.cmpf olt, %slice3A_1457, %lt3A_1458 : vector<1x128xf32>
      %gt3A_1460 = arith.constant 5.000000e-01 : f32
      %gt3A_1461 = vector.broadcast %gt3A_1460 : f32 to vector<1x128xf32>
      %gt3A_1462 = arith.cmpf ogt, %sub3A_1252, %gt3A_1461 : vector<1x128xf32>
      %and3A_1463 = arith.andi %lt3A_1459, %gt3A_1462 : vector<1x128xi1>
      %jit3A_1464 = arith.constant 1.000000e+00 : f32
      %jit3A_1465 = arith.constant 0.000000e+00 : f32
      %broadcast_in_dim3A_1466 = vector.broadcast %jit3A_1464 : f32 to vector<1x128xf32>
      %broadcast_in_dim3A_1467 = vector.broadcast %jit3A_1465 : f32 to vector<1x128xf32>
      %select_n3A_1468 = arith.select %and3A_1463, %broadcast_in_dim3A_1466, %broadcast_in_dim3A_1467 : vector<1x128xi1>, vector<1x128xf32>
      %ne3A = arith.cmpf one, %select_n3A_1468, %while3A_1451 : vector<1x128xf32>
      %reduce_or3A = arith.constant 1.000000e+00 : f32
      %reduce_or3A_1469 = arith.constant 0.000000e+00 : f32
      %reduce_or3A_1470 = vector.broadcast %reduce_or3A : f32 to vector<1x128xf32>
      %reduce_or3A_1471 = vector.broadcast %reduce_or3A_1469 : f32 to vector<1x128xf32>
      %reduce_or3A_1472 = arith.select %ne3A, %reduce_or3A_1470, %reduce_or3A_1471 : vector<1x128xi1>, vector<1x128xf32>
      %reduce_or3A_1473 = vector.shape_cast %reduce_or3A_1472 : vector<1x128xf32> to vector<1x1x128xf32>
      %reduce_or3A_1474 = arith.constant dense<0xFF800000> : vector<1xf32>
      %reduce_or3A_1475 = vector.multi_reduction <maximumf>, %reduce_or3A_1473, %reduce_or3A_1474 [1, 2] : vector<1x1x128xf32> to vector<1xf32>
      %reduce_or3A_1476 = vector.shape_cast %reduce_or3A_1475 : vector<1xf32> to vector<1x1x1xf32>
      %reduce_or3A_1477 = vector.extract %reduce_or3A_1476[0, 0, 0] : f32 from vector<1x1x1xf32>
      %reduce_or3A_1478 = arith.constant 0.000000e+00 : f32
      %reduce_or3A_1479 = arith.cmpf ogt, %reduce_or3A_1477, %reduce_or3A_1478 : f32
      scf.yield %select_n3A_1468, %reduce_or3A_1479 : vector<1x128xf32>, i1
    }
    %broadcast_in_dim3A_1255 = vector.shape_cast %while3A_1254#0 : vector<1x128xf32> to vector<1x128xf32>
    %broadcast_in_dim3A_1256 = vector.broadcast %broadcast_in_dim3A_1255 : vector<1x128xf32> to vector<8x128xf32>
    %dot_general3A_1257 = arith.constant dense<0.000000e+00> : vector<8x2048xf32>
    %dot_general3A_1258 = tpu.matmul %broadcast_in_dim3A_1256, %select_n3A_1244, %dot_general3A_1257 {dimension_numbers = #tpu.dot_dimension_numbers<[1], [0], [0], [1], [0, 0, 1, 1], [], []>, transpose_lhs_hint = false} : vector<8x128xf32>, vector<128x2048xf32>, vector<8x2048xf32> -> vector<8x2048xf32>
    %slice3A_1259 = vector.extract_strided_slice %dot_general3A_1258 {offsets = [0, 0], sizes = [1, 2048], strides = [1, 1]} : vector<8x2048xf32> to vector<1x2048xf32>
    %gt3A_1260 = arith.constant 5.000000e-01 : f32
    %gt3A_1261 = vector.broadcast %gt3A_1260 : f32 to vector<1x2048xf32>
    %gt3A_1262 = arith.cmpf ogt, %slice3A_1259, %gt3A_1261 : vector<1x2048xf32>
    %ge3A_1263 = arith.constant 1792 : i32
    %ge3A_1264 = vector.broadcast %ge3A_1263 : i32 to vector<1x2048xi32>
    %ge3A_1265 = arith.cmpi sge, %iota3A, %ge3A_1264 : vector<1x2048xi32>
    %and3A_1266 = arith.andi %gt3A_1262, %ge3A_1265 : vector<1x2048xi1>
    %jit3A_1267 = arith.constant 1.000000e+00 : f32
    %jit3A_1268 = arith.constant 0.000000e+00 : f32
    %broadcast_in_dim3A_1269 = vector.broadcast %jit3A_1267 : f32 to vector<1x2048xf32>
    %broadcast_in_dim3A_1270 = vector.broadcast %jit3A_1268 : f32 to vector<1x2048xf32>
    %select_n3A_1271 = arith.select %and3A_1266, %broadcast_in_dim3A_1269, %broadcast_in_dim3A_1270 : vector<1x2048xi1>, vector<1x2048xf32>
    %max3A_1272 = arith.maximumf %max3A_1182, %select_n3A_1271 : vector<1x2048xf32>
    %get3A_1273 = arith.constant 0 : index
    %get3A_1274 = arith.constant 1792 : index
    %get3A_1275 = arith.constant 0 : index
    %get3A_1276 = vector.load %arg2[%get3A_1273, %get3A_1274, %get3A_1275] : memref<1x2048x1xf32, #tpu.memory_space<vmem>>, vector<1x128x1xf32>
    %get3A_1277 = vector.shape_cast %get3A_1276 : vector<1x128x1xf32> to vector<128x1xf32>
    %get3A_1278 = arith.constant 0 : index
    %get3A_1279 = arith.constant 1792 : index
    %get3A_1280 = arith.constant 0 : index
    %get3A_1281 = vector.load %arg3[%get3A_1278, %get3A_1279, %get3A_1280] : memref<1x2048x1xf32, #tpu.memory_space<vmem>>, vector<1x128x1xf32>
    %get3A_1282 = vector.shape_cast %get3A_1281 : vector<1x128x1xf32> to vector<128x1xf32>
    %get3A_1283 = arith.constant 0 : index
    %get3A_1284 = arith.constant 1792 : index
    %get3A_1285 = arith.constant 0 : index
    %get3A_1286 = vector.load %arg4[%get3A_1283, %get3A_1284, %get3A_1285] : memref<1x2048x1xf32, #tpu.memory_space<vmem>>, vector<1x128x1xf32>
    %get3A_1287 = vector.shape_cast %get3A_1286 : vector<1x128x1xf32> to vector<128x1xf32>
    %get3A_1288 = arith.constant 0 : index
    %get3A_1289 = arith.constant 1792 : index
    %get3A_1290 = arith.constant 0 : index
    %get3A_1291 = vector.load %arg5[%get3A_1288, %get3A_1289, %get3A_1290] : memref<1x2048x1xf32, #tpu.memory_space<vmem>>, vector<1x128x1xf32>
    %get3A_1292 = vector.shape_cast %get3A_1291 : vector<1x128x1xf32> to vector<128x1xf32>
    %min3A_1293 = vector.broadcast %get3A_1287 : vector<128x1xf32> to vector<128x2048xf32>
    %min3A_1294 = vector.broadcast %get3A_13 : vector<1x2048xf32> to vector<128x2048xf32>
    %min3A_1295 = arith.minimumf %min3A_1293, %min3A_1294 : vector<128x2048xf32>
    %max3A_1296 = vector.broadcast %get3A_1277 : vector<128x1xf32> to vector<128x2048xf32>
    %max3A_1297 = vector.broadcast %get3A_3 : vector<1x2048xf32> to vector<128x2048xf32>
    %max3A_1298 = arith.maximumf %max3A_1296, %max3A_1297 : vector<128x2048xf32>
    %sub3A_1299 = arith.subf %min3A_1295, %max3A_1298 : vector<128x2048xf32>
    %max3A_1300 = arith.constant 0.000000e+00 : f32
    %max3A_1301 = vector.broadcast %max3A_1300 : f32 to vector<128x2048xf32>
    %max3A_1302 = arith.maximumf %sub3A_1299, %max3A_1301 : vector<128x2048xf32>
    %min3A_1303 = vector.broadcast %get3A_1292 : vector<128x1xf32> to vector<128x2048xf32>
    %min3A_1304 = vector.broadcast %get3A_18 : vector<1x2048xf32> to vector<128x2048xf32>
    %min3A_1305 = arith.minimumf %min3A_1303, %min3A_1304 : vector<128x2048xf32>
    %max3A_1306 = vector.broadcast %get3A_1282 : vector<128x1xf32> to vector<128x2048xf32>
    %max3A_1307 = vector.broadcast %get3A_8 : vector<1x2048xf32> to vector<128x2048xf32>
    %max3A_1308 = arith.maximumf %max3A_1306, %max3A_1307 : vector<128x2048xf32>
    %sub3A_1309 = arith.subf %min3A_1305, %max3A_1308 : vector<128x2048xf32>
    %max3A_1310 = arith.constant 0.000000e+00 : f32
    %max3A_1311 = vector.broadcast %max3A_1310 : f32 to vector<128x2048xf32>
    %max3A_1312 = arith.maximumf %sub3A_1309, %max3A_1311 : vector<128x2048xf32>
    %mul3A_1313 = arith.mulf %max3A_1302, %max3A_1312 : vector<128x2048xf32>
    %sub3A_1314 = arith.subf %get3A_1287, %get3A_1277 : vector<128x1xf32>
    %sub3A_1315 = arith.subf %get3A_1292, %get3A_1282 : vector<128x1xf32>
    %mul3A_1316 = arith.mulf %sub3A_1314, %sub3A_1315 : vector<128x1xf32>
    %add3A_1317 = vector.broadcast %mul3A_1316 : vector<128x1xf32> to vector<128x2048xf32>
    %add3A_1318 = vector.broadcast %mul3A : vector<1x2048xf32> to vector<128x2048xf32>
    %add3A_1319 = arith.addf %add3A_1317, %add3A_1318 : vector<128x2048xf32>
    %add3A_1320 = arith.constant 9.99999993E-9 : f32
    %add3A_1321 = vector.broadcast %add3A_1320 : f32 to vector<128x2048xf32>
    %add3A_1322 = arith.addf %add3A_1319, %add3A_1321 : vector<128x2048xf32>
    %mul3A_1323 = arith.constant 0.699999988 : f32
    %mul3A_1324 = vector.broadcast %mul3A_1323 : f32 to vector<128x2048xf32>
    %mul3A_1325 = arith.mulf %mul3A_1324, %add3A_1322 : vector<128x2048xf32>
    %mul3A_1326 = arith.constant 1.700000e+00 : f32
    %mul3A_1327 = vector.broadcast %mul3A_1326 : f32 to vector<128x2048xf32>
    %mul3A_1328 = arith.mulf %mul3A_1327, %mul3A_1313 : vector<128x2048xf32>
    %gt3A_1329 = arith.cmpf ogt, %mul3A_1328, %mul3A_1325 : vector<128x2048xf32>
    %jit3A_1330 = arith.constant 1.000000e+00 : f32
    %jit3A_1331 = arith.constant 0.000000e+00 : f32
    %broadcast_in_dim3A_1332 = vector.broadcast %jit3A_1330 : f32 to vector<128x2048xf32>
    %broadcast_in_dim3A_1333 = vector.broadcast %jit3A_1331 : f32 to vector<128x2048xf32>
    %select_n3A_1334 = arith.select %gt3A_1329, %broadcast_in_dim3A_1332, %broadcast_in_dim3A_1333 : vector<128x2048xi1>, vector<128x2048xf32>
    %slice3A_1335 = vector.extract_strided_slice %select_n3A_1334 {offsets = [0, 1792], sizes = [128, 128], strides = [1, 1]} : vector<128x2048xf32> to vector<128x128xf32>
    %jit3A_1336 = arith.constant 0.000000e+00 : f32
    %broadcast_in_dim3A_1337 = vector.broadcast %jit3A_1336 : f32 to vector<128x128xf32>
    %select_n3A_1338 = arith.select %gt3A, %slice3A_1335, %broadcast_in_dim3A_1337 : vector<128x128xi1>, vector<128x128xf32>
    %slice3A_1339 = vector.extract_strided_slice %max3A_1272 {offsets = [0, 1792], sizes = [1, 128], strides = [1, 1]} : vector<1x2048xf32> to vector<1x128xf32>
    %sub3A_1340 = arith.constant 1.000000e+00 : f32
    %sub3A_1341 = vector.broadcast %sub3A_1340 : f32 to vector<1x128xf32>
    %sub3A_1342 = arith.subf %sub3A_1341, %slice3A_1339 : vector<1x128xf32>
    %while3A_1343 = arith.constant true
    %while3A_1344:2 = scf.while (%while3A_1451 = %sub3A_1342, %while3A_1452 = %while3A_1343) : (vector<1x128xf32>, i1) -> (vector<1x128xf32>, i1) {
      scf.condition(%while3A_1452) %while3A_1451, %while3A_1452 : vector<1x128xf32>, i1
    } do {
    ^bb0(%while3A_1451: vector<1x128xf32>, %while3A_1452: i1):
      %broadcast_in_dim3A_1453 = vector.shape_cast %while3A_1451 : vector<1x128xf32> to vector<1x128xf32>
      %broadcast_in_dim3A_1454 = vector.broadcast %broadcast_in_dim3A_1453 : vector<1x128xf32> to vector<8x128xf32>
      %dot_general3A_1455 = arith.constant dense<0.000000e+00> : vector<8x128xf32>
      %dot_general3A_1456 = tpu.matmul %broadcast_in_dim3A_1454, %select_n3A_1338, %dot_general3A_1455 {dimension_numbers = #tpu.dot_dimension_numbers<[1], [0], [0], [1], [0, 0, 1, 1], [], []>, transpose_lhs_hint = false} : vector<8x128xf32>, vector<128x128xf32>, vector<8x128xf32> -> vector<8x128xf32>
      %slice3A_1457 = vector.extract_strided_slice %dot_general3A_1456 {offsets = [0, 0], sizes = [1, 128], strides = [1, 1]} : vector<8x128xf32> to vector<1x128xf32>
      %lt3A = arith.constant 5.000000e-01 : f32
      %lt3A_1458 = vector.broadcast %lt3A : f32 to vector<1x128xf32>
      %lt3A_1459 = arith.cmpf olt, %slice3A_1457, %lt3A_1458 : vector<1x128xf32>
      %gt3A_1460 = arith.constant 5.000000e-01 : f32
      %gt3A_1461 = vector.broadcast %gt3A_1460 : f32 to vector<1x128xf32>
      %gt3A_1462 = arith.cmpf ogt, %sub3A_1342, %gt3A_1461 : vector<1x128xf32>
      %and3A_1463 = arith.andi %lt3A_1459, %gt3A_1462 : vector<1x128xi1>
      %jit3A_1464 = arith.constant 1.000000e+00 : f32
      %jit3A_1465 = arith.constant 0.000000e+00 : f32
      %broadcast_in_dim3A_1466 = vector.broadcast %jit3A_1464 : f32 to vector<1x128xf32>
      %broadcast_in_dim3A_1467 = vector.broadcast %jit3A_1465 : f32 to vector<1x128xf32>
      %select_n3A_1468 = arith.select %and3A_1463, %broadcast_in_dim3A_1466, %broadcast_in_dim3A_1467 : vector<1x128xi1>, vector<1x128xf32>
      %ne3A = arith.cmpf one, %select_n3A_1468, %while3A_1451 : vector<1x128xf32>
      %reduce_or3A = arith.constant 1.000000e+00 : f32
      %reduce_or3A_1469 = arith.constant 0.000000e+00 : f32
      %reduce_or3A_1470 = vector.broadcast %reduce_or3A : f32 to vector<1x128xf32>
      %reduce_or3A_1471 = vector.broadcast %reduce_or3A_1469 : f32 to vector<1x128xf32>
      %reduce_or3A_1472 = arith.select %ne3A, %reduce_or3A_1470, %reduce_or3A_1471 : vector<1x128xi1>, vector<1x128xf32>
      %reduce_or3A_1473 = vector.shape_cast %reduce_or3A_1472 : vector<1x128xf32> to vector<1x1x128xf32>
      %reduce_or3A_1474 = arith.constant dense<0xFF800000> : vector<1xf32>
      %reduce_or3A_1475 = vector.multi_reduction <maximumf>, %reduce_or3A_1473, %reduce_or3A_1474 [1, 2] : vector<1x1x128xf32> to vector<1xf32>
      %reduce_or3A_1476 = vector.shape_cast %reduce_or3A_1475 : vector<1xf32> to vector<1x1x1xf32>
      %reduce_or3A_1477 = vector.extract %reduce_or3A_1476[0, 0, 0] : f32 from vector<1x1x1xf32>
      %reduce_or3A_1478 = arith.constant 0.000000e+00 : f32
      %reduce_or3A_1479 = arith.cmpf ogt, %reduce_or3A_1477, %reduce_or3A_1478 : f32
      scf.yield %select_n3A_1468, %reduce_or3A_1479 : vector<1x128xf32>, i1
    }
    %broadcast_in_dim3A_1345 = vector.shape_cast %while3A_1344#0 : vector<1x128xf32> to vector<1x128xf32>
    %broadcast_in_dim3A_1346 = vector.broadcast %broadcast_in_dim3A_1345 : vector<1x128xf32> to vector<8x128xf32>
    %dot_general3A_1347 = arith.constant dense<0.000000e+00> : vector<8x2048xf32>
    %dot_general3A_1348 = tpu.matmul %broadcast_in_dim3A_1346, %select_n3A_1334, %dot_general3A_1347 {dimension_numbers = #tpu.dot_dimension_numbers<[1], [0], [0], [1], [0, 0, 1, 1], [], []>, transpose_lhs_hint = false} : vector<8x128xf32>, vector<128x2048xf32>, vector<8x2048xf32> -> vector<8x2048xf32>
    %slice3A_1349 = vector.extract_strided_slice %dot_general3A_1348 {offsets = [0, 0], sizes = [1, 2048], strides = [1, 1]} : vector<8x2048xf32> to vector<1x2048xf32>
    %gt3A_1350 = arith.constant 5.000000e-01 : f32
    %gt3A_1351 = vector.broadcast %gt3A_1350 : f32 to vector<1x2048xf32>
    %gt3A_1352 = arith.cmpf ogt, %slice3A_1349, %gt3A_1351 : vector<1x2048xf32>
    %ge3A_1353 = arith.constant 1920 : i32
    %ge3A_1354 = vector.broadcast %ge3A_1353 : i32 to vector<1x2048xi32>
    %ge3A_1355 = arith.cmpi sge, %iota3A, %ge3A_1354 : vector<1x2048xi32>
    %and3A_1356 = arith.andi %gt3A_1352, %ge3A_1355 : vector<1x2048xi1>
    %jit3A_1357 = arith.constant 1.000000e+00 : f32
    %jit3A_1358 = arith.constant 0.000000e+00 : f32
    %broadcast_in_dim3A_1359 = vector.broadcast %jit3A_1357 : f32 to vector<1x2048xf32>
    %broadcast_in_dim3A_1360 = vector.broadcast %jit3A_1358 : f32 to vector<1x2048xf32>
    %select_n3A_1361 = arith.select %and3A_1356, %broadcast_in_dim3A_1359, %broadcast_in_dim3A_1360 : vector<1x2048xi1>, vector<1x2048xf32>
    %max3A_1362 = arith.maximumf %max3A_1272, %select_n3A_1361 : vector<1x2048xf32>
    %get3A_1363 = arith.constant 0 : index
    %get3A_1364 = arith.constant 1920 : index
    %get3A_1365 = arith.constant 0 : index
    %get3A_1366 = vector.load %arg2[%get3A_1363, %get3A_1364, %get3A_1365] : memref<1x2048x1xf32, #tpu.memory_space<vmem>>, vector<1x128x1xf32>
    %get3A_1367 = vector.shape_cast %get3A_1366 : vector<1x128x1xf32> to vector<128x1xf32>
    %get3A_1368 = arith.constant 0 : index
    %get3A_1369 = arith.constant 1920 : index
    %get3A_1370 = arith.constant 0 : index
    %get3A_1371 = vector.load %arg3[%get3A_1368, %get3A_1369, %get3A_1370] : memref<1x2048x1xf32, #tpu.memory_space<vmem>>, vector<1x128x1xf32>
    %get3A_1372 = vector.shape_cast %get3A_1371 : vector<1x128x1xf32> to vector<128x1xf32>
    %get3A_1373 = arith.constant 0 : index
    %get3A_1374 = arith.constant 1920 : index
    %get3A_1375 = arith.constant 0 : index
    %get3A_1376 = vector.load %arg4[%get3A_1373, %get3A_1374, %get3A_1375] : memref<1x2048x1xf32, #tpu.memory_space<vmem>>, vector<1x128x1xf32>
    %get3A_1377 = vector.shape_cast %get3A_1376 : vector<1x128x1xf32> to vector<128x1xf32>
    %get3A_1378 = arith.constant 0 : index
    %get3A_1379 = arith.constant 1920 : index
    %get3A_1380 = arith.constant 0 : index
    %get3A_1381 = vector.load %arg5[%get3A_1378, %get3A_1379, %get3A_1380] : memref<1x2048x1xf32, #tpu.memory_space<vmem>>, vector<1x128x1xf32>
    %get3A_1382 = vector.shape_cast %get3A_1381 : vector<1x128x1xf32> to vector<128x1xf32>
    %min3A_1383 = vector.broadcast %get3A_1377 : vector<128x1xf32> to vector<128x2048xf32>
    %min3A_1384 = vector.broadcast %get3A_13 : vector<1x2048xf32> to vector<128x2048xf32>
    %min3A_1385 = arith.minimumf %min3A_1383, %min3A_1384 : vector<128x2048xf32>
    %max3A_1386 = vector.broadcast %get3A_1367 : vector<128x1xf32> to vector<128x2048xf32>
    %max3A_1387 = vector.broadcast %get3A_3 : vector<1x2048xf32> to vector<128x2048xf32>
    %max3A_1388 = arith.maximumf %max3A_1386, %max3A_1387 : vector<128x2048xf32>
    %sub3A_1389 = arith.subf %min3A_1385, %max3A_1388 : vector<128x2048xf32>
    %max3A_1390 = arith.constant 0.000000e+00 : f32
    %max3A_1391 = vector.broadcast %max3A_1390 : f32 to vector<128x2048xf32>
    %max3A_1392 = arith.maximumf %sub3A_1389, %max3A_1391 : vector<128x2048xf32>
    %min3A_1393 = vector.broadcast %get3A_1382 : vector<128x1xf32> to vector<128x2048xf32>
    %min3A_1394 = vector.broadcast %get3A_18 : vector<1x2048xf32> to vector<128x2048xf32>
    %min3A_1395 = arith.minimumf %min3A_1393, %min3A_1394 : vector<128x2048xf32>
    %max3A_1396 = vector.broadcast %get3A_1372 : vector<128x1xf32> to vector<128x2048xf32>
    %max3A_1397 = vector.broadcast %get3A_8 : vector<1x2048xf32> to vector<128x2048xf32>
    %max3A_1398 = arith.maximumf %max3A_1396, %max3A_1397 : vector<128x2048xf32>
    %sub3A_1399 = arith.subf %min3A_1395, %max3A_1398 : vector<128x2048xf32>
    %max3A_1400 = arith.constant 0.000000e+00 : f32
    %max3A_1401 = vector.broadcast %max3A_1400 : f32 to vector<128x2048xf32>
    %max3A_1402 = arith.maximumf %sub3A_1399, %max3A_1401 : vector<128x2048xf32>
    %mul3A_1403 = arith.mulf %max3A_1392, %max3A_1402 : vector<128x2048xf32>
    %sub3A_1404 = arith.subf %get3A_1377, %get3A_1367 : vector<128x1xf32>
    %sub3A_1405 = arith.subf %get3A_1382, %get3A_1372 : vector<128x1xf32>
    %mul3A_1406 = arith.mulf %sub3A_1404, %sub3A_1405 : vector<128x1xf32>
    %add3A_1407 = vector.broadcast %mul3A_1406 : vector<128x1xf32> to vector<128x2048xf32>
    %add3A_1408 = vector.broadcast %mul3A : vector<1x2048xf32> to vector<128x2048xf32>
    %add3A_1409 = arith.addf %add3A_1407, %add3A_1408 : vector<128x2048xf32>
    %add3A_1410 = arith.constant 9.99999993E-9 : f32
    %add3A_1411 = vector.broadcast %add3A_1410 : f32 to vector<128x2048xf32>
    %add3A_1412 = arith.addf %add3A_1409, %add3A_1411 : vector<128x2048xf32>
    %mul3A_1413 = arith.constant 0.699999988 : f32
    %mul3A_1414 = vector.broadcast %mul3A_1413 : f32 to vector<128x2048xf32>
    %mul3A_1415 = arith.mulf %mul3A_1414, %add3A_1412 : vector<128x2048xf32>
    %mul3A_1416 = arith.constant 1.700000e+00 : f32
    %mul3A_1417 = vector.broadcast %mul3A_1416 : f32 to vector<128x2048xf32>
    %mul3A_1418 = arith.mulf %mul3A_1417, %mul3A_1403 : vector<128x2048xf32>
    %gt3A_1419 = arith.cmpf ogt, %mul3A_1418, %mul3A_1415 : vector<128x2048xf32>
    %jit3A_1420 = arith.constant 1.000000e+00 : f32
    %jit3A_1421 = arith.constant 0.000000e+00 : f32
    %broadcast_in_dim3A_1422 = vector.broadcast %jit3A_1420 : f32 to vector<128x2048xf32>
    %broadcast_in_dim3A_1423 = vector.broadcast %jit3A_1421 : f32 to vector<128x2048xf32>
    %select_n3A_1424 = arith.select %gt3A_1419, %broadcast_in_dim3A_1422, %broadcast_in_dim3A_1423 : vector<128x2048xi1>, vector<128x2048xf32>
    %slice3A_1425 = vector.extract_strided_slice %select_n3A_1424 {offsets = [0, 1920], sizes = [128, 128], strides = [1, 1]} : vector<128x2048xf32> to vector<128x128xf32>
    %jit3A_1426 = arith.constant 0.000000e+00 : f32
    %broadcast_in_dim3A_1427 = vector.broadcast %jit3A_1426 : f32 to vector<128x128xf32>
    %select_n3A_1428 = arith.select %gt3A, %slice3A_1425, %broadcast_in_dim3A_1427 : vector<128x128xi1>, vector<128x128xf32>
    %slice3A_1429 = vector.extract_strided_slice %max3A_1362 {offsets = [0, 1920], sizes = [1, 128], strides = [1, 1]} : vector<1x2048xf32> to vector<1x128xf32>
    %sub3A_1430 = arith.constant 1.000000e+00 : f32
    %sub3A_1431 = vector.broadcast %sub3A_1430 : f32 to vector<1x128xf32>
    %sub3A_1432 = arith.subf %sub3A_1431, %slice3A_1429 : vector<1x128xf32>
    %while3A_1433 = arith.constant true
    %while3A_1434:2 = scf.while (%while3A_1451 = %sub3A_1432, %while3A_1452 = %while3A_1433) : (vector<1x128xf32>, i1) -> (vector<1x128xf32>, i1) {
      scf.condition(%while3A_1452) %while3A_1451, %while3A_1452 : vector<1x128xf32>, i1
    } do {
    ^bb0(%while3A_1451: vector<1x128xf32>, %while3A_1452: i1):
      %broadcast_in_dim3A_1453 = vector.shape_cast %while3A_1451 : vector<1x128xf32> to vector<1x128xf32>
      %broadcast_in_dim3A_1454 = vector.broadcast %broadcast_in_dim3A_1453 : vector<1x128xf32> to vector<8x128xf32>
      %dot_general3A_1455 = arith.constant dense<0.000000e+00> : vector<8x128xf32>
      %dot_general3A_1456 = tpu.matmul %broadcast_in_dim3A_1454, %select_n3A_1428, %dot_general3A_1455 {dimension_numbers = #tpu.dot_dimension_numbers<[1], [0], [0], [1], [0, 0, 1, 1], [], []>, transpose_lhs_hint = false} : vector<8x128xf32>, vector<128x128xf32>, vector<8x128xf32> -> vector<8x128xf32>
      %slice3A_1457 = vector.extract_strided_slice %dot_general3A_1456 {offsets = [0, 0], sizes = [1, 128], strides = [1, 1]} : vector<8x128xf32> to vector<1x128xf32>
      %lt3A = arith.constant 5.000000e-01 : f32
      %lt3A_1458 = vector.broadcast %lt3A : f32 to vector<1x128xf32>
      %lt3A_1459 = arith.cmpf olt, %slice3A_1457, %lt3A_1458 : vector<1x128xf32>
      %gt3A_1460 = arith.constant 5.000000e-01 : f32
      %gt3A_1461 = vector.broadcast %gt3A_1460 : f32 to vector<1x128xf32>
      %gt3A_1462 = arith.cmpf ogt, %sub3A_1432, %gt3A_1461 : vector<1x128xf32>
      %and3A_1463 = arith.andi %lt3A_1459, %gt3A_1462 : vector<1x128xi1>
      %jit3A_1464 = arith.constant 1.000000e+00 : f32
      %jit3A_1465 = arith.constant 0.000000e+00 : f32
      %broadcast_in_dim3A_1466 = vector.broadcast %jit3A_1464 : f32 to vector<1x128xf32>
      %broadcast_in_dim3A_1467 = vector.broadcast %jit3A_1465 : f32 to vector<1x128xf32>
      %select_n3A_1468 = arith.select %and3A_1463, %broadcast_in_dim3A_1466, %broadcast_in_dim3A_1467 : vector<1x128xi1>, vector<1x128xf32>
      %ne3A = arith.cmpf one, %select_n3A_1468, %while3A_1451 : vector<1x128xf32>
      %reduce_or3A = arith.constant 1.000000e+00 : f32
      %reduce_or3A_1469 = arith.constant 0.000000e+00 : f32
      %reduce_or3A_1470 = vector.broadcast %reduce_or3A : f32 to vector<1x128xf32>
      %reduce_or3A_1471 = vector.broadcast %reduce_or3A_1469 : f32 to vector<1x128xf32>
      %reduce_or3A_1472 = arith.select %ne3A, %reduce_or3A_1470, %reduce_or3A_1471 : vector<1x128xi1>, vector<1x128xf32>
      %reduce_or3A_1473 = vector.shape_cast %reduce_or3A_1472 : vector<1x128xf32> to vector<1x1x128xf32>
      %reduce_or3A_1474 = arith.constant dense<0xFF800000> : vector<1xf32>
      %reduce_or3A_1475 = vector.multi_reduction <maximumf>, %reduce_or3A_1473, %reduce_or3A_1474 [1, 2] : vector<1x1x128xf32> to vector<1xf32>
      %reduce_or3A_1476 = vector.shape_cast %reduce_or3A_1475 : vector<1xf32> to vector<1x1x1xf32>
      %reduce_or3A_1477 = vector.extract %reduce_or3A_1476[0, 0, 0] : f32 from vector<1x1x1xf32>
      %reduce_or3A_1478 = arith.constant 0.000000e+00 : f32
      %reduce_or3A_1479 = arith.cmpf ogt, %reduce_or3A_1477, %reduce_or3A_1478 : f32
      scf.yield %select_n3A_1468, %reduce_or3A_1479 : vector<1x128xf32>, i1
    }
    %concatenate3A = tpu.concatenate %while3A_87#0, %while3A_174#0, %while3A_264#0, %while3A_354#0, %while3A_444#0, %while3A_534#0, %while3A_624#0, %while3A_714#0, %while3A_804#0, %while3A_894#0, %while3A_984#0, %while3A_1074#0, %while3A_1164#0, %while3A_1254#0, %while3A_1344#0, %while3A_1434#0 in 1 : vector<1x128xf32>, vector<1x128xf32>, vector<1x128xf32>, vector<1x128xf32>, vector<1x128xf32>, vector<1x128xf32>, vector<1x128xf32>, vector<1x128xf32>, vector<1x128xf32>, vector<1x128xf32>, vector<1x128xf32>, vector<1x128xf32>, vector<1x128xf32>, vector<1x128xf32>, vector<1x128xf32>, vector<1x128xf32> -> vector<1x2048xf32>
    %get3A_1435 = arith.constant 0 : index
    %get3A_1436 = arith.constant 0 : index
    %get3A_1437 = arith.constant 0 : index
    %get3A_1438 = vector.load %arg6[%get3A_1435, %get3A_1436, %get3A_1437] : memref<1x1x2048xf32, #tpu.memory_space<vmem>>, vector<1x1x2048xf32>
    %get3A_1439 = vector.shape_cast %get3A_1438 : vector<1x1x2048xf32> to vector<1x2048xf32>
    %gt3A_1440 = arith.constant 5.000000e-01 : f32
    %gt3A_1441 = vector.broadcast %gt3A_1440 : f32 to vector<1x2048xf32>
    %gt3A_1442 = arith.cmpf ogt, %concatenate3A, %gt3A_1441 : vector<1x2048xf32>
    %jit3A_1443 = arith.constant 0xFF800000 : f32
    %broadcast_in_dim3A_1444 = vector.broadcast %jit3A_1443 : f32 to vector<1x2048xf32>
    %select_n3A_1445 = arith.select %gt3A_1442, %get3A_1439, %broadcast_in_dim3A_1444 : vector<1x2048xi1>, vector<1x2048xf32>
    %swap3A = arith.constant 0 : index
    %swap3A_1446 = arith.constant 0 : index
    %swap3A_1447 = arith.constant 0 : index
    %swap3A_1448 = vector.load %arg7[%swap3A, %swap3A_1446, %swap3A_1447] : memref<1x1x2048xf32, #tpu.memory_space<vmem>>, vector<1x1x2048xf32>
    %swap3A_1449 = vector.shape_cast %swap3A_1448 : vector<1x1x2048xf32> to vector<1x2048xf32>
    %swap3A_1450 = vector.shape_cast %select_n3A_1445 : vector<1x2048xf32> to vector<1x1x2048xf32>
    tpu.vector_store %arg7[%swap3A, %swap3A_1446, %swap3A_1447], %swap3A_1450 {strides = array<i32>} : memref<1x1x2048xf32, #tpu.memory_space<vmem>>, vector<1x1x2048xf32>,
    return
  }
  func.func @transform_0(%arg0: i32) -> (i32, i32, i32) {
    %c0_i32 = arith.constant 0 : i32
    %c0_i32_0 = arith.constant 0 : i32
    %c0_i32_1 = arith.constant 0 : i32
    return %arg0, %c0_i32, %c0_i32_0 : i32, i32, i32
  }
  func.func @transform_1(%arg0: i32) -> (i32, i32, i32) {
    %c0_i32 = arith.constant 0 : i32
    %c0_i32_0 = arith.constant 0 : i32
    %c0_i32_1 = arith.constant 0 : i32
    return %arg0, %c0_i32, %c0_i32_0 : i32, i32, i32
  }
  func.func @transform_2(%arg0: i32) -> (i32, i32, i32) {
    %c0_i32 = arith.constant 0 : i32
    %c0_i32_0 = arith.constant 0 : i32
    %c0_i32_1 = arith.constant 0 : i32
    return %arg0, %c0_i32, %c0_i32_0 : i32, i32, i32
  }
  func.func @transform_3(%arg0: i32) -> (i32, i32, i32) {
    %c0_i32 = arith.constant 0 : i32
    %c0_i32_0 = arith.constant 0 : i32
    %c0_i32_1 = arith.constant 0 : i32
    return %arg0, %c0_i32, %c0_i32_0 : i32, i32, i32
  }
  func.func @transform_4(%arg0: i32) -> (i32, i32, i32) {
    %c0_i32 = arith.constant 0 : i32
    %c0_i32_0 = arith.constant 0 : i32
    %c0_i32_1 = arith.constant 0 : i32
    return %arg0, %c0_i32, %c0_i32_0 : i32, i32, i32
  }
  func.func @transform_5(%arg0: i32) -> (i32, i32, i32) {
    %c0_i32 = arith.constant 0 : i32
    %c0_i32_0 = arith.constant 0 : i32
    %c0_i32_1 = arith.constant 0 : i32
    return %arg0, %c0_i32, %c0_i32_0 : i32, i32, i32
  }
  func.func @transform_6(%arg0: i32) -> (i32, i32, i32) {
    %c0_i32 = arith.constant 0 : i32
    %c0_i32_0 = arith.constant 0 : i32
    %c0_i32_1 = arith.constant 0 : i32
    return %arg0, %c0_i32, %c0_i32_0 : i32, i32, i32
  }
}

</mosaic_0001>

<sc_bundles>
// kernel: gather_offload_async_start.1
scs
__scs_entry_jumppad:
0x0: {  	(pc) =	sbr.rel $0x88, $3  }
0x1: {  	(tag) =	ssettag $0x0;
	lr =	simm.s32 $0x1  }
0x2: {  	[smem:$0x3F99] =	sst lr;
	_ =	strace $0xD0000000  }
0x3: {  	_ = 	snop  }
0x4: {  	_ = 	snop  }
0x5: {  	_ = 	snop  }
0x6: {  	_ = 	snop  }
0x7: {  	_ = 	snop  }
__scs_overlays_trampoline_lowered:
0x8: {  	[smem:$0x3FA8] =	sst s0  }
0x9: {  	[smem:$0x3FA9] =	sst s1  }
0xa: {  	[smem:$0x3FAA] =	sst s2  }
0xb: {  	[smem:$0x3FAB] =	sst s3  }
0xc: {  	[smem:$0x3FAC] =	sst s4  }
0xd: {  	[smem:$0x3FAD] =	sst s5  }
0xe: {  	[smem:$0x3FAE] =	sst s6  }
0xf: {  	[smem:$0x3FAF] =	sst s7  }
0x10: {  	[smem:$0x3FB0] =	sst s8  }
0x11: {  	[smem:$0x3FB1] =	sst s9;
	s0 =	simm.s32 @!p0 $0x0  }
0x12: {  	s1 =	sld [smem:$0x3F97];
	s0 =	simm.s32 @p0 $0x1  }
0x13: {  	[smem:$0x3FB2] =	sst s0;
	s0 =	simm.s32 @!p1 $0x0  }
0x14: {  	s2 =	sld [smem:$0x3F96];
	s0 =	simm.s32 @p1 $0x1  }
0x15: {  	[smem:$0x3FB3] =	sst s0;
	s0 =	simm.s32 @!p2 $0x0  }
0x16: {  	s3 =	sld [smem:$0x3FDB];
	s0 =	simm.s32 @p2 $0x1  }
0x17: {  	s4 =	simm.s32 $0x1BF5;
	[smem:$0x3FB5] =	sst s0  }
0x18: {  	s0 =	sld [smem:$0x3F98];
	_ =	swait.ge [sflag:s4], $0x0  }
0x19: {  	s7 =	sld [smem:$0x3F99]  }
0x1a: {  	s8 =	sadd.s32 $0xFFFFE003, lr  }
0x1b: {  	s9 =	sadd.s32 $0xFFFFFEF7, lr;
	s5 =	simm.s32 $0xFFFFFFFF;
	p2 =	slt.u32 s8, $0xFFFFF086  }
0x1c: {  	p1 =	slt.u32 s9, $0xF7A;
	s5 =	simm.s32 @!p2 $0x0  }
0x1d: {  	s5 =	simm.s32 @p1 $0x1;
	p0 =	seq.s32 s7, s2  }
0x1e: {  	s7 =	smul.u32 @!p0 $0xF7A, s2;
	p2 =	seq.s32 @!p0 s5, $0x0  }
0x1f: {  	s9 =	smul.u32 $0xF7A, s1;
	s8 =	simm.s32 @!p0 $0x1BF5;
	p2 =	por !p2, p0  }
0x20: {  	[sflag:s8] =	ssyncset.s32 @!p0 $0xFFFFF086;
	s6 =	sadd.s32 @!p0 s3, s7;
	s7 =	simm.s32 @!p0 $0x108  }
0x21: {  	s3 =	sadd.s32 s3, s9;
	s6 =	sadd.s32 @!p0 $0x88, s6;
	s7 =	simm.s32 @p2 $0x1082  }
0x22: {  	[simem:s7], [sflag:s8] =	dma.local @!p0 [hbm:s6], $0xF7A  }
0x23: {  	s9 =	sor.u32 $0xD0000000, s2;
	s6 =	simm.s32 $0x108;
	_ =	swait.ge @!p0 [sflag:s8], $0x0  }
0x24: {  	s3 =	sadd.s32 $0x88, s3;
	s6 =	simm.s32 @!p1 $0x1082;
	[sflag:s4] =	ssyncset.s32 $0xFFFFF086  }
0x25: {  	[simem:s6], [sflag:s4] =	dma.local [hbm:s3], $0xF7A  }
0x26: {  	[smem:$0x3F99] =	sst s1;
	(tag) =	ssettag s2;
	_ =	strace s9  }
0x27: {  	s1 =	sld [smem:$0x3FA9]  }
0x28: {  	s2 =	sld [smem:$0x3FAA]  }
0x29: {  	s4 =	sld [smem:$0x3FAC]  }
0x2a: {  	p0 =	seq.s32 s5, $0x0;
	s5 =	sld [smem:$0x3FAD]  }
0x2b: {  	s6 =	sld [smem:$0x3FAE]  }
0x2c: {  	s7 =	sld [smem:$0x3FAF]  }
0x2d: {  	s3 =	simm.s32 $0x108;
	s8 =	sld [smem:$0x3FB0]  }
0x2e: {  	s3 =	simm.s32 @!p0 $0x1082;
	s9 =	sld [smem:$0x3FB1]  }
0x2f: {  	lr =	sadd.s32 s0, s3;
	s0 =	sld [smem:$0x3FA8]  }
0x30: {  	s3 =	sld [smem:$0x3FAB]  }
0x31: {  	[smem:$0x3FB4] =	sst s10  }
0x32: {  	s10 =	sld [smem:$0x3FB2];
	_ =	sdelay $0x3  }
0x33: {  	p0 =	seq.s32 s10, $0x1;
	s10 =	sld [smem:$0x3FB4];
	_ =	sdelay $0x3  }
0x34: {  	[smem:$0x3FB4] =	sst s10  }
0x35: {  	s10 =	sld [smem:$0x3FB3];
	_ =	sdelay $0x3  }
0x36: {  	p1 =	seq.s32 s10, $0x1;
	s10 =	sld [smem:$0x3FB4];
	_ =	sdelay $0x3  }
0x37: {  	[smem:$0x3FB4] =	sst s10  }
0x38: {  	s10 =	sld [smem:$0x3FB5]  }
0x39: {  	_ = 	snop;
	(pc) =	sbr.ind lr, $3  }
0x3a: {  	_ = 	snop  }
0x3b: {  	_ = 	snop  }
0x3c: {  	p2 =	seq.s32 s10, $0x1;
	s10 =	sld [smem:$0x3FB4]  }
0x3d: {  	_ =	shalt  }
0x3e: {  	_ =	shalt  }
0x3f: {  	_ =	shalt  }
0x40: {  	_ =	shalt  }
0x41: {  	_ =	shalt  }
0x42: {  	_ =	shalt  }
0x43: {  	_ =	shalt  }
0x44: {  	_ =	shalt  }
0x45: {  	_ =	shalt  }
0x46: {  	_ =	shalt  }
0x47: {  	_ =	shalt  }
0x48: {  	_ =	shalt  }
0x49: {  	_ =	shalt  }
0x4a: {  	_ =	shalt  }
0x4b: {  	_ =	shalt  }
0x4c: {  	_ =	shalt  }
0x4d: {  	_ =	shalt  }
0x4e: {  	_ =	shalt  }
0x4f: {  	_ =	shalt  }
0x50: {  	_ =	shalt  }
0x51: {  	_ =	shalt  }
0x52: {  	_ =	shalt  }
0x53: {  	_ =	shalt  }
0x54: {  	_ =	shalt  }
0x55: {  	_ =	shalt  }
0x56: {  	_ =	shalt  }
0x57: {  	_ =	shalt  }
0x58: {  	_ =	shalt  }
0x59: {  	_ =	shalt  }
0x5a: {  	_ =	shalt  }
0x5b: {  	_ =	shalt  }
0x5c: {  	_ =	shalt  }
0x5d: {  	_ =	shalt  }
0x5e: {  	_ =	shalt  }
0x5f: {  	_ =	shalt  }
0x60: {  	_ =	shalt  }
0x61: {  	_ =	shalt  }
0x62: {  	_ =	shalt  }
0x63: {  	_ =	shalt  }
0x64: {  	_ =	shalt  }
0x65: {  	_ =	shalt  }
0x66: {  	_ =	shalt  }
0x67: {  	_ =	shalt  }
0x68: {  	_ =	shalt  }
0x69: {  	_ =	shalt  }
0x6a: {  	_ =	shalt  }
0x6b: {  	_ =	shalt  }
0x6c: {  	_ =	shalt  }
0x6d: {  	_ =	shalt  }
0x6e: {  	_ =	shalt  }
0x6f: {  	_ =	shalt  }
0x70: {  	_ =	shalt  }
0x71: {  	_ =	shalt  }
0x72: {  	_ =	shalt  }
0x73: {  	_ =	shalt  }
0x74: {  	_ =	shalt  }
0x75: {  	_ =	shalt  }
0x76: {  	_ =	shalt  }
0x77: {  	_ =	shalt  }
0x78: {  	_ =	shalt  }
0x79: {  	_ =	shalt  }
0x7a: {  	_ =	shalt  }
0x7b: {  	_ =	shalt  }
0x7c: {  	_ =	shalt  }
0x7d: {  	_ =	shalt  }
0x7e: {  	_ =	shalt  }
0x7f: {  	_ =	shalt  }
0x80: {  	_ =	shalt  }
0x81: {  	_ =	shalt  }
0x82: {  	_ =	shalt  }
0x83: {  	_ =	shalt  }
0x84: {  	_ =	shalt  }
0x85: {  	_ =	shalt  }
0x86: {  	_ =	shalt  }
0x87: {  	_ =	shalt  }
.Lfunc_end0:
.L_simem_size_0:
called_computation.1_lowered:
.L_overlay_start_0:
0x88: {  	s2 =	sld [smem:$0x3FD9]  }
0x89: {  	s3 =	sld [smem:$0x3FFE];
	_ =	sdelay $0x1  }
0x8a: {  	s1 =	srdreg.scid  }
0x8b: {  	s0 =	sand.u32 $0x1, s1  }
0x8c: {  	s16 =	sshll.u32 s0, $0xA;
	s2 =	sadd.s32 s3, s2  }
0x8d: {  	s2 =	sadd.s32 s2, s16  }
0x8e: {  	[smem:$0x3FC0] =	sst s2  }
0x8f: {  	_ = 	snop  }
0x90: {  	(tm) =	ssettm $0x1  }
0x91: {  	s17 =	sld [smem:$0x3FFB];
	_ =	sdelay $0x3  }
0x92: {  	_ =	strace s17  }
0x93: {  	s2 =	sld [smem:$0x3FFC];
	_ =	sdelay $0x3  }
0x94: {  	_ =	strace s2  }
0x95: {  	s2 =	sld [smem:$0x3FFD];
	_ =	sdelay $0x3  }
0x96: {  	_ =	strace s2  }
0x97: {  	_ =	strace $0x8FFFFFFF  }
0x98: {  	s18 =	sld [smem:$0x3FDB];
	_ =	sdelay $0x1  }
0x99: {  	s19 =	simm.s32 $_scs_section_size  }
0x9a: {  	s4 =	simm.s32 $_size__tile_overlayer_lowered;
	s5 =	simm.s32 $_tile_overlayer_lowered  }
0x9b: {  	s22 =	simm.s32 $0x1BFF;
	s21 =	sshll.u32 s5, $0x1;
	s2 =	sadd.s32 s19, s18  }
0x9c: {  	s6 =	simm.s32 $0x0;
	s20 =	sshll.u32 s4, $0x1;
	s4 =	sadd.s32 s21, s2  }
0x9d: {  	[timem:s6], [sflag:s22] =	dma.local [hbm:s4], s20  }
0x9e: {  	_ =	swait.ge [sflag:s22], s20  }
0x9f: {  	s3 =	ssub.s32 $0x0, s20;
	[sflag:s22] =	ssyncset.done $0x0  }
0xa0: {  	[sflag:s22] =	ssyncadd.s32 s3;
	_ =	sdelay $0x1  }
0xa1: {  	s23 =	simm.s32 $0x1B8B  }
0xa2: {  	_ =	swait.ge [sflag:s23], $0x1  }
0xa3: {  	[sflag:s23] =	ssyncset.done $0x0  }
0xa4: {  	s25 =	simm.s32 $0x1B8E;
	s24 =	sld [smem:$0x3FFE];
	[sflag:s23] =	ssyncadd.s32 $0xFFFFFFFF  }
0xa5: {  	s26 =	simm.s32 $execute0_lowered;
	[smem:$0x3FD2] =	sst s25  }
0xa6: {  	s4 =	sshll.u32 s26, $0x1;
	_ =	strace $0x80000046;
	[dreg:$0x1] =	wrdreg $0xFFFFFFFF  }
0xa7: {  	s28 =	simm.s32 $_size_execute0_lowered;
	s2 =	sadd.s32 s2, s4;
	[dreg:$0x0] =	wrdreg $0x0  }
0xa8: {  	s4 =	sshll.u32 s28, $0x1;
	[dreg:$0x2] =	wrdreg s2  }
0xa9: {  	[dreg:$0x3] =	wrdreg s4  }
0xaa: {  	[dreg:$0x4] =	wrdreg $0xC0  }
0xab: {  	_ =	task [dreg:s6], $0x5FFFF  }
0xac: {  	[dreg:$0x1] =	wrdreg $0xFFFFFFFF  }
0xad: {  	[dreg:$0x0] =	wrdreg $0x60  }
0xae: {  	[dreg:$0x2] =	wrdreg s24  }
0xaf: {  	[dreg:$0x3] =	wrdreg $0x9  }
0xb0: {  	_ =	task.clear_ibuf [dreg:s6], $0x4FFFF;
	_ =	strace $0x90000046  }
0xb1: {  	s29 =	simm.s32 $0x9;
	_ =	strace $0x80000048  }
0xb2: {  	_ =	swait.ge [sflag:s29], $0x1  }
0xb3: {  	[sflag:s29] =	ssyncadd.s32 $0xFFFFFFFF  }
0xb4: {  	_ =	strace $0x90000048  }
0xb5: {  	_ =	sfence  }
0xb6: {  	s30 =	sld [smem:$0x0];
	_ =	sdelay $0x2  }
0xb7: {  	s31 =	sshll.u32 s1, $0xD;
	s1 =	sshrl.u32 s1, $0x2  }
0xb8: {  	s3 =	sand.u32 $0x4000, s31;
	s1 =	sadd.s32 s1, s30  }
0xb9: {  	s0 =	sor.u32 s3, s0;
	s1 =	sshll.u32 s1, $0x11  }
0xba: {  	s0 =	sor.u32 s1, s0  }
0xbb: {  	s0 =	sadd.s32 $0x8F2B, s0  }
0xbc: {  	[sflag:s0] =	ssyncadd.remote.s32 $0x1  }
0xbd: {  	_ =	sfence.sel $0xFFFF  }
0xbe: {  	[dreg:$0x0] =	wrdreg $0xFFFFFFFF;
	(pc) =	sbr.abs _section_cstart, $3  }
0xbf: {  	[dreg:$0x1] =	wrdreg $0xFFFFFFFF  }
0xc0: {  	_ =	task.clear_ibuf [dreg:s6], $0x2FFFF;
	_ =	strace $0x9FFFFFFF  }
0xc1: {  	(tm) =	ssettm $0x7FFFFFFF  }
tec
execute0_lowered:
.L_overlay_start_1:
0x0: {  	(tag) =	ssettag $0x1  }
0x1: {  	s0 =	srdreg.scid;
	s5 =	rddreg [dreg:$0x0]  }
0x2: {  	s1 =	stileid.u32;
	s6 =	simm.s32 $0x1;
	s9 =	simm.s32 $0x1  }
0x3: {  	s10 =	simm.s32 $0x3;
	s13 =	simm.s32 $0x0;
	s2 =	sshll.u32 s0, $0x6  }
0x4: {  	s12 =	simm.s32 $0x0;
	s3 =	sshll.u32 s1, $0x7;
	s2 =	sand.u32 $0x40, s2  }
0x5: {  	s0 =	rddreg [dreg:$0x1];
	_ =	strace $0x80000047;
	s2 =	sor.u32 s3, s2  }
0x6: {  	s4 =	sadd.s32 $0x2600, s5;
	[sflag:s6] =	ssyncpa.u1 $0x0;
	s8 =	ssub.s32 $0x1000, s2  }
.Ltmp0:
0x7: {  	s3 =	sadd.s32 $0x200, s5;
	s7 =	sand.u32 $0x7C0, s8;
	(pc) =	sbr.rel .LBB2_1-.Ltmp0, $4  }
0x8: {  	s5 =	sadd.s32 $0x2800, s5;
	s11 =	smov.u32 s2;
	p0 =	sne.s32 s7, $0x0  }
0x9: {  	s8 =	sshrl.u32 s8, $0xB;
	s7 =	simm.s32 $0x2;
	s9 =	simm.s32 @!p0 $0x0  }
0xa: {  	[sflag:s7] =	ssyncpa.u1 $0x0;
	p0 =	por $0x0, $0x0;
	s8 =	sadd.s32 s9, s8  }
0xb: {  	vm0 =	vmmov $0xffff;
	[sflag:s10] =	ssyncpa.u1 $0x0;
	s10 =	simm.s32 $0x0;
	s9 =	sadd.s32 $0x1, s8  }
.LBB2_4:
0xc: {  	v3 =	vand.u32 $0x1, v0;
	v62 =	vshrl.u32 v0, $0x1  }
0xd: {  	v3 =	vsel vm1, $0xFFFFFFFF, v3;
	v0 =	vand.u32 $0xFFFF, v62  }
0xe: {  	v0 =	vsel vm1, $0xFFFFFFFF, v0;
	v4 =	vshrl.u32 v3, $0x1  }
0xf: {  	v4 =	vmul.u32 $0x12000, v4;
	v5 =	vshll.u32 v0, $0x1  }
0x10: {  	v3 =	vshll.u32 v3, $0x7;
	v5 =	vand.u32 $0xFFFFFF00, v5  }
0x11: {  	v1 =	vor.u32 v1, v2;
	v3 =	vand.u32 $0x80, v3;
	v63 =	vadd.s32 v4, v5  }
0x12: {  	v0 =	vand.u32 $0x7F, v0;
	v2 =	vor.u32 v3, v63  }
0x13: {  	v0 =	vor.u32 v0, v2;
	_ =	sdelay $0x1  }
0x14: {  	(ifvalue) =	ssetifvalue $0x7FFFFFFF;
	s15 =	sadd.s32 $0x10, s15  }
0x15: {  	[tilespmem:s15], [sflag:$0x1] =	stream.indirect_vreg.gather [hbm4b:s3+s10], $0x1, v1, vm0, $0x4038;
	[tilespmem:$0x100] =	vst v63  }
0x16: {  	(ifvalue) =	ssetifvalue $0x7FFFFFFF;
	s15 =	sadd.s32 $0x10, s15  }
0x17: {  	[tilespmem:s15], [sflag:$0x1] =	stream.indirect_vreg.gather [hbm4b:s3+s10], $0x1, v0, vm0, $0x4038;
	[tilespmem:$0x100] =	vst v63  }
0x18: {  	_ =	swait.ge [sflag:s6], $0x40  }
0x19: {  	s30 =	sshrl.u32 s13, $0x3;
	[sflag:s6] =	ssyncset.done $0x0  }
0x1a: {  	s31 =	sand.u32 $0x7, s13;
	s15 =	sadd.s32 s5, s30;
	[sflag:s6] =	ssyncadd.s32 $0xFFFFFFC0  }
0x1b: {  	[hbm4b:s15+s31] =	stream.linear.scatter [tilespmem:s14], [sflag:$0x3], $0x40, $0x38;
	[tilespmem:$0x100] =	vst v63  }
.LBB2_5:
0x1c: {  	s15 =	sadd.s32 $0x800, s11  }
0x1d: {  	p2 =	sgt.s32 s15, $0xFFF  }
0x1e: {  	s15 =	smov.u32 @p2 s2;
	p2 =	sne.s32 s12, s9  }
.Ltmp1:
0x1f: {  	p1 =	slt.u32 s12, $0x2;
	(pc) =	sbr.rel @!p2 .LBB2_6-.Ltmp1, $4  }
0x20: {  	s14 =	simm.s32 @!p1 $0x3  }
0x21: {  	s16 =	sadd.s32 $0x1, s12;
	_ =	swait.ge @!p1 [sflag:s14], $0x40  }
0x22: {  	s13 =	smov.u32 s11;
	p0 =	por !p0, !p0;
	[sflag:s14] =	ssyncset.done @!p1 $0x0  }
0x23: {  	s12 =	smov.u32 s16;
	s11 =	smov.u32 s15;
	[sflag:s14] =	ssyncadd.s32 @!p1 $0xFFFFFFC0  }
.LBB2_1:
0x24: {  	p1 =	sge.u32 s12, s8  }
0x25: {  	s14 =	sxor.u32 @!p1 $0xFFFFFFFF, s12  }
0x26: {  	s31 =	sadd.s32 $0xFFFFFFFF, s12;
	s15 =	sshrl.u32 @!p1 s11, $0x3;
	s14 =	sshll.u32 @!p1 s14, $0x6  }
0x27: {  	s16 =	sand.u32 @!p1 $0x7, s11;
	s15 =	sadd.s32 @!p1 s4, s15;
	s14 =	sand.u32 @!p1 $0x40, s14  }
0x28: {  	[tilespmem:s14], [sflag:$0x2] =	stream.linear.gather @!p1 [hbm4b:s15+s16], $0x40, $0x38;
	[tilespmem:$0x100] =	vst v63  }
0x29: {  	p1 =	sge.u32 s31, s8  }
.Ltmp2:
0x2a: {  	_ = 	snop;
	(pc) =	sbr.rel @p1 .LBB2_5-.Ltmp2, $1  }
0x2b: {  	_ =	sdelay $0x3  }
0x2c: {  	s14 =	simm.s32 $0x1  }
0x2d: {  	_ =	swait.ge [sflag:s7], $0x40;
	s14 =	simm.s32 @!p0 $0x0  }
0x2e: {  	[sflag:s7] =	ssyncset.done $0x0;
	s14 =	sshll.u32 s14, $0x6  }
0x2f: {  	[sflag:s7] =	ssyncadd.s32 $0xFFFFFFC0;
	(ifvalue) =	ssetifvalue $0x7FFFFFFF;
	v0 =	vld.msk [tilespmem:s14+$0x0 ss:$0x1], $0xffff;
	_ =	sdelay $0x2  }
0x30: {  	s15 =	sadd.s32 $0x10, s14  }
0x31: {  	v3 =	vld.msk [tilespmem:s15+$0x0 ss:$0x1], $0xffff  }
0x32: {  	vm1 =	veq.s32 v0, $0x80000000;
	v1 =	vand.u32 $0x1, v0;
	v0 =	vshrl.u32 v0, $0x1  }
0x33: {  	v1 =	vsel vm1, $0xFFFFFFFF, v1;
	v0 =	vand.u32 $0xFFFF, v0  }
0x34: {  	v0 =	vsel vm1, $0xFFFFFFFF, v0;
	v2 =	vshrl.u32 v1, $0x1  }
0x35: {  	v2 =	vmul.u32 $0x12000, v2;
	v4 =	vshll.u32 v0, $0x1  }
0x36: {  	v1 =	vshll.u32 v1, $0x7;
	vm1 =	veq.s32 v3, $0x80000000;
	v4 =	vand.u32 $0xFFFFFF00, v4  }
0x37: {  	v1 =	vand.u32 $0x80, v1;
	v0 =	vand.u32 $0x7F, v0;
	v2 =	vadd.s32 v2, v4  }
0x38: {  	s17 =	sadd.s32 $0x10, s15;
	v1 =	vor.u32 v1, v2;
	v2 =	vand.u32 $0x1, v3;
	v3 =	vshrl.u32 v3, $0x1  }
0x39: {  	v1 =	vor.u32 v0, v1;
	v0 =	vld.msk [tilespmem:s17+$0x0 ss:$0x1], $0xffff;
	v2 =	vsel vm1, $0xFFFFFFFF, v2;
	v3 =	vand.u32 $0xFFFF, v3  }
0x3a: {  	v3 =	vsel vm1, $0xFFFFFFFF, v3;
	v63 =	vshrl.u32 v2, $0x1  }
0x3b: {  	s31 =	sshll.u32 s12, $0x6;
	v4 =	vmul.u32 $0x12000, v63;
	v5 =	vshll.u32 v3, $0x1  }
0x3c: {  	s16 =	simm.s32 $0x20;
	s15 =	sor.u32 $0x80, s14;
	s14 =	sand.u32 $0x40, s31;
	v2 =	vshll.u32 v2, $0x7;
	v5 =	vand.u32 $0xFFFFFF00, v5  }
0x3d: {  	s14 =	sor.u32 $0x80, s14;
	(ifvalue) =	ssetifvalue $0x7FFFFFFF;
	s17 =	sadd.s32 $0x10, s17;
	v2 =	vand.u32 $0x80, v2;
	v4 =	vadd.s32 v4, v5  }
0x3e: {  	[tilespmem:s15], [sflag:$0x1] =	stream.indirect_vreg.gather [hbm4b:s3+s10], $0x1, v1, vm0, $0x4038;
	vm1 =	veq.s32 v0, $0x80000000;
	v1 =	vand.u32 $0x7F, v3;
	v2 =	vor.u32 v2, v4;
	[tilespmem:$0x100] =	vst v63  }
.LBB2_3:
0x3f: {  	v3 =	vand.u32 $0x1, v0;
	v4 =	vshrl.u32 v0, $0x1;
	v0 =	vld.msk [tilespmem:s17+$0x0 ss:$0x1], $0xffff;
	v1 =	vor.u32 v1, v2;
	s16 =	sadd.s32 $0x10, s16  }
0x40: {  	v2 =	vsel vm1, $0xFFFFFFFF, v3;
	v3 =	vand.u32 $0xFFFF, v4;
	p1 =	slt.u32 s16, $0x30  }
.Ltmp3:
0x41: {  	v3 =	vsel vm1, $0xFFFFFFFF, v3;
	v4 =	vshrl.u32 v2, $0x1;
	(pc) =	sbr.rel @p1 .LBB2_3-.Ltmp3, $4  }
0x42: {  	v4 =	vmul.u32 $0x12000, v4;
	v5 =	vshll.u32 v3, $0x1  }
0x43: {  	s15 =	sadd.s32 $0x10, s15;
	v2 =	vshll.u32 v2, $0x7;
	v5 =	vand.u32 $0xFFFFFF00, v5;
	(ifvalue) =	ssetifvalue $0x7FFFFFFF  }
0x44: {  	v2 =	vand.u32 $0x80, v2;
	v4 =	vadd.s32 v4, v5;
	[tilespmem:s15], [sflag:$0x1] =	stream.indirect_vreg.gather [hbm4b:s3+s10], $0x1, v1, vm0, $0x4038;
	[tilespmem:$0x100] =	vst v63  }
0x45: {  	s17 =	sadd.s32 $0x10, s17;
	vm1 =	veq.s32 v0, $0x80000000;
	v1 =	vand.u32 $0x7F, v3;
	v2 =	vor.u32 v2, v4  }
.Ltmp4:
0x46: {  	_ = 	snop;
	(pc) =	sbr.rel .LBB2_4-.Ltmp4, $1  }
0x47: {  	_ =	sdelay $0x3  }
.LBB2_6:
0x48: {  	_ =	sfence.sel $0x180000  }
0x49: {  	s2 =	simm.s32 $0x2;
	[bflag:$0x0] =	sbarrier.arrive $0xFFFF  }
0x4a: {  	s30 =	simm.s32 $0x3;
	[sflag:s2] =	ssyncpa.u1 $0x1  }
0x4b: {  	s31 =	simm.s32 $0x1;
	[sflag:s30] =	ssyncpa.u1 $0x1  }
0x4c: {  	[sflag:s31] =	ssyncpa.u1 $0x1  }
0x4d: {  	p0 =	sne.s32 s1, $0x0;
	_ =	strace $0x90000047  }
0x4e: {  	s0 =	sadd.s32 @!p0 $0x100000, s0;
	[bflag:$0x2] =	sbarrier.arrive $0xFFFF  }
0x4f: {  	[sflag:s0] =	ssyncadd.tile.s32 @!p0 $0x1;
	_ =	shalt  }
.Lfunc_end2:
_tile_overlayer_lowered:
.L_overlay_start_2:
0x50: {  	(tag) =	ssettag $0x2  }
0x51: {  	s0 =	rddreg [dreg:$0x0];
	s2 =	stileid.u32  }
0x52: {  	s1 =	rddreg [dreg:$0x1];
	p0 =	sne.s32 s2, $0x0  }
0x53: {  	s3 =	rddreg [dreg:$0x2];
	[bflag:$0x3] =	sbarrier.arrive $0xFFFF;
	s2 =	simm.s32 @!p0 $0x1C01  }
0x54: {  	[timem:s3], [sflag:s2] =	dma.local @!p0 [hbm:s0], s1  }
0x55: {  	s0 =	simm.s32 @!p0 $0x1  }
0x56: {  	_ =	swait.ge @!p0 [sflag:s0], s1  }
0x57: {  	s1 =	ssub.s32 @!p0 $0x0, s1;
	[sflag:s0] =	ssyncset.done @!p0 $0x0  }
0x58: {  	[sflag:s0] =	ssyncadd.s32 @!p0 s1  }
0x59: {  	[bflag:$0x3] =	sbarrier.arrive $0xFFFF  }
0x5a: {  	_ =	shalt  }

// kernel: gather_offload_async_start.2
scs
__scs_entry_jumppad:
0x0: {  	(pc) =	sbr.rel $0x88, $3  }
0x1: {  	(tag) =	ssettag $0x0;
	lr =	simm.s32 $0x1  }
0x2: {  	[smem:$0x3F99] =	sst lr;
	_ =	strace $0xD0000000  }
0x3: {  	_ = 	snop  }
0x4: {  	_ = 	snop  }
0x5: {  	_ = 	snop  }
0x6: {  	_ = 	snop  }
0x7: {  	_ = 	snop  }
__scs_overlays_trampoline_lowered:
0x8: {  	[smem:$0x3FA8] =	sst s0  }
0x9: {  	[smem:$0x3FA9] =	sst s1  }
0xa: {  	[smem:$0x3FAA] =	sst s2  }
0xb: {  	[smem:$0x3FAB] =	sst s3  }
0xc: {  	[smem:$0x3FAC] =	sst s4  }
0xd: {  	[smem:$0x3FAD] =	sst s5  }
0xe: {  	[smem:$0x3FAE] =	sst s6  }
0xf: {  	[smem:$0x3FAF] =	sst s7  }
0x10: {  	[smem:$0x3FB0] =	sst s8  }
0x11: {  	[smem:$0x3FB1] =	sst s9;
	s0 =	simm.s32 @!p0 $0x0  }
0x12: {  	s1 =	sld [smem:$0x3F97];
	s0 =	simm.s32 @p0 $0x1  }
0x13: {  	[smem:$0x3FB2] =	sst s0;
	s0 =	simm.s32 @!p1 $0x0  }
0x14: {  	s2 =	sld [smem:$0x3F96];
	s0 =	simm.s32 @p1 $0x1  }
0x15: {  	[smem:$0x3FB3] =	sst s0;
	s0 =	simm.s32 @!p2 $0x0  }
0x16: {  	s3 =	sld [smem:$0x3FDB];
	s0 =	simm.s32 @p2 $0x1  }
0x17: {  	s4 =	simm.s32 $0x1BF5;
	[smem:$0x3FB5] =	sst s0  }
0x18: {  	s0 =	sld [smem:$0x3F98];
	_ =	swait.ge [sflag:s4], $0x0  }
0x19: {  	s7 =	sld [smem:$0x3F99]  }
0x1a: {  	s8 =	sadd.s32 $0xFFFFE003, lr  }
0x1b: {  	s9 =	sadd.s32 $0xFFFFFEF7, lr;
	s5 =	simm.s32 $0xFFFFFFFF;
	p2 =	slt.u32 s8, $0xFFFFF086  }
0x1c: {  	p1 =	slt.u32 s9, $0xF7A;
	s5 =	simm.s32 @!p2 $0x0  }
0x1d: {  	s5 =	simm.s32 @p1 $0x1;
	p0 =	seq.s32 s7, s2  }
0x1e: {  	s7 =	smul.u32 @!p0 $0xF7A, s2;
	p2 =	seq.s32 @!p0 s5, $0x0  }
0x1f: {  	s9 =	smul.u32 $0xF7A, s1;
	s8 =	simm.s32 @!p0 $0x1BF5;
	p2 =	por !p2, p0  }
0x20: {  	[sflag:s8] =	ssyncset.s32 @!p0 $0xFFFFF086;
	s6 =	sadd.s32 @!p0 s3, s7;
	s7 =	simm.s32 @!p0 $0x108  }
0x21: {  	s3 =	sadd.s32 s3, s9;
	s6 =	sadd.s32 @!p0 $0x88, s6;
	s7 =	simm.s32 @p2 $0x1082  }
0x22: {  	[simem:s7], [sflag:s8] =	dma.local @!p0 [hbm:s6], $0xF7A  }
0x23: {  	s9 =	sor.u32 $0xD0000000, s2;
	s6 =	simm.s32 $0x108;
	_ =	swait.ge @!p0 [sflag:s8], $0x0  }
0x24: {  	s3 =	sadd.s32 $0x88, s3;
	s6 =	simm.s32 @!p1 $0x1082;
	[sflag:s4] =	ssyncset.s32 $0xFFFFF086  }
0x25: {  	[simem:s6], [sflag:s4] =	dma.local [hbm:s3], $0xF7A  }
0x26: {  	[smem:$0x3F99] =	sst s1;
	(tag) =	ssettag s2;
	_ =	strace s9  }
0x27: {  	s1 =	sld [smem:$0x3FA9]  }
0x28: {  	s2 =	sld [smem:$0x3FAA]  }
0x29: {  	s4 =	sld [smem:$0x3FAC]  }
0x2a: {  	p0 =	seq.s32 s5, $0x0;
	s5 =	sld [smem:$0x3FAD]  }
0x2b: {  	s6 =	sld [smem:$0x3FAE]  }
0x2c: {  	s7 =	sld [smem:$0x3FAF]  }
0x2d: {  	s3 =	simm.s32 $0x108;
	s8 =	sld [smem:$0x3FB0]  }
0x2e: {  	s3 =	simm.s32 @!p0 $0x1082;
	s9 =	sld [smem:$0x3FB1]  }
0x2f: {  	lr =	sadd.s32 s0, s3;
	s0 =	sld [smem:$0x3FA8]  }
0x30: {  	s3 =	sld [smem:$0x3FAB]  }
0x31: {  	[smem:$0x3FB4] =	sst s10  }
0x32: {  	s10 =	sld [smem:$0x3FB2];
	_ =	sdelay $0x3  }
0x33: {  	p0 =	seq.s32 s10, $0x1;
	s10 =	sld [smem:$0x3FB4];
	_ =	sdelay $0x3  }
0x34: {  	[smem:$0x3FB4] =	sst s10  }
0x35: {  	s10 =	sld [smem:$0x3FB3];
	_ =	sdelay $0x3  }
0x36: {  	p1 =	seq.s32 s10, $0x1;
	s10 =	sld [smem:$0x3FB4];
	_ =	sdelay $0x3  }
0x37: {  	[smem:$0x3FB4] =	sst s10  }
0x38: {  	s10 =	sld [smem:$0x3FB5]  }
0x39: {  	_ = 	snop;
	(pc) =	sbr.ind lr, $3  }
0x3a: {  	_ = 	snop  }
0x3b: {  	_ = 	snop  }
0x3c: {  	p2 =	seq.s32 s10, $0x1;
	s10 =	sld [smem:$0x3FB4]  }
0x3d: {  	_ =	shalt  }
0x3e: {  	_ =	shalt  }
0x3f: {  	_ =	shalt  }
0x40: {  	_ =	shalt  }
0x41: {  	_ =	shalt  }
0x42: {  	_ =	shalt  }
0x43: {  	_ =	shalt  }
0x44: {  	_ =	shalt  }
0x45: {  	_ =	shalt  }
0x46: {  	_ =	shalt  }
0x47: {  	_ =	shalt  }
0x48: {  	_ =	shalt  }
0x49: {  	_ =	shalt  }
0x4a: {  	_ =	shalt  }
0x4b: {  	_ =	shalt  }
0x4c: {  	_ =	shalt  }
0x4d: {  	_ =	shalt  }
0x4e: {  	_ =	shalt  }
0x4f: {  	_ =	shalt  }
0x50: {  	_ =	shalt  }
0x51: {  	_ =	shalt  }
0x52: {  	_ =	shalt  }
0x53: {  	_ =	shalt  }
0x54: {  	_ =	shalt  }
0x55: {  	_ =	shalt  }
0x56: {  	_ =	shalt  }
0x57: {  	_ =	shalt  }
0x58: {  	_ =	shalt  }
0x59: {  	_ =	shalt  }
0x5a: {  	_ =	shalt  }
0x5b: {  	_ =	shalt  }
0x5c: {  	_ =	shalt  }
0x5d: {  	_ =	shalt  }
0x5e: {  	_ =	shalt  }
0x5f: {  	_ =	shalt  }
0x60: {  	_ =	shalt  }
0x61: {  	_ =	shalt  }
0x62: {  	_ =	shalt  }
0x63: {  	_ =	shalt  }
0x64: {  	_ =	shalt  }
0x65: {  	_ =	shalt  }
0x66: {  	_ =	shalt  }
0x67: {  	_ =	shalt  }
0x68: {  	_ =	shalt  }
0x69: {  	_ =	shalt  }
0x6a: {  	_ =	shalt  }
0x6b: {  	_ =	shalt  }
0x6c: {  	_ =	shalt  }
0x6d: {  	_ =	shalt  }
0x6e: {  	_ =	shalt  }
0x6f: {  	_ =	shalt  }
0x70: {  	_ =	shalt  }
0x71: {  	_ =	shalt  }
0x72: {  	_ =	shalt  }
0x73: {  	_ =	shalt  }
0x74: {  	_ =	shalt  }
0x75: {  	_ =	shalt  }
0x76: {  	_ =	shalt  }
0x77: {  	_ =	shalt  }
0x78: {  	_ =	shalt  }
0x79: {  	_ =	shalt  }
0x7a: {  	_ =	shalt  }
0x7b: {  	_ =	shalt  }
0x7c: {  	_ =	shalt  }
0x7d: {  	_ =	shalt  }
0x7e: {  	_ =	shalt  }
0x7f: {  	_ =	shalt  }
0x80: {  	_ =	shalt  }
0x81: {  	_ =	shalt  }
0x82: {  	_ =	shalt  }
0x83: {  	_ =	shalt  }
0x84: {  	_ =	shalt  }
0x85: {  	_ =	shalt  }
0x86: {  	_ =	shalt  }
0x87: {  	_ =	shalt  }
.Lfunc_end0:
.L_simem_size_0:
called_computation.2_lowered:
.L_overlay_start_0:
0x88: {  	s2 =	sld [smem:$0x3FD9]  }
0x89: {  	s3 =	sld [smem:$0x3FFE];
	_ =	sdelay $0x1  }
0x8a: {  	s1 =	srdreg.scid  }
0x8b: {  	s0 =	sand.u32 $0x1, s1  }
0x8c: {  	s17 =	sshll.u32 s0, $0xA;
	s2 =	sadd.s32 s3, s2  }
0x8d: {  	s2 =	sadd.s32 s2, s17  }
0x8e: {  	[smem:$0x3FC0] =	sst s2  }
0x8f: {  	_ = 	snop  }
0x90: {  	s2 =	sld [smem:$0x3FD0];
	(tm) =	ssettm $0x1  }
0x91: {  	s18 =	sld [smem:$0x3FFB];
	_ =	sdelay $0x3  }
0x92: {  	_ =	strace s18  }
0x93: {  	s3 =	sld [smem:$0x3FFC];
	_ =	sdelay $0x3  }
0x94: {  	_ =	strace s3  }
0x95: {  	s3 =	sld [smem:$0x3FFD];
	_ =	sdelay $0x3  }
0x96: {  	_ =	strace s3  }
0x97: {  	_ =	strace $0x8FFFFFFF  }
0x98: {  	s19 =	sld [smem:$0x3FDB];
	_ =	sdelay $0x1  }
0x99: {  	s4 =	simm.s32 $_scs_section_size  }
0x9a: {  	s5 =	simm.s32 $_size__tile_overlayer_lowered;
	s6 =	simm.s32 $_tile_overlayer_lowered  }
0x9b: {  	s22 =	simm.s32 $0x1BFF;
	s21 =	sshll.u32 s6, $0x1;
	s3 =	sadd.s32 s4, s19  }
0x9c: {  	s7 =	simm.s32 $0x0;
	s20 =	sshll.u32 s5, $0x1;
	s5 =	sadd.s32 s21, s3  }
0x9d: {  	[timem:s7], [sflag:s22] =	dma.local [hbm:s5], s20  }
0x9e: {  	_ =	swait.ge [sflag:s22], s20  }
0x9f: {  	s4 =	ssub.s32 $0x0, s20;
	[sflag:s22] =	ssyncset.done $0x0  }
0xa0: {  	[sflag:s22] =	ssyncadd.s32 s4;
	_ =	sdelay $0x1  }
0xa1: {  	s23 =	simm.s32 $0x1B8B  }
0xa2: {  	_ =	swait.ge [sflag:s23], $0x1  }
0xa3: {  	[sflag:s23] =	ssyncset.done $0x0  }
0xa4: {  	s25 =	simm.s32 $0x1B8E;
	s24 =	sld [smem:$0x3FFE];
	[sflag:s23] =	ssyncadd.s32 $0xFFFFFFFF  }
0xa5: {  	s26 =	simm.s32 $execute0_lowered;
	[smem:$0x3FD2] =	sst s25  }
0xa6: {  	s5 =	sshll.u32 s26, $0x1;
	_ =	strace $0x80000049;
	[dreg:$0x1] =	wrdreg $0xFFFFFFFF  }
0xa7: {  	s28 =	simm.s32 $_size_execute0_lowered;
	s3 =	sadd.s32 s3, s5;
	[dreg:$0x0] =	wrdreg $0x0  }
0xa8: {  	s5 =	sshll.u32 s28, $0x1;
	[dreg:$0x2] =	wrdreg s3  }
0xa9: {  	[dreg:$0x3] =	wrdreg s5  }
0xaa: {  	[dreg:$0x4] =	wrdreg $0xC0  }
0xab: {  	_ =	task [dreg:s7], $0x5FFFF  }
0xac: {  	[dreg:$0x1] =	wrdreg $0xFFFFFFFF  }
0xad: {  	[dreg:$0x0] =	wrdreg $0x60  }
0xae: {  	[dreg:$0x2] =	wrdreg s2  }
0xaf: {  	[dreg:$0x3] =	wrdreg s24  }
0xb0: {  	[dreg:$0x4] =	wrdreg $0x9  }
0xb1: {  	_ =	task.clear_ibuf [dreg:s7], $0x5FFFF;
	_ =	strace $0x90000049  }
0xb2: {  	s29 =	simm.s32 $0x9;
	_ =	strace $0x8000004B  }
0xb3: {  	_ =	swait.ge [sflag:s29], $0x1  }
0xb4: {  	[sflag:s29] =	ssyncadd.s32 $0xFFFFFFFF  }
0xb5: {  	_ =	strace $0x9000004B  }
0xb6: {  	_ =	sfence  }
0xb7: {  	s30 =	sld [smem:$0x0];
	_ =	sdelay $0x2  }
0xb8: {  	s31 =	sshll.u32 s1, $0xD;
	s1 =	sshrl.u32 s1, $0x2  }
0xb9: {  	s3 =	sand.u32 $0x4000, s31;
	s1 =	sadd.s32 s1, s30  }
0xba: {  	s0 =	sor.u32 s3, s0;
	s1 =	sshll.u32 s1, $0x11  }
0xbb: {  	s0 =	sor.u32 s1, s0  }
0xbc: {  	s0 =	sadd.s32 $0x8F2B, s0  }
0xbd: {  	[sflag:s0] =	ssyncadd.remote.s32 $0x1  }
0xbe: {  	_ =	sfence.sel $0xFFFF  }
0xbf: {  	[dreg:$0x0] =	wrdreg $0xFFFFFFFF;
	(pc) =	sbr.abs _section_cstart, $3  }
0xc0: {  	[dreg:$0x1] =	wrdreg $0xFFFFFFFF  }
0xc1: {  	_ =	task.clear_ibuf [dreg:s7], $0x2FFFF;
	_ =	strace $0x9FFFFFFF  }
0xc2: {  	(tm) =	ssettm $0x7FFFFFFF  }
0xc3: {  	_ =	shalt  }
tec
execute0_lowered:
.L_overlay_start_1:
0x0: {  	(tag) =	ssettag $0x1  }
0x1: {  	s2 =	rddreg [dreg:$0x0];
	s0 =	stileid.u32  }
0x2: {  	s1 =	srdreg.scid;
	s8 =	rddreg [dreg:$0x1]  }
0x3: {  	s5 =	simm.s32 $0x1;
	s9 =	simm.s32 $0x1;
	s10 =	simm.s32 $0x3  }
0x4: {  	s13 =	simm.s32 $0x0;
	s3 =	sand.u32 $0x1, s1;
	s4 =	sshll.u32 s0, $0x1  }
0x5: {  	s12 =	simm.s32 $0x0;
	s1 =	rddreg [dreg:$0x2];
	s6 =	sor.u32 s4, s3  }
0x6: {  	_ =	strace $0x8000004A;
	s3 =	sadd.s32 $0x200, s8;
	s4 =	smul.u32 $0x50, s6  }
0x7: {  	[sflag:s5] =	ssyncpa.u1 $0x0;
	p0 =	slt.u32 s6, $0x13;
	s6 =	simm.s32 $0xA00  }
.Ltmp0:
0x8: {  	s6 =	simm.s32 @!p0 $0x0;
	s7 =	ssub.s32 $0xFA0, s4;
	(pc) =	sbr.rel .LBB2_1-.Ltmp0, $4  }
0x9: {  	s9 =	simm.s32 @!p0 $0x0;
	p0 =	sne.s32 s7, s6;
	s7 =	simm.s32 $0x1  }
0xa: {  	s8 =	sadd.s32 $0x400, s8;
	s6 =	simm.s32 $0x2;
	s7 =	simm.s32 @!p0 $0x0  }
0xb: {  	s11 =	smov.u32 s4;
	[sflag:s6] =	ssyncpa.u1 $0x0;
	s7 =	sadd.s32 s9, s7  }
0xc: {  	vm0 =	vmmov $0xffff;
	[sflag:s10] =	ssyncpa.u1 $0x0;
	s10 =	simm.s32 $0x0;
	s9 =	sadd.s32 $0x1, s7  }
.LBB2_4:
0xd: {  	v5 =	vld.msk [tilespmem:s18+$0x0 ss:$0x1], $0xffff  }
0xe: {  	v6 =	vand.u32 $0x1, v1;
	v7 =	vshrl.u32 v1, $0x1  }
0xf: {  	v3 =	vor.u32 v4, v3;
	vm1 =	veq.s32 v1, $0x80000000;
	v53 =	vand.u32 $0x7FF, v7  }
0x10: {  	v2 =	vor.u32 v2, v3;
	v54 =	vsel vm1, $0xFFFFFFFF, v6;
	v1 =	vsel vm1, $0xFFFFFFFF, v53  }
0x11: {  	v6 =	vshll.u32 v54, $0x7;
	v3 =	vand.u32 $0xFFFFF000, v54;
	v55 =	vand.u32 $0x7F, v1  }
0x12: {  	v1 =	vshll.u32 v1, $0x1;
	v6 =	vand.u32 $0x80, v6;
	v56 =	vshrl.u32 v5, $0x1  }
0x13: {  	v1 =	vand.u32 $0xFFFFFF00, v1;
	vm1 =	veq.s32 v5, $0x80000000;
	v57 =	vand.u32 $0x7FF, v56  }
0x14: {  	v1 =	vadd.s32 v3, v1;
	v5 =	vand.u32 $0x1, v5;
	v3 =	vsel vm1, $0xFFFFFFFF, v57  }
0x15: {  	v1 =	vor.u32 v6, v1;
	v5 =	vsel vm1, $0xFFFFFFFF, v5;
	v58 =	vshll.u32 v3, $0x1  }
0x16: {  	v59 =	vshll.u32 v5, $0x7;
	v5 =	vand.u32 $0xFFFFF000, v5;
	v6 =	vand.u32 $0xFFFFFF00, v58  }
0x17: {  	v1 =	vor.u32 v55, v1;
	v61 =	vand.u32 $0x80, v59;
	v60 =	vadd.s32 v5, v6  }
0x18: {  	[tilespmem:s16], [sflag:$0x1] =	stream.indirect_vreg.gather [hbm4b:s2+s10], $0x1, v0, vm0, $0x4038;
	v62 =	vand.u32 $0x7F, v3;
	v63 =	vor.u32 v61, v60;
	[tilespmem:$0x140] =	vst v63  }
0x19: {  	(ifvalue) =	ssetifvalue $0x7FFFFFFF;
	v0 =	vor.u32 v62, v63  }
0x1a: {  	[tilespmem:s15], [sflag:$0x1] =	stream.indirect_vreg.gather [hbm4b:s2+s10], $0x1, v2, vm0, $0x4038;
	[tilespmem:$0x140] =	vst v63  }
0x1b: {  	s29 =	sadd.s32 $0x10, s15;
	(ifvalue) =	ssetifvalue $0x7FFFFFFF  }
0x1c: {  	[tilespmem:s29], [sflag:$0x1] =	stream.indirect_vreg.gather [hbm4b:s2+s10], $0x1, v1, vm0, $0x4038;
	[tilespmem:$0x140] =	vst v63  }
0x1d: {  	s15 =	sadd.s32 $0x10, s29;
	(ifvalue) =	ssetifvalue $0x7FFFFFFF  }
0x1e: {  	[tilespmem:s15], [sflag:$0x1] =	stream.indirect_vreg.gather [hbm4b:s2+s10], $0x1, v0, vm0, $0x4038;
	[tilespmem:$0x140] =	vst v63  }
0x1f: {  	_ =	swait.ge [sflag:s5], $0x50  }
0x20: {  	s30 =	sshrl.u32 s13, $0x3;
	[sflag:s5] =	ssyncset.done $0x0  }
0x21: {  	s31 =	sand.u32 $0x7, s13;
	s15 =	sadd.s32 s8, s30;
	[sflag:s5] =	ssyncadd.s32 $0xFFFFFFB0  }
0x22: {  	[hbm4b:s15+s31] =	stream.linear.scatter [tilespmem:s14], [sflag:$0x3], $0x50, $0x38;
	[tilespmem:$0x140] =	vst v63  }
.LBB2_5:
0x23: {  	s15 =	sadd.s32 $0xA00, s11  }
0x24: {  	p1 =	sgt.s32 s15, $0xF9F  }
0x25: {  	s15 =	smov.u32 @p1 s4;
	p1 =	sne.s32 s12, s9  }
.Ltmp1:
0x26: {  	p0 =	slt.u32 s12, $0x2;
	(pc) =	sbr.rel @!p1 .LBB2_6-.Ltmp1, $4  }
0x27: {  	s14 =	simm.s32 @!p0 $0x3  }
0x28: {  	_ =	swait.ge @!p0 [sflag:s14], $0x50  }
0x29: {  	s16 =	sadd.s32 $0x1, s12;
	s13 =	smov.u32 s11;
	[sflag:s14] =	ssyncset.done @!p0 $0x0  }
0x2a: {  	s12 =	smov.u32 s16;
	s11 =	smov.u32 s15;
	[sflag:s14] =	ssyncadd.s32 @!p0 $0xFFFFFFB0  }
.LBB2_1:
0x2b: {  	p0 =	sge.u32 s12, s7  }
0x2c: {  	s14 =	sxor.u32 @!p0 $0x1, s12  }
0x2d: {  	s14 =	smul.u32 @!p0 $0x140, s14  }
0x2e: {  	s31 =	sadd.s32 $0xFFFFFFFF, s12;
	s15 =	sshrl.u32 @!p0 s11, $0x3  }
0x2f: {  	s16 =	sand.u32 @!p0 $0x7, s11;
	s15 =	sadd.s32 @!p0 s3, s15;
	s14 =	sshra.s32 @!p0 s14, $0x2  }
0x30: {  	[tilespmem:s14], [sflag:$0x2] =	stream.linear.gather @!p0 [hbm4b:s15+s16], $0x50, $0x38;
	[tilespmem:$0x140] =	vst v63  }
0x31: {  	p0 =	sge.u32 s31, s7  }
.Ltmp2:
0x32: {  	_ = 	snop;
	(pc) =	sbr.rel @p0 .LBB2_5-.Ltmp2, $1  }
0x33: {  	_ =	sdelay $0x3  }
0x34: {  	s14 =	sand.u32 $0x1, s12  }
0x35: {  	_ =	swait.ge [sflag:s6], $0x50;
	p0 =	seq.s32 s14, $0x1;
	s14 =	simm.s32 $0x50  }
0x36: {  	[sflag:s6] =	ssyncset.done $0x0;
	s14 =	simm.s32 @!p0 $0x0  }
0x37: {  	[sflag:s6] =	ssyncadd.s32 $0xFFFFFFB0;
	(ifvalue) =	ssetifvalue $0x7FFFFFFF;
	v0 =	vld.msk [tilespmem:s14+$0x0 ss:$0x1], $0xffff;
	_ =	sdelay $0x4  }
0x38: {  	s15 =	sadd.s32 $0x10, s14;
	v2 =	vshrl.u32 v0, $0x1  }
0x39: {  	v1 =	vld.msk [tilespmem:s15+$0x0 ss:$0x1], $0xffff;
	vm1 =	veq.s32 v0, $0x80000000;
	v2 =	vand.u32 $0x7FF, v2  }
0x3a: {  	v0 =	vand.u32 $0x1, v0;
	v2 =	vsel vm1, $0xFFFFFFFF, v2  }
0x3b: {  	v0 =	vsel vm1, $0xFFFFFFFF, v0;
	v3 =	vshll.u32 v2, $0x1  }
0x3c: {  	v4 =	vand.u32 $0xFFFFF000, v0;
	v0 =	vshll.u32 v0, $0x7;
	v3 =	vand.u32 $0xFFFFFF00, v3  }
0x3d: {  	v0 =	vand.u32 $0x80, v0;
	v3 =	vadd.s32 v4, v3  }
0x3e: {  	v2 =	vand.u32 $0x7F, v2;
	v4 =	vshrl.u32 v1, $0x1;
	v0 =	vor.u32 v0, v3  }
0x3f: {  	vm1 =	veq.s32 v1, $0x80000000;
	v4 =	vand.u32 $0x7FF, v4;
	v0 =	vor.u32 v2, v0  }
0x40: {  	s15 =	sadd.s32 $0x10, s15;
	v1 =	vand.u32 $0x1, v1;
	v3 =	vsel vm1, $0xFFFFFFFF, v4  }
0x41: {  	s14 =	sor.u32 $0xA0, s14;
	v2 =	vsel vm1, $0xFFFFFFFF, v1;
	v1 =	vld.msk [tilespmem:s15+$0x0 ss:$0x1], $0xffff;
	v4 =	vshll.u32 v3, $0x1  }
0x42: {  	s17 =	simm.s32 $0x30;
	s16 =	smov.u32 s14;
	v5 =	vshll.u32 v2, $0x7;
	v6 =	vand.u32 $0xFFFFF000, v2;
	v4 =	vand.u32 $0xFFFFFF00, v4  }
0x43: {  	s18 =	sadd.s32 $0x10, s15;
	(ifvalue) =	ssetifvalue $0x7FFFFFFF;
	s15 =	sadd.s32 $0x10, s14;
	v2 =	vand.u32 $0x7F, v3;
	v3 =	vadd.s32 v6, v4;
	v4 =	vand.u32 $0x80, v5  }
.LBB2_3:
0x44: {  	[tilespmem:s16], [sflag:$0x1] =	stream.indirect_vreg.gather [hbm4b:s2+s10], $0x1, v0, vm0, $0x4038;
	[tilespmem:$0x140] =	vst v63  }
0x45: {  	s17 =	sadd.s32 $0x10, s17  }
0x46: {  	v5 =	vand.u32 $0x1, v1;
	v6 =	vshrl.u32 v1, $0x1;
	v3 =	vor.u32 v4, v3;
	v0 =	vmovc v1;
	v1 =	vld.msk [tilespmem:s18+$0x0 ss:$0x1], $0xffff;
	p0 =	slt.u32 s17, $0x40  }
.Ltmp3:
0x47: {  	s16 =	smov.u32 s15;
	vm1 =	veq.s32 v0, $0x80000000;
	v4 =	vand.u32 $0x7FF, v6;
	v0 =	vor.u32 v2, v3;
	(pc) =	sbr.rel @p0 .LBB2_3-.Ltmp3, $4  }
0x48: {  	v3 =	vsel vm1, $0xFFFFFFFF, v5;
	v4 =	vsel vm1, $0xFFFFFFFF, v4  }
0x49: {  	v2 =	vand.u32 $0x7F, v4;
	v4 =	vshll.u32 v4, $0x1;
	v5 =	vshll.u32 v3, $0x7  }
0x4a: {  	v3 =	vand.u32 $0xFFFFF000, v3;
	v4 =	vand.u32 $0xFFFFFF00, v4  }
0x4b: {  	s18 =	sadd.s32 $0x10, s18;
	s15 =	sadd.s32 $0x10, s15;
	v3 =	vadd.s32 v3, v4;
	v4 =	vand.u32 $0x80, v5;
	(ifvalue) =	ssetifvalue $0x7FFFFFFF  }
.Ltmp4:
0x4c: {  	_ = 	snop;
	(pc) =	sbr.rel .LBB2_4-.Ltmp4, $1  }
0x4d: {  	_ =	sdelay $0x3  }
.LBB2_6:
0x4e: {  	_ =	sfence.sel $0x180000  }
0x4f: {  	s2 =	simm.s32 $0x2;
	[bflag:$0x0] =	sbarrier.arrive $0xFFFF  }
0x50: {  	s30 =	simm.s32 $0x3;
	[sflag:s2] =	ssyncpa.u1 $0x1  }
0x51: {  	s31 =	simm.s32 $0x1;
	[sflag:s30] =	ssyncpa.u1 $0x1  }
0x52: {  	[sflag:s31] =	ssyncpa.u1 $0x1  }
0x53: {  	p0 =	sne.s32 s0, $0x0;
	_ =	strace $0x9000004A  }
0x54: {  	s0 =	sadd.s32 @!p0 $0x100000, s1;
	[bflag:$0x2] =	sbarrier.arrive $0xFFFF  }
0x55: {  	[sflag:s0] =	ssyncadd.tile.s32 @!p0 $0x1;
	_ =	shalt  }
.Lfunc_end2:
_tile_overlayer_lowered:
.L_overlay_start_2:
0x56: {  	(tag) =	ssettag $0x2  }
0x57: {  	s0 =	rddreg [dreg:$0x0];
	s2 =	stileid.u32  }
0x58: {  	s1 =	rddreg [dreg:$0x1];
	p0 =	sne.s32 s2, $0x0  }
0x59: {  	s3 =	rddreg [dreg:$0x2];
	[bflag:$0x3] =	sbarrier.arrive $0xFFFF;
	s2 =	simm.s32 @!p0 $0x1C01  }
0x5a: {  	[timem:s3], [sflag:s2] =	dma.local @!p0 [hbm:s0], s1  }
0x5b: {  	s0 =	simm.s32 @!p0 $0x1  }
0x5c: {  	_ =	swait.ge @!p0 [sflag:s0], s1  }
0x5d: {  	s1 =	ssub.s32 @!p0 $0x0, s1;
	[sflag:s0] =	ssyncset.done @!p0 $0x0  }
0x5e: {  	[sflag:s0] =	ssyncadd.s32 @!p0 s1  }
0x5f: {  	[bflag:$0x3] =	sbarrier.arrive $0xFFFF  }
0x60: {  	_ =	shalt  }

// kernel: gather_offload_async_start.3
scs
__scs_entry_jumppad:
0x0: {  	(pc) =	sbr.rel $0x88, $3  }
0x1: {  	(tag) =	ssettag $0x0;
	lr =	simm.s32 $0x1  }
0x2: {  	[smem:$0x3F99] =	sst lr;
	_ =	strace $0xD0000000  }
0x3: {  	_ = 	snop  }
0x4: {  	_ = 	snop  }
0x5: {  	_ = 	snop  }
0x6: {  	_ = 	snop  }
0x7: {  	_ = 	snop  }
__scs_overlays_trampoline_lowered:
0x8: {  	[smem:$0x3FA8] =	sst s0  }
0x9: {  	[smem:$0x3FA9] =	sst s1  }
0xa: {  	[smem:$0x3FAA] =	sst s2  }
0xb: {  	[smem:$0x3FAB] =	sst s3  }
0xc: {  	[smem:$0x3FAC] =	sst s4  }
0xd: {  	[smem:$0x3FAD] =	sst s5  }
0xe: {  	[smem:$0x3FAE] =	sst s6  }
0xf: {  	[smem:$0x3FAF] =	sst s7  }
0x10: {  	[smem:$0x3FB0] =	sst s8  }
0x11: {  	[smem:$0x3FB1] =	sst s9;
	s0 =	simm.s32 @!p0 $0x0  }
0x12: {  	s1 =	sld [smem:$0x3F97];
	s0 =	simm.s32 @p0 $0x1  }
0x13: {  	[smem:$0x3FB2] =	sst s0;
	s0 =	simm.s32 @!p1 $0x0  }
0x14: {  	s2 =	sld [smem:$0x3F96];
	s0 =	simm.s32 @p1 $0x1  }
0x15: {  	[smem:$0x3FB3] =	sst s0;
	s0 =	simm.s32 @!p2 $0x0  }
0x16: {  	s3 =	sld [smem:$0x3FDB];
	s0 =	simm.s32 @p2 $0x1  }
0x17: {  	s4 =	simm.s32 $0x1BF5;
	[smem:$0x3FB5] =	sst s0  }
0x18: {  	s0 =	sld [smem:$0x3F98];
	_ =	swait.ge [sflag:s4], $0x0  }
0x19: {  	s7 =	sld [smem:$0x3F99]  }
0x1a: {  	s8 =	sadd.s32 $0xFFFFE003, lr  }
0x1b: {  	s9 =	sadd.s32 $0xFFFFFEF7, lr;
	s5 =	simm.s32 $0xFFFFFFFF;
	p2 =	slt.u32 s8, $0xFFFFF086  }
0x1c: {  	p1 =	slt.u32 s9, $0xF7A;
	s5 =	simm.s32 @!p2 $0x0  }
0x1d: {  	s5 =	simm.s32 @p1 $0x1;
	p0 =	seq.s32 s7, s2  }
0x1e: {  	s7 =	smul.u32 @!p0 $0xF7A, s2;
	p2 =	seq.s32 @!p0 s5, $0x0  }
0x1f: {  	s9 =	smul.u32 $0xF7A, s1;
	s8 =	simm.s32 @!p0 $0x1BF5;
	p2 =	por !p2, p0  }
0x20: {  	[sflag:s8] =	ssyncset.s32 @!p0 $0xFFFFF086;
	s6 =	sadd.s32 @!p0 s3, s7;
	s7 =	simm.s32 @!p0 $0x108  }
0x21: {  	s3 =	sadd.s32 s3, s9;
	s6 =	sadd.s32 @!p0 $0x88, s6;
	s7 =	simm.s32 @p2 $0x1082  }
0x22: {  	[simem:s7], [sflag:s8] =	dma.local @!p0 [hbm:s6], $0xF7A  }
0x23: {  	s9 =	sor.u32 $0xD0000000, s2;
	s6 =	simm.s32 $0x108;
	_ =	swait.ge @!p0 [sflag:s8], $0x0  }
0x24: {  	s3 =	sadd.s32 $0x88, s3;
	s6 =	simm.s32 @!p1 $0x1082;
	[sflag:s4] =	ssyncset.s32 $0xFFFFF086  }
0x25: {  	[simem:s6], [sflag:s4] =	dma.local [hbm:s3], $0xF7A  }
0x26: {  	[smem:$0x3F99] =	sst s1;
	(tag) =	ssettag s2;
	_ =	strace s9  }
0x27: {  	s1 =	sld [smem:$0x3FA9]  }
0x28: {  	s2 =	sld [smem:$0x3FAA]  }
0x29: {  	s4 =	sld [smem:$0x3FAC]  }
0x2a: {  	p0 =	seq.s32 s5, $0x0;
	s5 =	sld [smem:$0x3FAD]  }
0x2b: {  	s6 =	sld [smem:$0x3FAE]  }
0x2c: {  	s7 =	sld [smem:$0x3FAF]  }
0x2d: {  	s3 =	simm.s32 $0x108;
	s8 =	sld [smem:$0x3FB0]  }
0x2e: {  	s3 =	simm.s32 @!p0 $0x1082;
	s9 =	sld [smem:$0x3FB1]  }
0x2f: {  	lr =	sadd.s32 s0, s3;
	s0 =	sld [smem:$0x3FA8]  }
0x30: {  	s3 =	sld [smem:$0x3FAB]  }
0x31: {  	[smem:$0x3FB4] =	sst s10  }
0x32: {  	s10 =	sld [smem:$0x3FB2];
	_ =	sdelay $0x3  }
0x33: {  	p0 =	seq.s32 s10, $0x1;
	s10 =	sld [smem:$0x3FB4];
	_ =	sdelay $0x3  }
0x34: {  	[smem:$0x3FB4] =	sst s10  }
0x35: {  	s10 =	sld [smem:$0x3FB3];
	_ =	sdelay $0x3  }
0x36: {  	p1 =	seq.s32 s10, $0x1;
	s10 =	sld [smem:$0x3FB4];
	_ =	sdelay $0x3  }
0x37: {  	[smem:$0x3FB4] =	sst s10  }
0x38: {  	s10 =	sld [smem:$0x3FB5]  }
0x39: {  	_ = 	snop;
	(pc) =	sbr.ind lr, $3  }
0x3a: {  	_ = 	snop  }
0x3b: {  	_ = 	snop  }
0x3c: {  	p2 =	seq.s32 s10, $0x1;
	s10 =	sld [smem:$0x3FB4]  }
0x3d: {  	_ =	shalt  }
0x3e: {  	_ =	shalt  }
0x3f: {  	_ =	shalt  }
0x40: {  	_ =	shalt  }
0x41: {  	_ =	shalt  }
0x42: {  	_ =	shalt  }
0x43: {  	_ =	shalt  }
0x44: {  	_ =	shalt  }
0x45: {  	_ =	shalt  }
0x46: {  	_ =	shalt  }
0x47: {  	_ =	shalt  }
0x48: {  	_ =	shalt  }
0x49: {  	_ =	shalt  }
0x4a: {  	_ =	shalt  }
0x4b: {  	_ =	shalt  }
0x4c: {  	_ =	shalt  }
0x4d: {  	_ =	shalt  }
0x4e: {  	_ =	shalt  }
0x4f: {  	_ =	shalt  }
0x50: {  	_ =	shalt  }
0x51: {  	_ =	shalt  }
0x52: {  	_ =	shalt  }
0x53: {  	_ =	shalt  }
0x54: {  	_ =	shalt  }
0x55: {  	_ =	shalt  }
0x56: {  	_ =	shalt  }
0x57: {  	_ =	shalt  }
0x58: {  	_ =	shalt  }
0x59: {  	_ =	shalt  }
0x5a: {  	_ =	shalt  }
0x5b: {  	_ =	shalt  }
0x5c: {  	_ =	shalt  }
0x5d: {  	_ =	shalt  }
0x5e: {  	_ =	shalt  }
0x5f: {  	_ =	shalt  }
0x60: {  	_ =	shalt  }
0x61: {  	_ =	shalt  }
0x62: {  	_ =	shalt  }
0x63: {  	_ =	shalt  }
0x64: {  	_ =	shalt  }
0x65: {  	_ =	shalt  }
0x66: {  	_ =	shalt  }
0x67: {  	_ =	shalt  }
0x68: {  	_ =	shalt  }
0x69: {  	_ =	shalt  }
0x6a: {  	_ =	shalt  }
0x6b: {  	_ =	shalt  }
0x6c: {  	_ =	shalt  }
0x6d: {  	_ =	shalt  }
0x6e: {  	_ =	shalt  }
0x6f: {  	_ =	shalt  }
0x70: {  	_ =	shalt  }
0x71: {  	_ =	shalt  }
0x72: {  	_ =	shalt  }
0x73: {  	_ =	shalt  }
0x74: {  	_ =	shalt  }
0x75: {  	_ =	shalt  }
0x76: {  	_ =	shalt  }
0x77: {  	_ =	shalt  }
0x78: {  	_ =	shalt  }
0x79: {  	_ =	shalt  }
0x7a: {  	_ =	shalt  }
0x7b: {  	_ =	shalt  }
0x7c: {  	_ =	shalt  }
0x7d: {  	_ =	shalt  }
0x7e: {  	_ =	shalt  }
0x7f: {  	_ =	shalt  }
0x80: {  	_ =	shalt  }
0x81: {  	_ =	shalt  }
0x82: {  	_ =	shalt  }
0x83: {  	_ =	shalt  }
0x84: {  	_ =	shalt  }
0x85: {  	_ =	shalt  }
0x86: {  	_ =	shalt  }
0x87: {  	_ =	shalt  }
.Lfunc_end0:
.L_simem_size_0:
called_computation.3_lowered:
.L_overlay_start_0:
0x88: {  	s2 =	sld [smem:$0x3FD9]  }
0x89: {  	s3 =	sld [smem:$0x3FFE];
	_ =	sdelay $0x1  }
0x8a: {  	s1 =	srdreg.scid  }
0x8b: {  	s0 =	sand.u32 $0x1, s1  }
0x8c: {  	s17 =	sshll.u32 s0, $0xA;
	s2 =	sadd.s32 s3, s2  }
0x8d: {  	s2 =	sadd.s32 s2, s17  }
0x8e: {  	[smem:$0x3FC0] =	sst s2  }
0x8f: {  	_ = 	snop  }
0x90: {  	s2 =	sld [smem:$0x3FD0];
	(tm) =	ssettm $0x1  }
0x91: {  	s18 =	sld [smem:$0x3FFB];
	_ =	sdelay $0x3  }
0x92: {  	_ =	strace s18  }
0x93: {  	s3 =	sld [smem:$0x3FFC];
	_ =	sdelay $0x3  }
0x94: {  	_ =	strace s3  }
0x95: {  	s3 =	sld [smem:$0x3FFD];
	_ =	sdelay $0x3  }
0x96: {  	_ =	strace s3  }
0x97: {  	_ =	strace $0x8FFFFFFF  }
0x98: {  	s19 =	sld [smem:$0x3FDB];
	_ =	sdelay $0x1  }
0x99: {  	s4 =	simm.s32 $_scs_section_size  }
0x9a: {  	s5 =	simm.s32 $_size__tile_overlayer_lowered;
	s6 =	simm.s32 $_tile_overlayer_lowered  }
0x9b: {  	s22 =	simm.s32 $0x1BFF;
	s21 =	sshll.u32 s6, $0x1;
	s3 =	sadd.s32 s4, s19  }
0x9c: {  	s7 =	simm.s32 $0x0;
	s20 =	sshll.u32 s5, $0x1;
	s5 =	sadd.s32 s21, s3  }
0x9d: {  	[timem:s7], [sflag:s22] =	dma.local [hbm:s5], s20  }
0x9e: {  	_ =	swait.ge [sflag:s22], s20  }
0x9f: {  	s4 =	ssub.s32 $0x0, s20;
	[sflag:s22] =	ssyncset.done $0x0  }
0xa0: {  	[sflag:s22] =	ssyncadd.s32 s4;
	_ =	sdelay $0x1  }
0xa1: {  	s23 =	simm.s32 $0x1B8B  }
0xa2: {  	_ =	swait.ge [sflag:s23], $0x1  }
0xa3: {  	[sflag:s23] =	ssyncset.done $0x0  }
0xa4: {  	s25 =	simm.s32 $0x1B8E;
	s24 =	sld [smem:$0x3FFE];
	[sflag:s23] =	ssyncadd.s32 $0xFFFFFFFF  }
0xa5: {  	s26 =	simm.s32 $execute0_lowered;
	[smem:$0x3FD2] =	sst s25  }
0xa6: {  	s5 =	sshll.u32 s26, $0x1;
	_ =	strace $0x8000004C;
	[dreg:$0x1] =	wrdreg $0xFFFFFFFF  }
0xa7: {  	s28 =	simm.s32 $_size_execute0_lowered;
	s3 =	sadd.s32 s3, s5;
	[dreg:$0x0] =	wrdreg $0x0  }
0xa8: {  	s5 =	sshll.u32 s28, $0x1;
	[dreg:$0x2] =	wrdreg s3  }
0xa9: {  	[dreg:$0x3] =	wrdreg s5  }
0xaa: {  	[dreg:$0x4] =	wrdreg $0xC0  }
0xab: {  	_ =	task [dreg:s7], $0x5FFFF  }
0xac: {  	[dreg:$0x1] =	wrdreg $0xFFFFFFFF  }
0xad: {  	[dreg:$0x0] =	wrdreg $0x60  }
0xae: {  	[dreg:$0x2] =	wrdreg s24  }
0xaf: {  	[dreg:$0x3] =	wrdreg s2  }
0xb0: {  	[dreg:$0x4] =	wrdreg $0x9  }
0xb1: {  	_ =	task.clear_ibuf [dreg:s7], $0x5FFFF;
	_ =	strace $0x9000004C  }
0xb2: {  	s29 =	simm.s32 $0x9;
	_ =	strace $0x8000004E  }
0xb3: {  	_ =	swait.ge [sflag:s29], $0x1  }
0xb4: {  	[sflag:s29] =	ssyncadd.s32 $0xFFFFFFFF  }
0xb5: {  	_ =	strace $0x9000004E  }
0xb6: {  	_ =	sfence  }
0xb7: {  	s30 =	sld [smem:$0x0];
	_ =	sdelay $0x2  }
0xb8: {  	s31 =	sshll.u32 s1, $0xD;
	s1 =	sshrl.u32 s1, $0x2  }
0xb9: {  	s3 =	sand.u32 $0x4000, s31;
	s1 =	sadd.s32 s1, s30  }
0xba: {  	s0 =	sor.u32 s3, s0;
	s1 =	sshll.u32 s1, $0x11  }
0xbb: {  	s0 =	sor.u32 s1, s0  }
0xbc: {  	s0 =	sadd.s32 $0x8F2B, s0  }
0xbd: {  	[sflag:s0] =	ssyncadd.remote.s32 $0x1  }
0xbe: {  	_ =	sfence.sel $0xFFFF  }
0xbf: {  	[dreg:$0x0] =	wrdreg $0xFFFFFFFF;
	(pc) =	sbr.abs _section_cstart, $3  }
0xc0: {  	[dreg:$0x1] =	wrdreg $0xFFFFFFFF  }
0xc1: {  	_ =	task.clear_ibuf [dreg:s7], $0x2FFFF;
	_ =	strace $0x9FFFFFFF  }
0xc2: {  	(tm) =	ssettm $0x7FFFFFFF  }
0xc3: {  	_ =	shalt  }
tec
execute0_lowered:
.L_overlay_start_1:
0x0: {  	(tag) =	ssettag $0x1  }
0x1: {  	s0 =	srdreg.scid  }
0x2: {  	s1 =	sshll.u32 s0, $0x4  }
0x3: {  	s0 =	stileid.u32;
	s1 =	sand.u32 $0x10, s1  }
0x4: {  	s2 =	sor.u32 s0, s1  }
0x5: {  	s1 =	smin.u32 s2, $0x12  }
0x6: {  	s1 =	sadd.s32 s2, s1  }
0x7: {  	p0 =	slt.u32 s2, $0x12;
	s2 =	simm.s32 $0xA0;
	s1 =	smul.u32 $0x50, s1  }
0x8: {  	s2 =	simm.s32 @!p0 $0x50  }
0x9: {  	s2 =	sadd.s32 s2, s1  }
0xa: {  	s3 =	smin.u32 s2, $0xFA0  }
0xb: {  	s7 =	ssub.s32 s3, s1  }
0xc: {  	p0 =	sgt.s32 s7, $0x0  }
0xd: {  	s7 =	simm.s32 @!p0 $0x0  }
0xe: {  	s4 =	rddreg [dreg:$0x0];
	s31 =	smul.u32 $0xCCCD, s7  }
0xf: {  	s5 =	rddreg [dreg:$0x1]  }
0x10: {  	s6 =	simm.s32 $0x1;
	s10 =	simm.s32 $0x3;
	s8 =	sshrl.u32 s31, $0x16  }
0x11: {  	s13 =	simm.s32 $0x0;
	s12 =	simm.s32 $0x0;
	s9 =	smul.u32 $0x50, s8  }
.Ltmp0:
0x12: {  	s11 =	smov.u32 s1;
	s2 =	rddreg [dreg:$0x2];
	(pc) =	sbr.rel .LBB2_1-.Ltmp0, $4  }
0x13: {  	_ =	strace $0x8000004D;
	p0 =	sne.s32 s7, s9;
	s9 =	simm.s32 $0x1  }
0x14: {  	[sflag:s6] =	ssyncpa.u1 $0x0;
	s7 =	simm.s32 $0x2;
	s9 =	simm.s32 @!p0 $0x0  }
0x15: {  	[sflag:s7] =	ssyncpa.u1 $0x0;
	p0 =	por $0x0, $0x0;
	s8 =	sadd.s32 s8, s9  }
0x16: {  	v0 =	vimm.s32 $0x0;
	vm0 =	vmmov $0xff;
	vm1 =	vcmask $0x3F20;
	s9 =	sadd.s32 $0x120000, s4;
	[sflag:s10] =	ssyncpa.u1 $0x0;
	s10 =	sadd.s32 $0x1, s8  }
.LBB2_6:
0x17: {  	[hbm:s17] =	stream.linear.scatter [tilespmem:s14], [sflag:$0x3], $0x400, $0x38;
	[tilespmem:$0x50A0] =	vst v63  }
.LBB2_7:
0x18: {  	s13 =	sadd.s32 $0x50, s11  }
0x19: {  	s15 =	smov.u32 s1;
	p2 =	slt.s32 s13, s3  }
0x1a: {  	s15 =	smov.u32 @p2 s13;
	p2 =	sne.s32 s12, s10  }
.Ltmp1:
0x1b: {  	p1 =	slt.u32 s12, $0x2;
	(pc) =	sbr.rel @!p2 .LBB2_8-.Ltmp1, $4  }
0x1c: {  	s14 =	simm.s32 @!p1 $0x3  }
0x1d: {  	s16 =	sadd.s32 $0x1, s12;
	_ =	swait.ge @!p1 [sflag:s14], $0x2800  }
0x1e: {  	p0 =	por !p0, !p0;
	s13 =	smov.u32 s11;
	[sflag:s14] =	ssyncset.done @!p1 $0x0  }
0x1f: {  	s12 =	smov.u32 s16;
	s11 =	smov.u32 s15;
	[sflag:s14] =	ssyncadd.s32 @!p1 $0xFFFFD800  }
.LBB2_1:
0x20: {  	p1 =	sge.u32 s12, s8  }
0x21: {  	s14 =	sxor.u32 @!p1 $0xFFFFFFFF, s12  }
0x22: {  	s14 =	sand.u32 @!p1 $0x1, s14  }
0x23: {  	s14 =	smul.u32 @!p1 $0x140, s14  }
0x24: {  	s31 =	sadd.s32 $0xFFFFFFFF, s12;
	s15 =	sshrl.u32 @!p1 s11, $0x3  }
0x25: {  	s16 =	sand.u32 @!p1 $0x7, s11;
	s15 =	sadd.s32 @!p1 s5, s15;
	s14 =	sshrl.u32 @!p1 s14, $0x2  }
0x26: {  	[tilespmem:s14], [sflag:$0x2] =	stream.linear.gather @!p1 [hbm4b:s15+s16], $0x50, $0x38;
	[tilespmem:$0x50A0] =	vst v63  }
0x27: {  	p1 =	sge.u32 s31, s8  }
.Ltmp2:
0x28: {  	_ = 	snop;
	(pc) =	sbr.rel @p1 .LBB2_7-.Ltmp2, $1  }
0x29: {  	_ =	sdelay $0x3  }
0x2a: {  	s14 =	simm.s32 $0x1  }
0x2b: {  	s14 =	simm.s32 @!p0 $0x0  }
0x2c: {  	s15 =	smul.u32 $0x140, s14  }
0x2d: {  	_ =	swait.ge [sflag:s7], $0x50  }
0x2e: {  	[sflag:s7] =	ssyncset.done $0x0;
	s16 =	sshrl.u32 s15, $0x2  }
0x2f: {  	[sflag:s7] =	ssyncadd.s32 $0xFFFFFFB0;
	s15 =	sadd.s32 $0x0, s16  }
0x30: {  	v1 =	vld.msk [tilespmem:s15+$0x0 ss:$0x1], $0xffff;
	_ =	sdelay $0x4  }
0x31: {  	v2 =	vand.u32 $0x1, v1;
	v3 =	vshll.u32 v1, $0x6  }
0x32: {  	vm2 =	veq.s32 v1, $0x80000000;
	vm3 =	veq.s32 v2, $0x1;
	v1 =	vand.u32 $0x7FFF80, v3  }
0x33: {  	v2 =	vsel vm3, $0x480000, v0;
	v1 =	vsel vm2, $0xFFFFFF80, v1  }
0x34: {  	v2 =	vsel vm2, $0xFFB80000, v2;
	v3 =	vand.u32 $0xFFFFFC00, v1  }
0x35: {  	v1 =	vand.u32 $0x380, v1;
	v2 =	vadd.s32 v2, v3  }
0x36: {  	v1 =	vor.u32 v1, v2  }
0x37: {  	v1 =	vshrl.u32 v1, $0x3  }
0x38: {  	s14 =	smul.u32 $0xA000, s14;
	_ =	sdelay $0x1  }
0x39: {  	s14 =	sshrl.u32 s14, $0x2  }
0x3a: {  	s14 =	sor.u32 $0xA0, s14  }
0x3b: {  	[tilespmem:s14], [sflag:$0x1] =	stream.indirect_vreg.gather [hbm:s4], $0x80, v1, vm0, $0x38;
	[tilespmem:$0x50A0] =	vst v63  }
0x3c: {  	s17 =	sadd.s32 $0x10, s16;
	s15 =	sadd.s32 $0x400, s14  }
0x3d: {  	[tilespmem:s15], [sflag:$0x1] =	stream.indirect_vreg.gather [hbm:s4], $0x80, v1, vm1, $0x38;
	[tilespmem:$0x50A0] =	vst v63  }
0x3e: {  	s18 =	simm.s32 $0x80;
	v1 =	vld.msk [tilespmem:s17+$0x0 ss:$0x1], $0xffff;
	s17 =	smov.u32 s14  }
.LBB2_3:
0x3f: {  	p1 =	sne.s32 s18, $0x100;
	_ =	sdelay $0x4  }
0x40: {  	v2 =	vand.u32 $0x1, v1;
	v3 =	vshll.u32 v1, $0x6  }
0x41: {  	vm2 =	veq.s32 v1, $0x80000000;
	vm3 =	veq.s32 v2, $0x1;
	v1 =	vand.u32 $0x7FFF80, v3  }
0x42: {  	v2 =	vsel vm3, $0x480000, v0;
	v1 =	vsel vm2, $0xFFFFFF80, v1  }
0x43: {  	v2 =	vsel vm2, $0xFFB80000, v2;
	v3 =	vand.u32 $0xFFFFFC00, v1  }
0x44: {  	v1 =	vand.u32 $0x380, v1;
	v2 =	vadd.s32 v2, v3  }
0x45: {  	v1 =	vor.u32 v1, v2  }
0x46: {  	v1 =	vshrl.u32 v1, $0x3;
	_ =	sdelay $0x3  }
.Ltmp3:
0x47: {  	s19 =	sshra.s32 s18, $0x2;
	s17 =	sadd.s32 $0x800, s17;
	(pc) =	sbr.rel @p1 .LBB2_3-.Ltmp3, $4  }
0x48: {  	[tilespmem:s17], [sflag:$0x1] =	stream.indirect_vreg.gather [hbm:s4], $0x80, v1, vm0, $0x38;
	[tilespmem:$0x50A0] =	vst v63  }
0x49: {  	s19 =	sadd.s32 s19, s16;
	s20 =	sadd.s32 $0x400, s17  }
0x4a: {  	[tilespmem:s20], [sflag:$0x1] =	stream.indirect_vreg.gather [hbm:s4], $0x80, v1, vm1, $0x38;
	[tilespmem:$0x50A0] =	vst v63  }
0x4b: {  	s18 =	sadd.s32 $0x40, s18;
	v1 =	vld.msk [tilespmem:s19+$0x0 ss:$0x1], $0xffff  }
0x4c: {  	_ =	sdelay $0x3  }
0x4d: {  	v2 =	vand.u32 $0x1, v1;
	v3 =	vshll.u32 v1, $0x6  }
0x4e: {  	vm2 =	veq.s32 v1, $0x80000000;
	vm3 =	veq.s32 v2, $0x1;
	v1 =	vand.u32 $0x7FFF80, v3  }
0x4f: {  	v2 =	vsel vm3, $0x480000, v0;
	v1 =	vsel vm2, $0xFFFFFF80, v1  }
0x50: {  	v2 =	vsel vm2, $0xFFB80000, v2;
	v3 =	vand.u32 $0xFFFFFC00, v1  }
0x51: {  	v1 =	vand.u32 $0x380, v1;
	v2 =	vadd.s32 v2, v3  }
0x52: {  	v1 =	vor.u32 v1, v2  }
0x53: {  	v1 =	vshrl.u32 v1, $0x3;
	_ =	sdelay $0x3  }
0x54: {  	s16 =	sadd.s32 $0x800, s17  }
0x55: {  	[tilespmem:s16], [sflag:$0x1] =	stream.indirect_vreg.gather [hbm:s4], $0x80, v1, vm0, $0x38;
	[tilespmem:$0x50A0] =	vst v63  }
0x56: {  	s16 =	sadd.s32 $0x400, s16  }
0x57: {  	[tilespmem:s16], [sflag:$0x1] =	stream.indirect_vreg.gather [hbm:s4], $0x80, v1, vm1, $0x38;
	[tilespmem:$0x50A0] =	vst v63  }
0x58: {  	s13 =	sshll.u32 s13, $0x4;
	_ =	swait.ge [sflag:s6], $0x2800  }
0x59: {  	s13 =	sadd.s32 s13, s9;
	[sflag:s6] =	ssyncset.done $0x0  }
0x5a: {  	s17 =	sadd.s32 $0x0, s13;
	s16 =	simm.s32 $0x80;
	[sflag:s6] =	ssyncadd.s32 $0xFFFFD800  }
.LBB2_5:
0x5b: {  	[hbm:s17] =	stream.linear.scatter [tilespmem:s14], [sflag:$0x3], $0x400, $0x38;
	[tilespmem:$0x50A0] =	vst v63  }
0x5c: {  	s17 =	smov.u32 s16;
	s14 =	smov.u32 s15;
	p1 =	sne.s32 s16, $0x480  }
.Ltmp4:
0x5d: {  	s16 =	sadd.s32 $0x80, s16;
	(pc) =	sbr.rel @p1 .LBB2_5-.Ltmp4, $2  }
0x5e: {  	_ =	sdelay $0x2  }
0x5f: {  	s15 =	sadd.s32 $0x400, s15;
	s17 =	sadd.s32 s17, s13  }
.Ltmp5:
0x60: {  	_ = 	snop;
	(pc) =	sbr.rel .LBB2_6-.Ltmp5, $1  }
0x61: {  	_ =	sdelay $0x3  }
.LBB2_8:
0x62: {  	_ =	sfence.sel $0x180000  }
0x63: {  	s1 =	simm.s32 $0x2;
	[bflag:$0x0] =	sbarrier.arrive $0xFFFF  }
0x64: {  	s30 =	simm.s32 $0x3;
	[sflag:s1] =	ssyncpa.u1 $0x1  }
0x65: {  	s31 =	simm.s32 $0x1;
	[sflag:s30] =	ssyncpa.u1 $0x1  }
0x66: {  	[sflag:s31] =	ssyncpa.u1 $0x1  }
0x67: {  	p0 =	sne.s32 s0, $0x0;
	_ =	strace $0x9000004D  }
0x68: {  	s0 =	sadd.s32 @!p0 $0x100000, s2;
	[bflag:$0x2] =	sbarrier.arrive $0xFFFF  }
0x69: {  	[sflag:s0] =	ssyncadd.tile.s32 @!p0 $0x1;
	_ =	shalt  }
.Lfunc_end2:
_tile_overlayer_lowered:
.L_overlay_start_2:
0x6a: {  	(tag) =	ssettag $0x2  }
0x6b: {  	s0 =	rddreg [dreg:$0x0];
	s2 =	stileid.u32  }
0x6c: {  	s1 =	rddreg [dreg:$0x1];
	p0 =	sne.s32 s2, $0x0  }
0x6d: {  	s3 =	rddreg [dreg:$0x2];
	[bflag:$0x3] =	sbarrier.arrive $0xFFFF;
	s2 =	simm.s32 @!p0 $0x1C01  }
0x6e: {  	[timem:s3], [sflag:s2] =	dma.local @!p0 [hbm:s0], s1  }
0x6f: {  	s0 =	simm.s32 @!p0 $0x1  }
0x70: {  	_ =	swait.ge @!p0 [sflag:s0], s1  }
0x71: {  	s1 =	ssub.s32 @!p0 $0x0, s1;
	[sflag:s0] =	ssyncset.done @!p0 $0x0  }
0x72: {  	[sflag:s0] =	ssyncadd.s32 @!p0 s1  }
0x73: {  	[bflag:$0x3] =	sbarrier.arrive $0xFFFF  }
0x74: {  	_ =	shalt  }

// kernel: gather_offload_async_start.4
scs
__scs_entry_jumppad:
0x0: {  	(pc) =	sbr.rel $0x88, $3  }
0x1: {  	(tag) =	ssettag $0x0;
	lr =	simm.s32 $0x1  }
0x2: {  	[smem:$0x3F99] =	sst lr;
	_ =	strace $0xD0000000  }
0x3: {  	_ = 	snop  }
0x4: {  	_ = 	snop  }
0x5: {  	_ = 	snop  }
0x6: {  	_ = 	snop  }
0x7: {  	_ = 	snop  }
__scs_overlays_trampoline_lowered:
0x8: {  	[smem:$0x3FA8] =	sst s0  }
0x9: {  	[smem:$0x3FA9] =	sst s1  }
0xa: {  	[smem:$0x3FAA] =	sst s2  }
0xb: {  	[smem:$0x3FAB] =	sst s3  }
0xc: {  	[smem:$0x3FAC] =	sst s4  }
0xd: {  	[smem:$0x3FAD] =	sst s5  }
0xe: {  	[smem:$0x3FAE] =	sst s6  }
0xf: {  	[smem:$0x3FAF] =	sst s7  }
0x10: {  	[smem:$0x3FB0] =	sst s8  }
0x11: {  	[smem:$0x3FB1] =	sst s9;
	s0 =	simm.s32 @!p0 $0x0  }
0x12: {  	s1 =	sld [smem:$0x3F97];
	s0 =	simm.s32 @p0 $0x1  }
0x13: {  	[smem:$0x3FB2] =	sst s0;
	s0 =	simm.s32 @!p1 $0x0  }
0x14: {  	s2 =	sld [smem:$0x3F96];
	s0 =	simm.s32 @p1 $0x1  }
0x15: {  	[smem:$0x3FB3] =	sst s0;
	s0 =	simm.s32 @!p2 $0x0  }
0x16: {  	s3 =	sld [smem:$0x3FDB];
	s0 =	simm.s32 @p2 $0x1  }
0x17: {  	s4 =	simm.s32 $0x1BF5;
	[smem:$0x3FB5] =	sst s0  }
0x18: {  	s0 =	sld [smem:$0x3F98];
	_ =	swait.ge [sflag:s4], $0x0  }
0x19: {  	s7 =	sld [smem:$0x3F99]  }
0x1a: {  	s8 =	sadd.s32 $0xFFFFE003, lr  }
0x1b: {  	s9 =	sadd.s32 $0xFFFFFEF7, lr;
	s5 =	simm.s32 $0xFFFFFFFF;
	p2 =	slt.u32 s8, $0xFFFFF086  }
0x1c: {  	p1 =	slt.u32 s9, $0xF7A;
	s5 =	simm.s32 @!p2 $0x0  }
0x1d: {  	s5 =	simm.s32 @p1 $0x1;
	p0 =	seq.s32 s7, s2  }
0x1e: {  	s7 =	smul.u32 @!p0 $0xF7A, s2;
	p2 =	seq.s32 @!p0 s5, $0x0  }
0x1f: {  	s9 =	smul.u32 $0xF7A, s1;
	s8 =	simm.s32 @!p0 $0x1BF5;
	p2 =	por !p2, p0  }
0x20: {  	[sflag:s8] =	ssyncset.s32 @!p0 $0xFFFFF086;
	s6 =	sadd.s32 @!p0 s3, s7;
	s7 =	simm.s32 @!p0 $0x108  }
0x21: {  	s3 =	sadd.s32 s3, s9;
	s6 =	sadd.s32 @!p0 $0x88, s6;
	s7 =	simm.s32 @p2 $0x1082  }
0x22: {  	[simem:s7], [sflag:s8] =	dma.local @!p0 [hbm:s6], $0xF7A  }
0x23: {  	s9 =	sor.u32 $0xD0000000, s2;
	s6 =	simm.s32 $0x108;
	_ =	swait.ge @!p0 [sflag:s8], $0x0  }
0x24: {  	s3 =	sadd.s32 $0x88, s3;
	s6 =	simm.s32 @!p1 $0x1082;
	[sflag:s4] =	ssyncset.s32 $0xFFFFF086  }
0x25: {  	[simem:s6], [sflag:s4] =	dma.local [hbm:s3], $0xF7A  }
0x26: {  	[smem:$0x3F99] =	sst s1;
	(tag) =	ssettag s2;
	_ =	strace s9  }
0x27: {  	s1 =	sld [smem:$0x3FA9]  }
0x28: {  	s2 =	sld [smem:$0x3FAA]  }
0x29: {  	s4 =	sld [smem:$0x3FAC]  }
0x2a: {  	p0 =	seq.s32 s5, $0x0;
	s5 =	sld [smem:$0x3FAD]  }
0x2b: {  	s6 =	sld [smem:$0x3FAE]  }
0x2c: {  	s7 =	sld [smem:$0x3FAF]  }
0x2d: {  	s3 =	simm.s32 $0x108;
	s8 =	sld [smem:$0x3FB0]  }
0x2e: {  	s3 =	simm.s32 @!p0 $0x1082;
	s9 =	sld [smem:$0x3FB1]  }
0x2f: {  	lr =	sadd.s32 s0, s3;
	s0 =	sld [smem:$0x3FA8]  }
0x30: {  	s3 =	sld [smem:$0x3FAB]  }
0x31: {  	[smem:$0x3FB4] =	sst s10  }
0x32: {  	s10 =	sld [smem:$0x3FB2];
	_ =	sdelay $0x3  }
0x33: {  	p0 =	seq.s32 s10, $0x1;
	s10 =	sld [smem:$0x3FB4];
	_ =	sdelay $0x3  }
0x34: {  	[smem:$0x3FB4] =	sst s10  }
0x35: {  	s10 =	sld [smem:$0x3FB3];
	_ =	sdelay $0x3  }
0x36: {  	p1 =	seq.s32 s10, $0x1;
	s10 =	sld [smem:$0x3FB4];
	_ =	sdelay $0x3  }
0x37: {  	[smem:$0x3FB4] =	sst s10  }
0x38: {  	s10 =	sld [smem:$0x3FB5]  }
0x39: {  	_ = 	snop;
	(pc) =	sbr.ind lr, $3  }
0x3a: {  	_ = 	snop  }
0x3b: {  	_ = 	snop  }
0x3c: {  	p2 =	seq.s32 s10, $0x1;
	s10 =	sld [smem:$0x3FB4]  }
0x3d: {  	_ =	shalt  }
0x3e: {  	_ =	shalt  }
0x3f: {  	_ =	shalt  }
0x40: {  	_ =	shalt  }
0x41: {  	_ =	shalt  }
0x42: {  	_ =	shalt  }
0x43: {  	_ =	shalt  }
0x44: {  	_ =	shalt  }
0x45: {  	_ =	shalt  }
0x46: {  	_ =	shalt  }
0x47: {  	_ =	shalt  }
0x48: {  	_ =	shalt  }
0x49: {  	_ =	shalt  }
0x4a: {  	_ =	shalt  }
0x4b: {  	_ =	shalt  }
0x4c: {  	_ =	shalt  }
0x4d: {  	_ =	shalt  }
0x4e: {  	_ =	shalt  }
0x4f: {  	_ =	shalt  }
0x50: {  	_ =	shalt  }
0x51: {  	_ =	shalt  }
0x52: {  	_ =	shalt  }
0x53: {  	_ =	shalt  }
0x54: {  	_ =	shalt  }
0x55: {  	_ =	shalt  }
0x56: {  	_ =	shalt  }
0x57: {  	_ =	shalt  }
0x58: {  	_ =	shalt  }
0x59: {  	_ =	shalt  }
0x5a: {  	_ =	shalt  }
0x5b: {  	_ =	shalt  }
0x5c: {  	_ =	shalt  }
0x5d: {  	_ =	shalt  }
0x5e: {  	_ =	shalt  }
0x5f: {  	_ =	shalt  }
0x60: {  	_ =	shalt  }
0x61: {  	_ =	shalt  }
0x62: {  	_ =	shalt  }
0x63: {  	_ =	shalt  }
0x64: {  	_ =	shalt  }
0x65: {  	_ =	shalt  }
0x66: {  	_ =	shalt  }
0x67: {  	_ =	shalt  }
0x68: {  	_ =	shalt  }
0x69: {  	_ =	shalt  }
0x6a: {  	_ =	shalt  }
0x6b: {  	_ =	shalt  }
0x6c: {  	_ =	shalt  }
0x6d: {  	_ =	shalt  }
0x6e: {  	_ =	shalt  }
0x6f: {  	_ =	shalt  }
0x70: {  	_ =	shalt  }
0x71: {  	_ =	shalt  }
0x72: {  	_ =	shalt  }
0x73: {  	_ =	shalt  }
0x74: {  	_ =	shalt  }
0x75: {  	_ =	shalt  }
0x76: {  	_ =	shalt  }
0x77: {  	_ =	shalt  }
0x78: {  	_ =	shalt  }
0x79: {  	_ =	shalt  }
0x7a: {  	_ =	shalt  }
0x7b: {  	_ =	shalt  }
0x7c: {  	_ =	shalt  }
0x7d: {  	_ =	shalt  }
0x7e: {  	_ =	shalt  }
0x7f: {  	_ =	shalt  }
0x80: {  	_ =	shalt  }
0x81: {  	_ =	shalt  }
0x82: {  	_ =	shalt  }
0x83: {  	_ =	shalt  }
0x84: {  	_ =	shalt  }
0x85: {  	_ =	shalt  }
0x86: {  	_ =	shalt  }
0x87: {  	_ =	shalt  }
.Lfunc_end0:
.L_simem_size_0:
called_computation.4_lowered:
.L_overlay_start_0:
0x88: {  	s0 =	sld [smem:$0x3FD9]  }
0x89: {  	s1 =	sld [smem:$0x3FFE];
	_ =	sdelay $0x3  }
0x8a: {  	s0 =	sadd.s32 s1, s0  }
0x8b: {  	[smem:$0x3FC0] =	sst s0  }
0x8c: {  	_ = 	snop  }
0x8d: {  	s0 =	sld [smem:$0x3FD0];
	(tm) =	ssettm $0x1  }
0x8e: {  	s16 =	sld [smem:$0x3FFB];
	_ =	sdelay $0x3  }
0x8f: {  	_ =	strace s16  }
0x90: {  	s1 =	sld [smem:$0x3FFC];
	_ =	sdelay $0x3  }
0x91: {  	_ =	strace s1  }
0x92: {  	s1 =	sld [smem:$0x3FFD];
	_ =	sdelay $0x3  }
0x93: {  	_ =	strace s1  }
0x94: {  	_ =	strace $0x8FFFFFFF  }
0x95: {  	s17 =	sld [smem:$0x3FDB];
	_ =	sdelay $0x1  }
0x96: {  	s2 =	simm.s32 $_scs_section_size  }
0x97: {  	s3 =	simm.s32 $_size__tile_overlayer_lowered;
	s4 =	simm.s32 $_tile_overlayer_lowered  }
0x98: {  	s20 =	simm.s32 $0x1BFF;
	s19 =	sshll.u32 s4, $0x1;
	s1 =	sadd.s32 s2, s17  }
0x99: {  	s5 =	simm.s32 $0x0;
	s18 =	sshll.u32 s3, $0x1;
	s3 =	sadd.s32 s19, s1  }
0x9a: {  	[timem:s5], [sflag:s20] =	dma.local [hbm:s3], s18  }
0x9b: {  	_ =	swait.ge [sflag:s20], s18  }
0x9c: {  	s2 =	ssub.s32 $0x0, s18;
	[sflag:s20] =	ssyncset.done $0x0  }
0x9d: {  	[sflag:s20] =	ssyncadd.s32 s2;
	_ =	sdelay $0x1  }
0x9e: {  	s21 =	simm.s32 $0x1B8B  }
0x9f: {  	_ =	swait.ge [sflag:s21], $0x1  }
0xa0: {  	[sflag:s21] =	ssyncset.done $0x0  }
0xa1: {  	s23 =	simm.s32 $0x1B8E;
	s22 =	sld [smem:$0x3FFE];
	[sflag:s21] =	ssyncadd.s32 $0xFFFFFFFF  }
0xa2: {  	s24 =	simm.s32 $execute0_lowered;
	[smem:$0x3FD2] =	sst s23  }
0xa3: {  	s3 =	sshll.u32 s24, $0x1;
	_ =	strace $0x8000004F;
	[dreg:$0x1] =	wrdreg $0xFFFFFFFF  }
0xa4: {  	s25 =	simm.s32 $_size_execute0_lowered;
	s1 =	sadd.s32 s1, s3;
	[dreg:$0x0] =	wrdreg $0x0  }
0xa5: {  	s3 =	sshll.u32 s25, $0x1;
	[dreg:$0x2] =	wrdreg s1  }
0xa6: {  	[dreg:$0x3] =	wrdreg s3  }
0xa7: {  	[dreg:$0x4] =	wrdreg $0xC0  }
0xa8: {  	_ =	task [dreg:s5], $0x5FFFF  }
0xa9: {  	[dreg:$0x1] =	wrdreg $0xFFFFFFFF  }
0xaa: {  	[dreg:$0x0] =	wrdreg $0x60  }
0xab: {  	[dreg:$0x2] =	wrdreg s22  }
0xac: {  	[dreg:$0x3] =	wrdreg s0  }
0xad: {  	[dreg:$0x4] =	wrdreg $0x9  }
0xae: {  	_ =	task.clear_ibuf [dreg:s5], $0x5FFFF;
	_ =	strace $0x9000004F  }
0xaf: {  	s26 =	simm.s32 $0x9;
	_ =	strace $0x80000051  }
0xb0: {  	_ =	swait.ge [sflag:s26], $0x1  }
0xb1: {  	[sflag:s26] =	ssyncadd.s32 $0xFFFFFFFF  }
0xb2: {  	_ =	strace $0x90000051  }
0xb3: {  	_ =	sfence  }
0xb4: {  	s28 =	sld [smem:$0x0];
	_ =	sdelay $0x1  }
0xb5: {  	s29 =	srdreg.scid  }
0xb6: {  	s30 =	sshll.u32 s29, $0xD;
	s31 =	sshrl.u32 s29, $0x2  }
0xb7: {  	s2 =	sand.u32 $0x4000, s30;
	s1 =	sand.u32 $0x1, s29;
	s0 =	sadd.s32 s31, s28  }
0xb8: {  	s1 =	sor.u32 s2, s1;
	s0 =	sshll.u32 s0, $0x11  }
0xb9: {  	s0 =	sor.u32 s0, s1  }
0xba: {  	s0 =	sadd.s32 $0x8F2B, s0  }
0xbb: {  	[sflag:s0] =	ssyncadd.remote.s32 $0x1  }
0xbc: {  	_ =	sfence.sel $0xFFFF  }
0xbd: {  	[dreg:$0x0] =	wrdreg $0xFFFFFFFF;
	(pc) =	sbr.abs _section_cstart, $3  }
0xbe: {  	[dreg:$0x1] =	wrdreg $0xFFFFFFFF  }
0xbf: {  	_ =	task.clear_ibuf [dreg:s5], $0x2FFFF;
	_ =	strace $0x9FFFFFFF  }
0xc0: {  	(tm) =	ssettm $0x7FFFFFFF  }
0xc1: {  	_ =	shalt  }
tec
execute0_lowered:
.L_overlay_start_1:
0x0: {  	(tag) =	ssettag $0x1  }
0x1: {  	s0 =	stileid.u32  }
0x2: {  	s1 =	smin.u32 s0, $0x9  }
0x3: {  	s1 =	sadd.s32 s0, s1  }
0x4: {  	s2 =	simm.s32 $0xA0;
	p0 =	slt.u32 s0, $0x9;
	s1 =	smul.u32 $0x50, s1  }
0x5: {  	s2 =	simm.s32 @!p0 $0x50  }
0x6: {  	s2 =	sadd.s32 s2, s1  }
0x7: {  	s3 =	smin.u32 s2, $0x7D0  }
0x8: {  	s7 =	ssub.s32 s3, s1  }
0x9: {  	p0 =	sgt.s32 s7, $0x0  }
0xa: {  	s7 =	simm.s32 @!p0 $0x0  }
0xb: {  	s4 =	rddreg [dreg:$0x0];
	s31 =	smul.u32 $0xCCCD, s7  }
0xc: {  	s5 =	rddreg [dreg:$0x1]  }
0xd: {  	s6 =	simm.s32 $0x1;
	s10 =	simm.s32 $0x3;
	s8 =	sshrl.u32 s31, $0x16  }
0xe: {  	s13 =	simm.s32 $0x0;
	s12 =	simm.s32 $0x0;
	s9 =	smul.u32 $0x50, s8  }
.Ltmp0:
0xf: {  	s11 =	smov.u32 s1;
	s2 =	rddreg [dreg:$0x2];
	(pc) =	sbr.rel .LBB2_1-.Ltmp0, $4  }
0x10: {  	_ =	strace $0x80000050;
	p0 =	sne.s32 s7, s9;
	s9 =	simm.s32 $0x1  }
0x11: {  	[sflag:s6] =	ssyncpa.u1 $0x0;
	s7 =	simm.s32 $0x2;
	s9 =	simm.s32 @!p0 $0x0  }
0x12: {  	[sflag:s7] =	ssyncpa.u1 $0x0;
	p0 =	por $0x0, $0x0;
	s8 =	sadd.s32 s8, s9  }
0x13: {  	v0 =	vimm.s32 $0x0;
	vm0 =	vmmov $0xff;
	vm1 =	vcmask $0x3F20;
	s9 =	sadd.s32 $0xFA00, s4;
	[sflag:s10] =	ssyncpa.u1 $0x0;
	s10 =	sadd.s32 $0x1, s8  }
.LBB2_6:
0x14: {  	[hbm:s17] =	stream.linear.scatter [tilespmem:s14], [sflag:$0x3], $0x400, $0x38;
	[tilespmem:$0x50A0] =	vst v63  }
.LBB2_7:
0x15: {  	s13 =	sadd.s32 $0x50, s11  }
0x16: {  	s15 =	smov.u32 s1;
	p2 =	slt.s32 s13, s3  }
0x17: {  	s15 =	smov.u32 @p2 s13;
	p2 =	sne.s32 s12, s10  }
.Ltmp1:
0x18: {  	p1 =	slt.u32 s12, $0x2;
	(pc) =	sbr.rel @!p2 .LBB2_8-.Ltmp1, $4  }
0x19: {  	s14 =	simm.s32 @!p1 $0x3  }
0x1a: {  	s16 =	sadd.s32 $0x1, s12;
	_ =	swait.ge @!p1 [sflag:s14], $0x2800  }
0x1b: {  	p0 =	por !p0, !p0;
	s13 =	smov.u32 s11;
	[sflag:s14] =	ssyncset.done @!p1 $0x0  }
0x1c: {  	s12 =	smov.u32 s16;
	s11 =	smov.u32 s15;
	[sflag:s14] =	ssyncadd.s32 @!p1 $0xFFFFD800  }
.LBB2_1:
0x1d: {  	p1 =	sge.u32 s12, s8  }
0x1e: {  	s14 =	sxor.u32 @!p1 $0xFFFFFFFF, s12  }
0x1f: {  	s14 =	sand.u32 @!p1 $0x1, s14  }
0x20: {  	s14 =	smul.u32 @!p1 $0x140, s14  }
0x21: {  	s31 =	sadd.s32 $0xFFFFFFFF, s12;
	s15 =	sshrl.u32 @!p1 s11, $0x3  }
0x22: {  	s16 =	sand.u32 @!p1 $0x7, s11;
	s15 =	sadd.s32 @!p1 s5, s15;
	s14 =	sshrl.u32 @!p1 s14, $0x2  }
0x23: {  	[tilespmem:s14], [sflag:$0x2] =	stream.linear.gather @!p1 [hbm4b:s15+s16], $0x50, $0x38;
	[tilespmem:$0x50A0] =	vst v63  }
0x24: {  	p1 =	sge.u32 s31, s8  }
.Ltmp2:
0x25: {  	_ = 	snop;
	(pc) =	sbr.rel @p1 .LBB2_7-.Ltmp2, $1  }
0x26: {  	_ =	sdelay $0x3  }
0x27: {  	s14 =	simm.s32 $0x1  }
0x28: {  	s14 =	simm.s32 @!p0 $0x0  }
0x29: {  	s15 =	smul.u32 $0x140, s14  }
0x2a: {  	_ =	swait.ge [sflag:s7], $0x50  }
0x2b: {  	[sflag:s7] =	ssyncset.done $0x0;
	s16 =	sshrl.u32 s15, $0x2  }
0x2c: {  	[sflag:s7] =	ssyncadd.s32 $0xFFFFFFB0;
	s15 =	sadd.s32 $0x0, s16  }
0x2d: {  	v1 =	vld.msk [tilespmem:s15+$0x0 ss:$0x1], $0xffff;
	_ =	sdelay $0x4  }
0x2e: {  	v2 =	vand.u32 $0x1, v1;
	v3 =	vshll.u32 v1, $0x6  }
0x2f: {  	vm2 =	veq.s32 v1, $0x80000000;
	vm3 =	veq.s32 v2, $0x1;
	v1 =	vand.u32 $0x3FF80, v3  }
0x30: {  	v2 =	vsel vm3, $0x3E800, v0;
	v1 =	vsel vm2, $0xFFFFFF80, v1  }
0x31: {  	v2 =	vsel vm2, $0xFFFC1800, v2;
	v3 =	vand.u32 $0xFFFFFC00, v1  }
0x32: {  	v1 =	vand.u32 $0x380, v1;
	v2 =	vadd.s32 v2, v3  }
0x33: {  	v1 =	vor.u32 v1, v2  }
0x34: {  	v1 =	vshrl.u32 v1, $0x3  }
0x35: {  	s14 =	smul.u32 $0xA000, s14;
	_ =	sdelay $0x1  }
0x36: {  	s14 =	sshrl.u32 s14, $0x2  }
0x37: {  	s14 =	sor.u32 $0xA0, s14  }
0x38: {  	[tilespmem:s14], [sflag:$0x1] =	stream.indirect_vreg.gather [hbm:s4], $0x80, v1, vm0, $0x38;
	[tilespmem:$0x50A0] =	vst v63  }
0x39: {  	s17 =	sadd.s32 $0x10, s16;
	s15 =	sadd.s32 $0x400, s14  }
0x3a: {  	[tilespmem:s15], [sflag:$0x1] =	stream.indirect_vreg.gather [hbm:s4], $0x80, v1, vm1, $0x38;
	[tilespmem:$0x50A0] =	vst v63  }
0x3b: {  	s18 =	simm.s32 $0x80;
	v1 =	vld.msk [tilespmem:s17+$0x0 ss:$0x1], $0xffff;
	s17 =	smov.u32 s14  }
.LBB2_3:
0x3c: {  	p1 =	sne.s32 s18, $0x100;
	_ =	sdelay $0x4  }
0x3d: {  	v2 =	vand.u32 $0x1, v1;
	v3 =	vshll.u32 v1, $0x6  }
0x3e: {  	vm2 =	veq.s32 v1, $0x80000000;
	vm3 =	veq.s32 v2, $0x1;
	v1 =	vand.u32 $0x3FF80, v3  }
0x3f: {  	v2 =	vsel vm3, $0x3E800, v0;
	v1 =	vsel vm2, $0xFFFFFF80, v1  }
0x40: {  	v2 =	vsel vm2, $0xFFFC1800, v2;
	v3 =	vand.u32 $0xFFFFFC00, v1  }
0x41: {  	v1 =	vand.u32 $0x380, v1;
	v2 =	vadd.s32 v2, v3  }
0x42: {  	v1 =	vor.u32 v1, v2  }
0x43: {  	v1 =	vshrl.u32 v1, $0x3;
	_ =	sdelay $0x3  }
.Ltmp3:
0x44: {  	s19 =	sshra.s32 s18, $0x2;
	s17 =	sadd.s32 $0x800, s17;
	(pc) =	sbr.rel @p1 .LBB2_3-.Ltmp3, $4  }
0x45: {  	[tilespmem:s17], [sflag:$0x1] =	stream.indirect_vreg.gather [hbm:s4], $0x80, v1, vm0, $0x38;
	[tilespmem:$0x50A0] =	vst v63  }
0x46: {  	s19 =	sadd.s32 s19, s16;
	s20 =	sadd.s32 $0x400, s17  }
0x47: {  	[tilespmem:s20], [sflag:$0x1] =	stream.indirect_vreg.gather [hbm:s4], $0x80, v1, vm1, $0x38;
	[tilespmem:$0x50A0] =	vst v63  }
0x48: {  	s18 =	sadd.s32 $0x40, s18;
	v1 =	vld.msk [tilespmem:s19+$0x0 ss:$0x1], $0xffff  }
0x49: {  	_ =	sdelay $0x3  }
0x4a: {  	v2 =	vand.u32 $0x1, v1;
	v3 =	vshll.u32 v1, $0x6  }
0x4b: {  	vm2 =	veq.s32 v1, $0x80000000;
	vm3 =	veq.s32 v2, $0x1;
	v1 =	vand.u32 $0x3FF80, v3  }
0x4c: {  	v2 =	vsel vm3, $0x3E800, v0;
	v1 =	vsel vm2, $0xFFFFFF80, v1  }
0x4d: {  	v2 =	vsel vm2, $0xFFFC1800, v2;
	v3 =	vand.u32 $0xFFFFFC00, v1  }
0x4e: {  	v1 =	vand.u32 $0x380, v1;
	v2 =	vadd.s32 v2, v3  }
0x4f: {  	v1 =	vor.u32 v1, v2  }
0x50: {  	v1 =	vshrl.u32 v1, $0x3;
	_ =	sdelay $0x3  }
0x51: {  	s16 =	sadd.s32 $0x800, s17  }
0x52: {  	[tilespmem:s16], [sflag:$0x1] =	stream.indirect_vreg.gather [hbm:s4], $0x80, v1, vm0, $0x38;
	[tilespmem:$0x50A0] =	vst v63  }
0x53: {  	s16 =	sadd.s32 $0x400, s16  }
0x54: {  	[tilespmem:s16], [sflag:$0x1] =	stream.indirect_vreg.gather [hbm:s4], $0x80, v1, vm1, $0x38;
	[tilespmem:$0x50A0] =	vst v63  }
0x55: {  	s13 =	sshll.u32 s13, $0x4;
	_ =	swait.ge [sflag:s6], $0x2800  }
0x56: {  	s13 =	sadd.s32 s13, s9;
	[sflag:s6] =	ssyncset.done $0x0  }
0x57: {  	s17 =	sadd.s32 $0x0, s13;
	s16 =	simm.s32 $0x80;
	[sflag:s6] =	ssyncadd.s32 $0xFFFFD800  }
.LBB2_5:
0x58: {  	[hbm:s17] =	stream.linear.scatter [tilespmem:s14], [sflag:$0x3], $0x400, $0x38;
	[tilespmem:$0x50A0] =	vst v63  }
0x59: {  	s17 =	smov.u32 s16;
	s14 =	smov.u32 s15;
	p1 =	sne.s32 s16, $0x480  }
.Ltmp4:
0x5a: {  	s16 =	sadd.s32 $0x80, s16;
	(pc) =	sbr.rel @p1 .LBB2_5-.Ltmp4, $2  }
0x5b: {  	_ =	sdelay $0x2  }
0x5c: {  	s15 =	sadd.s32 $0x400, s15;
	s17 =	sadd.s32 s17, s13  }
.Ltmp5:
0x5d: {  	_ = 	snop;
	(pc) =	sbr.rel .LBB2_6-.Ltmp5, $1  }
0x5e: {  	_ =	sdelay $0x3  }
.LBB2_8:
0x5f: {  	_ =	sfence.sel $0x180000  }
0x60: {  	s1 =	simm.s32 $0x2;
	[bflag:$0x0] =	sbarrier.arrive $0xFFFF  }
0x61: {  	s30 =	simm.s32 $0x3;
	[sflag:s1] =	ssyncpa.u1 $0x1  }
0x62: {  	s31 =	simm.s32 $0x1;
	[sflag:s30] =	ssyncpa.u1 $0x1  }
0x63: {  	[sflag:s31] =	ssyncpa.u1 $0x1  }
0x64: {  	p0 =	sne.s32 s0, $0x0;
	_ =	strace $0x90000050  }
0x65: {  	s0 =	sadd.s32 @!p0 $0x100000, s2;
	[bflag:$0x2] =	sbarrier.arrive $0xFFFF  }
0x66: {  	[sflag:s0] =	ssyncadd.tile.s32 @!p0 $0x1;
	_ =	shalt  }
.Lfunc_end2:
_tile_overlayer_lowered:
.L_overlay_start_2:
0x67: {  	(tag) =	ssettag $0x2  }
0x68: {  	s0 =	rddreg [dreg:$0x0];
	s2 =	stileid.u32  }
0x69: {  	s1 =	rddreg [dreg:$0x1];
	p0 =	sne.s32 s2, $0x0  }
0x6a: {  	s3 =	rddreg [dreg:$0x2];
	[bflag:$0x3] =	sbarrier.arrive $0xFFFF;
	s2 =	simm.s32 @!p0 $0x1C01  }
0x6b: {  	[timem:s3], [sflag:s2] =	dma.local @!p0 [hbm:s0], s1  }
0x6c: {  	s0 =	simm.s32 @!p0 $0x1  }
0x6d: {  	_ =	swait.ge @!p0 [sflag:s0], s1  }
0x6e: {  	s1 =	ssub.s32 @!p0 $0x0, s1;
	[sflag:s0] =	ssyncset.done @!p0 $0x0  }
0x6f: {  	[sflag:s0] =	ssyncadd.s32 @!p0 s1  }
0x70: {  	[bflag:$0x3] =	sbarrier.arrive $0xFFFF  }
0x71: {  	_ =	shalt  }

// kernel: gather_offload_async_start
scs
__scs_entry_jumppad:
0x0: {  	(pc) =	sbr.rel $0x88, $3  }
0x1: {  	(tag) =	ssettag $0x0;
	lr =	simm.s32 $0x1  }
0x2: {  	[smem:$0x3F99] =	sst lr;
	_ =	strace $0xD0000000  }
0x3: {  	_ = 	snop  }
0x4: {  	_ = 	snop  }
0x5: {  	_ = 	snop  }
0x6: {  	_ = 	snop  }
0x7: {  	_ = 	snop  }
__scs_overlays_trampoline_lowered:
0x8: {  	[smem:$0x3FA8] =	sst s0  }
0x9: {  	[smem:$0x3FA9] =	sst s1  }
0xa: {  	[smem:$0x3FAA] =	sst s2  }
0xb: {  	[smem:$0x3FAB] =	sst s3  }
0xc: {  	[smem:$0x3FAC] =	sst s4  }
0xd: {  	[smem:$0x3FAD] =	sst s5  }
0xe: {  	[smem:$0x3FAE] =	sst s6  }
0xf: {  	[smem:$0x3FAF] =	sst s7  }
0x10: {  	[smem:$0x3FB0] =	sst s8  }
0x11: {  	[smem:$0x3FB1] =	sst s9;
	s0 =	simm.s32 @!p0 $0x0  }
0x12: {  	s1 =	sld [smem:$0x3F97];
	s0 =	simm.s32 @p0 $0x1  }
0x13: {  	[smem:$0x3FB2] =	sst s0;
	s0 =	simm.s32 @!p1 $0x0  }
0x14: {  	s2 =	sld [smem:$0x3F96];
	s0 =	simm.s32 @p1 $0x1  }
0x15: {  	[smem:$0x3FB3] =	sst s0;
	s0 =	simm.s32 @!p2 $0x0  }
0x16: {  	s3 =	sld [smem:$0x3FDB];
	s0 =	simm.s32 @p2 $0x1  }
0x17: {  	s4 =	simm.s32 $0x1BF5;
	[smem:$0x3FB5] =	sst s0  }
0x18: {  	s0 =	sld [smem:$0x3F98];
	_ =	swait.ge [sflag:s4], $0x0  }
0x19: {  	s7 =	sld [smem:$0x3F99]  }
0x1a: {  	s8 =	sadd.s32 $0xFFFFE003, lr  }
0x1b: {  	s9 =	sadd.s32 $0xFFFFFEF7, lr;
	s5 =	simm.s32 $0xFFFFFFFF;
	p2 =	slt.u32 s8, $0xFFFFF086  }
0x1c: {  	p1 =	slt.u32 s9, $0xF7A;
	s5 =	simm.s32 @!p2 $0x0  }
0x1d: {  	s5 =	simm.s32 @p1 $0x1;
	p0 =	seq.s32 s7, s2  }
0x1e: {  	s7 =	smul.u32 @!p0 $0xF7A, s2;
	p2 =	seq.s32 @!p0 s5, $0x0  }
0x1f: {  	s9 =	smul.u32 $0xF7A, s1;
	s8 =	simm.s32 @!p0 $0x1BF5;
	p2 =	por !p2, p0  }
0x20: {  	[sflag:s8] =	ssyncset.s32 @!p0 $0xFFFFF086;
	s6 =	sadd.s32 @!p0 s3, s7;
	s7 =	simm.s32 @!p0 $0x108  }
0x21: {  	s3 =	sadd.s32 s3, s9;
	s6 =	sadd.s32 @!p0 $0x88, s6;
	s7 =	simm.s32 @p2 $0x1082  }
0x22: {  	[simem:s7], [sflag:s8] =	dma.local @!p0 [hbm:s6], $0xF7A  }
0x23: {  	s9 =	sor.u32 $0xD0000000, s2;
	s6 =	simm.s32 $0x108;
	_ =	swait.ge @!p0 [sflag:s8], $0x0  }
0x24: {  	s3 =	sadd.s32 $0x88, s3;
	s6 =	simm.s32 @!p1 $0x1082;
	[sflag:s4] =	ssyncset.s32 $0xFFFFF086  }
0x25: {  	[simem:s6], [sflag:s4] =	dma.local [hbm:s3], $0xF7A  }
0x26: {  	[smem:$0x3F99] =	sst s1;
	(tag) =	ssettag s2;
	_ =	strace s9  }
0x27: {  	s1 =	sld [smem:$0x3FA9]  }
0x28: {  	s2 =	sld [smem:$0x3FAA]  }
0x29: {  	s4 =	sld [smem:$0x3FAC]  }
0x2a: {  	p0 =	seq.s32 s5, $0x0;
	s5 =	sld [smem:$0x3FAD]  }
0x2b: {  	s6 =	sld [smem:$0x3FAE]  }
0x2c: {  	s7 =	sld [smem:$0x3FAF]  }
0x2d: {  	s3 =	simm.s32 $0x108;
	s8 =	sld [smem:$0x3FB0]  }
0x2e: {  	s3 =	simm.s32 @!p0 $0x1082;
	s9 =	sld [smem:$0x3FB1]  }
0x2f: {  	lr =	sadd.s32 s0, s3;
	s0 =	sld [smem:$0x3FA8]  }
0x30: {  	s3 =	sld [smem:$0x3FAB]  }
0x31: {  	[smem:$0x3FB4] =	sst s10  }
0x32: {  	s10 =	sld [smem:$0x3FB2];
	_ =	sdelay $0x3  }
0x33: {  	p0 =	seq.s32 s10, $0x1;
	s10 =	sld [smem:$0x3FB4];
	_ =	sdelay $0x3  }
0x34: {  	[smem:$0x3FB4] =	sst s10  }
0x35: {  	s10 =	sld [smem:$0x3FB3];
	_ =	sdelay $0x3  }
0x36: {  	p1 =	seq.s32 s10, $0x1;
	s10 =	sld [smem:$0x3FB4];
	_ =	sdelay $0x3  }
0x37: {  	[smem:$0x3FB4] =	sst s10  }
0x38: {  	s10 =	sld [smem:$0x3FB5]  }
0x39: {  	_ = 	snop;
	(pc) =	sbr.ind lr, $3  }
0x3a: {  	_ = 	snop  }
0x3b: {  	_ = 	snop  }
0x3c: {  	p2 =	seq.s32 s10, $0x1;
	s10 =	sld [smem:$0x3FB4]  }
0x3d: {  	_ =	shalt  }
0x3e: {  	_ =	shalt  }
0x3f: {  	_ =	shalt  }
0x40: {  	_ =	shalt  }
0x41: {  	_ =	shalt  }
0x42: {  	_ =	shalt  }
0x43: {  	_ =	shalt  }
0x44: {  	_ =	shalt  }
0x45: {  	_ =	shalt  }
0x46: {  	_ =	shalt  }
0x47: {  	_ =	shalt  }
0x48: {  	_ =	shalt  }
0x49: {  	_ =	shalt  }
0x4a: {  	_ =	shalt  }
0x4b: {  	_ =	shalt  }
0x4c: {  	_ =	shalt  }
0x4d: {  	_ =	shalt  }
0x4e: {  	_ =	shalt  }
0x4f: {  	_ =	shalt  }
0x50: {  	_ =	shalt  }
0x51: {  	_ =	shalt  }
0x52: {  	_ =	shalt  }
0x53: {  	_ =	shalt  }
0x54: {  	_ =	shalt  }
0x55: {  	_ =	shalt  }
0x56: {  	_ =	shalt  }
0x57: {  	_ =	shalt  }
0x58: {  	_ =	shalt  }
0x59: {  	_ =	shalt  }
0x5a: {  	_ =	shalt  }
0x5b: {  	_ =	shalt  }
0x5c: {  	_ =	shalt  }
0x5d: {  	_ =	shalt  }
0x5e: {  	_ =	shalt  }
0x5f: {  	_ =	shalt  }
0x60: {  	_ =	shalt  }
0x61: {  	_ =	shalt  }
0x62: {  	_ =	shalt  }
0x63: {  	_ =	shalt  }
0x64: {  	_ =	shalt  }
0x65: {  	_ =	shalt  }
0x66: {  	_ =	shalt  }
0x67: {  	_ =	shalt  }
0x68: {  	_ =	shalt  }
0x69: {  	_ =	shalt  }
0x6a: {  	_ =	shalt  }
0x6b: {  	_ =	shalt  }
0x6c: {  	_ =	shalt  }
0x6d: {  	_ =	shalt  }
0x6e: {  	_ =	shalt  }
0x6f: {  	_ =	shalt  }
0x70: {  	_ =	shalt  }
0x71: {  	_ =	shalt  }
0x72: {  	_ =	shalt  }
0x73: {  	_ =	shalt  }
0x74: {  	_ =	shalt  }
0x75: {  	_ =	shalt  }
0x76: {  	_ =	shalt  }
0x77: {  	_ =	shalt  }
0x78: {  	_ =	shalt  }
0x79: {  	_ =	shalt  }
0x7a: {  	_ =	shalt  }
0x7b: {  	_ =	shalt  }
0x7c: {  	_ =	shalt  }
0x7d: {  	_ =	shalt  }
0x7e: {  	_ =	shalt  }
0x7f: {  	_ =	shalt  }
0x80: {  	_ =	shalt  }
0x81: {  	_ =	shalt  }
0x82: {  	_ =	shalt  }
0x83: {  	_ =	shalt  }
0x84: {  	_ =	shalt  }
0x85: {  	_ =	shalt  }
0x86: {  	_ =	shalt  }
0x87: {  	_ =	shalt  }
.Lfunc_end0:
.L_simem_size_0:
called_computation_lowered:
.L_overlay_start_0:
0x88: {  	s2 =	sld [smem:$0x3FD9]  }
0x89: {  	s3 =	sld [smem:$0x3FFE];
	_ =	sdelay $0x1  }
0x8a: {  	s1 =	srdreg.scid  }
0x8b: {  	s0 =	sand.u32 $0x1, s1  }
0x8c: {  	s17 =	sshll.u32 s0, $0xA;
	s2 =	sadd.s32 s3, s2  }
0x8d: {  	s2 =	sadd.s32 s2, s17  }
0x8e: {  	[smem:$0x3FC0] =	sst s2  }
0x8f: {  	_ = 	snop  }
0x90: {  	s2 =	sld [smem:$0x3FD0];
	(tm) =	ssettm $0x1  }
0x91: {  	s18 =	sld [smem:$0x3FFB];
	_ =	sdelay $0x3  }
0x92: {  	_ =	strace s18  }
0x93: {  	s3 =	sld [smem:$0x3FFC];
	_ =	sdelay $0x3  }
0x94: {  	_ =	strace s3  }
0x95: {  	s3 =	sld [smem:$0x3FFD];
	_ =	sdelay $0x3  }
0x96: {  	_ =	strace s3  }
0x97: {  	_ =	strace $0x8FFFFFFF  }
0x98: {  	s19 =	sld [smem:$0x3FDB];
	_ =	sdelay $0x1  }
0x99: {  	s4 =	simm.s32 $_scs_section_size  }
0x9a: {  	s5 =	simm.s32 $_size__tile_overlayer_lowered;
	s6 =	simm.s32 $_tile_overlayer_lowered  }
0x9b: {  	s22 =	simm.s32 $0x1BFF;
	s21 =	sshll.u32 s6, $0x1;
	s3 =	sadd.s32 s4, s19  }
0x9c: {  	s7 =	simm.s32 $0x0;
	s20 =	sshll.u32 s5, $0x1;
	s5 =	sadd.s32 s21, s3  }
0x9d: {  	[timem:s7], [sflag:s22] =	dma.local [hbm:s5], s20  }
0x9e: {  	_ =	swait.ge [sflag:s22], s20  }
0x9f: {  	s4 =	ssub.s32 $0x0, s20;
	[sflag:s22] =	ssyncset.done $0x0  }
0xa0: {  	[sflag:s22] =	ssyncadd.s32 s4;
	_ =	sdelay $0x1  }
0xa1: {  	s23 =	simm.s32 $0x1B8B  }
0xa2: {  	_ =	swait.ge [sflag:s23], $0x1  }
0xa3: {  	[sflag:s23] =	ssyncset.done $0x0  }
0xa4: {  	s25 =	simm.s32 $0x1B8E;
	s24 =	sld [smem:$0x3FFE];
	[sflag:s23] =	ssyncadd.s32 $0xFFFFFFFF  }
0xa5: {  	s26 =	simm.s32 $execute0_lowered;
	[smem:$0x3FD2] =	sst s25  }
0xa6: {  	s5 =	sshll.u32 s26, $0x1;
	_ =	strace $0x80000052;
	[dreg:$0x1] =	wrdreg $0xFFFFFFFF  }
0xa7: {  	s28 =	simm.s32 $_size_execute0_lowered;
	s3 =	sadd.s32 s3, s5;
	[dreg:$0x0] =	wrdreg $0x0  }
0xa8: {  	s5 =	sshll.u32 s28, $0x1;
	[dreg:$0x2] =	wrdreg s3  }
0xa9: {  	[dreg:$0x3] =	wrdreg s5  }
0xaa: {  	[dreg:$0x4] =	wrdreg $0xC0  }
0xab: {  	_ =	task [dreg:s7], $0x5FFFF  }
0xac: {  	[dreg:$0x1] =	wrdreg $0xFFFFFFFF  }
0xad: {  	[dreg:$0x0] =	wrdreg $0x60  }
0xae: {  	[dreg:$0x2] =	wrdreg s24  }
0xaf: {  	[dreg:$0x3] =	wrdreg s2  }
0xb0: {  	[dreg:$0x4] =	wrdreg $0x9  }
0xb1: {  	_ =	task.clear_ibuf [dreg:s7], $0x5FFFF;
	_ =	strace $0x90000052  }
0xb2: {  	s29 =	simm.s32 $0x9;
	_ =	strace $0x80000054  }
0xb3: {  	_ =	swait.ge [sflag:s29], $0x1  }
0xb4: {  	[sflag:s29] =	ssyncadd.s32 $0xFFFFFFFF  }
0xb5: {  	_ =	strace $0x90000054  }
0xb6: {  	_ =	sfence  }
0xb7: {  	s30 =	sld [smem:$0x0];
	_ =	sdelay $0x2  }
0xb8: {  	s31 =	sshll.u32 s1, $0xD;
	s1 =	sshrl.u32 s1, $0x2  }
0xb9: {  	s3 =	sand.u32 $0x4000, s31;
	s1 =	sadd.s32 s1, s30  }
0xba: {  	s0 =	sor.u32 s3, s0;
	s1 =	sshll.u32 s1, $0x11  }
0xbb: {  	s0 =	sor.u32 s1, s0  }
0xbc: {  	s0 =	sadd.s32 $0x8F2B, s0  }
0xbd: {  	[sflag:s0] =	ssyncadd.remote.s32 $0x1  }
0xbe: {  	_ =	sfence.sel $0xFFFF  }
0xbf: {  	[dreg:$0x0] =	wrdreg $0xFFFFFFFF;
	(pc) =	sbr.abs _section_cstart, $3  }
0xc0: {  	[dreg:$0x1] =	wrdreg $0xFFFFFFFF  }
0xc1: {  	_ =	task.clear_ibuf [dreg:s7], $0x2FFFF;
	_ =	strace $0x9FFFFFFF  }
0xc2: {  	(tm) =	ssettm $0x7FFFFFFF  }
0xc3: {  	_ =	shalt  }
tec
execute0_lowered:
.L_overlay_start_1:
0x0: {  	(tag) =	ssettag $0x1  }
0x1: {  	s1 =	srdreg.scid;
	s5 =	rddreg [dreg:$0x0]  }
0x2: {  	s0 =	stileid.u32;
	s2 =	rddreg [dreg:$0x1];
	s6 =	simm.s32 $0x1  }
0x3: {  	s9 =	simm.s32 $0x1;
	s10 =	simm.s32 $0x3;
	s1 =	sshll.u32 s1, $0x6  }
0x4: {  	s13 =	simm.s32 $0x0;
	s3 =	sshll.u32 s0, $0x7;
	s4 =	sand.u32 $0x40, s1  }
0x5: {  	s12 =	simm.s32 $0x0;
	s1 =	rddreg [dreg:$0x2];
	s3 =	sor.u32 s3, s4  }
0x6: {  	_ =	strace $0x80000053;
	s4 =	sadd.s32 $0x2800, s5;
	s8 =	ssub.s32 $0x1000, s3  }
.Ltmp0:
0x7: {  	s5 =	sadd.s32 $0x4C00, s5;
	s7 =	sand.u32 $0x7C0, s8;
	(pc) =	sbr.rel .LBB2_1-.Ltmp0, $4  }
0x8: {  	[sflag:s6] =	ssyncpa.u1 $0x0;
	s11 =	smov.u32 s3;
	p0 =	sne.s32 s7, $0x0  }
0x9: {  	s8 =	sshrl.u32 s8, $0xB;
	s7 =	simm.s32 $0x2;
	s9 =	simm.s32 @!p0 $0x0  }
0xa: {  	[sflag:s7] =	ssyncpa.u1 $0x0;
	p0 =	por $0x0, $0x0;
	s8 =	sadd.s32 s9, s8  }
0xb: {  	vm0 =	vmmov $0xffff;
	[sflag:s10] =	ssyncpa.u1 $0x0;
	s10 =	simm.s32 $0x0;
	s9 =	sadd.s32 $0x1, s8  }
.LBB2_4:
0xc: {  	v3 =	vand.u32 $0x1, v0;
	v62 =	vshrl.u32 v0, $0x1  }
0xd: {  	v3 =	vsel vm1, $0xFFFFFFFF, v3;
	v0 =	vand.u32 $0xFFFF, v62  }
0xe: {  	v0 =	vsel vm1, $0xFFFFFFFF, v0;
	v4 =	vshrl.u32 v3, $0x1  }
0xf: {  	v4 =	vmul.u32 $0x12000, v4;
	v5 =	vshll.u32 v0, $0x1  }
0x10: {  	v3 =	vshll.u32 v3, $0x7;
	v5 =	vand.u32 $0xFFFFFF00, v5  }
0x11: {  	v1 =	vor.u32 v1, v2;
	v3 =	vand.u32 $0x80, v3;
	v63 =	vadd.s32 v4, v5  }
0x12: {  	v0 =	vand.u32 $0x7F, v0;
	v2 =	vor.u32 v3, v63  }
0x13: {  	v0 =	vor.u32 v0, v2;
	_ =	sdelay $0x1  }
0x14: {  	(ifvalue) =	ssetifvalue $0x7FFFFFFF;
	s15 =	sadd.s32 $0x10, s15  }
0x15: {  	[tilespmem:s15], [sflag:$0x1] =	stream.indirect_vreg.gather [hbm4b:s4+s10], $0x1, v1, vm0, $0x4038;
	[tilespmem:$0x100] =	vst v63  }
0x16: {  	(ifvalue) =	ssetifvalue $0x7FFFFFFF;
	s15 =	sadd.s32 $0x10, s15  }
0x17: {  	[tilespmem:s15], [sflag:$0x1] =	stream.indirect_vreg.gather [hbm4b:s4+s10], $0x1, v0, vm0, $0x4038;
	[tilespmem:$0x100] =	vst v63  }
0x18: {  	_ =	swait.ge [sflag:s6], $0x40  }
0x19: {  	s30 =	sshrl.u32 s13, $0x3;
	[sflag:s6] =	ssyncset.done $0x0  }
0x1a: {  	s31 =	sand.u32 $0x7, s13;
	s15 =	sadd.s32 s5, s30;
	[sflag:s6] =	ssyncadd.s32 $0xFFFFFFC0  }
0x1b: {  	[hbm4b:s15+s31] =	stream.linear.scatter [tilespmem:s14], [sflag:$0x3], $0x40, $0x38;
	[tilespmem:$0x100] =	vst v63  }
.LBB2_5:
0x1c: {  	s15 =	sadd.s32 $0x800, s11  }
0x1d: {  	p2 =	sgt.s32 s15, $0xFFF  }
0x1e: {  	s15 =	smov.u32 @p2 s3;
	p2 =	sne.s32 s12, s9  }
.Ltmp1:
0x1f: {  	p1 =	slt.u32 s12, $0x2;
	(pc) =	sbr.rel @!p2 .LBB2_6-.Ltmp1, $4  }
0x20: {  	s14 =	simm.s32 @!p1 $0x3  }
0x21: {  	s16 =	sadd.s32 $0x1, s12;
	_ =	swait.ge @!p1 [sflag:s14], $0x40  }
0x22: {  	s13 =	smov.u32 s11;
	p0 =	por !p0, !p0;
	[sflag:s14] =	ssyncset.done @!p1 $0x0  }
0x23: {  	s12 =	smov.u32 s16;
	s11 =	smov.u32 s15;
	[sflag:s14] =	ssyncadd.s32 @!p1 $0xFFFFFFC0  }
.LBB2_1:
0x24: {  	p1 =	sge.u32 s12, s8  }
0x25: {  	s14 =	sxor.u32 @!p1 $0xFFFFFFFF, s12  }
0x26: {  	s31 =	sadd.s32 $0xFFFFFFFF, s12;
	s15 =	sshrl.u32 @!p1 s11, $0x3;
	s14 =	sshll.u32 @!p1 s14, $0x6  }
0x27: {  	s16 =	sand.u32 @!p1 $0x7, s11;
	s15 =	sadd.s32 @!p1 s2, s15;
	s14 =	sand.u32 @!p1 $0x40, s14  }
0x28: {  	[tilespmem:s14], [sflag:$0x2] =	stream.linear.gather @!p1 [hbm4b:s15+s16], $0x40, $0x38;
	[tilespmem:$0x100] =	vst v63  }
0x29: {  	p1 =	sge.u32 s31, s8  }
.Ltmp2:
0x2a: {  	_ = 	snop;
	(pc) =	sbr.rel @p1 .LBB2_5-.Ltmp2, $1  }
0x2b: {  	_ =	sdelay $0x3  }
0x2c: {  	s14 =	simm.s32 $0x1  }
0x2d: {  	_ =	swait.ge [sflag:s7], $0x40;
	s14 =	simm.s32 @!p0 $0x0  }
0x2e: {  	[sflag:s7] =	ssyncset.done $0x0;
	s14 =	sshll.u32 s14, $0x6  }
0x2f: {  	[sflag:s7] =	ssyncadd.s32 $0xFFFFFFC0;
	(ifvalue) =	ssetifvalue $0x7FFFFFFF;
	v0 =	vld.msk [tilespmem:s14+$0x0 ss:$0x1], $0xffff;
	_ =	sdelay $0x2  }
0x30: {  	s15 =	sadd.s32 $0x10, s14  }
0x31: {  	v3 =	vld.msk [tilespmem:s15+$0x0 ss:$0x1], $0xffff  }
0x32: {  	vm1 =	veq.s32 v0, $0x80000000;
	v1 =	vand.u32 $0x1, v0;
	v0 =	vshrl.u32 v0, $0x1  }
0x33: {  	v1 =	vsel vm1, $0xFFFFFFFF, v1;
	v0 =	vand.u32 $0xFFFF, v0  }
0x34: {  	v0 =	vsel vm1, $0xFFFFFFFF, v0;
	v2 =	vshrl.u32 v1, $0x1  }
0x35: {  	v2 =	vmul.u32 $0x12000, v2;
	v4 =	vshll.u32 v0, $0x1  }
0x36: {  	v1 =	vshll.u32 v1, $0x7;
	vm1 =	veq.s32 v3, $0x80000000;
	v4 =	vand.u32 $0xFFFFFF00, v4  }
0x37: {  	v1 =	vand.u32 $0x80, v1;
	v0 =	vand.u32 $0x7F, v0;
	v2 =	vadd.s32 v2, v4  }
0x38: {  	s17 =	sadd.s32 $0x10, s15;
	v1 =	vor.u32 v1, v2;
	v2 =	vand.u32 $0x1, v3;
	v3 =	vshrl.u32 v3, $0x1  }
0x39: {  	v1 =	vor.u32 v0, v1;
	v0 =	vld.msk [tilespmem:s17+$0x0 ss:$0x1], $0xffff;
	v2 =	vsel vm1, $0xFFFFFFFF, v2;
	v3 =	vand.u32 $0xFFFF, v3  }
0x3a: {  	v3 =	vsel vm1, $0xFFFFFFFF, v3;
	v63 =	vshrl.u32 v2, $0x1  }
0x3b: {  	s31 =	sshll.u32 s12, $0x6;
	v4 =	vmul.u32 $0x12000, v63;
	v5 =	vshll.u32 v3, $0x1  }
0x3c: {  	s16 =	simm.s32 $0x20;
	s15 =	sor.u32 $0x80, s14;
	s14 =	sand.u32 $0x40, s31;
	v2 =	vshll.u32 v2, $0x7;
	v5 =	vand.u32 $0xFFFFFF00, v5  }
0x3d: {  	s14 =	sor.u32 $0x80, s14;
	(ifvalue) =	ssetifvalue $0x7FFFFFFF;
	s17 =	sadd.s32 $0x10, s17;
	v2 =	vand.u32 $0x80, v2;
	v4 =	vadd.s32 v4, v5  }
0x3e: {  	[tilespmem:s15], [sflag:$0x1] =	stream.indirect_vreg.gather [hbm4b:s4+s10], $0x1, v1, vm0, $0x4038;
	vm1 =	veq.s32 v0, $0x80000000;
	v1 =	vand.u32 $0x7F, v3;
	v2 =	vor.u32 v2, v4;
	[tilespmem:$0x100] =	vst v63  }
.LBB2_3:
0x3f: {  	v3 =	vand.u32 $0x1, v0;
	v4 =	vshrl.u32 v0, $0x1;
	v0 =	vld.msk [tilespmem:s17+$0x0 ss:$0x1], $0xffff;
	v1 =	vor.u32 v1, v2;
	s16 =	sadd.s32 $0x10, s16  }
0x40: {  	v2 =	vsel vm1, $0xFFFFFFFF, v3;
	v3 =	vand.u32 $0xFFFF, v4;
	p1 =	slt.u32 s16, $0x30  }
.Ltmp3:
0x41: {  	v3 =	vsel vm1, $0xFFFFFFFF, v3;
	v4 =	vshrl.u32 v2, $0x1;
	(pc) =	sbr.rel @p1 .LBB2_3-.Ltmp3, $4  }
0x42: {  	v4 =	vmul.u32 $0x12000, v4;
	v5 =	vshll.u32 v3, $0x1  }
0x43: {  	s15 =	sadd.s32 $0x10, s15;
	v2 =	vshll.u32 v2, $0x7;
	v5 =	vand.u32 $0xFFFFFF00, v5;
	(ifvalue) =	ssetifvalue $0x7FFFFFFF  }
0x44: {  	v2 =	vand.u32 $0x80, v2;
	v4 =	vadd.s32 v4, v5;
	[tilespmem:s15], [sflag:$0x1] =	stream.indirect_vreg.gather [hbm4b:s4+s10], $0x1, v1, vm0, $0x4038;
	[tilespmem:$0x100] =	vst v63  }
0x45: {  	s17 =	sadd.s32 $0x10, s17;
	vm1 =	veq.s32 v0, $0x80000000;
	v1 =	vand.u32 $0x7F, v3;
	v2 =	vor.u32 v2, v4  }
.Ltmp4:
0x46: {  	_ = 	snop;
	(pc) =	sbr.rel .LBB2_4-.Ltmp4, $1  }
0x47: {  	_ =	sdelay $0x3  }
.LBB2_6:
0x48: {  	_ =	sfence.sel $0x180000  }
0x49: {  	s2 =	simm.s32 $0x2;
	[bflag:$0x0] =	sbarrier.arrive $0xFFFF  }
0x4a: {  	s30 =	simm.s32 $0x3;
	[sflag:s2] =	ssyncpa.u1 $0x1  }
0x4b: {  	s31 =	simm.s32 $0x1;
	[sflag:s30] =	ssyncpa.u1 $0x1  }
0x4c: {  	[sflag:s31] =	ssyncpa.u1 $0x1  }
0x4d: {  	p0 =	sne.s32 s0, $0x0;
	_ =	strace $0x90000053  }
0x4e: {  	s0 =	sadd.s32 @!p0 $0x100000, s1;
	[bflag:$0x2] =	sbarrier.arrive $0xFFFF  }
0x4f: {  	[sflag:s0] =	ssyncadd.tile.s32 @!p0 $0x1;
	_ =	shalt  }
.Lfunc_end2:
_tile_overlayer_lowered:
.L_overlay_start_2:
0x50: {  	(tag) =	ssettag $0x2  }
0x51: {  	s0 =	rddreg [dreg:$0x0];
	s2 =	stileid.u32  }
0x52: {  	s1 =	rddreg [dreg:$0x1];
	p0 =	sne.s32 s2, $0x0  }
0x53: {  	s3 =	rddreg [dreg:$0x2];
	[bflag:$0x3] =	sbarrier.arrive $0xFFFF;
	s2 =	simm.s32 @!p0 $0x1C01  }
0x54: {  	[timem:s3], [sflag:s2] =	dma.local @!p0 [hbm:s0], s1  }
0x55: {  	s0 =	simm.s32 @!p0 $0x1  }
0x56: {  	_ =	swait.ge @!p0 [sflag:s0], s1  }
0x57: {  	s1 =	ssub.s32 @!p0 $0x0, s1;
	[sflag:s0] =	ssyncset.done @!p0 $0x0  }
0x58: {  	[sflag:s0] =	ssyncadd.s32 @!p0 s1  }
0x59: {  	[bflag:$0x3] =	sbarrier.arrive $0xFFFF  }
0x5a: {  	_ =	shalt  }

</sc_bundles>
